<compile_context>
chip_gen: v7x
topology: tpu7x:2x2x1
jax: 0.10.2.dev20260603
libtpu: 0.0.44.dev20260713+nightly
codegen_flags: <defaults>
</compile_context>

<pallas_src>
import jax
import jax.numpy as jnp
from jax import lax
from jax.experimental import pallas as pl
from jax.experimental.pallas import tpu as pltpu
from jax.experimental.pallas import tpu_sc as plsc

N = 50000
E = 800000
LD = 32
HD = 64
ED = 2
OD = 3
NL = 3

NC = 2
NS = 16
NW = NC * NS
EPAD = 802816

HALF = N // NC
ROWS_PT = 1568
HALFP = ROWS_PT * NS
TROW = HALF

_f32 = jnp.float32
_mesh = plsc.VectorSubcoreMesh(core_axis_name="c", subcore_axis_name="s")



GCH = 128
GPT = EPAD // NS


def _gather_body(P, Q, ridx, cidx, outr, outc, idx_v, rows_v, sem):
    c = lax.axis_index("c")
    s = lax.axis_index("s")
    base = s * GPT

    def run(tab, idx_hbm, out_hbm):
        def step(k, carry):
            off = pl.multiple_of(base + k * GCH, 8)
            pltpu.sync_copy(idx_hbm.at[pl.ds(off, GCH)], idx_v)
            pltpu.async_copy(tab.at[idx_v], rows_v, sem).wait()
            pltpu.sync_copy(rows_v, out_hbm.at[pl.ds(off, GCH), :])
            return carry

        lax.fori_loop(0, GPT // GCH, step, 0)

    @pl.when(c == 0)
    def _():
        run(P, ridx, outr)

    @pl.when(c == 1)
    def _():
        run(Q, cidx, outc)


_gather = pl.kernel(
    _gather_body,
    out_type=(jax.ShapeDtypeStruct((EPAD, 2 * HD), _f32),
              jax.ShapeDtypeStruct((EPAD, 2 * HD), _f32)),
    mesh=_mesh,
    scratch_types=[
        pltpu.VMEM((GCH,), jnp.int32),
        pltpu.VMEM((GCH, 2 * HD), _f32),
        pltpu.SemaphoreType.DMA,
    ],
)



PW = 128


def _gpos_body(PT, ridx, cidx, outr, outc, idx_v, rows_v, sem):
    c = lax.axis_index("c")
    s = lax.axis_index("s")
    base = s * GPT

    def run(idx_hbm, out_hbm):
        def step(k, carry):
            off = pl.multiple_of(base + k * GCH, 8)
            pltpu.sync_copy(idx_hbm.at[pl.ds(off, GCH)], idx_v)
            pltpu.async_copy(PT.at[idx_v], rows_v, sem).wait()
            pltpu.sync_copy(rows_v, out_hbm.at[pl.ds(off, GCH), :])
            return carry

        lax.fori_loop(0, GPT // GCH, step, 0)

    @pl.when(c == 0)
    def _():
        run(ridx, outr)

    @pl.when(c == 1)
    def _():
        run(cidx, outc)


_gpos = pl.kernel(
    _gpos_body,
    out_type=(jax.ShapeDtypeStruct((EPAD, PW), _f32),
              jax.ShapeDtypeStruct((EPAD, PW), _f32)),
    mesh=_mesh,
    scratch_types=[
        pltpu.VMEM((GCH,), jnp.int32),
        pltpu.VMEM((GCH, PW), _f32),
        pltpu.SemaphoreType.DMA,
    ],
)



SCH = 128
SPT = EPAD // NS

QN = N // 4
QROWS = 784
QP = QROWS * NS
QTROW = QN
MW = 2 * HD


def _scatter_body(m_hbm, col_hbm, zero_hbm, agg_hbm,
                  colbuf, idxbuf, mbuf, agg_sp):
    c = lax.axis_index("c")
    s = lax.axis_index("s")

    for q in range(2):
        qlo = c * (2 * QN) + q * QN
        obase = (c * 2 + q) * QP + s * QROWS
        pltpu.sync_copy(zero_hbm, agg_sp.at[pl.ds(s * QROWS, QROWS), :])
        plsc.subcore_barrier()

        def step(k, carry):
            off = pl.multiple_of(s * SPT + k * SCH, 8)
            pltpu.sync_copy(col_hbm.at[pl.ds(off, SCH)], colbuf)
            pltpu.sync_copy(m_hbm.at[pl.ds(off, SCH), :], mbuf)
            for v in range(SCH // 16):
                cv = colbuf[pl.ds(v * 16, 16)]
                rel = cv - qlo
                ok = (rel >= 0) & (rel < QN)
                idxbuf[0, pl.ds(v * 16, 16)] = jnp.where(ok, rel, QTROW)
            pltpu.sync_copy(mbuf, agg_sp.at[idxbuf.at[0]], add=True)
            return carry

        lax.fori_loop(0, SPT // SCH, step, 0)
        plsc.subcore_barrier()
        pltpu.sync_copy(
            agg_sp.at[pl.ds(s * QROWS, QROWS), :],
            agg_hbm.at[pl.ds(obase, QROWS), :],
        )
        plsc.subcore_barrier()


_scatter = pl.kernel(
    _scatter_body,
    out_type=jax.ShapeDtypeStruct((4 * QP, MW), _f32),
    mesh=_mesh,
    scratch_types=[
        pltpu.VMEM((SCH,), jnp.int32),
        pltpu.VMEM((1, SCH), jnp.int32),
        pltpu.VMEM((SCH, MW), _f32),
        pltpu.VMEM_SHARED((QP, MW), _f32),
    ],
)



BN = 5000
BE = 4096


def _dot(a, b):
    return jnp.dot(a, b, preferred_element_type=_f32)


def _ln_rows(x, g, b):
    m = jnp.mean(x, axis=-1, keepdims=True)
    v = jnp.mean((x - m) ** 2, axis=-1, keepdims=True)
    return (x - m) * lax.rsqrt(v + 1e-5) * g + b


def _node0_body(z, pos, latW, latb, posW, posb, W0, b0, W1, b1, g, bln, out):
    zh = _dot(z[...], latW[...]) + latb[...]
    u0 = zh + _dot(pos[...], posW[...]) + posb[...]
    h = jax.nn.relu(_dot(u0, W0[...]) + b0[...])
    u1 = _dot(h, W1[...]) + b1[...]
    out[...] = _ln_rows(u1, g[...], bln[...])


def _edge0_body(pr, pc, W0, b0, W1, b1, g, bln, out):
    e0 = pc[...][:, :ED] - pr[...][:, :ED]
    h = jax.nn.relu(_dot(e0, W0[...]) + b0[...])
    e1 = _dot(h, W1[...]) + b1[...]
    out[...] = _ln_rows(e1, g[...], bln[...])


def _pq_body(x, Wr, Wc, P_out, Q_out):
    xv = x[...]
    P_out[...] = _dot(xv, Wr[...])
    Q_out[...] = _dot(xv, Wc[...])


def _edge_body(gr, gc, e, Wc, bc, Wm1p, bm1p, We1p, be1, m_out, e_out):
    ev = e[...]
    H = jax.nn.relu(gr[...] + gc[...] + _dot(ev, Wc[...]) + bc[...])
    m_out[...] = _dot(H, Wm1p[...]) + bm1p[...]
    e_out[...] = ev + _dot(H, We1p[...]) + be1[...]


def _node_body(x, agg, Wn0a, Wn0bp, bn0, Wn1, bn1, out):
    xv = x[...]
    h = jax.nn.relu(_dot(xv, Wn0a[...]) + _dot(agg[...], Wn0bp[...])
                    + bn0[...])
    out[...] = xv + _dot(h, Wn1[...]) + bn1[...]


def _final_body(x, W0, b0, W1, b1, out):
    h = jax.nn.relu(_dot(x[...], W0[...]) + b0[...])
    out[...] = _dot(h, W1[...]) + b1[...]


def _whole(shape):
    nd = len(shape)
    return pl.BlockSpec(shape, lambda *args: (0,) * nd)


def _node0(z, pos, latW, latb, posW, posb, W0, b0, W1, b1, g, bln):
    return pl.pallas_call(
        _node0_body,
        grid=(N // BN,),
        in_specs=[
            _whole((1, LD)),
            pl.BlockSpec((BN, 2), lambda i: (i, 0)),
            _whole((LD, HD)), _whole((1, HD)),
            _whole((2, HD)), _whole((1, HD)),
            _whole((HD, HD)), _whole((1, HD)),
            _whole((HD, HD)), _whole((1, HD)),
            _whole((1, HD)), _whole((1, HD)),
        ],
        out_specs=pl.BlockSpec((BN, HD), lambda i: (i, 0)),
        out_shape=jax.ShapeDtypeStruct((N, HD), _f32),
    )(z, pos, latW, latb, posW, posb, W0, b0, W1, b1, g, bln)


def _edge0(pr, pc, W0, b0, W1, b1, g, bln):
    return pl.pallas_call(
        _edge0_body,
        grid=(EPAD // BE,),
        in_specs=[
            pl.BlockSpec((BE, PW), lambda i: (i, 0)),
            pl.BlockSpec((BE, PW), lambda i: (i, 0)),
            _whole((ED, HD)), _whole((1, HD)),
            _whole((HD, ED)), _whole((1, ED)),
            _whole((1, ED)), _whole((1, ED)),
        ],
        out_specs=pl.BlockSpec((BE, ED), lambda i: (i, 0)),
        out_shape=jax.ShapeDtypeStruct((EPAD, ED), _f32),
    )(pr, pc, W0, b0, W1, b1, g, bln)


def _pq(x, Wr, Wc):
    return pl.pallas_call(
        _pq_body,
        grid=(N // BN,),
        in_specs=[
            pl.BlockSpec((BN, HD), lambda i: (i, 0)),
            _whole((HD, 2 * HD)), _whole((HD, 2 * HD)),
        ],
        out_specs=[pl.BlockSpec((BN, 2 * HD), lambda i: (i, 0))] * 2,
        out_shape=[jax.ShapeDtypeStruct((N, 2 * HD), _f32)] * 2,
    )(x, Wr, Wc)


def _edge_layer(gr, gc, e, Wc, bc, Wm1p, bm1p, We1p, be1):
    blk = lambda w: pl.BlockSpec((BE, w), lambda i: (i, 0))
    return pl.pallas_call(
        _edge_body,
        grid=(EPAD // BE,),
        in_specs=[
            blk(2 * HD), blk(2 * HD), blk(ED),
            _whole((ED, 2 * HD)), _whole((1, 2 * HD)),
            _whole((2 * HD, MW)), _whole((1, MW)),
            _whole((2 * HD, ED)), _whole((1, ED)),
        ],
        out_specs=[blk(MW), blk(ED)],
        out_shape=[
            jax.ShapeDtypeStruct((EPAD, MW), _f32),
            jax.ShapeDtypeStruct((EPAD, ED), _f32),
        ],
    )(gr, gc, e, Wc, bc, Wm1p, bm1p, We1p, be1)


def _node_layer(x, agg, Wn0a, Wn0bp, bn0, Wn1, bn1):
    return pl.pallas_call(
        _node_body,
        grid=(N // BN,),
        in_specs=[
            pl.BlockSpec((BN, HD), lambda i: (i, 0)),
            pl.BlockSpec((BN, MW), lambda i: (i, 0)),
            _whole((HD, HD)), _whole((MW, HD)), _whole((1, HD)),
            _whole((HD, HD)), _whole((1, HD)),
        ],
        out_specs=pl.BlockSpec((BN, HD), lambda i: (i, 0)),
        out_shape=jax.ShapeDtypeStruct((N, HD), _f32),
    )(x, agg, Wn0a, Wn0bp, bn0, Wn1, bn1)


def _final(x, W0, b0, W1, b1):
    return pl.pallas_call(
        _final_body,
        grid=(N // BN,),
        in_specs=[
            pl.BlockSpec((BN, HD), lambda i: (i, 0)),
            _whole((HD, HD)), _whole((1, HD)),
            _whole((HD, OD)), _whole((1, OD)),
        ],
        out_specs=pl.BlockSpec((BN, OD), lambda i: (i, 0)),
        out_shape=jax.ShapeDtypeStruct((N, OD), _f32),
    )(x, W0, b0, W1, b1)




def kernel(z, edge_index, node_positions, latent_W, latent_b, pos_W, pos_b,
           mlp0_W0, mlp0_b0, mlp0_W1, mlp0_b1, ln0_g, ln0_b,
           mlp1_W0, mlp1_b0, mlp1_W1, mlp1_b1, ln1_g, ln1_b,
           gnn_Wm0, gnn_bm0, gnn_Wm1, gnn_bm1,
           gnn_Wn0, gnn_bn0, gnn_Wn1, gnn_bn1,
           gnn_We0, gnn_be0, gnn_We1, gnn_be1,
           mlp2_W0, mlp2_b0, mlp2_W1, mlp2_b1):
    r2 = lambda b: b.reshape(1, -1)
    pad = EPAD - E
    rowp = jnp.pad(edge_index[0], (0, pad))
    colp0 = jnp.pad(edge_index[1], (0, pad))
    colpN = jnp.pad(edge_index[1], (0, pad), constant_values=N)
    PT = jnp.pad(node_positions, ((0, 0), (0, PW - 2)))
    zrows = jnp.zeros((QROWS, MW), _f32)

    x = _node0(z, node_positions, latent_W, r2(latent_b), pos_W, r2(pos_b),
               mlp0_W0, r2(mlp0_b0), mlp0_W1, r2(mlp0_b1),
               r2(ln0_g), r2(ln0_b))

    PR, PC = _gpos(PT, rowp, colp0)
    e = _edge0(PR, PC, mlp1_W0, r2(mlp1_b0), mlp1_W1, r2(mlp1_b1),
               r2(ln1_g), r2(ln1_b))

    zpad_e = jnp.zeros((HD, ED), _f32)
    zHH = jnp.zeros((HD, HD), _f32)
    for l in range(NL):
        Wr = jnp.concatenate([gnn_Wm0[l, :HD], gnn_We0[l, :HD]], axis=1)
        Wcol = jnp.concatenate([gnn_Wm0[l, HD:2 * HD],
                                gnn_We0[l, HD:2 * HD]], axis=1)
        Wc = jnp.concatenate([gnn_Wm0[l, 2 * HD:], gnn_We0[l, 2 * HD:]],
                             axis=1)
        bc = jnp.concatenate([gnn_bm0[l], gnn_be0[l]]).reshape(1, -1)
        Wm1p = jnp.concatenate(
            [jnp.concatenate([gnn_Wm1[l], zHH], axis=1),
             jnp.zeros((HD, MW), _f32)], axis=0)
        bm1p = jnp.concatenate(
            [gnn_bm1[l], jnp.zeros((HD,), _f32)]).reshape(1, -1)
        We1p = jnp.concatenate([zpad_e, gnn_We1[l]], axis=0)
        Wn0bp = jnp.concatenate([gnn_Wn0[l, HD:], zHH], axis=0)

        P, Q = _pq(x, Wr, Wcol)
        Gr, Gc = _gather(P, Q, rowp, colp0)
        m, e = _edge_layer(Gr, Gc, e, Wc, bc, Wm1p, bm1p,
                           We1p, r2(gnn_be1[l]))
        aggr = _scatter(m, colpN, zrows)
        agg = jnp.concatenate(
            [lax.slice_in_dim(aggr, b * QP, b * QP + QN) for b in range(4)],
            axis=0)
        x = _node_layer(x, agg, gnn_Wn0[l, :HD], Wn0bp,
                        r2(gnn_bn0[l]), gnn_Wn1[l], r2(gnn_bn1[l]))

    return _final(x, mlp2_W0, r2(mlp2_b0), mlp2_W1, r2(mlp2_b1))

# --- scband reference (transcript-rebuilt; emitter-appended) ---
"""Pipeline reference for scband-gnndecoder-20220706030176 (READ-ONLY COPY).

The authoritative reference and input builder live on the scoring server;
editing this copy changes nothing except your own understanding.
"""

import jax, jax.numpy as jnp
import numpy as np

N = 50000
E = 800000
LD = 32
HD = 64
OD = 3
NL = 3
ED = 2

def _d(k, shape, s=0.05):
    return jax.random.normal(k, shape, jnp.float32) * s

def setup_inputs(seed: int = 0):
    key = jax.random.key(seed)
    ks = jax.random.split(key, 40)
    inp = {}
    inp['z'] = jax.random.normal(ks[0], (1, LD), jnp.float32)
    inp['edge_index'] = jax.random.randint(ks[1], (2, E), 0, N)
    inp['node_positions'] = jax.random.uniform(ks[2], (N, 2), jnp.float32)
    inp['latent_W'] = _d(ks[3], (LD, HD)); inp['latent_b'] = jnp.zeros((HD,), jnp.float32)
    inp['pos_W'] = _d(ks[4], (2, HD)); inp['pos_b'] = jnp.zeros((HD,), jnp.float32)
    inp['mlp0_W0'] = _d(ks[5], (HD, HD)); inp['mlp0_b0'] = jnp.zeros((HD,), jnp.float32)
    inp['mlp0_W1'] = _d(ks[6], (HD, HD)); inp['mlp0_b1'] = jnp.zeros((HD,), jnp.float32)
    inp['ln0_g'] = jnp.ones((HD,), jnp.float32); inp['ln0_b'] = jnp.zeros((HD,), jnp.float32)
    inp['mlp1_W0'] = _d(ks[7], (ED, HD)); inp['mlp1_b0'] = jnp.zeros((HD,), jnp.float32)
    inp['mlp1_W1'] = _d(ks[8], (HD, ED)); inp['mlp1_b1'] = jnp.zeros((ED,), jnp.float32)
    inp['ln1_g'] = jnp.ones((ED,), jnp.float32); inp['ln1_b'] = jnp.zeros((ED,), jnp.float32)
    inp['gnn_Wm0'] = _d(ks[9], (NL, 2 * HD + ED, HD)); inp['gnn_bm0'] = jnp.zeros((NL, HD), jnp.float32)
    inp['gnn_Wm1'] = _d(ks[10], (NL, HD, HD)); inp['gnn_bm1'] = jnp.zeros((NL, HD), jnp.float32)
    inp['gnn_Wn0'] = _d(ks[11], (NL, 2 * HD, HD)); inp['gnn_bn0'] = jnp.zeros((NL, HD), jnp.float32)
    inp['gnn_Wn1'] = _d(ks[12], (NL, HD, HD)); inp['gnn_bn1'] = jnp.zeros((NL, HD), jnp.float32)
    inp['gnn_We0'] = _d(ks[13], (NL, 2 * HD + ED, HD)); inp['gnn_be0'] = jnp.zeros((NL, HD), jnp.float32)
    inp['gnn_We1'] = _d(ks[14], (NL, HD, ED)); inp['gnn_be1'] = jnp.zeros((NL, ED), jnp.float32)
    inp['mlp2_W0'] = _d(ks[15], (HD, HD)); inp['mlp2_b0'] = jnp.zeros((HD,), jnp.float32)
    inp['mlp2_W1'] = _d(ks[16], (HD, OD)); inp['mlp2_b1'] = jnp.zeros((OD,), jnp.float32)
    return inp

def _ln(x, g, b):
    m = jnp.mean(x, axis=-1, keepdims=True)
    v = jnp.var(x, axis=-1, keepdims=True)
    return (x - m) / jnp.sqrt(v + 1e-5) * g + b

def reference(z, edge_index, node_positions, latent_W, latent_b, pos_W, pos_b, mlp0_W0, mlp0_b0, mlp0_W1, mlp0_b1, ln0_g, ln0_b, mlp1_W0, mlp1_b0, mlp1_W1, mlp1_b1, ln1_g, ln1_b, gnn_Wm0, gnn_bm0, gnn_Wm1, gnn_bm1, gnn_Wn0, gnn_bn0, gnn_Wn1, gnn_bn1, gnn_We0, gnn_be0, gnn_We1, gnn_be1, mlp2_W0, mlp2_b0, mlp2_W1, mlp2_b1):
    num_nodes = node_positions.shape[0]
    z_hidden = z[0] @ latent_W + latent_b
    x2 = jnp.mean(node_positions, axis=0, keepdims=True)
    d = jnp.linalg.norm(node_positions[:, None, :] - x2[None, :, :], axis=-1)
    w = 1.0 / (d + 1e-8)
    w = w / jnp.sum(w, axis=-1, keepdims=True)
    u0 = w @ z_hidden[None, :]
    u0 = u0 + node_positions @ pos_W + pos_b
    u1 = jax.nn.relu(u0 @ mlp0_W0 + mlp0_b0) @ mlp0_W1 + mlp0_b1
    u1 = _ln(u1, ln0_g, ln0_b)
    row = edge_index[0]
    col = edge_index[1]
    e0 = node_positions[col] - node_positions[row]
    e1 = jax.nn.relu(e0 @ mlp1_W0 + mlp1_b0) @ mlp1_W1 + mlp1_b1
    e1 = _ln(e1, ln1_g, ln1_b)
    x = u1
    e = e1
    for l in range(NL):
        msg_in = jnp.concatenate([x[row], x[col], e], axis=-1)
        m = jax.nn.relu(msg_in @ gnn_Wm0[l] + gnn_bm0[l]) @ gnn_Wm1[l] + gnn_bm1[l]
        agg = jax.ops.segment_sum(m, col, num_segments=num_nodes)
        x = x + jax.nn.relu(jnp.concatenate([x, agg], axis=-1) @ gnn_Wn0[l] + gnn_bn0[l]) @ gnn_Wn1[l] + gnn_bn1[l]
        e = e + jax.nn.relu(msg_in @ gnn_We0[l] + gnn_be0[l]) @ gnn_We1[l] + gnn_be1[l]
    x_recon = jax.nn.relu(x @ mlp2_W0 + mlp2_b0) @ mlp2_W1 + mlp2_b1
    return x_recon

if __name__ == "__main__":
    import jax
    _d = setup_inputs()
    print(jax.jit(kernel)(*tuple(_d.values())))

</pallas_src>

<mosaic_0001>
#map = affine_map<(d0, d1) -> (0, 0)>
#map1 = affine_map<(d0, d1) -> (0)>
module attributes {stable_mosaic.version = 14 : i64} {
  func.func @_gather_body(%arg0: i32, %arg1: i32, %arg2: memref<50000x128xf32, #tpu.memory_space<hbm>>, %arg3: memref<50000x128xf32, #tpu.memory_space<hbm>>, %arg4: memref<802816xi32, #tpu.memory_space<hbm>>, %arg5: memref<802816xi32, #tpu.memory_space<hbm>>, %arg6: memref<802816x128xf32, #tpu.memory_space<hbm>>, %arg7: memref<802816x128xf32, #tpu.memory_space<hbm>>, %arg8: memref<128xi32, #tpu.memory_space<vmem>>, %arg9: memref<128x128xf32, #tpu.memory_space<vmem>>, %arg10: memref<!tpu.dma_semaphore, #tpu.memory_space<semaphore_mem>>) attributes {dimension_semantics = [#tpu.dimension_semantics<core_parallel>, #tpu.dimension_semantics<subcore_parallel>], iteration_bounds = array<i64: 2, 16>, scalar_prefetch = 0 : i64, scratch_operands = 3 : i64, tpu.core_type = #tpu.core_type<sc_vector_subcore>, window_params = [{transform_indices = #map}, {transform_indices = #map}, {transform_indices = #map1}, {transform_indices = #map1}, {transform_indices = #map}, {transform_indices = #map}]} {
    %mul3A = arith.constant 50176 : i32
    %mul3A_0 = arith.muli %arg1, %mul3A : i32
    %eq3A = arith.constant 0 : i32
    %eq3A_1 = arith.cmpi eq, %arg0, %eq3A : i32
    %convert_element_type3A = arith.extui %eq3A_1 : i1 to i32
    %cond3A = arith.constant 0 : i32
    %cond3A_2 = arith.cmpi ne, %convert_element_type3A, %cond3A : i32
    scf.if %cond3A_2 {
      %scan3A = arith.constant 0 : i32
      %scan3A_8 = arith.constant 0 : i32
      %scan3A_9 = arith.constant 392 : i32
      %scan3A_10 = arith.addi %scan3A_8, %scan3A_9 : i32
      %scan3A_11 = arith.constant 1 : i32
      scf.for %scan3A_13 = %scan3A_8 to %scan3A_10 step %scan3A_11  : i32 {
        %mul3A_14 = arith.constant 128 : i32
        %mul3A_15 = arith.muli %scan3A_13, %mul3A_14 : i32
        %add3A = arith.addi %mul3A_0, %mul3A_15 : i32
        %multiple_of3A = tpu.assume_multiple %add3A, 8 : i32
        "tpu.region"() ({
          %run_scoped3A = tpu.sem_alloc : memref<!tpu.dma_semaphore, #tpu.memory_space<semaphore_mem>>
          %dma_start3A_20 = tpu.memref_slice %arg4[%multiple_of3A] : memref<802816xi32, #tpu.memory_space<hbm>> -> memref<128xi32, #tpu.memory_space<hbm>>
          %dma_start3A_21 = tpu.memref_slice %arg4[%multiple_of3A] : memref<802816xi32, #tpu.memory_space<hbm>> -> memref<128xi32, #tpu.memory_space<hbm>>
          tpu.enqueue_dma source(%dma_start3A_21 : memref<128xi32, #tpu.memory_space<hbm>>) target(%arg8 : memref<128xi32, #tpu.memory_space<vmem>>) target_semaphore(%run_scoped3A : memref<!tpu.dma_semaphore, #tpu.memory_space<semaphore_mem>>)
          %dma_wait3A_22 = tpu.memref_slice %arg4[%multiple_of3A] : memref<802816xi32, #tpu.memory_space<hbm>> -> memref<128xi32, #tpu.memory_space<hbm>>
          %dma_wait3A_23 = tpu.memref_slice %arg4[%multiple_of3A] : memref<802816xi32, #tpu.memory_space<hbm>> -> memref<128xi32, #tpu.memory_space<hbm>>
          tpu.wait_dma2 semaphore(%run_scoped3A : memref<!tpu.dma_semaphore, #tpu.memory_space<semaphore_mem>>) src(%dma_wait3A_23 : memref<128xi32, #tpu.memory_space<hbm>>) dst(%arg8 : memref<128xi32, #tpu.memory_space<vmem>>)
          tpu.yield
        }) : () -> ()
        %dma_start3A = arith.constant 0 : i32
        %dma_start3A_16 = arith.constant 0 : i32
        %dma_start3A_17 = tpu.memref_slice %arg2[%dma_start3A, %dma_start3A_16] : memref<50000x128xf32, #tpu.memory_space<hbm>> -> memref<50000x128xf32, #tpu.memory_space<hbm>>
        tpu.enqueue_indirect_dma source(%dma_start3A_17 : memref<50000x128xf32, #tpu.memory_space<hbm>>) target(%arg9 : memref<128x128xf32, #tpu.memory_space<vmem>>) offsets(%arg8 : memref<128xi32, #tpu.memory_space<vmem>>) semaphore(%arg10 : memref<!tpu.dma_semaphore, #tpu.memory_space<semaphore_mem>>)
        %dma_wait3A = arith.constant 0 : i32
        %dma_wait3A_18 = arith.constant 0 : i32
        %dma_wait3A_19 = tpu.memref_slice %arg2[%dma_wait3A, %dma_wait3A_18] : memref<50000x128xf32, #tpu.memory_space<hbm>> -> memref<50000x128xf32, #tpu.memory_space<hbm>>
        tpu.wait_indirect_dma semaphore(%arg10 : memref<!tpu.dma_semaphore, #tpu.memory_space<semaphore_mem>>) src(%dma_wait3A_19 : memref<50000x128xf32, #tpu.memory_space<hbm>>) dst(%arg9 : memref<128x128xf32, #tpu.memory_space<vmem>>)
        "tpu.region"() ({
          %run_scoped3A = tpu.sem_alloc : memref<!tpu.dma_semaphore, #tpu.memory_space<semaphore_mem>>
          %dma_start3A_20 = arith.constant 0 : i32
          %dma_start3A_21 = tpu.memref_slice %arg6[%multiple_of3A, %dma_start3A_20] : memref<802816x128xf32, #tpu.memory_space<hbm>> -> memref<128x128xf32, #tpu.memory_space<hbm>>
          %dma_start3A_22 = arith.constant 0 : i32
          %dma_start3A_23 = tpu.memref_slice %arg6[%multiple_of3A, %dma_start3A_22] : memref<802816x128xf32, #tpu.memory_space<hbm>> -> memref<128x128xf32, #tpu.memory_space<hbm>>
          tpu.enqueue_dma source(%arg9 : memref<128x128xf32, #tpu.memory_space<vmem>>) target(%dma_start3A_23 : memref<128x128xf32, #tpu.memory_space<hbm>>) target_semaphore(%run_scoped3A : memref<!tpu.dma_semaphore, #tpu.memory_space<semaphore_mem>>)
          %dma_wait3A_24 = arith.constant 0 : i32
          %dma_wait3A_25 = tpu.memref_slice %arg6[%multiple_of3A, %dma_wait3A_24] : memref<802816x128xf32, #tpu.memory_space<hbm>> -> memref<128x128xf32, #tpu.memory_space<hbm>>
          %dma_wait3A_26 = arith.constant 0 : i32
          %dma_wait3A_27 = tpu.memref_slice %arg6[%multiple_of3A, %dma_wait3A_26] : memref<802816x128xf32, #tpu.memory_space<hbm>> -> memref<128x128xf32, #tpu.memory_space<hbm>>
          tpu.wait_dma2 semaphore(%run_scoped3A : memref<!tpu.dma_semaphore, #tpu.memory_space<semaphore_mem>>) src(%arg9 : memref<128x128xf32, #tpu.memory_space<vmem>>) dst(%dma_wait3A_27 : memref<128x128xf32, #tpu.memory_space<hbm>>)
          tpu.yield
        }) : () -> ()
      }
      %scan3A_12 = arith.constant 392 : i32
    } else {
    }
    %eq3A_3 = arith.constant 1 : i32
    %eq3A_4 = arith.cmpi eq, %arg0, %eq3A_3 : i32
    %convert_element_type3A_5 = arith.extui %eq3A_4 : i1 to i32
    %cond3A_6 = arith.constant 0 : i32
    %cond3A_7 = arith.cmpi ne, %convert_element_type3A_5, %cond3A_6 : i32
    scf.if %cond3A_7 {
      %scan3A = arith.constant 0 : i32
      %scan3A_8 = arith.constant 0 : i32
      %scan3A_9 = arith.constant 392 : i32
      %scan3A_10 = arith.addi %scan3A_8, %scan3A_9 : i32
      %scan3A_11 = arith.constant 1 : i32
      scf.for %scan3A_13 = %scan3A_8 to %scan3A_10 step %scan3A_11  : i32 {
        %mul3A_14 = arith.constant 128 : i32
        %mul3A_15 = arith.muli %scan3A_13, %mul3A_14 : i32
        %add3A = arith.addi %mul3A_0, %mul3A_15 : i32
        %multiple_of3A = tpu.assume_multiple %add3A, 8 : i32
        "tpu.region"() ({
          %run_scoped3A = tpu.sem_alloc : memref<!tpu.dma_semaphore, #tpu.memory_space<semaphore_mem>>
          %dma_start3A_20 = tpu.memref_slice %arg5[%multiple_of3A] : memref<802816xi32, #tpu.memory_space<hbm>> -> memref<128xi32, #tpu.memory_space<hbm>>
          %dma_start3A_21 = tpu.memref_slice %arg5[%multiple_of3A] : memref<802816xi32, #tpu.memory_space<hbm>> -> memref<128xi32, #tpu.memory_space<hbm>>
          tpu.enqueue_dma source(%dma_start3A_21 : memref<128xi32, #tpu.memory_space<hbm>>) target(%arg8 : memref<128xi32, #tpu.memory_space<vmem>>) target_semaphore(%run_scoped3A : memref<!tpu.dma_semaphore, #tpu.memory_space<semaphore_mem>>)
          %dma_wait3A_22 = tpu.memref_slice %arg5[%multiple_of3A] : memref<802816xi32, #tpu.memory_space<hbm>> -> memref<128xi32, #tpu.memory_space<hbm>>
          %dma_wait3A_23 = tpu.memref_slice %arg5[%multiple_of3A] : memref<802816xi32, #tpu.memory_space<hbm>> -> memref<128xi32, #tpu.memory_space<hbm>>
          tpu.wait_dma2 semaphore(%run_scoped3A : memref<!tpu.dma_semaphore, #tpu.memory_space<semaphore_mem>>) src(%dma_wait3A_23 : memref<128xi32, #tpu.memory_space<hbm>>) dst(%arg8 : memref<128xi32, #tpu.memory_space<vmem>>)
          tpu.yield
        }) : () -> ()
        %dma_start3A = arith.constant 0 : i32
        %dma_start3A_16 = arith.constant 0 : i32
        %dma_start3A_17 = tpu.memref_slice %arg3[%dma_start3A, %dma_start3A_16] : memref<50000x128xf32, #tpu.memory_space<hbm>> -> memref<50000x128xf32, #tpu.memory_space<hbm>>
        tpu.enqueue_indirect_dma source(%dma_start3A_17 : memref<50000x128xf32, #tpu.memory_space<hbm>>) target(%arg9 : memref<128x128xf32, #tpu.memory_space<vmem>>) offsets(%arg8 : memref<128xi32, #tpu.memory_space<vmem>>) semaphore(%arg10 : memref<!tpu.dma_semaphore, #tpu.memory_space<semaphore_mem>>)
        %dma_wait3A = arith.constant 0 : i32
        %dma_wait3A_18 = arith.constant 0 : i32
        %dma_wait3A_19 = tpu.memref_slice %arg3[%dma_wait3A, %dma_wait3A_18] : memref<50000x128xf32, #tpu.memory_space<hbm>> -> memref<50000x128xf32, #tpu.memory_space<hbm>>
        tpu.wait_indirect_dma semaphore(%arg10 : memref<!tpu.dma_semaphore, #tpu.memory_space<semaphore_mem>>) src(%dma_wait3A_19 : memref<50000x128xf32, #tpu.memory_space<hbm>>) dst(%arg9 : memref<128x128xf32, #tpu.memory_space<vmem>>)
        "tpu.region"() ({
          %run_scoped3A = tpu.sem_alloc : memref<!tpu.dma_semaphore, #tpu.memory_space<semaphore_mem>>
          %dma_start3A_20 = arith.constant 0 : i32
          %dma_start3A_21 = tpu.memref_slice %arg7[%multiple_of3A, %dma_start3A_20] : memref<802816x128xf32, #tpu.memory_space<hbm>> -> memref<128x128xf32, #tpu.memory_space<hbm>>
          %dma_start3A_22 = arith.constant 0 : i32
          %dma_start3A_23 = tpu.memref_slice %arg7[%multiple_of3A, %dma_start3A_22] : memref<802816x128xf32, #tpu.memory_space<hbm>> -> memref<128x128xf32, #tpu.memory_space<hbm>>
          tpu.enqueue_dma source(%arg9 : memref<128x128xf32, #tpu.memory_space<vmem>>) target(%dma_start3A_23 : memref<128x128xf32, #tpu.memory_space<hbm>>) target_semaphore(%run_scoped3A : memref<!tpu.dma_semaphore, #tpu.memory_space<semaphore_mem>>)
          %dma_wait3A_24 = arith.constant 0 : i32
          %dma_wait3A_25 = tpu.memref_slice %arg7[%multiple_of3A, %dma_wait3A_24] : memref<802816x128xf32, #tpu.memory_space<hbm>> -> memref<128x128xf32, #tpu.memory_space<hbm>>
          %dma_wait3A_26 = arith.constant 0 : i32
          %dma_wait3A_27 = tpu.memref_slice %arg7[%multiple_of3A, %dma_wait3A_26] : memref<802816x128xf32, #tpu.memory_space<hbm>> -> memref<128x128xf32, #tpu.memory_space<hbm>>
          tpu.wait_dma2 semaphore(%run_scoped3A : memref<!tpu.dma_semaphore, #tpu.memory_space<semaphore_mem>>) src(%arg9 : memref<128x128xf32, #tpu.memory_space<vmem>>) dst(%dma_wait3A_27 : memref<128x128xf32, #tpu.memory_space<hbm>>)
          tpu.yield
        }) : () -> ()
      }
      %scan3A_12 = arith.constant 392 : i32
    } else {
    }
    return
  }
}

#map = affine_map<(d0, d1) -> (0, 0)>
#map1 = affine_map<(d0, d1) -> (0)>
module attributes {stable_mosaic.version = 14 : i64} {
  func.func @_gpos_body(%arg0: i32, %arg1: i32, %arg2: memref<50000x128xf32, #tpu.memory_space<hbm>>, %arg3: memref<802816xi32, #tpu.memory_space<hbm>>, %arg4: memref<802816xi32, #tpu.memory_space<hbm>>, %arg5: memref<802816x128xf32, #tpu.memory_space<hbm>>, %arg6: memref<802816x128xf32, #tpu.memory_space<hbm>>, %arg7: memref<128xi32, #tpu.memory_space<vmem>>, %arg8: memref<128x128xf32, #tpu.memory_space<vmem>>, %arg9: memref<!tpu.dma_semaphore, #tpu.memory_space<semaphore_mem>>) attributes {dimension_semantics = [#tpu.dimension_semantics<core_parallel>, #tpu.dimension_semantics<subcore_parallel>], iteration_bounds = array<i64: 2, 16>, scalar_prefetch = 0 : i64, scratch_operands = 3 : i64, tpu.core_type = #tpu.core_type<sc_vector_subcore>, window_params = [{transform_indices = #map}, {transform_indices = #map1}, {transform_indices = #map1}, {transform_indices = #map}, {transform_indices = #map}]} {
    %mul3A = arith.constant 50176 : i32
    %mul3A_0 = arith.muli %arg1, %mul3A : i32
    %eq3A = arith.constant 0 : i32
    %eq3A_1 = arith.cmpi eq, %arg0, %eq3A : i32
    %convert_element_type3A = arith.extui %eq3A_1 : i1 to i32
    %cond3A = arith.constant 0 : i32
    %cond3A_2 = arith.cmpi ne, %convert_element_type3A, %cond3A : i32
    scf.if %cond3A_2 {
      %scan3A = arith.constant 0 : i32
      %scan3A_8 = arith.constant 0 : i32
      %scan3A_9 = arith.constant 392 : i32
      %scan3A_10 = arith.addi %scan3A_8, %scan3A_9 : i32
      %scan3A_11 = arith.constant 1 : i32
      scf.for %scan3A_13 = %scan3A_8 to %scan3A_10 step %scan3A_11  : i32 {
        %mul3A_14 = arith.constant 128 : i32
        %mul3A_15 = arith.muli %scan3A_13, %mul3A_14 : i32
        %add3A = arith.addi %mul3A_0, %mul3A_15 : i32
        %multiple_of3A = tpu.assume_multiple %add3A, 8 : i32
        "tpu.region"() ({
          %run_scoped3A = tpu.sem_alloc : memref<!tpu.dma_semaphore, #tpu.memory_space<semaphore_mem>>
          %dma_start3A_20 = tpu.memref_slice %arg3[%multiple_of3A] : memref<802816xi32, #tpu.memory_space<hbm>> -> memref<128xi32, #tpu.memory_space<hbm>>
          %dma_start3A_21 = tpu.memref_slice %arg3[%multiple_of3A] : memref<802816xi32, #tpu.memory_space<hbm>> -> memref<128xi32, #tpu.memory_space<hbm>>
          tpu.enqueue_dma source(%dma_start3A_21 : memref<128xi32, #tpu.memory_space<hbm>>) target(%arg7 : memref<128xi32, #tpu.memory_space<vmem>>) target_semaphore(%run_scoped3A : memref<!tpu.dma_semaphore, #tpu.memory_space<semaphore_mem>>)
          %dma_wait3A_22 = tpu.memref_slice %arg3[%multiple_of3A] : memref<802816xi32, #tpu.memory_space<hbm>> -> memref<128xi32, #tpu.memory_space<hbm>>
          %dma_wait3A_23 = tpu.memref_slice %arg3[%multiple_of3A] : memref<802816xi32, #tpu.memory_space<hbm>> -> memref<128xi32, #tpu.memory_space<hbm>>
          tpu.wait_dma2 semaphore(%run_scoped3A : memref<!tpu.dma_semaphore, #tpu.memory_space<semaphore_mem>>) src(%dma_wait3A_23 : memref<128xi32, #tpu.memory_space<hbm>>) dst(%arg7 : memref<128xi32, #tpu.memory_space<vmem>>)
          tpu.yield
        }) : () -> ()
        %dma_start3A = arith.constant 0 : i32
        %dma_start3A_16 = arith.constant 0 : i32
        %dma_start3A_17 = tpu.memref_slice %arg2[%dma_start3A, %dma_start3A_16] : memref<50000x128xf32, #tpu.memory_space<hbm>> -> memref<50000x128xf32, #tpu.memory_space<hbm>>
        tpu.enqueue_indirect_dma source(%dma_start3A_17 : memref<50000x128xf32, #tpu.memory_space<hbm>>) target(%arg8 : memref<128x128xf32, #tpu.memory_space<vmem>>) offsets(%arg7 : memref<128xi32, #tpu.memory_space<vmem>>) semaphore(%arg9 : memref<!tpu.dma_semaphore, #tpu.memory_space<semaphore_mem>>)
        %dma_wait3A = arith.constant 0 : i32
        %dma_wait3A_18 = arith.constant 0 : i32
        %dma_wait3A_19 = tpu.memref_slice %arg2[%dma_wait3A, %dma_wait3A_18] : memref<50000x128xf32, #tpu.memory_space<hbm>> -> memref<50000x128xf32, #tpu.memory_space<hbm>>
        tpu.wait_indirect_dma semaphore(%arg9 : memref<!tpu.dma_semaphore, #tpu.memory_space<semaphore_mem>>) src(%dma_wait3A_19 : memref<50000x128xf32, #tpu.memory_space<hbm>>) dst(%arg8 : memref<128x128xf32, #tpu.memory_space<vmem>>)
        "tpu.region"() ({
          %run_scoped3A = tpu.sem_alloc : memref<!tpu.dma_semaphore, #tpu.memory_space<semaphore_mem>>
          %dma_start3A_20 = arith.constant 0 : i32
          %dma_start3A_21 = tpu.memref_slice %arg5[%multiple_of3A, %dma_start3A_20] : memref<802816x128xf32, #tpu.memory_space<hbm>> -> memref<128x128xf32, #tpu.memory_space<hbm>>
          %dma_start3A_22 = arith.constant 0 : i32
          %dma_start3A_23 = tpu.memref_slice %arg5[%multiple_of3A, %dma_start3A_22] : memref<802816x128xf32, #tpu.memory_space<hbm>> -> memref<128x128xf32, #tpu.memory_space<hbm>>
          tpu.enqueue_dma source(%arg8 : memref<128x128xf32, #tpu.memory_space<vmem>>) target(%dma_start3A_23 : memref<128x128xf32, #tpu.memory_space<hbm>>) target_semaphore(%run_scoped3A : memref<!tpu.dma_semaphore, #tpu.memory_space<semaphore_mem>>)
          %dma_wait3A_24 = arith.constant 0 : i32
          %dma_wait3A_25 = tpu.memref_slice %arg5[%multiple_of3A, %dma_wait3A_24] : memref<802816x128xf32, #tpu.memory_space<hbm>> -> memref<128x128xf32, #tpu.memory_space<hbm>>
          %dma_wait3A_26 = arith.constant 0 : i32
          %dma_wait3A_27 = tpu.memref_slice %arg5[%multiple_of3A, %dma_wait3A_26] : memref<802816x128xf32, #tpu.memory_space<hbm>> -> memref<128x128xf32, #tpu.memory_space<hbm>>
          tpu.wait_dma2 semaphore(%run_scoped3A : memref<!tpu.dma_semaphore, #tpu.memory_space<semaphore_mem>>) src(%arg8 : memref<128x128xf32, #tpu.memory_space<vmem>>) dst(%dma_wait3A_27 : memref<128x128xf32, #tpu.memory_space<hbm>>)
          tpu.yield
        }) : () -> ()
      }
      %scan3A_12 = arith.constant 392 : i32
    } else {
    }
    %eq3A_3 = arith.constant 1 : i32
    %eq3A_4 = arith.cmpi eq, %arg0, %eq3A_3 : i32
    %convert_element_type3A_5 = arith.extui %eq3A_4 : i1 to i32
    %cond3A_6 = arith.constant 0 : i32
    %cond3A_7 = arith.cmpi ne, %convert_element_type3A_5, %cond3A_6 : i32
    scf.if %cond3A_7 {
      %scan3A = arith.constant 0 : i32
      %scan3A_8 = arith.constant 0 : i32
      %scan3A_9 = arith.constant 392 : i32
      %scan3A_10 = arith.addi %scan3A_8, %scan3A_9 : i32
      %scan3A_11 = arith.constant 1 : i32
      scf.for %scan3A_13 = %scan3A_8 to %scan3A_10 step %scan3A_11  : i32 {
        %mul3A_14 = arith.constant 128 : i32
        %mul3A_15 = arith.muli %scan3A_13, %mul3A_14 : i32
        %add3A = arith.addi %mul3A_0, %mul3A_15 : i32
        %multiple_of3A = tpu.assume_multiple %add3A, 8 : i32
        "tpu.region"() ({
          %run_scoped3A = tpu.sem_alloc : memref<!tpu.dma_semaphore, #tpu.memory_space<semaphore_mem>>
          %dma_start3A_20 = tpu.memref_slice %arg4[%multiple_of3A] : memref<802816xi32, #tpu.memory_space<hbm>> -> memref<128xi32, #tpu.memory_space<hbm>>
          %dma_start3A_21 = tpu.memref_slice %arg4[%multiple_of3A] : memref<802816xi32, #tpu.memory_space<hbm>> -> memref<128xi32, #tpu.memory_space<hbm>>
          tpu.enqueue_dma source(%dma_start3A_21 : memref<128xi32, #tpu.memory_space<hbm>>) target(%arg7 : memref<128xi32, #tpu.memory_space<vmem>>) target_semaphore(%run_scoped3A : memref<!tpu.dma_semaphore, #tpu.memory_space<semaphore_mem>>)
          %dma_wait3A_22 = tpu.memref_slice %arg4[%multiple_of3A] : memref<802816xi32, #tpu.memory_space<hbm>> -> memref<128xi32, #tpu.memory_space<hbm>>
          %dma_wait3A_23 = tpu.memref_slice %arg4[%multiple_of3A] : memref<802816xi32, #tpu.memory_space<hbm>> -> memref<128xi32, #tpu.memory_space<hbm>>
          tpu.wait_dma2 semaphore(%run_scoped3A : memref<!tpu.dma_semaphore, #tpu.memory_space<semaphore_mem>>) src(%dma_wait3A_23 : memref<128xi32, #tpu.memory_space<hbm>>) dst(%arg7 : memref<128xi32, #tpu.memory_space<vmem>>)
          tpu.yield
        }) : () -> ()
        %dma_start3A = arith.constant 0 : i32
        %dma_start3A_16 = arith.constant 0 : i32
        %dma_start3A_17 = tpu.memref_slice %arg2[%dma_start3A, %dma_start3A_16] : memref<50000x128xf32, #tpu.memory_space<hbm>> -> memref<50000x128xf32, #tpu.memory_space<hbm>>
        tpu.enqueue_indirect_dma source(%dma_start3A_17 : memref<50000x128xf32, #tpu.memory_space<hbm>>) target(%arg8 : memref<128x128xf32, #tpu.memory_space<vmem>>) offsets(%arg7 : memref<128xi32, #tpu.memory_space<vmem>>) semaphore(%arg9 : memref<!tpu.dma_semaphore, #tpu.memory_space<semaphore_mem>>)
        %dma_wait3A = arith.constant 0 : i32
        %dma_wait3A_18 = arith.constant 0 : i32
        %dma_wait3A_19 = tpu.memref_slice %arg2[%dma_wait3A, %dma_wait3A_18] : memref<50000x128xf32, #tpu.memory_space<hbm>> -> memref<50000x128xf32, #tpu.memory_space<hbm>>
        tpu.wait_indirect_dma semaphore(%arg9 : memref<!tpu.dma_semaphore, #tpu.memory_space<semaphore_mem>>) src(%dma_wait3A_19 : memref<50000x128xf32, #tpu.memory_space<hbm>>) dst(%arg8 : memref<128x128xf32, #tpu.memory_space<vmem>>)
        "tpu.region"() ({
          %run_scoped3A = tpu.sem_alloc : memref<!tpu.dma_semaphore, #tpu.memory_space<semaphore_mem>>
          %dma_start3A_20 = arith.constant 0 : i32
          %dma_start3A_21 = tpu.memref_slice %arg6[%multiple_of3A, %dma_start3A_20] : memref<802816x128xf32, #tpu.memory_space<hbm>> -> memref<128x128xf32, #tpu.memory_space<hbm>>
          %dma_start3A_22 = arith.constant 0 : i32
          %dma_start3A_23 = tpu.memref_slice %arg6[%multiple_of3A, %dma_start3A_22] : memref<802816x128xf32, #tpu.memory_space<hbm>> -> memref<128x128xf32, #tpu.memory_space<hbm>>
          tpu.enqueue_dma source(%arg8 : memref<128x128xf32, #tpu.memory_space<vmem>>) target(%dma_start3A_23 : memref<128x128xf32, #tpu.memory_space<hbm>>) target_semaphore(%run_scoped3A : memref<!tpu.dma_semaphore, #tpu.memory_space<semaphore_mem>>)
          %dma_wait3A_24 = arith.constant 0 : i32
          %dma_wait3A_25 = tpu.memref_slice %arg6[%multiple_of3A, %dma_wait3A_24] : memref<802816x128xf32, #tpu.memory_space<hbm>> -> memref<128x128xf32, #tpu.memory_space<hbm>>
          %dma_wait3A_26 = arith.constant 0 : i32
          %dma_wait3A_27 = tpu.memref_slice %arg6[%multiple_of3A, %dma_wait3A_26] : memref<802816x128xf32, #tpu.memory_space<hbm>> -> memref<128x128xf32, #tpu.memory_space<hbm>>
          tpu.wait_dma2 semaphore(%run_scoped3A : memref<!tpu.dma_semaphore, #tpu.memory_space<semaphore_mem>>) src(%arg8 : memref<128x128xf32, #tpu.memory_space<vmem>>) dst(%dma_wait3A_27 : memref<128x128xf32, #tpu.memory_space<hbm>>)
          tpu.yield
        }) : () -> ()
      }
      %scan3A_12 = arith.constant 392 : i32
    } else {
    }
    return
  }
}

#map = affine_map<(d0, d1) -> (0, 0)>
#map1 = affine_map<(d0, d1) -> (0)>
module attributes {stable_mosaic.version = 14 : i64} {
  func.func @_gather_body(%arg0: i32, %arg1: i32, %arg2: memref<50000x128xf32, #tpu.memory_space<hbm>>, %arg3: memref<50000x128xf32, #tpu.memory_space<hbm>>, %arg4: memref<802816xi32, #tpu.memory_space<hbm>>, %arg5: memref<802816xi32, #tpu.memory_space<hbm>>, %arg6: memref<802816x128xf32, #tpu.memory_space<hbm>>, %arg7: memref<802816x128xf32, #tpu.memory_space<hbm>>, %arg8: memref<128xi32, #tpu.memory_space<vmem>>, %arg9: memref<128x128xf32, #tpu.memory_space<vmem>>, %arg10: memref<!tpu.dma_semaphore, #tpu.memory_space<semaphore_mem>>) attributes {dimension_semantics = [#tpu.dimension_semantics<core_parallel>, #tpu.dimension_semantics<subcore_parallel>], iteration_bounds = array<i64: 2, 16>, scalar_prefetch = 0 : i64, scratch_operands = 3 : i64, tpu.core_type = #tpu.core_type<sc_vector_subcore>, window_params = [{transform_indices = #map}, {transform_indices = #map}, {transform_indices = #map1}, {transform_indices = #map1}, {transform_indices = #map}, {transform_indices = #map}]} {
    %mul3A = arith.constant 50176 : i32
    %mul3A_0 = arith.muli %arg1, %mul3A : i32
    %eq3A = arith.constant 0 : i32
    %eq3A_1 = arith.cmpi eq, %arg0, %eq3A : i32
    %convert_element_type3A = arith.extui %eq3A_1 : i1 to i32
    %cond3A = arith.constant 0 : i32
    %cond3A_2 = arith.cmpi ne, %convert_element_type3A, %cond3A : i32
    scf.if %cond3A_2 {
      %scan3A = arith.constant 0 : i32
      %scan3A_8 = arith.constant 0 : i32
      %scan3A_9 = arith.constant 392 : i32
      %scan3A_10 = arith.addi %scan3A_8, %scan3A_9 : i32
      %scan3A_11 = arith.constant 1 : i32
      scf.for %scan3A_13 = %scan3A_8 to %scan3A_10 step %scan3A_11  : i32 {
        %mul3A_14 = arith.constant 128 : i32
        %mul3A_15 = arith.muli %scan3A_13, %mul3A_14 : i32
        %add3A = arith.addi %mul3A_0, %mul3A_15 : i32
        %multiple_of3A = tpu.assume_multiple %add3A, 8 : i32
        "tpu.region"() ({
          %run_scoped3A = tpu.sem_alloc : memref<!tpu.dma_semaphore, #tpu.memory_space<semaphore_mem>>
          %dma_start3A_20 = tpu.memref_slice %arg4[%multiple_of3A] : memref<802816xi32, #tpu.memory_space<hbm>> -> memref<128xi32, #tpu.memory_space<hbm>>
          %dma_start3A_21 = tpu.memref_slice %arg4[%multiple_of3A] : memref<802816xi32, #tpu.memory_space<hbm>> -> memref<128xi32, #tpu.memory_space<hbm>>
          tpu.enqueue_dma source(%dma_start3A_21 : memref<128xi32, #tpu.memory_space<hbm>>) target(%arg8 : memref<128xi32, #tpu.memory_space<vmem>>) target_semaphore(%run_scoped3A : memref<!tpu.dma_semaphore, #tpu.memory_space<semaphore_mem>>)
          %dma_wait3A_22 = tpu.memref_slice %arg4[%multiple_of3A] : memref<802816xi32, #tpu.memory_space<hbm>> -> memref<128xi32, #tpu.memory_space<hbm>>
          %dma_wait3A_23 = tpu.memref_slice %arg4[%multiple_of3A] : memref<802816xi32, #tpu.memory_space<hbm>> -> memref<128xi32, #tpu.memory_space<hbm>>
          tpu.wait_dma2 semaphore(%run_scoped3A : memref<!tpu.dma_semaphore, #tpu.memory_space<semaphore_mem>>) src(%dma_wait3A_23 : memref<128xi32, #tpu.memory_space<hbm>>) dst(%arg8 : memref<128xi32, #tpu.memory_space<vmem>>)
          tpu.yield
        }) : () -> ()
        %dma_start3A = arith.constant 0 : i32
        %dma_start3A_16 = arith.constant 0 : i32
        %dma_start3A_17 = tpu.memref_slice %arg2[%dma_start3A, %dma_start3A_16] : memref<50000x128xf32, #tpu.memory_space<hbm>> -> memref<50000x128xf32, #tpu.memory_space<hbm>>
        tpu.enqueue_indirect_dma source(%dma_start3A_17 : memref<50000x128xf32, #tpu.memory_space<hbm>>) target(%arg9 : memref<128x128xf32, #tpu.memory_space<vmem>>) offsets(%arg8 : memref<128xi32, #tpu.memory_space<vmem>>) semaphore(%arg10 : memref<!tpu.dma_semaphore, #tpu.memory_space<semaphore_mem>>)
        %dma_wait3A = arith.constant 0 : i32
        %dma_wait3A_18 = arith.constant 0 : i32
        %dma_wait3A_19 = tpu.memref_slice %arg2[%dma_wait3A, %dma_wait3A_18] : memref<50000x128xf32, #tpu.memory_space<hbm>> -> memref<50000x128xf32, #tpu.memory_space<hbm>>
        tpu.wait_indirect_dma semaphore(%arg10 : memref<!tpu.dma_semaphore, #tpu.memory_space<semaphore_mem>>) src(%dma_wait3A_19 : memref<50000x128xf32, #tpu.memory_space<hbm>>) dst(%arg9 : memref<128x128xf32, #tpu.memory_space<vmem>>)
        "tpu.region"() ({
          %run_scoped3A = tpu.sem_alloc : memref<!tpu.dma_semaphore, #tpu.memory_space<semaphore_mem>>
          %dma_start3A_20 = arith.constant 0 : i32
          %dma_start3A_21 = tpu.memref_slice %arg6[%multiple_of3A, %dma_start3A_20] : memref<802816x128xf32, #tpu.memory_space<hbm>> -> memref<128x128xf32, #tpu.memory_space<hbm>>
          %dma_start3A_22 = arith.constant 0 : i32
          %dma_start3A_23 = tpu.memref_slice %arg6[%multiple_of3A, %dma_start3A_22] : memref<802816x128xf32, #tpu.memory_space<hbm>> -> memref<128x128xf32, #tpu.memory_space<hbm>>
          tpu.enqueue_dma source(%arg9 : memref<128x128xf32, #tpu.memory_space<vmem>>) target(%dma_start3A_23 : memref<128x128xf32, #tpu.memory_space<hbm>>) target_semaphore(%run_scoped3A : memref<!tpu.dma_semaphore, #tpu.memory_space<semaphore_mem>>)
          %dma_wait3A_24 = arith.constant 0 : i32
          %dma_wait3A_25 = tpu.memref_slice %arg6[%multiple_of3A, %dma_wait3A_24] : memref<802816x128xf32, #tpu.memory_space<hbm>> -> memref<128x128xf32, #tpu.memory_space<hbm>>
          %dma_wait3A_26 = arith.constant 0 : i32
          %dma_wait3A_27 = tpu.memref_slice %arg6[%multiple_of3A, %dma_wait3A_26] : memref<802816x128xf32, #tpu.memory_space<hbm>> -> memref<128x128xf32, #tpu.memory_space<hbm>>
          tpu.wait_dma2 semaphore(%run_scoped3A : memref<!tpu.dma_semaphore, #tpu.memory_space<semaphore_mem>>) src(%arg9 : memref<128x128xf32, #tpu.memory_space<vmem>>) dst(%dma_wait3A_27 : memref<128x128xf32, #tpu.memory_space<hbm>>)
          tpu.yield
        }) : () -> ()
      }
      %scan3A_12 = arith.constant 392 : i32
    } else {
    }
    %eq3A_3 = arith.constant 1 : i32
    %eq3A_4 = arith.cmpi eq, %arg0, %eq3A_3 : i32
    %convert_element_type3A_5 = arith.extui %eq3A_4 : i1 to i32
    %cond3A_6 = arith.constant 0 : i32
    %cond3A_7 = arith.cmpi ne, %convert_element_type3A_5, %cond3A_6 : i32
    scf.if %cond3A_7 {
      %scan3A = arith.constant 0 : i32
      %scan3A_8 = arith.constant 0 : i32
      %scan3A_9 = arith.constant 392 : i32
      %scan3A_10 = arith.addi %scan3A_8, %scan3A_9 : i32
      %scan3A_11 = arith.constant 1 : i32
      scf.for %scan3A_13 = %scan3A_8 to %scan3A_10 step %scan3A_11  : i32 {
        %mul3A_14 = arith.constant 128 : i32
        %mul3A_15 = arith.muli %scan3A_13, %mul3A_14 : i32
        %add3A = arith.addi %mul3A_0, %mul3A_15 : i32
        %multiple_of3A = tpu.assume_multiple %add3A, 8 : i32
        "tpu.region"() ({
          %run_scoped3A = tpu.sem_alloc : memref<!tpu.dma_semaphore, #tpu.memory_space<semaphore_mem>>
          %dma_start3A_20 = tpu.memref_slice %arg5[%multiple_of3A] : memref<802816xi32, #tpu.memory_space<hbm>> -> memref<128xi32, #tpu.memory_space<hbm>>
          %dma_start3A_21 = tpu.memref_slice %arg5[%multiple_of3A] : memref<802816xi32, #tpu.memory_space<hbm>> -> memref<128xi32, #tpu.memory_space<hbm>>
          tpu.enqueue_dma source(%dma_start3A_21 : memref<128xi32, #tpu.memory_space<hbm>>) target(%arg8 : memref<128xi32, #tpu.memory_space<vmem>>) target_semaphore(%run_scoped3A : memref<!tpu.dma_semaphore, #tpu.memory_space<semaphore_mem>>)
          %dma_wait3A_22 = tpu.memref_slice %arg5[%multiple_of3A] : memref<802816xi32, #tpu.memory_space<hbm>> -> memref<128xi32, #tpu.memory_space<hbm>>
          %dma_wait3A_23 = tpu.memref_slice %arg5[%multiple_of3A] : memref<802816xi32, #tpu.memory_space<hbm>> -> memref<128xi32, #tpu.memory_space<hbm>>
          tpu.wait_dma2 semaphore(%run_scoped3A : memref<!tpu.dma_semaphore, #tpu.memory_space<semaphore_mem>>) src(%dma_wait3A_23 : memref<128xi32, #tpu.memory_space<hbm>>) dst(%arg8 : memref<128xi32, #tpu.memory_space<vmem>>)
          tpu.yield
        }) : () -> ()
        %dma_start3A = arith.constant 0 : i32
        %dma_start3A_16 = arith.constant 0 : i32
        %dma_start3A_17 = tpu.memref_slice %arg3[%dma_start3A, %dma_start3A_16] : memref<50000x128xf32, #tpu.memory_space<hbm>> -> memref<50000x128xf32, #tpu.memory_space<hbm>>
        tpu.enqueue_indirect_dma source(%dma_start3A_17 : memref<50000x128xf32, #tpu.memory_space<hbm>>) target(%arg9 : memref<128x128xf32, #tpu.memory_space<vmem>>) offsets(%arg8 : memref<128xi32, #tpu.memory_space<vmem>>) semaphore(%arg10 : memref<!tpu.dma_semaphore, #tpu.memory_space<semaphore_mem>>)
        %dma_wait3A = arith.constant 0 : i32
        %dma_wait3A_18 = arith.constant 0 : i32
        %dma_wait3A_19 = tpu.memref_slice %arg3[%dma_wait3A, %dma_wait3A_18] : memref<50000x128xf32, #tpu.memory_space<hbm>> -> memref<50000x128xf32, #tpu.memory_space<hbm>>
        tpu.wait_indirect_dma semaphore(%arg10 : memref<!tpu.dma_semaphore, #tpu.memory_space<semaphore_mem>>) src(%dma_wait3A_19 : memref<50000x128xf32, #tpu.memory_space<hbm>>) dst(%arg9 : memref<128x128xf32, #tpu.memory_space<vmem>>)
        "tpu.region"() ({
          %run_scoped3A = tpu.sem_alloc : memref<!tpu.dma_semaphore, #tpu.memory_space<semaphore_mem>>
          %dma_start3A_20 = arith.constant 0 : i32
          %dma_start3A_21 = tpu.memref_slice %arg7[%multiple_of3A, %dma_start3A_20] : memref<802816x128xf32, #tpu.memory_space<hbm>> -> memref<128x128xf32, #tpu.memory_space<hbm>>
          %dma_start3A_22 = arith.constant 0 : i32
          %dma_start3A_23 = tpu.memref_slice %arg7[%multiple_of3A, %dma_start3A_22] : memref<802816x128xf32, #tpu.memory_space<hbm>> -> memref<128x128xf32, #tpu.memory_space<hbm>>
          tpu.enqueue_dma source(%arg9 : memref<128x128xf32, #tpu.memory_space<vmem>>) target(%dma_start3A_23 : memref<128x128xf32, #tpu.memory_space<hbm>>) target_semaphore(%run_scoped3A : memref<!tpu.dma_semaphore, #tpu.memory_space<semaphore_mem>>)
          %dma_wait3A_24 = arith.constant 0 : i32
          %dma_wait3A_25 = tpu.memref_slice %arg7[%multiple_of3A, %dma_wait3A_24] : memref<802816x128xf32, #tpu.memory_space<hbm>> -> memref<128x128xf32, #tpu.memory_space<hbm>>
          %dma_wait3A_26 = arith.constant 0 : i32
          %dma_wait3A_27 = tpu.memref_slice %arg7[%multiple_of3A, %dma_wait3A_26] : memref<802816x128xf32, #tpu.memory_space<hbm>> -> memref<128x128xf32, #tpu.memory_space<hbm>>
          tpu.wait_dma2 semaphore(%run_scoped3A : memref<!tpu.dma_semaphore, #tpu.memory_space<semaphore_mem>>) src(%arg9 : memref<128x128xf32, #tpu.memory_space<vmem>>) dst(%dma_wait3A_27 : memref<128x128xf32, #tpu.memory_space<hbm>>)
          tpu.yield
        }) : () -> ()
      }
      %scan3A_12 = arith.constant 392 : i32
    } else {
    }
    return
  }
}

#map = affine_map<(d0, d1) -> (0, 0)>
#map1 = affine_map<(d0, d1) -> (0)>
module attributes {stable_mosaic.version = 14 : i64} {
  func.func @_scatter_body(%arg0: i32, %arg1: i32, %arg2: memref<802816x128xf32, #tpu.memory_space<hbm>>, %arg3: memref<802816xi32, #tpu.memory_space<hbm>>, %arg4: memref<784x128xf32, #tpu.memory_space<hbm>>, %arg5: memref<50176x128xf32, #tpu.memory_space<hbm>>, %arg6: memref<128xi32, #tpu.memory_space<vmem>>, %arg7: memref<1x128xi32, #tpu.memory_space<vmem>>, %arg8: memref<128x128xf32, #tpu.memory_space<vmem>>, %arg9: memref<12544x128xf32, #tpu.memory_space<vmem_shared>>) attributes {dimension_semantics = [#tpu.dimension_semantics<core_parallel>, #tpu.dimension_semantics<subcore_parallel>], iteration_bounds = array<i64: 2, 16>, scalar_prefetch = 0 : i64, scratch_operands = 4 : i64, tpu.core_type = #tpu.core_type<sc_vector_subcore>, window_params = [{transform_indices = #map}, {transform_indices = #map1}, {transform_indices = #map}, {transform_indices = #map}]} {
    %mul3A = arith.constant 25000 : i32
    %mul3A_0 = arith.muli %arg0, %mul3A : i32
    %add3A = arith.constant 0 : i32
    %add3A_1 = arith.addi %mul3A_0, %add3A : i32
    %mul3A_2 = arith.constant 2 : i32
    %mul3A_3 = arith.muli %arg0, %mul3A_2 : i32
    %add3A_4 = arith.constant 0 : i32
    %add3A_5 = arith.addi %mul3A_3, %add3A_4 : i32
    %mul3A_6 = arith.constant 12544 : i32
    %mul3A_7 = arith.muli %add3A_5, %mul3A_6 : i32
    %mul3A_8 = arith.constant 784 : i32
    %mul3A_9 = arith.muli %arg1, %mul3A_8 : i32
    %add3A_10 = arith.addi %mul3A_7, %mul3A_9 : i32
    %mul3A_11 = arith.constant 784 : i32
    %mul3A_12 = arith.muli %arg1, %mul3A_11 : i32
    "tpu.region"() ({
      %run_scoped3A = tpu.sem_alloc : memref<!tpu.dma_semaphore, #tpu.memory_space<semaphore_mem>>
      %dma_start3A = arith.constant 0 : i32
      %dma_start3A_48 = tpu.memref_slice %arg9[%mul3A_12, %dma_start3A] : memref<12544x128xf32, #tpu.memory_space<vmem_shared>> -> memref<784x128xf32, #tpu.memory_space<vmem_shared>>
      tpu.enqueue_dma source(%arg4 : memref<784x128xf32, #tpu.memory_space<hbm>>) target(%dma_start3A_48 : memref<784x128xf32, #tpu.memory_space<vmem_shared>>) target_semaphore(%run_scoped3A : memref<!tpu.dma_semaphore, #tpu.memory_space<semaphore_mem>>)
      %dma_wait3A = arith.constant 0 : i32
      %dma_wait3A_49 = tpu.memref_slice %arg9[%mul3A_12, %dma_wait3A] : memref<12544x128xf32, #tpu.memory_space<vmem_shared>> -> memref<784x128xf32, #tpu.memory_space<vmem_shared>>
      tpu.wait_dma2 semaphore(%run_scoped3A : memref<!tpu.dma_semaphore, #tpu.memory_space<semaphore_mem>>) src(%arg4 : memref<784x128xf32, #tpu.memory_space<hbm>>) dst(%dma_wait3A_49 : memref<784x128xf32, #tpu.memory_space<vmem_shared>>)
      tpu.yield
    }) : () -> ()
    %barrier3A = arith.constant 0 : index
    tpu.barrier barrier_id(%barrier3A)
    %scan3A = arith.constant 0 : i32
    %scan3A_13 = arith.constant 0 : i32
    %scan3A_14 = arith.constant 392 : i32
    %scan3A_15 = arith.addi %scan3A_13, %scan3A_14 : i32
    %scan3A_16 = arith.constant 1 : i32
    scf.for %scan3A_48 = %scan3A_13 to %scan3A_15 step %scan3A_16  : i32 {
      %mul3A_49 = arith.constant 50176 : i32
      %mul3A_50 = arith.muli %arg1, %mul3A_49 : i32
      %mul3A_51 = arith.constant 128 : i32
      %mul3A_52 = arith.muli %scan3A_48, %mul3A_51 : i32
      %add3A_53 = arith.addi %mul3A_50, %mul3A_52 : i32
      %multiple_of3A = tpu.assume_multiple %add3A_53, 8 : i32
      "tpu.region"() ({
        %run_scoped3A_213 = tpu.sem_alloc : memref<!tpu.dma_semaphore, #tpu.memory_space<semaphore_mem>>
        %dma_start3A = tpu.memref_slice %arg3[%multiple_of3A] : memref<802816xi32, #tpu.memory_space<hbm>> -> memref<128xi32, #tpu.memory_space<hbm>>
        %dma_start3A_214 = tpu.memref_slice %arg3[%multiple_of3A] : memref<802816xi32, #tpu.memory_space<hbm>> -> memref<128xi32, #tpu.memory_space<hbm>>
        tpu.enqueue_dma source(%dma_start3A_214 : memref<128xi32, #tpu.memory_space<hbm>>) target(%arg6 : memref<128xi32, #tpu.memory_space<vmem>>) target_semaphore(%run_scoped3A_213 : memref<!tpu.dma_semaphore, #tpu.memory_space<semaphore_mem>>)
        %dma_wait3A = tpu.memref_slice %arg3[%multiple_of3A] : memref<802816xi32, #tpu.memory_space<hbm>> -> memref<128xi32, #tpu.memory_space<hbm>>
        %dma_wait3A_215 = tpu.memref_slice %arg3[%multiple_of3A] : memref<802816xi32, #tpu.memory_space<hbm>> -> memref<128xi32, #tpu.memory_space<hbm>>
        tpu.wait_dma2 semaphore(%run_scoped3A_213 : memref<!tpu.dma_semaphore, #tpu.memory_space<semaphore_mem>>) src(%dma_wait3A_215 : memref<128xi32, #tpu.memory_space<hbm>>) dst(%arg6 : memref<128xi32, #tpu.memory_space<vmem>>)
        tpu.yield
      }) : () -> ()
      "tpu.region"() ({
        %run_scoped3A_213 = tpu.sem_alloc : memref<!tpu.dma_semaphore, #tpu.memory_space<semaphore_mem>>
        %dma_start3A = arith.constant 0 : i32
        %dma_start3A_214 = tpu.memref_slice %arg2[%multiple_of3A, %dma_start3A] : memref<802816x128xf32, #tpu.memory_space<hbm>> -> memref<128x128xf32, #tpu.memory_space<hbm>>
        %dma_start3A_215 = arith.constant 0 : i32
        %dma_start3A_216 = tpu.memref_slice %arg2[%multiple_of3A, %dma_start3A_215] : memref<802816x128xf32, #tpu.memory_space<hbm>> -> memref<128x128xf32, #tpu.memory_space<hbm>>
        tpu.enqueue_dma source(%dma_start3A_216 : memref<128x128xf32, #tpu.memory_space<hbm>>) target(%arg8 : memref<128x128xf32, #tpu.memory_space<vmem>>) target_semaphore(%run_scoped3A_213 : memref<!tpu.dma_semaphore, #tpu.memory_space<semaphore_mem>>)
        %dma_wait3A = arith.constant 0 : i32
        %dma_wait3A_217 = tpu.memref_slice %arg2[%multiple_of3A, %dma_wait3A] : memref<802816x128xf32, #tpu.memory_space<hbm>> -> memref<128x128xf32, #tpu.memory_space<hbm>>
        %dma_wait3A_218 = arith.constant 0 : i32
        %dma_wait3A_219 = tpu.memref_slice %arg2[%multiple_of3A, %dma_wait3A_218] : memref<802816x128xf32, #tpu.memory_space<hbm>> -> memref<128x128xf32, #tpu.memory_space<hbm>>
        tpu.wait_dma2 semaphore(%run_scoped3A_213 : memref<!tpu.dma_semaphore, #tpu.memory_space<semaphore_mem>>) src(%dma_wait3A_219 : memref<128x128xf32, #tpu.memory_space<hbm>>) dst(%arg8 : memref<128x128xf32, #tpu.memory_space<vmem>>)
        tpu.yield
      }) : () -> ()
      %get3A = arith.constant 0 : index
      %get3A_54 = tpu.vector_load %arg6[%get3A] {strides = array<i32>} : memref<128xi32, #tpu.memory_space<vmem>>, vector<16xi32>,
      %get3A_55 = vector.shape_cast %get3A_54 : vector<16xi32> to vector<16xi32>
      %sub3A = vector.broadcast %add3A_1 : i32 to vector<16xi32>
      %sub3A_56 = arith.subi %get3A_55, %sub3A : vector<16xi32>
      %ge3A = arith.constant 0 : i32
      %ge3A_57 = vector.broadcast %ge3A : i32 to vector<16xi32>
      %ge3A_58 = arith.cmpi sge, %sub3A_56, %ge3A_57 : vector<16xi32>
      %lt3A = arith.constant 12500 : i32
      %lt3A_59 = vector.broadcast %lt3A : i32 to vector<16xi32>
      %lt3A_60 = arith.cmpi slt, %sub3A_56, %lt3A_59 : vector<16xi32>
      %and3A = arith.andi %ge3A_58, %lt3A_60 : vector<16xi1>
      %jit3A = arith.constant 12500 : i32
      %broadcast_in_dim3A = vector.broadcast %jit3A : i32 to vector<16xi32>
      %select_n3A = arith.select %and3A, %sub3A_56, %broadcast_in_dim3A : vector<16xi1>, vector<16xi32>
      %swap3A = arith.constant 0 : i32
      %swap3A_61 = arith.index_cast %swap3A : i32 to index
      %swap3A_62 = arith.constant 0 : index
      %swap3A_63 = tpu.vector_load %arg7[%swap3A_61, %swap3A_62] {strides = array<i32>} : memref<1x128xi32, #tpu.memory_space<vmem>>, vector<1x16xi32>,
      %swap3A_64 = vector.shape_cast %swap3A_63 : vector<1x16xi32> to vector<16xi32>
      %swap3A_65 = vector.shape_cast %select_n3A : vector<16xi32> to vector<1x16xi32>
      tpu.vector_store %arg7[%swap3A_61, %swap3A_62], %swap3A_65 {strides = array<i32>} : memref<1x128xi32, #tpu.memory_space<vmem>>, vector<1x16xi32>,
      %get3A_66 = arith.constant 16 : index
      %get3A_67 = tpu.vector_load %arg6[%get3A_66] {strides = array<i32>} : memref<128xi32, #tpu.memory_space<vmem>>, vector<16xi32>,
      %get3A_68 = vector.shape_cast %get3A_67 : vector<16xi32> to vector<16xi32>
      %sub3A_69 = vector.broadcast %add3A_1 : i32 to vector<16xi32>
      %sub3A_70 = arith.subi %get3A_68, %sub3A_69 : vector<16xi32>
      %ge3A_71 = arith.constant 0 : i32
      %ge3A_72 = vector.broadcast %ge3A_71 : i32 to vector<16xi32>
      %ge3A_73 = arith.cmpi sge, %sub3A_70, %ge3A_72 : vector<16xi32>
      %lt3A_74 = arith.constant 12500 : i32
      %lt3A_75 = vector.broadcast %lt3A_74 : i32 to vector<16xi32>
      %lt3A_76 = arith.cmpi slt, %sub3A_70, %lt3A_75 : vector<16xi32>
      %and3A_77 = arith.andi %ge3A_73, %lt3A_76 : vector<16xi1>
      %jit3A_78 = arith.constant 12500 : i32
      %broadcast_in_dim3A_79 = vector.broadcast %jit3A_78 : i32 to vector<16xi32>
      %select_n3A_80 = arith.select %and3A_77, %sub3A_70, %broadcast_in_dim3A_79 : vector<16xi1>, vector<16xi32>
      %swap3A_81 = arith.constant 0 : i32
      %swap3A_82 = arith.index_cast %swap3A_81 : i32 to index
      %swap3A_83 = arith.constant 16 : index
      %swap3A_84 = tpu.vector_load %arg7[%swap3A_82, %swap3A_83] {strides = array<i32>} : memref<1x128xi32, #tpu.memory_space<vmem>>, vector<1x16xi32>,
      %swap3A_85 = vector.shape_cast %swap3A_84 : vector<1x16xi32> to vector<16xi32>
      %swap3A_86 = vector.shape_cast %select_n3A_80 : vector<16xi32> to vector<1x16xi32>
      tpu.vector_store %arg7[%swap3A_82, %swap3A_83], %swap3A_86 {strides = array<i32>} : memref<1x128xi32, #tpu.memory_space<vmem>>, vector<1x16xi32>,
      %get3A_87 = arith.constant 32 : index
      %get3A_88 = tpu.vector_load %arg6[%get3A_87] {strides = array<i32>} : memref<128xi32, #tpu.memory_space<vmem>>, vector<16xi32>,
      %get3A_89 = vector.shape_cast %get3A_88 : vector<16xi32> to vector<16xi32>
      %sub3A_90 = vector.broadcast %add3A_1 : i32 to vector<16xi32>
      %sub3A_91 = arith.subi %get3A_89, %sub3A_90 : vector<16xi32>
      %ge3A_92 = arith.constant 0 : i32
      %ge3A_93 = vector.broadcast %ge3A_92 : i32 to vector<16xi32>
      %ge3A_94 = arith.cmpi sge, %sub3A_91, %ge3A_93 : vector<16xi32>
      %lt3A_95 = arith.constant 12500 : i32
      %lt3A_96 = vector.broadcast %lt3A_95 : i32 to vector<16xi32>
      %lt3A_97 = arith.cmpi slt, %sub3A_91, %lt3A_96 : vector<16xi32>
      %and3A_98 = arith.andi %ge3A_94, %lt3A_97 : vector<16xi1>
      %jit3A_99 = arith.constant 12500 : i32
      %broadcast_in_dim3A_100 = vector.broadcast %jit3A_99 : i32 to vector<16xi32>
      %select_n3A_101 = arith.select %and3A_98, %sub3A_91, %broadcast_in_dim3A_100 : vector<16xi1>, vector<16xi32>
      %swap3A_102 = arith.constant 0 : i32
      %swap3A_103 = arith.index_cast %swap3A_102 : i32 to index
      %swap3A_104 = arith.constant 32 : index
      %swap3A_105 = tpu.vector_load %arg7[%swap3A_103, %swap3A_104] {strides = array<i32>} : memref<1x128xi32, #tpu.memory_space<vmem>>, vector<1x16xi32>,
      %swap3A_106 = vector.shape_cast %swap3A_105 : vector<1x16xi32> to vector<16xi32>
      %swap3A_107 = vector.shape_cast %select_n3A_101 : vector<16xi32> to vector<1x16xi32>
      tpu.vector_store %arg7[%swap3A_103, %swap3A_104], %swap3A_107 {strides = array<i32>} : memref<1x128xi32, #tpu.memory_space<vmem>>, vector<1x16xi32>,
      %get3A_108 = arith.constant 48 : index
      %get3A_109 = tpu.vector_load %arg6[%get3A_108] {strides = array<i32>} : memref<128xi32, #tpu.memory_space<vmem>>, vector<16xi32>,
      %get3A_110 = vector.shape_cast %get3A_109 : vector<16xi32> to vector<16xi32>
      %sub3A_111 = vector.broadcast %add3A_1 : i32 to vector<16xi32>
      %sub3A_112 = arith.subi %get3A_110, %sub3A_111 : vector<16xi32>
      %ge3A_113 = arith.constant 0 : i32
      %ge3A_114 = vector.broadcast %ge3A_113 : i32 to vector<16xi32>
      %ge3A_115 = arith.cmpi sge, %sub3A_112, %ge3A_114 : vector<16xi32>
      %lt3A_116 = arith.constant 12500 : i32
      %lt3A_117 = vector.broadcast %lt3A_116 : i32 to vector<16xi32>
      %lt3A_118 = arith.cmpi slt, %sub3A_112, %lt3A_117 : vector<16xi32>
      %and3A_119 = arith.andi %ge3A_115, %lt3A_118 : vector<16xi1>
      %jit3A_120 = arith.constant 12500 : i32
      %broadcast_in_dim3A_121 = vector.broadcast %jit3A_120 : i32 to vector<16xi32>
      %select_n3A_122 = arith.select %and3A_119, %sub3A_112, %broadcast_in_dim3A_121 : vector<16xi1>, vector<16xi32>
      %swap3A_123 = arith.constant 0 : i32
      %swap3A_124 = arith.index_cast %swap3A_123 : i32 to index
      %swap3A_125 = arith.constant 48 : index
      %swap3A_126 = tpu.vector_load %arg7[%swap3A_124, %swap3A_125] {strides = array<i32>} : memref<1x128xi32, #tpu.memory_space<vmem>>, vector<1x16xi32>,
      %swap3A_127 = vector.shape_cast %swap3A_126 : vector<1x16xi32> to vector<16xi32>
      %swap3A_128 = vector.shape_cast %select_n3A_122 : vector<16xi32> to vector<1x16xi32>
      tpu.vector_store %arg7[%swap3A_124, %swap3A_125], %swap3A_128 {strides = array<i32>} : memref<1x128xi32, #tpu.memory_space<vmem>>, vector<1x16xi32>,
      %get3A_129 = arith.constant 64 : index
      %get3A_130 = tpu.vector_load %arg6[%get3A_129] {strides = array<i32>} : memref<128xi32, #tpu.memory_space<vmem>>, vector<16xi32>,
      %get3A_131 = vector.shape_cast %get3A_130 : vector<16xi32> to vector<16xi32>
      %sub3A_132 = vector.broadcast %add3A_1 : i32 to vector<16xi32>
      %sub3A_133 = arith.subi %get3A_131, %sub3A_132 : vector<16xi32>
      %ge3A_134 = arith.constant 0 : i32
      %ge3A_135 = vector.broadcast %ge3A_134 : i32 to vector<16xi32>
      %ge3A_136 = arith.cmpi sge, %sub3A_133, %ge3A_135 : vector<16xi32>
      %lt3A_137 = arith.constant 12500 : i32
      %lt3A_138 = vector.broadcast %lt3A_137 : i32 to vector<16xi32>
      %lt3A_139 = arith.cmpi slt, %sub3A_133, %lt3A_138 : vector<16xi32>
      %and3A_140 = arith.andi %ge3A_136, %lt3A_139 : vector<16xi1>
      %jit3A_141 = arith.constant 12500 : i32
      %broadcast_in_dim3A_142 = vector.broadcast %jit3A_141 : i32 to vector<16xi32>
      %select_n3A_143 = arith.select %and3A_140, %sub3A_133, %broadcast_in_dim3A_142 : vector<16xi1>, vector<16xi32>
      %swap3A_144 = arith.constant 0 : i32
      %swap3A_145 = arith.index_cast %swap3A_144 : i32 to index
      %swap3A_146 = arith.constant 64 : index
      %swap3A_147 = tpu.vector_load %arg7[%swap3A_145, %swap3A_146] {strides = array<i32>} : memref<1x128xi32, #tpu.memory_space<vmem>>, vector<1x16xi32>,
      %swap3A_148 = vector.shape_cast %swap3A_147 : vector<1x16xi32> to vector<16xi32>
      %swap3A_149 = vector.shape_cast %select_n3A_143 : vector<16xi32> to vector<1x16xi32>
      tpu.vector_store %arg7[%swap3A_145, %swap3A_146], %swap3A_149 {strides = array<i32>} : memref<1x128xi32, #tpu.memory_space<vmem>>, vector<1x16xi32>,
      %get3A_150 = arith.constant 80 : index
      %get3A_151 = tpu.vector_load %arg6[%get3A_150] {strides = array<i32>} : memref<128xi32, #tpu.memory_space<vmem>>, vector<16xi32>,
      %get3A_152 = vector.shape_cast %get3A_151 : vector<16xi32> to vector<16xi32>
      %sub3A_153 = vector.broadcast %add3A_1 : i32 to vector<16xi32>
      %sub3A_154 = arith.subi %get3A_152, %sub3A_153 : vector<16xi32>
      %ge3A_155 = arith.constant 0 : i32
      %ge3A_156 = vector.broadcast %ge3A_155 : i32 to vector<16xi32>
      %ge3A_157 = arith.cmpi sge, %sub3A_154, %ge3A_156 : vector<16xi32>
      %lt3A_158 = arith.constant 12500 : i32
      %lt3A_159 = vector.broadcast %lt3A_158 : i32 to vector<16xi32>
      %lt3A_160 = arith.cmpi slt, %sub3A_154, %lt3A_159 : vector<16xi32>
      %and3A_161 = arith.andi %ge3A_157, %lt3A_160 : vector<16xi1>
      %jit3A_162 = arith.constant 12500 : i32
      %broadcast_in_dim3A_163 = vector.broadcast %jit3A_162 : i32 to vector<16xi32>
      %select_n3A_164 = arith.select %and3A_161, %sub3A_154, %broadcast_in_dim3A_163 : vector<16xi1>, vector<16xi32>
      %swap3A_165 = arith.constant 0 : i32
      %swap3A_166 = arith.index_cast %swap3A_165 : i32 to index
      %swap3A_167 = arith.constant 80 : index
      %swap3A_168 = tpu.vector_load %arg7[%swap3A_166, %swap3A_167] {strides = array<i32>} : memref<1x128xi32, #tpu.memory_space<vmem>>, vector<1x16xi32>,
      %swap3A_169 = vector.shape_cast %swap3A_168 : vector<1x16xi32> to vector<16xi32>
      %swap3A_170 = vector.shape_cast %select_n3A_164 : vector<16xi32> to vector<1x16xi32>
      tpu.vector_store %arg7[%swap3A_166, %swap3A_167], %swap3A_170 {strides = array<i32>} : memref<1x128xi32, #tpu.memory_space<vmem>>, vector<1x16xi32>,
      %get3A_171 = arith.constant 96 : index
      %get3A_172 = tpu.vector_load %arg6[%get3A_171] {strides = array<i32>} : memref<128xi32, #tpu.memory_space<vmem>>, vector<16xi32>,
      %get3A_173 = vector.shape_cast %get3A_172 : vector<16xi32> to vector<16xi32>
      %sub3A_174 = vector.broadcast %add3A_1 : i32 to vector<16xi32>
      %sub3A_175 = arith.subi %get3A_173, %sub3A_174 : vector<16xi32>
      %ge3A_176 = arith.constant 0 : i32
      %ge3A_177 = vector.broadcast %ge3A_176 : i32 to vector<16xi32>
      %ge3A_178 = arith.cmpi sge, %sub3A_175, %ge3A_177 : vector<16xi32>
      %lt3A_179 = arith.constant 12500 : i32
      %lt3A_180 = vector.broadcast %lt3A_179 : i32 to vector<16xi32>
      %lt3A_181 = arith.cmpi slt, %sub3A_175, %lt3A_180 : vector<16xi32>
      %and3A_182 = arith.andi %ge3A_178, %lt3A_181 : vector<16xi1>
      %jit3A_183 = arith.constant 12500 : i32
      %broadcast_in_dim3A_184 = vector.broadcast %jit3A_183 : i32 to vector<16xi32>
      %select_n3A_185 = arith.select %and3A_182, %sub3A_175, %broadcast_in_dim3A_184 : vector<16xi1>, vector<16xi32>
      %swap3A_186 = arith.constant 0 : i32
      %swap3A_187 = arith.index_cast %swap3A_186 : i32 to index
      %swap3A_188 = arith.constant 96 : index
      %swap3A_189 = tpu.vector_load %arg7[%swap3A_187, %swap3A_188] {strides = array<i32>} : memref<1x128xi32, #tpu.memory_space<vmem>>, vector<1x16xi32>,
      %swap3A_190 = vector.shape_cast %swap3A_189 : vector<1x16xi32> to vector<16xi32>
      %swap3A_191 = vector.shape_cast %select_n3A_185 : vector<16xi32> to vector<1x16xi32>
      tpu.vector_store %arg7[%swap3A_187, %swap3A_188], %swap3A_191 {strides = array<i32>} : memref<1x128xi32, #tpu.memory_space<vmem>>, vector<1x16xi32>,
      %get3A_192 = arith.constant 112 : index
      %get3A_193 = tpu.vector_load %arg6[%get3A_192] {strides = array<i32>} : memref<128xi32, #tpu.memory_space<vmem>>, vector<16xi32>,
      %get3A_194 = vector.shape_cast %get3A_193 : vector<16xi32> to vector<16xi32>
      %sub3A_195 = vector.broadcast %add3A_1 : i32 to vector<16xi32>
      %sub3A_196 = arith.subi %get3A_194, %sub3A_195 : vector<16xi32>
      %ge3A_197 = arith.constant 0 : i32
      %ge3A_198 = vector.broadcast %ge3A_197 : i32 to vector<16xi32>
      %ge3A_199 = arith.cmpi sge, %sub3A_196, %ge3A_198 : vector<16xi32>
      %lt3A_200 = arith.constant 12500 : i32
      %lt3A_201 = vector.broadcast %lt3A_200 : i32 to vector<16xi32>
      %lt3A_202 = arith.cmpi slt, %sub3A_196, %lt3A_201 : vector<16xi32>
      %and3A_203 = arith.andi %ge3A_199, %lt3A_202 : vector<16xi1>
      %jit3A_204 = arith.constant 12500 : i32
      %broadcast_in_dim3A_205 = vector.broadcast %jit3A_204 : i32 to vector<16xi32>
      %select_n3A_206 = arith.select %and3A_203, %sub3A_196, %broadcast_in_dim3A_205 : vector<16xi1>, vector<16xi32>
      %swap3A_207 = arith.constant 0 : i32
      %swap3A_208 = arith.index_cast %swap3A_207 : i32 to index
      %swap3A_209 = arith.constant 112 : index
      %swap3A_210 = tpu.vector_load %arg7[%swap3A_208, %swap3A_209] {strides = array<i32>} : memref<1x128xi32, #tpu.memory_space<vmem>>, vector<1x16xi32>,
      %swap3A_211 = vector.shape_cast %swap3A_210 : vector<1x16xi32> to vector<16xi32>
      %swap3A_212 = vector.shape_cast %select_n3A_206 : vector<16xi32> to vector<1x16xi32>
      tpu.vector_store %arg7[%swap3A_208, %swap3A_209], %swap3A_212 {strides = array<i32>} : memref<1x128xi32, #tpu.memory_space<vmem>>, vector<1x16xi32>,
      %run_scoped3A = arith.constant 0 : i32
      "tpu.region"() ({
        %run_scoped3A_213 = tpu.sem_alloc : memref<!tpu.dma_semaphore, #tpu.memory_space<semaphore_mem>>
        %dma_start3A = arith.constant 0 : i32
        %dma_start3A_214 = tpu.memref_slice %arg7[%run_scoped3A, %dma_start3A] : memref<1x128xi32, #tpu.memory_space<vmem>> -> memref<1x128xi32, #tpu.memory_space<vmem>>
        %dma_start3A_215 = tpu.memref_squeeze %dma_start3A_214 : memref<1x128xi32, #tpu.memory_space<vmem>> -> memref<128xi32, #tpu.memory_space<vmem>>
        %dma_start3A_216 = arith.constant 0 : i32
        %dma_start3A_217 = arith.constant 0 : i32
        %dma_start3A_218 = tpu.memref_slice %arg9[%dma_start3A_216, %dma_start3A_217] : memref<12544x128xf32, #tpu.memory_space<vmem_shared>> -> memref<12544x128xf32, #tpu.memory_space<vmem_shared>>
        tpu.enqueue_indirect_dma source(%arg8 : memref<128x128xf32, #tpu.memory_space<vmem>>) target(%dma_start3A_218 : memref<12544x128xf32, #tpu.memory_space<vmem_shared>>) offsets(%dma_start3A_215 : memref<128xi32, #tpu.memory_space<vmem>>) semaphore(%run_scoped3A_213 : memref<!tpu.dma_semaphore, #tpu.memory_space<semaphore_mem>>) {add = true}
        %dma_wait3A = arith.constant 0 : i32
        %dma_wait3A_219 = tpu.memref_slice %arg7[%run_scoped3A, %dma_wait3A] : memref<1x128xi32, #tpu.memory_space<vmem>> -> memref<1x128xi32, #tpu.memory_space<vmem>>
        %dma_wait3A_220 = tpu.memref_squeeze %dma_wait3A_219 : memref<1x128xi32, #tpu.memory_space<vmem>> -> memref<128xi32, #tpu.memory_space<vmem>>
        %dma_wait3A_221 = arith.constant 0 : i32
        %dma_wait3A_222 = arith.constant 0 : i32
        %dma_wait3A_223 = tpu.memref_slice %arg9[%dma_wait3A_221, %dma_wait3A_222] : memref<12544x128xf32, #tpu.memory_space<vmem_shared>> -> memref<12544x128xf32, #tpu.memory_space<vmem_shared>>
        tpu.wait_indirect_dma semaphore(%run_scoped3A_213 : memref<!tpu.dma_semaphore, #tpu.memory_space<semaphore_mem>>) src(%arg8 : memref<128x128xf32, #tpu.memory_space<vmem>>) dst(%dma_wait3A_223 : memref<12544x128xf32, #tpu.memory_space<vmem_shared>>)
        tpu.yield
      }) : () -> ()
    }
    %scan3A_17 = arith.constant 392 : i32
    %barrier3A_18 = arith.constant 0 : index
    tpu.barrier barrier_id(%barrier3A_18)
    %mul3A_19 = arith.constant 784 : i32
    %mul3A_20 = arith.muli %arg1, %mul3A_19 : i32
    "tpu.region"() ({
      %run_scoped3A = tpu.sem_alloc : memref<!tpu.dma_semaphore, #tpu.memory_space<semaphore_mem>>
      %dma_start3A = arith.constant 0 : i32
      %dma_start3A_48 = tpu.memref_slice %arg5[%add3A_10, %dma_start3A] : memref<50176x128xf32, #tpu.memory_space<hbm>> -> memref<784x128xf32, #tpu.memory_space<hbm>>
      %dma_start3A_49 = arith.constant 0 : i32
      %dma_start3A_50 = tpu.memref_slice %arg9[%mul3A_20, %dma_start3A_49] : memref<12544x128xf32, #tpu.memory_space<vmem_shared>> -> memref<784x128xf32, #tpu.memory_space<vmem_shared>>
      tpu.enqueue_dma source(%dma_start3A_50 : memref<784x128xf32, #tpu.memory_space<vmem_shared>>) target(%dma_start3A_48 : memref<784x128xf32, #tpu.memory_space<hbm>>) target_semaphore(%run_scoped3A : memref<!tpu.dma_semaphore, #tpu.memory_space<semaphore_mem>>)
      %dma_wait3A = arith.constant 0 : i32
      %dma_wait3A_51 = tpu.memref_slice %arg5[%add3A_10, %dma_wait3A] : memref<50176x128xf32, #tpu.memory_space<hbm>> -> memref<784x128xf32, #tpu.memory_space<hbm>>
      %dma_wait3A_52 = arith.constant 0 : i32
      %dma_wait3A_53 = tpu.memref_slice %arg9[%mul3A_20, %dma_wait3A_52] : memref<12544x128xf32, #tpu.memory_space<vmem_shared>> -> memref<784x128xf32, #tpu.memory_space<vmem_shared>>
      tpu.wait_dma2 semaphore(%run_scoped3A : memref<!tpu.dma_semaphore, #tpu.memory_space<semaphore_mem>>) src(%dma_wait3A_53 : memref<784x128xf32, #tpu.memory_space<vmem_shared>>) dst(%dma_wait3A_51 : memref<784x128xf32, #tpu.memory_space<hbm>>)
      tpu.yield
    }) : () -> ()
    %barrier3A_21 = arith.constant 0 : index
    tpu.barrier barrier_id(%barrier3A_21)
    %mul3A_22 = arith.constant 25000 : i32
    %mul3A_23 = arith.muli %arg0, %mul3A_22 : i32
    %add3A_24 = arith.constant 12500 : i32
    %add3A_25 = arith.addi %mul3A_23, %add3A_24 : i32
    %mul3A_26 = arith.constant 2 : i32
    %mul3A_27 = arith.muli %arg0, %mul3A_26 : i32
    %add3A_28 = arith.constant 1 : i32
    %add3A_29 = arith.addi %mul3A_27, %add3A_28 : i32
    %mul3A_30 = arith.constant 12544 : i32
    %mul3A_31 = arith.muli %add3A_29, %mul3A_30 : i32
    %mul3A_32 = arith.constant 784 : i32
    %mul3A_33 = arith.muli %arg1, %mul3A_32 : i32
    %add3A_34 = arith.addi %mul3A_31, %mul3A_33 : i32
    %mul3A_35 = arith.constant 784 : i32
    %mul3A_36 = arith.muli %arg1, %mul3A_35 : i32
    "tpu.region"() ({
      %run_scoped3A = tpu.sem_alloc : memref<!tpu.dma_semaphore, #tpu.memory_space<semaphore_mem>>
      %dma_start3A = arith.constant 0 : i32
      %dma_start3A_48 = tpu.memref_slice %arg9[%mul3A_36, %dma_start3A] : memref<12544x128xf32, #tpu.memory_space<vmem_shared>> -> memref<784x128xf32, #tpu.memory_space<vmem_shared>>
      tpu.enqueue_dma source(%arg4 : memref<784x128xf32, #tpu.memory_space<hbm>>) target(%dma_start3A_48 : memref<784x128xf32, #tpu.memory_space<vmem_shared>>) target_semaphore(%run_scoped3A : memref<!tpu.dma_semaphore, #tpu.memory_space<semaphore_mem>>)
      %dma_wait3A = arith.constant 0 : i32
      %dma_wait3A_49 = tpu.memref_slice %arg9[%mul3A_36, %dma_wait3A] : memref<12544x128xf32, #tpu.memory_space<vmem_shared>> -> memref<784x128xf32, #tpu.memory_space<vmem_shared>>
      tpu.wait_dma2 semaphore(%run_scoped3A : memref<!tpu.dma_semaphore, #tpu.memory_space<semaphore_mem>>) src(%arg4 : memref<784x128xf32, #tpu.memory_space<hbm>>) dst(%dma_wait3A_49 : memref<784x128xf32, #tpu.memory_space<vmem_shared>>)
      tpu.yield
    }) : () -> ()
    %barrier3A_37 = arith.constant 0 : index
    tpu.barrier barrier_id(%barrier3A_37)
    %scan3A_38 = arith.constant 0 : i32
    %scan3A_39 = arith.constant 0 : i32
    %scan3A_40 = arith.constant 392 : i32
    %scan3A_41 = arith.addi %scan3A_39, %scan3A_40 : i32
    %scan3A_42 = arith.constant 1 : i32
    scf.for %scan3A_48 = %scan3A_39 to %scan3A_41 step %scan3A_42  : i32 {
      %mul3A_49 = arith.constant 50176 : i32
      %mul3A_50 = arith.muli %arg1, %mul3A_49 : i32
      %mul3A_51 = arith.constant 128 : i32
      %mul3A_52 = arith.muli %scan3A_48, %mul3A_51 : i32
      %add3A_53 = arith.addi %mul3A_50, %mul3A_52 : i32
      %multiple_of3A = tpu.assume_multiple %add3A_53, 8 : i32
      "tpu.region"() ({
        %run_scoped3A_213 = tpu.sem_alloc : memref<!tpu.dma_semaphore, #tpu.memory_space<semaphore_mem>>
        %dma_start3A = tpu.memref_slice %arg3[%multiple_of3A] : memref<802816xi32, #tpu.memory_space<hbm>> -> memref<128xi32, #tpu.memory_space<hbm>>
        %dma_start3A_214 = tpu.memref_slice %arg3[%multiple_of3A] : memref<802816xi32, #tpu.memory_space<hbm>> -> memref<128xi32, #tpu.memory_space<hbm>>
        tpu.enqueue_dma source(%dma_start3A_214 : memref<128xi32, #tpu.memory_space<hbm>>) target(%arg6 : memref<128xi32, #tpu.memory_space<vmem>>) target_semaphore(%run_scoped3A_213 : memref<!tpu.dma_semaphore, #tpu.memory_space<semaphore_mem>>)
        %dma_wait3A = tpu.memref_slice %arg3[%multiple_of3A] : memref<802816xi32, #tpu.memory_space<hbm>> -> memref<128xi32, #tpu.memory_space<hbm>>
        %dma_wait3A_215 = tpu.memref_slice %arg3[%multiple_of3A] : memref<802816xi32, #tpu.memory_space<hbm>> -> memref<128xi32, #tpu.memory_space<hbm>>
        tpu.wait_dma2 semaphore(%run_scoped3A_213 : memref<!tpu.dma_semaphore, #tpu.memory_space<semaphore_mem>>) src(%dma_wait3A_215 : memref<128xi32, #tpu.memory_space<hbm>>) dst(%arg6 : memref<128xi32, #tpu.memory_space<vmem>>)
        tpu.yield
      }) : () -> ()
      "tpu.region"() ({
        %run_scoped3A_213 = tpu.sem_alloc : memref<!tpu.dma_semaphore, #tpu.memory_space<semaphore_mem>>
        %dma_start3A = arith.constant 0 : i32
        %dma_start3A_214 = tpu.memref_slice %arg2[%multiple_of3A, %dma_start3A] : memref<802816x128xf32, #tpu.memory_space<hbm>> -> memref<128x128xf32, #tpu.memory_space<hbm>>
        %dma_start3A_215 = arith.constant 0 : i32
        %dma_start3A_216 = tpu.memref_slice %arg2[%multiple_of3A, %dma_start3A_215] : memref<802816x128xf32, #tpu.memory_space<hbm>> -> memref<128x128xf32, #tpu.memory_space<hbm>>
        tpu.enqueue_dma source(%dma_start3A_216 : memref<128x128xf32, #tpu.memory_space<hbm>>) target(%arg8 : memref<128x128xf32, #tpu.memory_space<vmem>>) target_semaphore(%run_scoped3A_213 : memref<!tpu.dma_semaphore, #tpu.memory_space<semaphore_mem>>)
        %dma_wait3A = arith.constant 0 : i32
        %dma_wait3A_217 = tpu.memref_slice %arg2[%multiple_of3A, %dma_wait3A] : memref<802816x128xf32, #tpu.memory_space<hbm>> -> memref<128x128xf32, #tpu.memory_space<hbm>>
        %dma_wait3A_218 = arith.constant 0 : i32
        %dma_wait3A_219 = tpu.memref_slice %arg2[%multiple_of3A, %dma_wait3A_218] : memref<802816x128xf32, #tpu.memory_space<hbm>> -> memref<128x128xf32, #tpu.memory_space<hbm>>
        tpu.wait_dma2 semaphore(%run_scoped3A_213 : memref<!tpu.dma_semaphore, #tpu.memory_space<semaphore_mem>>) src(%dma_wait3A_219 : memref<128x128xf32, #tpu.memory_space<hbm>>) dst(%arg8 : memref<128x128xf32, #tpu.memory_space<vmem>>)
        tpu.yield
      }) : () -> ()
      %get3A = arith.constant 0 : index
      %get3A_54 = tpu.vector_load %arg6[%get3A] {strides = array<i32>} : memref<128xi32, #tpu.memory_space<vmem>>, vector<16xi32>,
      %get3A_55 = vector.shape_cast %get3A_54 : vector<16xi32> to vector<16xi32>
      %sub3A = vector.broadcast %add3A_25 : i32 to vector<16xi32>
      %sub3A_56 = arith.subi %get3A_55, %sub3A : vector<16xi32>
      %ge3A = arith.constant 0 : i32
      %ge3A_57 = vector.broadcast %ge3A : i32 to vector<16xi32>
      %ge3A_58 = arith.cmpi sge, %sub3A_56, %ge3A_57 : vector<16xi32>
      %lt3A = arith.constant 12500 : i32
      %lt3A_59 = vector.broadcast %lt3A : i32 to vector<16xi32>
      %lt3A_60 = arith.cmpi slt, %sub3A_56, %lt3A_59 : vector<16xi32>
      %and3A = arith.andi %ge3A_58, %lt3A_60 : vector<16xi1>
      %jit3A = arith.constant 12500 : i32
      %broadcast_in_dim3A = vector.broadcast %jit3A : i32 to vector<16xi32>
      %select_n3A = arith.select %and3A, %sub3A_56, %broadcast_in_dim3A : vector<16xi1>, vector<16xi32>
      %swap3A = arith.constant 0 : i32
      %swap3A_61 = arith.index_cast %swap3A : i32 to index
      %swap3A_62 = arith.constant 0 : index
      %swap3A_63 = tpu.vector_load %arg7[%swap3A_61, %swap3A_62] {strides = array<i32>} : memref<1x128xi32, #tpu.memory_space<vmem>>, vector<1x16xi32>,
      %swap3A_64 = vector.shape_cast %swap3A_63 : vector<1x16xi32> to vector<16xi32>
      %swap3A_65 = vector.shape_cast %select_n3A : vector<16xi32> to vector<1x16xi32>
      tpu.vector_store %arg7[%swap3A_61, %swap3A_62], %swap3A_65 {strides = array<i32>} : memref<1x128xi32, #tpu.memory_space<vmem>>, vector<1x16xi32>,
      %get3A_66 = arith.constant 16 : index
      %get3A_67 = tpu.vector_load %arg6[%get3A_66] {strides = array<i32>} : memref<128xi32, #tpu.memory_space<vmem>>, vector<16xi32>,
      %get3A_68 = vector.shape_cast %get3A_67 : vector<16xi32> to vector<16xi32>
      %sub3A_69 = vector.broadcast %add3A_25 : i32 to vector<16xi32>
      %sub3A_70 = arith.subi %get3A_68, %sub3A_69 : vector<16xi32>
      %ge3A_71 = arith.constant 0 : i32
      %ge3A_72 = vector.broadcast %ge3A_71 : i32 to vector<16xi32>
      %ge3A_73 = arith.cmpi sge, %sub3A_70, %ge3A_72 : vector<16xi32>
      %lt3A_74 = arith.constant 12500 : i32
      %lt3A_75 = vector.broadcast %lt3A_74 : i32 to vector<16xi32>
      %lt3A_76 = arith.cmpi slt, %sub3A_70, %lt3A_75 : vector<16xi32>
      %and3A_77 = arith.andi %ge3A_73, %lt3A_76 : vector<16xi1>
      %jit3A_78 = arith.constant 12500 : i32
      %broadcast_in_dim3A_79 = vector.broadcast %jit3A_78 : i32 to vector<16xi32>
      %select_n3A_80 = arith.select %and3A_77, %sub3A_70, %broadcast_in_dim3A_79 : vector<16xi1>, vector<16xi32>
      %swap3A_81 = arith.constant 0 : i32
      %swap3A_82 = arith.index_cast %swap3A_81 : i32 to index
      %swap3A_83 = arith.constant 16 : index
      %swap3A_84 = tpu.vector_load %arg7[%swap3A_82, %swap3A_83] {strides = array<i32>} : memref<1x128xi32, #tpu.memory_space<vmem>>, vector<1x16xi32>,
      %swap3A_85 = vector.shape_cast %swap3A_84 : vector<1x16xi32> to vector<16xi32>
      %swap3A_86 = vector.shape_cast %select_n3A_80 : vector<16xi32> to vector<1x16xi32>
      tpu.vector_store %arg7[%swap3A_82, %swap3A_83], %swap3A_86 {strides = array<i32>} : memref<1x128xi32, #tpu.memory_space<vmem>>, vector<1x16xi32>,
      %get3A_87 = arith.constant 32 : index
      %get3A_88 = tpu.vector_load %arg6[%get3A_87] {strides = array<i32>} : memref<128xi32, #tpu.memory_space<vmem>>, vector<16xi32>,
      %get3A_89 = vector.shape_cast %get3A_88 : vector<16xi32> to vector<16xi32>
      %sub3A_90 = vector.broadcast %add3A_25 : i32 to vector<16xi32>
      %sub3A_91 = arith.subi %get3A_89, %sub3A_90 : vector<16xi32>
      %ge3A_92 = arith.constant 0 : i32
      %ge3A_93 = vector.broadcast %ge3A_92 : i32 to vector<16xi32>
      %ge3A_94 = arith.cmpi sge, %sub3A_91, %ge3A_93 : vector<16xi32>
      %lt3A_95 = arith.constant 12500 : i32
      %lt3A_96 = vector.broadcast %lt3A_95 : i32 to vector<16xi32>
      %lt3A_97 = arith.cmpi slt, %sub3A_91, %lt3A_96 : vector<16xi32>
      %and3A_98 = arith.andi %ge3A_94, %lt3A_97 : vector<16xi1>
      %jit3A_99 = arith.constant 12500 : i32
      %broadcast_in_dim3A_100 = vector.broadcast %jit3A_99 : i32 to vector<16xi32>
      %select_n3A_101 = arith.select %and3A_98, %sub3A_91, %broadcast_in_dim3A_100 : vector<16xi1>, vector<16xi32>
      %swap3A_102 = arith.constant 0 : i32
      %swap3A_103 = arith.index_cast %swap3A_102 : i32 to index
      %swap3A_104 = arith.constant 32 : index
      %swap3A_105 = tpu.vector_load %arg7[%swap3A_103, %swap3A_104] {strides = array<i32>} : memref<1x128xi32, #tpu.memory_space<vmem>>, vector<1x16xi32>,
      %swap3A_106 = vector.shape_cast %swap3A_105 : vector<1x16xi32> to vector<16xi32>
      %swap3A_107 = vector.shape_cast %select_n3A_101 : vector<16xi32> to vector<1x16xi32>
      tpu.vector_store %arg7[%swap3A_103, %swap3A_104], %swap3A_107 {strides = array<i32>} : memref<1x128xi32, #tpu.memory_space<vmem>>, vector<1x16xi32>,
      %get3A_108 = arith.constant 48 : index
      %get3A_109 = tpu.vector_load %arg6[%get3A_108] {strides = array<i32>} : memref<128xi32, #tpu.memory_space<vmem>>, vector<16xi32>,
      %get3A_110 = vector.shape_cast %get3A_109 : vector<16xi32> to vector<16xi32>
      %sub3A_111 = vector.broadcast %add3A_25 : i32 to vector<16xi32>
      %sub3A_112 = arith.subi %get3A_110, %sub3A_111 : vector<16xi32>
      %ge3A_113 = arith.constant 0 : i32
      %ge3A_114 = vector.broadcast %ge3A_113 : i32 to vector<16xi32>
      %ge3A_115 = arith.cmpi sge, %sub3A_112, %ge3A_114 : vector<16xi32>
      %lt3A_116 = arith.constant 12500 : i32
      %lt3A_117 = vector.broadcast %lt3A_116 : i32 to vector<16xi32>
      %lt3A_118 = arith.cmpi slt, %sub3A_112, %lt3A_117 : vector<16xi32>
      %and3A_119 = arith.andi %ge3A_115, %lt3A_118 : vector<16xi1>
      %jit3A_120 = arith.constant 12500 : i32
      %broadcast_in_dim3A_121 = vector.broadcast %jit3A_120 : i32 to vector<16xi32>
      %select_n3A_122 = arith.select %and3A_119, %sub3A_112, %broadcast_in_dim3A_121 : vector<16xi1>, vector<16xi32>
      %swap3A_123 = arith.constant 0 : i32
      %swap3A_124 = arith.index_cast %swap3A_123 : i32 to index
      %swap3A_125 = arith.constant 48 : index
      %swap3A_126 = tpu.vector_load %arg7[%swap3A_124, %swap3A_125] {strides = array<i32>} : memref<1x128xi32, #tpu.memory_space<vmem>>, vector<1x16xi32>,
      %swap3A_127 = vector.shape_cast %swap3A_126 : vector<1x16xi32> to vector<16xi32>
      %swap3A_128 = vector.shape_cast %select_n3A_122 : vector<16xi32> to vector<1x16xi32>
      tpu.vector_store %arg7[%swap3A_124, %swap3A_125], %swap3A_128 {strides = array<i32>} : memref<1x128xi32, #tpu.memory_space<vmem>>, vector<1x16xi32>,
      %get3A_129 = arith.constant 64 : index
      %get3A_130 = tpu.vector_load %arg6[%get3A_129] {strides = array<i32>} : memref<128xi32, #tpu.memory_space<vmem>>, vector<16xi32>,
      %get3A_131 = vector.shape_cast %get3A_130 : vector<16xi32> to vector<16xi32>
      %sub3A_132 = vector.broadcast %add3A_25 : i32 to vector<16xi32>
      %sub3A_133 = arith.subi %get3A_131, %sub3A_132 : vector<16xi32>
      %ge3A_134 = arith.constant 0 : i32
      %ge3A_135 = vector.broadcast %ge3A_134 : i32 to vector<16xi32>
      %ge3A_136 = arith.cmpi sge, %sub3A_133, %ge3A_135 : vector<16xi32>
      %lt3A_137 = arith.constant 12500 : i32
      %lt3A_138 = vector.broadcast %lt3A_137 : i32 to vector<16xi32>
      %lt3A_139 = arith.cmpi slt, %sub3A_133, %lt3A_138 : vector<16xi32>
      %and3A_140 = arith.andi %ge3A_136, %lt3A_139 : vector<16xi1>
      %jit3A_141 = arith.constant 12500 : i32
      %broadcast_in_dim3A_142 = vector.broadcast %jit3A_141 : i32 to vector<16xi32>
      %select_n3A_143 = arith.select %and3A_140, %sub3A_133, %broadcast_in_dim3A_142 : vector<16xi1>, vector<16xi32>
      %swap3A_144 = arith.constant 0 : i32
      %swap3A_145 = arith.index_cast %swap3A_144 : i32 to index
      %swap3A_146 = arith.constant 64 : index
      %swap3A_147 = tpu.vector_load %arg7[%swap3A_145, %swap3A_146] {strides = array<i32>} : memref<1x128xi32, #tpu.memory_space<vmem>>, vector<1x16xi32>,
      %swap3A_148 = vector.shape_cast %swap3A_147 : vector<1x16xi32> to vector<16xi32>
      %swap3A_149 = vector.shape_cast %select_n3A_143 : vector<16xi32> to vector<1x16xi32>
      tpu.vector_store %arg7[%swap3A_145, %swap3A_146], %swap3A_149 {strides = array<i32>} : memref<1x128xi32, #tpu.memory_space<vmem>>, vector<1x16xi32>,
      %get3A_150 = arith.constant 80 : index
      %get3A_151 = tpu.vector_load %arg6[%get3A_150] {strides = array<i32>} : memref<128xi32, #tpu.memory_space<vmem>>, vector<16xi32>,
      %get3A_152 = vector.shape_cast %get3A_151 : vector<16xi32> to vector<16xi32>
      %sub3A_153 = vector.broadcast %add3A_25 : i32 to vector<16xi32>
      %sub3A_154 = arith.subi %get3A_152, %sub3A_153 : vector<16xi32>
      %ge3A_155 = arith.constant 0 : i32
      %ge3A_156 = vector.broadcast %ge3A_155 : i32 to vector<16xi32>
      %ge3A_157 = arith.cmpi sge, %sub3A_154, %ge3A_156 : vector<16xi32>
      %lt3A_158 = arith.constant 12500 : i32
      %lt3A_159 = vector.broadcast %lt3A_158 : i32 to vector<16xi32>
      %lt3A_160 = arith.cmpi slt, %sub3A_154, %lt3A_159 : vector<16xi32>
      %and3A_161 = arith.andi %ge3A_157, %lt3A_160 : vector<16xi1>
      %jit3A_162 = arith.constant 12500 : i32
      %broadcast_in_dim3A_163 = vector.broadcast %jit3A_162 : i32 to vector<16xi32>
      %select_n3A_164 = arith.select %and3A_161, %sub3A_154, %broadcast_in_dim3A_163 : vector<16xi1>, vector<16xi32>
      %swap3A_165 = arith.constant 0 : i32
      %swap3A_166 = arith.index_cast %swap3A_165 : i32 to index
      %swap3A_167 = arith.constant 80 : index
      %swap3A_168 = tpu.vector_load %arg7[%swap3A_166, %swap3A_167] {strides = array<i32>} : memref<1x128xi32, #tpu.memory_space<vmem>>, vector<1x16xi32>,
      %swap3A_169 = vector.shape_cast %swap3A_168 : vector<1x16xi32> to vector<16xi32>
      %swap3A_170 = vector.shape_cast %select_n3A_164 : vector<16xi32> to vector<1x16xi32>
      tpu.vector_store %arg7[%swap3A_166, %swap3A_167], %swap3A_170 {strides = array<i32>} : memref<1x128xi32, #tpu.memory_space<vmem>>, vector<1x16xi32>,
      %get3A_171 = arith.constant 96 : index
      %get3A_172 = tpu.vector_load %arg6[%get3A_171] {strides = array<i32>} : memref<128xi32, #tpu.memory_space<vmem>>, vector<16xi32>,
      %get3A_173 = vector.shape_cast %get3A_172 : vector<16xi32> to vector<16xi32>
      %sub3A_174 = vector.broadcast %add3A_25 : i32 to vector<16xi32>
      %sub3A_175 = arith.subi %get3A_173, %sub3A_174 : vector<16xi32>
      %ge3A_176 = arith.constant 0 : i32
      %ge3A_177 = vector.broadcast %ge3A_176 : i32 to vector<16xi32>
      %ge3A_178 = arith.cmpi sge, %sub3A_175, %ge3A_177 : vector<16xi32>
      %lt3A_179 = arith.constant 12500 : i32
      %lt3A_180 = vector.broadcast %lt3A_179 : i32 to vector<16xi32>
      %lt3A_181 = arith.cmpi slt, %sub3A_175, %lt3A_180 : vector<16xi32>
      %and3A_182 = arith.andi %ge3A_178, %lt3A_181 : vector<16xi1>
      %jit3A_183 = arith.constant 12500 : i32
      %broadcast_in_dim3A_184 = vector.broadcast %jit3A_183 : i32 to vector<16xi32>
      %select_n3A_185 = arith.select %and3A_182, %sub3A_175, %broadcast_in_dim3A_184 : vector<16xi1>, vector<16xi32>
      %swap3A_186 = arith.constant 0 : i32
      %swap3A_187 = arith.index_cast %swap3A_186 : i32 to index
      %swap3A_188 = arith.constant 96 : index
      %swap3A_189 = tpu.vector_load %arg7[%swap3A_187, %swap3A_188] {strides = array<i32>} : memref<1x128xi32, #tpu.memory_space<vmem>>, vector<1x16xi32>,
      %swap3A_190 = vector.shape_cast %swap3A_189 : vector<1x16xi32> to vector<16xi32>
      %swap3A_191 = vector.shape_cast %select_n3A_185 : vector<16xi32> to vector<1x16xi32>
      tpu.vector_store %arg7[%swap3A_187, %swap3A_188], %swap3A_191 {strides = array<i32>} : memref<1x128xi32, #tpu.memory_space<vmem>>, vector<1x16xi32>,
      %get3A_192 = arith.constant 112 : index
      %get3A_193 = tpu.vector_load %arg6[%get3A_192] {strides = array<i32>} : memref<128xi32, #tpu.memory_space<vmem>>, vector<16xi32>,
      %get3A_194 = vector.shape_cast %get3A_193 : vector<16xi32> to vector<16xi32>
      %sub3A_195 = vector.broadcast %add3A_25 : i32 to vector<16xi32>
      %sub3A_196 = arith.subi %get3A_194, %sub3A_195 : vector<16xi32>
      %ge3A_197 = arith.constant 0 : i32
      %ge3A_198 = vector.broadcast %ge3A_197 : i32 to vector<16xi32>
      %ge3A_199 = arith.cmpi sge, %sub3A_196, %ge3A_198 : vector<16xi32>
      %lt3A_200 = arith.constant 12500 : i32
      %lt3A_201 = vector.broadcast %lt3A_200 : i32 to vector<16xi32>
      %lt3A_202 = arith.cmpi slt, %sub3A_196, %lt3A_201 : vector<16xi32>
      %and3A_203 = arith.andi %ge3A_199, %lt3A_202 : vector<16xi1>
      %jit3A_204 = arith.constant 12500 : i32
      %broadcast_in_dim3A_205 = vector.broadcast %jit3A_204 : i32 to vector<16xi32>
      %select_n3A_206 = arith.select %and3A_203, %sub3A_196, %broadcast_in_dim3A_205 : vector<16xi1>, vector<16xi32>
      %swap3A_207 = arith.constant 0 : i32
      %swap3A_208 = arith.index_cast %swap3A_207 : i32 to index
      %swap3A_209 = arith.constant 112 : index
      %swap3A_210 = tpu.vector_load %arg7[%swap3A_208, %swap3A_209] {strides = array<i32>} : memref<1x128xi32, #tpu.memory_space<vmem>>, vector<1x16xi32>,
      %swap3A_211 = vector.shape_cast %swap3A_210 : vector<1x16xi32> to vector<16xi32>
      %swap3A_212 = vector.shape_cast %select_n3A_206 : vector<16xi32> to vector<1x16xi32>
      tpu.vector_store %arg7[%swap3A_208, %swap3A_209], %swap3A_212 {strides = array<i32>} : memref<1x128xi32, #tpu.memory_space<vmem>>, vector<1x16xi32>,
      %run_scoped3A = arith.constant 0 : i32
      "tpu.region"() ({
        %run_scoped3A_213 = tpu.sem_alloc : memref<!tpu.dma_semaphore, #tpu.memory_space<semaphore_mem>>
        %dma_start3A = arith.constant 0 : i32
        %dma_start3A_214 = tpu.memref_slice %arg7[%run_scoped3A, %dma_start3A] : memref<1x128xi32, #tpu.memory_space<vmem>> -> memref<1x128xi32, #tpu.memory_space<vmem>>
        %dma_start3A_215 = tpu.memref_squeeze %dma_start3A_214 : memref<1x128xi32, #tpu.memory_space<vmem>> -> memref<128xi32, #tpu.memory_space<vmem>>
        %dma_start3A_216 = arith.constant 0 : i32
        %dma_start3A_217 = arith.constant 0 : i32
        %dma_start3A_218 = tpu.memref_slice %arg9[%dma_start3A_216, %dma_start3A_217] : memref<12544x128xf32, #tpu.memory_space<vmem_shared>> -> memref<12544x128xf32, #tpu.memory_space<vmem_shared>>
        tpu.enqueue_indirect_dma source(%arg8 : memref<128x128xf32, #tpu.memory_space<vmem>>) target(%dma_start3A_218 : memref<12544x128xf32, #tpu.memory_space<vmem_shared>>) offsets(%dma_start3A_215 : memref<128xi32, #tpu.memory_space<vmem>>) semaphore(%run_scoped3A_213 : memref<!tpu.dma_semaphore, #tpu.memory_space<semaphore_mem>>) {add = true}
        %dma_wait3A = arith.constant 0 : i32
        %dma_wait3A_219 = tpu.memref_slice %arg7[%run_scoped3A, %dma_wait3A] : memref<1x128xi32, #tpu.memory_space<vmem>> -> memref<1x128xi32, #tpu.memory_space<vmem>>
        %dma_wait3A_220 = tpu.memref_squeeze %dma_wait3A_219 : memref<1x128xi32, #tpu.memory_space<vmem>> -> memref<128xi32, #tpu.memory_space<vmem>>
        %dma_wait3A_221 = arith.constant 0 : i32
        %dma_wait3A_222 = arith.constant 0 : i32
        %dma_wait3A_223 = tpu.memref_slice %arg9[%dma_wait3A_221, %dma_wait3A_222] : memref<12544x128xf32, #tpu.memory_space<vmem_shared>> -> memref<12544x128xf32, #tpu.memory_space<vmem_shared>>
        tpu.wait_indirect_dma semaphore(%run_scoped3A_213 : memref<!tpu.dma_semaphore, #tpu.memory_space<semaphore_mem>>) src(%arg8 : memref<128x128xf32, #tpu.memory_space<vmem>>) dst(%dma_wait3A_223 : memref<12544x128xf32, #tpu.memory_space<vmem_shared>>)
        tpu.yield
      }) : () -> ()
    }
    %scan3A_43 = arith.constant 392 : i32
    %barrier3A_44 = arith.constant 0 : index
    tpu.barrier barrier_id(%barrier3A_44)
    %mul3A_45 = arith.constant 784 : i32
    %mul3A_46 = arith.muli %arg1, %mul3A_45 : i32
    "tpu.region"() ({
      %run_scoped3A = tpu.sem_alloc : memref<!tpu.dma_semaphore, #tpu.memory_space<semaphore_mem>>
      %dma_start3A = arith.constant 0 : i32
      %dma_start3A_48 = tpu.memref_slice %arg5[%add3A_34, %dma_start3A] : memref<50176x128xf32, #tpu.memory_space<hbm>> -> memref<784x128xf32, #tpu.memory_space<hbm>>
      %dma_start3A_49 = arith.constant 0 : i32
      %dma_start3A_50 = tpu.memref_slice %arg9[%mul3A_46, %dma_start3A_49] : memref<12544x128xf32, #tpu.memory_space<vmem_shared>> -> memref<784x128xf32, #tpu.memory_space<vmem_shared>>
      tpu.enqueue_dma source(%dma_start3A_50 : memref<784x128xf32, #tpu.memory_space<vmem_shared>>) target(%dma_start3A_48 : memref<784x128xf32, #tpu.memory_space<hbm>>) target_semaphore(%run_scoped3A : memref<!tpu.dma_semaphore, #tpu.memory_space<semaphore_mem>>)
      %dma_wait3A = arith.constant 0 : i32
      %dma_wait3A_51 = tpu.memref_slice %arg5[%add3A_34, %dma_wait3A] : memref<50176x128xf32, #tpu.memory_space<hbm>> -> memref<784x128xf32, #tpu.memory_space<hbm>>
      %dma_wait3A_52 = arith.constant 0 : i32
      %dma_wait3A_53 = tpu.memref_slice %arg9[%mul3A_46, %dma_wait3A_52] : memref<12544x128xf32, #tpu.memory_space<vmem_shared>> -> memref<784x128xf32, #tpu.memory_space<vmem_shared>>
      tpu.wait_dma2 semaphore(%run_scoped3A : memref<!tpu.dma_semaphore, #tpu.memory_space<semaphore_mem>>) src(%dma_wait3A_53 : memref<784x128xf32, #tpu.memory_space<vmem_shared>>) dst(%dma_wait3A_51 : memref<784x128xf32, #tpu.memory_space<hbm>>)
      tpu.yield
    }) : () -> ()
    %barrier3A_47 = arith.constant 0 : index
    tpu.barrier barrier_id(%barrier3A_47)
    return
  }
}

#map = affine_map<(d0, d1) -> (0, 0)>
#map1 = affine_map<(d0, d1) -> (0)>
module attributes {stable_mosaic.version = 14 : i64} {
  func.func @_scatter_body(%arg0: i32, %arg1: i32, %arg2: memref<802816x128xf32, #tpu.memory_space<hbm>>, %arg3: memref<802816xi32, #tpu.memory_space<hbm>>, %arg4: memref<784x128xf32, #tpu.memory_space<hbm>>, %arg5: memref<50176x128xf32, #tpu.memory_space<hbm>>, %arg6: memref<128xi32, #tpu.memory_space<vmem>>, %arg7: memref<1x128xi32, #tpu.memory_space<vmem>>, %arg8: memref<128x128xf32, #tpu.memory_space<vmem>>, %arg9: memref<12544x128xf32, #tpu.memory_space<vmem_shared>>) attributes {dimension_semantics = [#tpu.dimension_semantics<core_parallel>, #tpu.dimension_semantics<subcore_parallel>], iteration_bounds = array<i64: 2, 16>, scalar_prefetch = 0 : i64, scratch_operands = 4 : i64, tpu.core_type = #tpu.core_type<sc_vector_subcore>, window_params = [{transform_indices = #map}, {transform_indices = #map1}, {transform_indices = #map}, {transform_indices = #map}]} {
    %mul3A = arith.constant 25000 : i32
    %mul3A_0 = arith.muli %arg0, %mul3A : i32
    %add3A = arith.constant 0 : i32
    %add3A_1 = arith.addi %mul3A_0, %add3A : i32
    %mul3A_2 = arith.constant 2 : i32
    %mul3A_3 = arith.muli %arg0, %mul3A_2 : i32
    %add3A_4 = arith.constant 0 : i32
    %add3A_5 = arith.addi %mul3A_3, %add3A_4 : i32
    %mul3A_6 = arith.constant 12544 : i32
    %mul3A_7 = arith.muli %add3A_5, %mul3A_6 : i32
    %mul3A_8 = arith.constant 784 : i32
    %mul3A_9 = arith.muli %arg1, %mul3A_8 : i32
    %add3A_10 = arith.addi %mul3A_7, %mul3A_9 : i32
    %mul3A_11 = arith.constant 784 : i32
    %mul3A_12 = arith.muli %arg1, %mul3A_11 : i32
    "tpu.region"() ({
      %run_scoped3A = tpu.sem_alloc : memref<!tpu.dma_semaphore, #tpu.memory_space<semaphore_mem>>
      %dma_start3A = arith.constant 0 : i32
      %dma_start3A_48 = tpu.memref_slice %arg9[%mul3A_12, %dma_start3A] : memref<12544x128xf32, #tpu.memory_space<vmem_shared>> -> memref<784x128xf32, #tpu.memory_space<vmem_shared>>
      tpu.enqueue_dma source(%arg4 : memref<784x128xf32, #tpu.memory_space<hbm>>) target(%dma_start3A_48 : memref<784x128xf32, #tpu.memory_space<vmem_shared>>) target_semaphore(%run_scoped3A : memref<!tpu.dma_semaphore, #tpu.memory_space<semaphore_mem>>)
      %dma_wait3A = arith.constant 0 : i32
      %dma_wait3A_49 = tpu.memref_slice %arg9[%mul3A_12, %dma_wait3A] : memref<12544x128xf32, #tpu.memory_space<vmem_shared>> -> memref<784x128xf32, #tpu.memory_space<vmem_shared>>
      tpu.wait_dma2 semaphore(%run_scoped3A : memref<!tpu.dma_semaphore, #tpu.memory_space<semaphore_mem>>) src(%arg4 : memref<784x128xf32, #tpu.memory_space<hbm>>) dst(%dma_wait3A_49 : memref<784x128xf32, #tpu.memory_space<vmem_shared>>)
      tpu.yield
    }) : () -> ()
    %barrier3A = arith.constant 0 : index
    tpu.barrier barrier_id(%barrier3A)
    %scan3A = arith.constant 0 : i32
    %scan3A_13 = arith.constant 0 : i32
    %scan3A_14 = arith.constant 392 : i32
    %scan3A_15 = arith.addi %scan3A_13, %scan3A_14 : i32
    %scan3A_16 = arith.constant 1 : i32
    scf.for %scan3A_48 = %scan3A_13 to %scan3A_15 step %scan3A_16  : i32 {
      %mul3A_49 = arith.constant 50176 : i32
      %mul3A_50 = arith.muli %arg1, %mul3A_49 : i32
      %mul3A_51 = arith.constant 128 : i32
      %mul3A_52 = arith.muli %scan3A_48, %mul3A_51 : i32
      %add3A_53 = arith.addi %mul3A_50, %mul3A_52 : i32
      %multiple_of3A = tpu.assume_multiple %add3A_53, 8 : i32
      "tpu.region"() ({
        %run_scoped3A_213 = tpu.sem_alloc : memref<!tpu.dma_semaphore, #tpu.memory_space<semaphore_mem>>
        %dma_start3A = tpu.memref_slice %arg3[%multiple_of3A] : memref<802816xi32, #tpu.memory_space<hbm>> -> memref<128xi32, #tpu.memory_space<hbm>>
        %dma_start3A_214 = tpu.memref_slice %arg3[%multiple_of3A] : memref<802816xi32, #tpu.memory_space<hbm>> -> memref<128xi32, #tpu.memory_space<hbm>>
        tpu.enqueue_dma source(%dma_start3A_214 : memref<128xi32, #tpu.memory_space<hbm>>) target(%arg6 : memref<128xi32, #tpu.memory_space<vmem>>) target_semaphore(%run_scoped3A_213 : memref<!tpu.dma_semaphore, #tpu.memory_space<semaphore_mem>>)
        %dma_wait3A = tpu.memref_slice %arg3[%multiple_of3A] : memref<802816xi32, #tpu.memory_space<hbm>> -> memref<128xi32, #tpu.memory_space<hbm>>
        %dma_wait3A_215 = tpu.memref_slice %arg3[%multiple_of3A] : memref<802816xi32, #tpu.memory_space<hbm>> -> memref<128xi32, #tpu.memory_space<hbm>>
        tpu.wait_dma2 semaphore(%run_scoped3A_213 : memref<!tpu.dma_semaphore, #tpu.memory_space<semaphore_mem>>) src(%dma_wait3A_215 : memref<128xi32, #tpu.memory_space<hbm>>) dst(%arg6 : memref<128xi32, #tpu.memory_space<vmem>>)
        tpu.yield
      }) : () -> ()
      "tpu.region"() ({
        %run_scoped3A_213 = tpu.sem_alloc : memref<!tpu.dma_semaphore, #tpu.memory_space<semaphore_mem>>
        %dma_start3A = arith.constant 0 : i32
        %dma_start3A_214 = tpu.memref_slice %arg2[%multiple_of3A, %dma_start3A] : memref<802816x128xf32, #tpu.memory_space<hbm>> -> memref<128x128xf32, #tpu.memory_space<hbm>>
        %dma_start3A_215 = arith.constant 0 : i32
        %dma_start3A_216 = tpu.memref_slice %arg2[%multiple_of3A, %dma_start3A_215] : memref<802816x128xf32, #tpu.memory_space<hbm>> -> memref<128x128xf32, #tpu.memory_space<hbm>>
        tpu.enqueue_dma source(%dma_start3A_216 : memref<128x128xf32, #tpu.memory_space<hbm>>) target(%arg8 : memref<128x128xf32, #tpu.memory_space<vmem>>) target_semaphore(%run_scoped3A_213 : memref<!tpu.dma_semaphore, #tpu.memory_space<semaphore_mem>>)
        %dma_wait3A = arith.constant 0 : i32
        %dma_wait3A_217 = tpu.memref_slice %arg2[%multiple_of3A, %dma_wait3A] : memref<802816x128xf32, #tpu.memory_space<hbm>> -> memref<128x128xf32, #tpu.memory_space<hbm>>
        %dma_wait3A_218 = arith.constant 0 : i32
        %dma_wait3A_219 = tpu.memref_slice %arg2[%multiple_of3A, %dma_wait3A_218] : memref<802816x128xf32, #tpu.memory_space<hbm>> -> memref<128x128xf32, #tpu.memory_space<hbm>>
        tpu.wait_dma2 semaphore(%run_scoped3A_213 : memref<!tpu.dma_semaphore, #tpu.memory_space<semaphore_mem>>) src(%dma_wait3A_219 : memref<128x128xf32, #tpu.memory_space<hbm>>) dst(%arg8 : memref<128x128xf32, #tpu.memory_space<vmem>>)
        tpu.yield
      }) : () -> ()
      %get3A = arith.constant 0 : index
      %get3A_54 = tpu.vector_load %arg6[%get3A] {strides = array<i32>} : memref<128xi32, #tpu.memory_space<vmem>>, vector<16xi32>,
      %get3A_55 = vector.shape_cast %get3A_54 : vector<16xi32> to vector<16xi32>
      %sub3A = vector.broadcast %add3A_1 : i32 to vector<16xi32>
      %sub3A_56 = arith.subi %get3A_55, %sub3A : vector<16xi32>
      %ge3A = arith.constant 0 : i32
      %ge3A_57 = vector.broadcast %ge3A : i32 to vector<16xi32>
      %ge3A_58 = arith.cmpi sge, %sub3A_56, %ge3A_57 : vector<16xi32>
      %lt3A = arith.constant 12500 : i32
      %lt3A_59 = vector.broadcast %lt3A : i32 to vector<16xi32>
      %lt3A_60 = arith.cmpi slt, %sub3A_56, %lt3A_59 : vector<16xi32>
      %and3A = arith.andi %ge3A_58, %lt3A_60 : vector<16xi1>
      %jit3A = arith.constant 12500 : i32
      %broadcast_in_dim3A = vector.broadcast %jit3A : i32 to vector<16xi32>
      %select_n3A = arith.select %and3A, %sub3A_56, %broadcast_in_dim3A : vector<16xi1>, vector<16xi32>
      %swap3A = arith.constant 0 : i32
      %swap3A_61 = arith.index_cast %swap3A : i32 to index
      %swap3A_62 = arith.constant 0 : index
      %swap3A_63 = tpu.vector_load %arg7[%swap3A_61, %swap3A_62] {strides = array<i32>} : memref<1x128xi32, #tpu.memory_space<vmem>>, vector<1x16xi32>,
      %swap3A_64 = vector.shape_cast %swap3A_63 : vector<1x16xi32> to vector<16xi32>
      %swap3A_65 = vector.shape_cast %select_n3A : vector<16xi32> to vector<1x16xi32>
      tpu.vector_store %arg7[%swap3A_61, %swap3A_62], %swap3A_65 {strides = array<i32>} : memref<1x128xi32, #tpu.memory_space<vmem>>, vector<1x16xi32>,
      %get3A_66 = arith.constant 16 : index
      %get3A_67 = tpu.vector_load %arg6[%get3A_66] {strides = array<i32>} : memref<128xi32, #tpu.memory_space<vmem>>, vector<16xi32>,
      %get3A_68 = vector.shape_cast %get3A_67 : vector<16xi32> to vector<16xi32>
      %sub3A_69 = vector.broadcast %add3A_1 : i32 to vector<16xi32>
      %sub3A_70 = arith.subi %get3A_68, %sub3A_69 : vector<16xi32>
      %ge3A_71 = arith.constant 0 : i32
      %ge3A_72 = vector.broadcast %ge3A_71 : i32 to vector<16xi32>
      %ge3A_73 = arith.cmpi sge, %sub3A_70, %ge3A_72 : vector<16xi32>
      %lt3A_74 = arith.constant 12500 : i32
      %lt3A_75 = vector.broadcast %lt3A_74 : i32 to vector<16xi32>
      %lt3A_76 = arith.cmpi slt, %sub3A_70, %lt3A_75 : vector<16xi32>
      %and3A_77 = arith.andi %ge3A_73, %lt3A_76 : vector<16xi1>
      %jit3A_78 = arith.constant 12500 : i32
      %broadcast_in_dim3A_79 = vector.broadcast %jit3A_78 : i32 to vector<16xi32>
      %select_n3A_80 = arith.select %and3A_77, %sub3A_70, %broadcast_in_dim3A_79 : vector<16xi1>, vector<16xi32>
      %swap3A_81 = arith.constant 0 : i32
      %swap3A_82 = arith.index_cast %swap3A_81 : i32 to index
      %swap3A_83 = arith.constant 16 : index
      %swap3A_84 = tpu.vector_load %arg7[%swap3A_82, %swap3A_83] {strides = array<i32>} : memref<1x128xi32, #tpu.memory_space<vmem>>, vector<1x16xi32>,
      %swap3A_85 = vector.shape_cast %swap3A_84 : vector<1x16xi32> to vector<16xi32>
      %swap3A_86 = vector.shape_cast %select_n3A_80 : vector<16xi32> to vector<1x16xi32>
      tpu.vector_store %arg7[%swap3A_82, %swap3A_83], %swap3A_86 {strides = array<i32>} : memref<1x128xi32, #tpu.memory_space<vmem>>, vector<1x16xi32>,
      %get3A_87 = arith.constant 32 : index
      %get3A_88 = tpu.vector_load %arg6[%get3A_87] {strides = array<i32>} : memref<128xi32, #tpu.memory_space<vmem>>, vector<16xi32>,
      %get3A_89 = vector.shape_cast %get3A_88 : vector<16xi32> to vector<16xi32>
      %sub3A_90 = vector.broadcast %add3A_1 : i32 to vector<16xi32>
      %sub3A_91 = arith.subi %get3A_89, %sub3A_90 : vector<16xi32>
      %ge3A_92 = arith.constant 0 : i32
      %ge3A_93 = vector.broadcast %ge3A_92 : i32 to vector<16xi32>
      %ge3A_94 = arith.cmpi sge, %sub3A_91, %ge3A_93 : vector<16xi32>
      %lt3A_95 = arith.constant 12500 : i32
      %lt3A_96 = vector.broadcast %lt3A_95 : i32 to vector<16xi32>
      %lt3A_97 = arith.cmpi slt, %sub3A_91, %lt3A_96 : vector<16xi32>
      %and3A_98 = arith.andi %ge3A_94, %lt3A_97 : vector<16xi1>
      %jit3A_99 = arith.constant 12500 : i32
      %broadcast_in_dim3A_100 = vector.broadcast %jit3A_99 : i32 to vector<16xi32>
      %select_n3A_101 = arith.select %and3A_98, %sub3A_91, %broadcast_in_dim3A_100 : vector<16xi1>, vector<16xi32>
      %swap3A_102 = arith.constant 0 : i32
      %swap3A_103 = arith.index_cast %swap3A_102 : i32 to index
      %swap3A_104 = arith.constant 32 : index
      %swap3A_105 = tpu.vector_load %arg7[%swap3A_103, %swap3A_104] {strides = array<i32>} : memref<1x128xi32, #tpu.memory_space<vmem>>, vector<1x16xi32>,
      %swap3A_106 = vector.shape_cast %swap3A_105 : vector<1x16xi32> to vector<16xi32>
      %swap3A_107 = vector.shape_cast %select_n3A_101 : vector<16xi32> to vector<1x16xi32>
      tpu.vector_store %arg7[%swap3A_103, %swap3A_104], %swap3A_107 {strides = array<i32>} : memref<1x128xi32, #tpu.memory_space<vmem>>, vector<1x16xi32>,
      %get3A_108 = arith.constant 48 : index
      %get3A_109 = tpu.vector_load %arg6[%get3A_108] {strides = array<i32>} : memref<128xi32, #tpu.memory_space<vmem>>, vector<16xi32>,
      %get3A_110 = vector.shape_cast %get3A_109 : vector<16xi32> to vector<16xi32>
      %sub3A_111 = vector.broadcast %add3A_1 : i32 to vector<16xi32>
      %sub3A_112 = arith.subi %get3A_110, %sub3A_111 : vector<16xi32>
      %ge3A_113 = arith.constant 0 : i32
      %ge3A_114 = vector.broadcast %ge3A_113 : i32 to vector<16xi32>
      %ge3A_115 = arith.cmpi sge, %sub3A_112, %ge3A_114 : vector<16xi32>
      %lt3A_116 = arith.constant 12500 : i32
      %lt3A_117 = vector.broadcast %lt3A_116 : i32 to vector<16xi32>
      %lt3A_118 = arith.cmpi slt, %sub3A_112, %lt3A_117 : vector<16xi32>
      %and3A_119 = arith.andi %ge3A_115, %lt3A_118 : vector<16xi1>
      %jit3A_120 = arith.constant 12500 : i32
      %broadcast_in_dim3A_121 = vector.broadcast %jit3A_120 : i32 to vector<16xi32>
      %select_n3A_122 = arith.select %and3A_119, %sub3A_112, %broadcast_in_dim3A_121 : vector<16xi1>, vector<16xi32>
      %swap3A_123 = arith.constant 0 : i32
      %swap3A_124 = arith.index_cast %swap3A_123 : i32 to index
      %swap3A_125 = arith.constant 48 : index
      %swap3A_126 = tpu.vector_load %arg7[%swap3A_124, %swap3A_125] {strides = array<i32>} : memref<1x128xi32, #tpu.memory_space<vmem>>, vector<1x16xi32>,
      %swap3A_127 = vector.shape_cast %swap3A_126 : vector<1x16xi32> to vector<16xi32>
      %swap3A_128 = vector.shape_cast %select_n3A_122 : vector<16xi32> to vector<1x16xi32>
      tpu.vector_store %arg7[%swap3A_124, %swap3A_125], %swap3A_128 {strides = array<i32>} : memref<1x128xi32, #tpu.memory_space<vmem>>, vector<1x16xi32>,
      %get3A_129 = arith.constant 64 : index
      %get3A_130 = tpu.vector_load %arg6[%get3A_129] {strides = array<i32>} : memref<128xi32, #tpu.memory_space<vmem>>, vector<16xi32>,
      %get3A_131 = vector.shape_cast %get3A_130 : vector<16xi32> to vector<16xi32>
      %sub3A_132 = vector.broadcast %add3A_1 : i32 to vector<16xi32>
      %sub3A_133 = arith.subi %get3A_131, %sub3A_132 : vector<16xi32>
      %ge3A_134 = arith.constant 0 : i32
      %ge3A_135 = vector.broadcast %ge3A_134 : i32 to vector<16xi32>
      %ge3A_136 = arith.cmpi sge, %sub3A_133, %ge3A_135 : vector<16xi32>
      %lt3A_137 = arith.constant 12500 : i32
      %lt3A_138 = vector.broadcast %lt3A_137 : i32 to vector<16xi32>
      %lt3A_139 = arith.cmpi slt, %sub3A_133, %lt3A_138 : vector<16xi32>
      %and3A_140 = arith.andi %ge3A_136, %lt3A_139 : vector<16xi1>
      %jit3A_141 = arith.constant 12500 : i32
      %broadcast_in_dim3A_142 = vector.broadcast %jit3A_141 : i32 to vector<16xi32>
      %select_n3A_143 = arith.select %and3A_140, %sub3A_133, %broadcast_in_dim3A_142 : vector<16xi1>, vector<16xi32>
      %swap3A_144 = arith.constant 0 : i32
      %swap3A_145 = arith.index_cast %swap3A_144 : i32 to index
      %swap3A_146 = arith.constant 64 : index
      %swap3A_147 = tpu.vector_load %arg7[%swap3A_145, %swap3A_146] {strides = array<i32>} : memref<1x128xi32, #tpu.memory_space<vmem>>, vector<1x16xi32>,
      %swap3A_148 = vector.shape_cast %swap3A_147 : vector<1x16xi32> to vector<16xi32>
      %swap3A_149 = vector.shape_cast %select_n3A_143 : vector<16xi32> to vector<1x16xi32>
      tpu.vector_store %arg7[%swap3A_145, %swap3A_146], %swap3A_149 {strides = array<i32>} : memref<1x128xi32, #tpu.memory_space<vmem>>, vector<1x16xi32>,
      %get3A_150 = arith.constant 80 : index
      %get3A_151 = tpu.vector_load %arg6[%get3A_150] {strides = array<i32>} : memref<128xi32, #tpu.memory_space<vmem>>, vector<16xi32>,
      %get3A_152 = vector.shape_cast %get3A_151 : vector<16xi32> to vector<16xi32>
      %sub3A_153 = vector.broadcast %add3A_1 : i32 to vector<16xi32>
      %sub3A_154 = arith.subi %get3A_152, %sub3A_153 : vector<16xi32>
      %ge3A_155 = arith.constant 0 : i32
      %ge3A_156 = vector.broadcast %ge3A_155 : i32 to vector<16xi32>
      %ge3A_157 = arith.cmpi sge, %sub3A_154, %ge3A_156 : vector<16xi32>
      %lt3A_158 = arith.constant 12500 : i32
      %lt3A_159 = vector.broadcast %lt3A_158 : i32 to vector<16xi32>
      %lt3A_160 = arith.cmpi slt, %sub3A_154, %lt3A_159 : vector<16xi32>
      %and3A_161 = arith.andi %ge3A_157, %lt3A_160 : vector<16xi1>
      %jit3A_162 = arith.constant 12500 : i32
      %broadcast_in_dim3A_163 = vector.broadcast %jit3A_162 : i32 to vector<16xi32>
      %select_n3A_164 = arith.select %and3A_161, %sub3A_154, %broadcast_in_dim3A_163 : vector<16xi1>, vector<16xi32>
      %swap3A_165 = arith.constant 0 : i32
      %swap3A_166 = arith.index_cast %swap3A_165 : i32 to index
      %swap3A_167 = arith.constant 80 : index
      %swap3A_168 = tpu.vector_load %arg7[%swap3A_166, %swap3A_167] {strides = array<i32>} : memref<1x128xi32, #tpu.memory_space<vmem>>, vector<1x16xi32>,
      %swap3A_169 = vector.shape_cast %swap3A_168 : vector<1x16xi32> to vector<16xi32>
      %swap3A_170 = vector.shape_cast %select_n3A_164 : vector<16xi32> to vector<1x16xi32>
      tpu.vector_store %arg7[%swap3A_166, %swap3A_167], %swap3A_170 {strides = array<i32>} : memref<1x128xi32, #tpu.memory_space<vmem>>, vector<1x16xi32>,
      %get3A_171 = arith.constant 96 : index
      %get3A_172 = tpu.vector_load %arg6[%get3A_171] {strides = array<i32>} : memref<128xi32, #tpu.memory_space<vmem>>, vector<16xi32>,
      %get3A_173 = vector.shape_cast %get3A_172 : vector<16xi32> to vector<16xi32>
      %sub3A_174 = vector.broadcast %add3A_1 : i32 to vector<16xi32>
      %sub3A_175 = arith.subi %get3A_173, %sub3A_174 : vector<16xi32>
      %ge3A_176 = arith.constant 0 : i32
      %ge3A_177 = vector.broadcast %ge3A_176 : i32 to vector<16xi32>
      %ge3A_178 = arith.cmpi sge, %sub3A_175, %ge3A_177 : vector<16xi32>
      %lt3A_179 = arith.constant 12500 : i32
      %lt3A_180 = vector.broadcast %lt3A_179 : i32 to vector<16xi32>
      %lt3A_181 = arith.cmpi slt, %sub3A_175, %lt3A_180 : vector<16xi32>
      %and3A_182 = arith.andi %ge3A_178, %lt3A_181 : vector<16xi1>
      %jit3A_183 = arith.constant 12500 : i32
      %broadcast_in_dim3A_184 = vector.broadcast %jit3A_183 : i32 to vector<16xi32>
      %select_n3A_185 = arith.select %and3A_182, %sub3A_175, %broadcast_in_dim3A_184 : vector<16xi1>, vector<16xi32>
      %swap3A_186 = arith.constant 0 : i32
      %swap3A_187 = arith.index_cast %swap3A_186 : i32 to index
      %swap3A_188 = arith.constant 96 : index
      %swap3A_189 = tpu.vector_load %arg7[%swap3A_187, %swap3A_188] {strides = array<i32>} : memref<1x128xi32, #tpu.memory_space<vmem>>, vector<1x16xi32>,
      %swap3A_190 = vector.shape_cast %swap3A_189 : vector<1x16xi32> to vector<16xi32>
      %swap3A_191 = vector.shape_cast %select_n3A_185 : vector<16xi32> to vector<1x16xi32>
      tpu.vector_store %arg7[%swap3A_187, %swap3A_188], %swap3A_191 {strides = array<i32>} : memref<1x128xi32, #tpu.memory_space<vmem>>, vector<1x16xi32>,
      %get3A_192 = arith.constant 112 : index
      %get3A_193 = tpu.vector_load %arg6[%get3A_192] {strides = array<i32>} : memref<128xi32, #tpu.memory_space<vmem>>, vector<16xi32>,
      %get3A_194 = vector.shape_cast %get3A_193 : vector<16xi32> to vector<16xi32>
      %sub3A_195 = vector.broadcast %add3A_1 : i32 to vector<16xi32>
      %sub3A_196 = arith.subi %get3A_194, %sub3A_195 : vector<16xi32>
      %ge3A_197 = arith.constant 0 : i32
      %ge3A_198 = vector.broadcast %ge3A_197 : i32 to vector<16xi32>
      %ge3A_199 = arith.cmpi sge, %sub3A_196, %ge3A_198 : vector<16xi32>
      %lt3A_200 = arith.constant 12500 : i32
      %lt3A_201 = vector.broadcast %lt3A_200 : i32 to vector<16xi32>
      %lt3A_202 = arith.cmpi slt, %sub3A_196, %lt3A_201 : vector<16xi32>
      %and3A_203 = arith.andi %ge3A_199, %lt3A_202 : vector<16xi1>
      %jit3A_204 = arith.constant 12500 : i32
      %broadcast_in_dim3A_205 = vector.broadcast %jit3A_204 : i32 to vector<16xi32>
      %select_n3A_206 = arith.select %and3A_203, %sub3A_196, %broadcast_in_dim3A_205 : vector<16xi1>, vector<16xi32>
      %swap3A_207 = arith.constant 0 : i32
      %swap3A_208 = arith.index_cast %swap3A_207 : i32 to index
      %swap3A_209 = arith.constant 112 : index
      %swap3A_210 = tpu.vector_load %arg7[%swap3A_208, %swap3A_209] {strides = array<i32>} : memref<1x128xi32, #tpu.memory_space<vmem>>, vector<1x16xi32>,
      %swap3A_211 = vector.shape_cast %swap3A_210 : vector<1x16xi32> to vector<16xi32>
      %swap3A_212 = vector.shape_cast %select_n3A_206 : vector<16xi32> to vector<1x16xi32>
      tpu.vector_store %arg7[%swap3A_208, %swap3A_209], %swap3A_212 {strides = array<i32>} : memref<1x128xi32, #tpu.memory_space<vmem>>, vector<1x16xi32>,
      %run_scoped3A = arith.constant 0 : i32
      "tpu.region"() ({
        %run_scoped3A_213 = tpu.sem_alloc : memref<!tpu.dma_semaphore, #tpu.memory_space<semaphore_mem>>
        %dma_start3A = arith.constant 0 : i32
        %dma_start3A_214 = tpu.memref_slice %arg7[%run_scoped3A, %dma_start3A] : memref<1x128xi32, #tpu.memory_space<vmem>> -> memref<1x128xi32, #tpu.memory_space<vmem>>
        %dma_start3A_215 = tpu.memref_squeeze %dma_start3A_214 : memref<1x128xi32, #tpu.memory_space<vmem>> -> memref<128xi32, #tpu.memory_space<vmem>>
        %dma_start3A_216 = arith.constant 0 : i32
        %dma_start3A_217 = arith.constant 0 : i32
        %dma_start3A_218 = tpu.memref_slice %arg9[%dma_start3A_216, %dma_start3A_217] : memref<12544x128xf32, #tpu.memory_space<vmem_shared>> -> memref<12544x128xf32, #tpu.memory_space<vmem_shared>>
        tpu.enqueue_indirect_dma source(%arg8 : memref<128x128xf32, #tpu.memory_space<vmem>>) target(%dma_start3A_218 : memref<12544x128xf32, #tpu.memory_space<vmem_shared>>) offsets(%dma_start3A_215 : memref<128xi32, #tpu.memory_space<vmem>>) semaphore(%run_scoped3A_213 : memref<!tpu.dma_semaphore, #tpu.memory_space<semaphore_mem>>) {add = true}
        %dma_wait3A = arith.constant 0 : i32
        %dma_wait3A_219 = tpu.memref_slice %arg7[%run_scoped3A, %dma_wait3A] : memref<1x128xi32, #tpu.memory_space<vmem>> -> memref<1x128xi32, #tpu.memory_space<vmem>>
        %dma_wait3A_220 = tpu.memref_squeeze %dma_wait3A_219 : memref<1x128xi32, #tpu.memory_space<vmem>> -> memref<128xi32, #tpu.memory_space<vmem>>
        %dma_wait3A_221 = arith.constant 0 : i32
        %dma_wait3A_222 = arith.constant 0 : i32
        %dma_wait3A_223 = tpu.memref_slice %arg9[%dma_wait3A_221, %dma_wait3A_222] : memref<12544x128xf32, #tpu.memory_space<vmem_shared>> -> memref<12544x128xf32, #tpu.memory_space<vmem_shared>>
        tpu.wait_indirect_dma semaphore(%run_scoped3A_213 : memref<!tpu.dma_semaphore, #tpu.memory_space<semaphore_mem>>) src(%arg8 : memref<128x128xf32, #tpu.memory_space<vmem>>) dst(%dma_wait3A_223 : memref<12544x128xf32, #tpu.memory_space<vmem_shared>>)
        tpu.yield
      }) : () -> ()
    }
    %scan3A_17 = arith.constant 392 : i32
    %barrier3A_18 = arith.constant 0 : index
    tpu.barrier barrier_id(%barrier3A_18)
    %mul3A_19 = arith.constant 784 : i32
    %mul3A_20 = arith.muli %arg1, %mul3A_19 : i32
    "tpu.region"() ({
      %run_scoped3A = tpu.sem_alloc : memref<!tpu.dma_semaphore, #tpu.memory_space<semaphore_mem>>
      %dma_start3A = arith.constant 0 : i32
      %dma_start3A_48 = tpu.memref_slice %arg5[%add3A_10, %dma_start3A] : memref<50176x128xf32, #tpu.memory_space<hbm>> -> memref<784x128xf32, #tpu.memory_space<hbm>>
      %dma_start3A_49 = arith.constant 0 : i32
      %dma_start3A_50 = tpu.memref_slice %arg9[%mul3A_20, %dma_start3A_49] : memref<12544x128xf32, #tpu.memory_space<vmem_shared>> -> memref<784x128xf32, #tpu.memory_space<vmem_shared>>
      tpu.enqueue_dma source(%dma_start3A_50 : memref<784x128xf32, #tpu.memory_space<vmem_shared>>) target(%dma_start3A_48 : memref<784x128xf32, #tpu.memory_space<hbm>>) target_semaphore(%run_scoped3A : memref<!tpu.dma_semaphore, #tpu.memory_space<semaphore_mem>>)
      %dma_wait3A = arith.constant 0 : i32
      %dma_wait3A_51 = tpu.memref_slice %arg5[%add3A_10, %dma_wait3A] : memref<50176x128xf32, #tpu.memory_space<hbm>> -> memref<784x128xf32, #tpu.memory_space<hbm>>
      %dma_wait3A_52 = arith.constant 0 : i32
      %dma_wait3A_53 = tpu.memref_slice %arg9[%mul3A_20, %dma_wait3A_52] : memref<12544x128xf32, #tpu.memory_space<vmem_shared>> -> memref<784x128xf32, #tpu.memory_space<vmem_shared>>
      tpu.wait_dma2 semaphore(%run_scoped3A : memref<!tpu.dma_semaphore, #tpu.memory_space<semaphore_mem>>) src(%dma_wait3A_53 : memref<784x128xf32, #tpu.memory_space<vmem_shared>>) dst(%dma_wait3A_51 : memref<784x128xf32, #tpu.memory_space<hbm>>)
      tpu.yield
    }) : () -> ()
    %barrier3A_21 = arith.constant 0 : index
    tpu.barrier barrier_id(%barrier3A_21)
    %mul3A_22 = arith.constant 25000 : i32
    %mul3A_23 = arith.muli %arg0, %mul3A_22 : i32
    %add3A_24 = arith.constant 12500 : i32
    %add3A_25 = arith.addi %mul3A_23, %add3A_24 : i32
    %mul3A_26 = arith.constant 2 : i32
    %mul3A_27 = arith.muli %arg0, %mul3A_26 : i32
    %add3A_28 = arith.constant 1 : i32
    %add3A_29 = arith.addi %mul3A_27, %add3A_28 : i32
    %mul3A_30 = arith.constant 12544 : i32
    %mul3A_31 = arith.muli %add3A_29, %mul3A_30 : i32
    %mul3A_32 = arith.constant 784 : i32
    %mul3A_33 = arith.muli %arg1, %mul3A_32 : i32
    %add3A_34 = arith.addi %mul3A_31, %mul3A_33 : i32
    %mul3A_35 = arith.constant 784 : i32
    %mul3A_36 = arith.muli %arg1, %mul3A_35 : i32
    "tpu.region"() ({
      %run_scoped3A = tpu.sem_alloc : memref<!tpu.dma_semaphore, #tpu.memory_space<semaphore_mem>>
      %dma_start3A = arith.constant 0 : i32
      %dma_start3A_48 = tpu.memref_slice %arg9[%mul3A_36, %dma_start3A] : memref<12544x128xf32, #tpu.memory_space<vmem_shared>> -> memref<784x128xf32, #tpu.memory_space<vmem_shared>>
      tpu.enqueue_dma source(%arg4 : memref<784x128xf32, #tpu.memory_space<hbm>>) target(%dma_start3A_48 : memref<784x128xf32, #tpu.memory_space<vmem_shared>>) target_semaphore(%run_scoped3A : memref<!tpu.dma_semaphore, #tpu.memory_space<semaphore_mem>>)
      %dma_wait3A = arith.constant 0 : i32
      %dma_wait3A_49 = tpu.memref_slice %arg9[%mul3A_36, %dma_wait3A] : memref<12544x128xf32, #tpu.memory_space<vmem_shared>> -> memref<784x128xf32, #tpu.memory_space<vmem_shared>>
      tpu.wait_dma2 semaphore(%run_scoped3A : memref<!tpu.dma_semaphore, #tpu.memory_space<semaphore_mem>>) src(%arg4 : memref<784x128xf32, #tpu.memory_space<hbm>>) dst(%dma_wait3A_49 : memref<784x128xf32, #tpu.memory_space<vmem_shared>>)
      tpu.yield
    }) : () -> ()
    %barrier3A_37 = arith.constant 0 : index
    tpu.barrier barrier_id(%barrier3A_37)
    %scan3A_38 = arith.constant 0 : i32
    %scan3A_39 = arith.constant 0 : i32
    %scan3A_40 = arith.constant 392 : i32
    %scan3A_41 = arith.addi %scan3A_39, %scan3A_40 : i32
    %scan3A_42 = arith.constant 1 : i32
    scf.for %scan3A_48 = %scan3A_39 to %scan3A_41 step %scan3A_42  : i32 {
      %mul3A_49 = arith.constant 50176 : i32
      %mul3A_50 = arith.muli %arg1, %mul3A_49 : i32
      %mul3A_51 = arith.constant 128 : i32
      %mul3A_52 = arith.muli %scan3A_48, %mul3A_51 : i32
      %add3A_53 = arith.addi %mul3A_50, %mul3A_52 : i32
      %multiple_of3A = tpu.assume_multiple %add3A_53, 8 : i32
      "tpu.region"() ({
        %run_scoped3A_213 = tpu.sem_alloc : memref<!tpu.dma_semaphore, #tpu.memory_space<semaphore_mem>>
        %dma_start3A = tpu.memref_slice %arg3[%multiple_of3A] : memref<802816xi32, #tpu.memory_space<hbm>> -> memref<128xi32, #tpu.memory_space<hbm>>
        %dma_start3A_214 = tpu.memref_slice %arg3[%multiple_of3A] : memref<802816xi32, #tpu.memory_space<hbm>> -> memref<128xi32, #tpu.memory_space<hbm>>
        tpu.enqueue_dma source(%dma_start3A_214 : memref<128xi32, #tpu.memory_space<hbm>>) target(%arg6 : memref<128xi32, #tpu.memory_space<vmem>>) target_semaphore(%run_scoped3A_213 : memref<!tpu.dma_semaphore, #tpu.memory_space<semaphore_mem>>)
        %dma_wait3A = tpu.memref_slice %arg3[%multiple_of3A] : memref<802816xi32, #tpu.memory_space<hbm>> -> memref<128xi32, #tpu.memory_space<hbm>>
        %dma_wait3A_215 = tpu.memref_slice %arg3[%multiple_of3A] : memref<802816xi32, #tpu.memory_space<hbm>> -> memref<128xi32, #tpu.memory_space<hbm>>
        tpu.wait_dma2 semaphore(%run_scoped3A_213 : memref<!tpu.dma_semaphore, #tpu.memory_space<semaphore_mem>>) src(%dma_wait3A_215 : memref<128xi32, #tpu.memory_space<hbm>>) dst(%arg6 : memref<128xi32, #tpu.memory_space<vmem>>)
        tpu.yield
      }) : () -> ()
      "tpu.region"() ({
        %run_scoped3A_213 = tpu.sem_alloc : memref<!tpu.dma_semaphore, #tpu.memory_space<semaphore_mem>>
        %dma_start3A = arith.constant 0 : i32
        %dma_start3A_214 = tpu.memref_slice %arg2[%multiple_of3A, %dma_start3A] : memref<802816x128xf32, #tpu.memory_space<hbm>> -> memref<128x128xf32, #tpu.memory_space<hbm>>
        %dma_start3A_215 = arith.constant 0 : i32
        %dma_start3A_216 = tpu.memref_slice %arg2[%multiple_of3A, %dma_start3A_215] : memref<802816x128xf32, #tpu.memory_space<hbm>> -> memref<128x128xf32, #tpu.memory_space<hbm>>
        tpu.enqueue_dma source(%dma_start3A_216 : memref<128x128xf32, #tpu.memory_space<hbm>>) target(%arg8 : memref<128x128xf32, #tpu.memory_space<vmem>>) target_semaphore(%run_scoped3A_213 : memref<!tpu.dma_semaphore, #tpu.memory_space<semaphore_mem>>)
        %dma_wait3A = arith.constant 0 : i32
        %dma_wait3A_217 = tpu.memref_slice %arg2[%multiple_of3A, %dma_wait3A] : memref<802816x128xf32, #tpu.memory_space<hbm>> -> memref<128x128xf32, #tpu.memory_space<hbm>>
        %dma_wait3A_218 = arith.constant 0 : i32
        %dma_wait3A_219 = tpu.memref_slice %arg2[%multiple_of3A, %dma_wait3A_218] : memref<802816x128xf32, #tpu.memory_space<hbm>> -> memref<128x128xf32, #tpu.memory_space<hbm>>
        tpu.wait_dma2 semaphore(%run_scoped3A_213 : memref<!tpu.dma_semaphore, #tpu.memory_space<semaphore_mem>>) src(%dma_wait3A_219 : memref<128x128xf32, #tpu.memory_space<hbm>>) dst(%arg8 : memref<128x128xf32, #tpu.memory_space<vmem>>)
        tpu.yield
      }) : () -> ()
      %get3A = arith.constant 0 : index
      %get3A_54 = tpu.vector_load %arg6[%get3A] {strides = array<i32>} : memref<128xi32, #tpu.memory_space<vmem>>, vector<16xi32>,
      %get3A_55 = vector.shape_cast %get3A_54 : vector<16xi32> to vector<16xi32>
      %sub3A = vector.broadcast %add3A_25 : i32 to vector<16xi32>
      %sub3A_56 = arith.subi %get3A_55, %sub3A : vector<16xi32>
      %ge3A = arith.constant 0 : i32
      %ge3A_57 = vector.broadcast %ge3A : i32 to vector<16xi32>
      %ge3A_58 = arith.cmpi sge, %sub3A_56, %ge3A_57 : vector<16xi32>
      %lt3A = arith.constant 12500 : i32
      %lt3A_59 = vector.broadcast %lt3A : i32 to vector<16xi32>
      %lt3A_60 = arith.cmpi slt, %sub3A_56, %lt3A_59 : vector<16xi32>
      %and3A = arith.andi %ge3A_58, %lt3A_60 : vector<16xi1>
      %jit3A = arith.constant 12500 : i32
      %broadcast_in_dim3A = vector.broadcast %jit3A : i32 to vector<16xi32>
      %select_n3A = arith.select %and3A, %sub3A_56, %broadcast_in_dim3A : vector<16xi1>, vector<16xi32>
      %swap3A = arith.constant 0 : i32
      %swap3A_61 = arith.index_cast %swap3A : i32 to index
      %swap3A_62 = arith.constant 0 : index
      %swap3A_63 = tpu.vector_load %arg7[%swap3A_61, %swap3A_62] {strides = array<i32>} : memref<1x128xi32, #tpu.memory_space<vmem>>, vector<1x16xi32>,
      %swap3A_64 = vector.shape_cast %swap3A_63 : vector<1x16xi32> to vector<16xi32>
      %swap3A_65 = vector.shape_cast %select_n3A : vector<16xi32> to vector<1x16xi32>
      tpu.vector_store %arg7[%swap3A_61, %swap3A_62], %swap3A_65 {strides = array<i32>} : memref<1x128xi32, #tpu.memory_space<vmem>>, vector<1x16xi32>,
      %get3A_66 = arith.constant 16 : index
      %get3A_67 = tpu.vector_load %arg6[%get3A_66] {strides = array<i32>} : memref<128xi32, #tpu.memory_space<vmem>>, vector<16xi32>,
      %get3A_68 = vector.shape_cast %get3A_67 : vector<16xi32> to vector<16xi32>
      %sub3A_69 = vector.broadcast %add3A_25 : i32 to vector<16xi32>
      %sub3A_70 = arith.subi %get3A_68, %sub3A_69 : vector<16xi32>
      %ge3A_71 = arith.constant 0 : i32
      %ge3A_72 = vector.broadcast %ge3A_71 : i32 to vector<16xi32>
      %ge3A_73 = arith.cmpi sge, %sub3A_70, %ge3A_72 : vector<16xi32>
      %lt3A_74 = arith.constant 12500 : i32
      %lt3A_75 = vector.broadcast %lt3A_74 : i32 to vector<16xi32>
      %lt3A_76 = arith.cmpi slt, %sub3A_70, %lt3A_75 : vector<16xi32>
      %and3A_77 = arith.andi %ge3A_73, %lt3A_76 : vector<16xi1>
      %jit3A_78 = arith.constant 12500 : i32
      %broadcast_in_dim3A_79 = vector.broadcast %jit3A_78 : i32 to vector<16xi32>
      %select_n3A_80 = arith.select %and3A_77, %sub3A_70, %broadcast_in_dim3A_79 : vector<16xi1>, vector<16xi32>
      %swap3A_81 = arith.constant 0 : i32
      %swap3A_82 = arith.index_cast %swap3A_81 : i32 to index
      %swap3A_83 = arith.constant 16 : index
      %swap3A_84 = tpu.vector_load %arg7[%swap3A_82, %swap3A_83] {strides = array<i32>} : memref<1x128xi32, #tpu.memory_space<vmem>>, vector<1x16xi32>,
      %swap3A_85 = vector.shape_cast %swap3A_84 : vector<1x16xi32> to vector<16xi32>
      %swap3A_86 = vector.shape_cast %select_n3A_80 : vector<16xi32> to vector<1x16xi32>
      tpu.vector_store %arg7[%swap3A_82, %swap3A_83], %swap3A_86 {strides = array<i32>} : memref<1x128xi32, #tpu.memory_space<vmem>>, vector<1x16xi32>,
      %get3A_87 = arith.constant 32 : index
      %get3A_88 = tpu.vector_load %arg6[%get3A_87] {strides = array<i32>} : memref<128xi32, #tpu.memory_space<vmem>>, vector<16xi32>,
      %get3A_89 = vector.shape_cast %get3A_88 : vector<16xi32> to vector<16xi32>
      %sub3A_90 = vector.broadcast %add3A_25 : i32 to vector<16xi32>
      %sub3A_91 = arith.subi %get3A_89, %sub3A_90 : vector<16xi32>
      %ge3A_92 = arith.constant 0 : i32
      %ge3A_93 = vector.broadcast %ge3A_92 : i32 to vector<16xi32>
      %ge3A_94 = arith.cmpi sge, %sub3A_91, %ge3A_93 : vector<16xi32>
      %lt3A_95 = arith.constant 12500 : i32
      %lt3A_96 = vector.broadcast %lt3A_95 : i32 to vector<16xi32>
      %lt3A_97 = arith.cmpi slt, %sub3A_91, %lt3A_96 : vector<16xi32>
      %and3A_98 = arith.andi %ge3A_94, %lt3A_97 : vector<16xi1>
      %jit3A_99 = arith.constant 12500 : i32
      %broadcast_in_dim3A_100 = vector.broadcast %jit3A_99 : i32 to vector<16xi32>
      %select_n3A_101 = arith.select %and3A_98, %sub3A_91, %broadcast_in_dim3A_100 : vector<16xi1>, vector<16xi32>
      %swap3A_102 = arith.constant 0 : i32
      %swap3A_103 = arith.index_cast %swap3A_102 : i32 to index
      %swap3A_104 = arith.constant 32 : index
      %swap3A_105 = tpu.vector_load %arg7[%swap3A_103, %swap3A_104] {strides = array<i32>} : memref<1x128xi32, #tpu.memory_space<vmem>>, vector<1x16xi32>,
      %swap3A_106 = vector.shape_cast %swap3A_105 : vector<1x16xi32> to vector<16xi32>
      %swap3A_107 = vector.shape_cast %select_n3A_101 : vector<16xi32> to vector<1x16xi32>
      tpu.vector_store %arg7[%swap3A_103, %swap3A_104], %swap3A_107 {strides = array<i32>} : memref<1x128xi32, #tpu.memory_space<vmem>>, vector<1x16xi32>,
      %get3A_108 = arith.constant 48 : index
      %get3A_109 = tpu.vector_load %arg6[%get3A_108] {strides = array<i32>} : memref<128xi32, #tpu.memory_space<vmem>>, vector<16xi32>,
      %get3A_110 = vector.shape_cast %get3A_109 : vector<16xi32> to vector<16xi32>
      %sub3A_111 = vector.broadcast %add3A_25 : i32 to vector<16xi32>
      %sub3A_112 = arith.subi %get3A_110, %sub3A_111 : vector<16xi32>
      %ge3A_113 = arith.constant 0 : i32
      %ge3A_114 = vector.broadcast %ge3A_113 : i32 to vector<16xi32>
      %ge3A_115 = arith.cmpi sge, %sub3A_112, %ge3A_114 : vector<16xi32>
      %lt3A_116 = arith.constant 12500 : i32
      %lt3A_117 = vector.broadcast %lt3A_116 : i32 to vector<16xi32>
      %lt3A_118 = arith.cmpi slt, %sub3A_112, %lt3A_117 : vector<16xi32>
      %and3A_119 = arith.andi %ge3A_115, %lt3A_118 : vector<16xi1>
      %jit3A_120 = arith.constant 12500 : i32
      %broadcast_in_dim3A_121 = vector.broadcast %jit3A_120 : i32 to vector<16xi32>
      %select_n3A_122 = arith.select %and3A_119, %sub3A_112, %broadcast_in_dim3A_121 : vector<16xi1>, vector<16xi32>
      %swap3A_123 = arith.constant 0 : i32
      %swap3A_124 = arith.index_cast %swap3A_123 : i32 to index
      %swap3A_125 = arith.constant 48 : index
      %swap3A_126 = tpu.vector_load %arg7[%swap3A_124, %swap3A_125] {strides = array<i32>} : memref<1x128xi32, #tpu.memory_space<vmem>>, vector<1x16xi32>,
      %swap3A_127 = vector.shape_cast %swap3A_126 : vector<1x16xi32> to vector<16xi32>
      %swap3A_128 = vector.shape_cast %select_n3A_122 : vector<16xi32> to vector<1x16xi32>
      tpu.vector_store %arg7[%swap3A_124, %swap3A_125], %swap3A_128 {strides = array<i32>} : memref<1x128xi32, #tpu.memory_space<vmem>>, vector<1x16xi32>,
      %get3A_129 = arith.constant 64 : index
      %get3A_130 = tpu.vector_load %arg6[%get3A_129] {strides = array<i32>} : memref<128xi32, #tpu.memory_space<vmem>>, vector<16xi32>,
      %get3A_131 = vector.shape_cast %get3A_130 : vector<16xi32> to vector<16xi32>
      %sub3A_132 = vector.broadcast %add3A_25 : i32 to vector<16xi32>
      %sub3A_133 = arith.subi %get3A_131, %sub3A_132 : vector<16xi32>
      %ge3A_134 = arith.constant 0 : i32
      %ge3A_135 = vector.broadcast %ge3A_134 : i32 to vector<16xi32>
      %ge3A_136 = arith.cmpi sge, %sub3A_133, %ge3A_135 : vector<16xi32>
      %lt3A_137 = arith.constant 12500 : i32
      %lt3A_138 = vector.broadcast %lt3A_137 : i32 to vector<16xi32>
      %lt3A_139 = arith.cmpi slt, %sub3A_133, %lt3A_138 : vector<16xi32>
      %and3A_140 = arith.andi %ge3A_136, %lt3A_139 : vector<16xi1>
      %jit3A_141 = arith.constant 12500 : i32
      %broadcast_in_dim3A_142 = vector.broadcast %jit3A_141 : i32 to vector<16xi32>
      %select_n3A_143 = arith.select %and3A_140, %sub3A_133, %broadcast_in_dim3A_142 : vector<16xi1>, vector<16xi32>
      %swap3A_144 = arith.constant 0 : i32
      %swap3A_145 = arith.index_cast %swap3A_144 : i32 to index
      %swap3A_146 = arith.constant 64 : index
      %swap3A_147 = tpu.vector_load %arg7[%swap3A_145, %swap3A_146] {strides = array<i32>} : memref<1x128xi32, #tpu.memory_space<vmem>>, vector<1x16xi32>,
      %swap3A_148 = vector.shape_cast %swap3A_147 : vector<1x16xi32> to vector<16xi32>
      %swap3A_149 = vector.shape_cast %select_n3A_143 : vector<16xi32> to vector<1x16xi32>
      tpu.vector_store %arg7[%swap3A_145, %swap3A_146], %swap3A_149 {strides = array<i32>} : memref<1x128xi32, #tpu.memory_space<vmem>>, vector<1x16xi32>,
      %get3A_150 = arith.constant 80 : index
      %get3A_151 = tpu.vector_load %arg6[%get3A_150] {strides = array<i32>} : memref<128xi32, #tpu.memory_space<vmem>>, vector<16xi32>,
      %get3A_152 = vector.shape_cast %get3A_151 : vector<16xi32> to vector<16xi32>
      %sub3A_153 = vector.broadcast %add3A_25 : i32 to vector<16xi32>
      %sub3A_154 = arith.subi %get3A_152, %sub3A_153 : vector<16xi32>
      %ge3A_155 = arith.constant 0 : i32
      %ge3A_156 = vector.broadcast %ge3A_155 : i32 to vector<16xi32>
      %ge3A_157 = arith.cmpi sge, %sub3A_154, %ge3A_156 : vector<16xi32>
      %lt3A_158 = arith.constant 12500 : i32
      %lt3A_159 = vector.broadcast %lt3A_158 : i32 to vector<16xi32>
      %lt3A_160 = arith.cmpi slt, %sub3A_154, %lt3A_159 : vector<16xi32>
      %and3A_161 = arith.andi %ge3A_157, %lt3A_160 : vector<16xi1>
      %jit3A_162 = arith.constant 12500 : i32
      %broadcast_in_dim3A_163 = vector.broadcast %jit3A_162 : i32 to vector<16xi32>
      %select_n3A_164 = arith.select %and3A_161, %sub3A_154, %broadcast_in_dim3A_163 : vector<16xi1>, vector<16xi32>
      %swap3A_165 = arith.constant 0 : i32
      %swap3A_166 = arith.index_cast %swap3A_165 : i32 to index
      %swap3A_167 = arith.constant 80 : index
      %swap3A_168 = tpu.vector_load %arg7[%swap3A_166, %swap3A_167] {strides = array<i32>} : memref<1x128xi32, #tpu.memory_space<vmem>>, vector<1x16xi32>,
      %swap3A_169 = vector.shape_cast %swap3A_168 : vector<1x16xi32> to vector<16xi32>
      %swap3A_170 = vector.shape_cast %select_n3A_164 : vector<16xi32> to vector<1x16xi32>
      tpu.vector_store %arg7[%swap3A_166, %swap3A_167], %swap3A_170 {strides = array<i32>} : memref<1x128xi32, #tpu.memory_space<vmem>>, vector<1x16xi32>,
      %get3A_171 = arith.constant 96 : index
      %get3A_172 = tpu.vector_load %arg6[%get3A_171] {strides = array<i32>} : memref<128xi32, #tpu.memory_space<vmem>>, vector<16xi32>,
      %get3A_173 = vector.shape_cast %get3A_172 : vector<16xi32> to vector<16xi32>
      %sub3A_174 = vector.broadcast %add3A_25 : i32 to vector<16xi32>
      %sub3A_175 = arith.subi %get3A_173, %sub3A_174 : vector<16xi32>
      %ge3A_176 = arith.constant 0 : i32
      %ge3A_177 = vector.broadcast %ge3A_176 : i32 to vector<16xi32>
      %ge3A_178 = arith.cmpi sge, %sub3A_175, %ge3A_177 : vector<16xi32>
      %lt3A_179 = arith.constant 12500 : i32
      %lt3A_180 = vector.broadcast %lt3A_179 : i32 to vector<16xi32>
      %lt3A_181 = arith.cmpi slt, %sub3A_175, %lt3A_180 : vector<16xi32>
      %and3A_182 = arith.andi %ge3A_178, %lt3A_181 : vector<16xi1>
      %jit3A_183 = arith.constant 12500 : i32
      %broadcast_in_dim3A_184 = vector.broadcast %jit3A_183 : i32 to vector<16xi32>
      %select_n3A_185 = arith.select %and3A_182, %sub3A_175, %broadcast_in_dim3A_184 : vector<16xi1>, vector<16xi32>
      %swap3A_186 = arith.constant 0 : i32
      %swap3A_187 = arith.index_cast %swap3A_186 : i32 to index
      %swap3A_188 = arith.constant 96 : index
      %swap3A_189 = tpu.vector_load %arg7[%swap3A_187, %swap3A_188] {strides = array<i32>} : memref<1x128xi32, #tpu.memory_space<vmem>>, vector<1x16xi32>,
      %swap3A_190 = vector.shape_cast %swap3A_189 : vector<1x16xi32> to vector<16xi32>
      %swap3A_191 = vector.shape_cast %select_n3A_185 : vector<16xi32> to vector<1x16xi32>
      tpu.vector_store %arg7[%swap3A_187, %swap3A_188], %swap3A_191 {strides = array<i32>} : memref<1x128xi32, #tpu.memory_space<vmem>>, vector<1x16xi32>,
      %get3A_192 = arith.constant 112 : index
      %get3A_193 = tpu.vector_load %arg6[%get3A_192] {strides = array<i32>} : memref<128xi32, #tpu.memory_space<vmem>>, vector<16xi32>,
      %get3A_194 = vector.shape_cast %get3A_193 : vector<16xi32> to vector<16xi32>
      %sub3A_195 = vector.broadcast %add3A_25 : i32 to vector<16xi32>
      %sub3A_196 = arith.subi %get3A_194, %sub3A_195 : vector<16xi32>
      %ge3A_197 = arith.constant 0 : i32
      %ge3A_198 = vector.broadcast %ge3A_197 : i32 to vector<16xi32>
      %ge3A_199 = arith.cmpi sge, %sub3A_196, %ge3A_198 : vector<16xi32>
      %lt3A_200 = arith.constant 12500 : i32
      %lt3A_201 = vector.broadcast %lt3A_200 : i32 to vector<16xi32>
      %lt3A_202 = arith.cmpi slt, %sub3A_196, %lt3A_201 : vector<16xi32>
      %and3A_203 = arith.andi %ge3A_199, %lt3A_202 : vector<16xi1>
      %jit3A_204 = arith.constant 12500 : i32
      %broadcast_in_dim3A_205 = vector.broadcast %jit3A_204 : i32 to vector<16xi32>
      %select_n3A_206 = arith.select %and3A_203, %sub3A_196, %broadcast_in_dim3A_205 : vector<16xi1>, vector<16xi32>
      %swap3A_207 = arith.constant 0 : i32
      %swap3A_208 = arith.index_cast %swap3A_207 : i32 to index
      %swap3A_209 = arith.constant 112 : index
      %swap3A_210 = tpu.vector_load %arg7[%swap3A_208, %swap3A_209] {strides = array<i32>} : memref<1x128xi32, #tpu.memory_space<vmem>>, vector<1x16xi32>,
      %swap3A_211 = vector.shape_cast %swap3A_210 : vector<1x16xi32> to vector<16xi32>
      %swap3A_212 = vector.shape_cast %select_n3A_206 : vector<16xi32> to vector<1x16xi32>
      tpu.vector_store %arg7[%swap3A_208, %swap3A_209], %swap3A_212 {strides = array<i32>} : memref<1x128xi32, #tpu.memory_space<vmem>>, vector<1x16xi32>,
      %run_scoped3A = arith.constant 0 : i32
      "tpu.region"() ({
        %run_scoped3A_213 = tpu.sem_alloc : memref<!tpu.dma_semaphore, #tpu.memory_space<semaphore_mem>>
        %dma_start3A = arith.constant 0 : i32
        %dma_start3A_214 = tpu.memref_slice %arg7[%run_scoped3A, %dma_start3A] : memref<1x128xi32, #tpu.memory_space<vmem>> -> memref<1x128xi32, #tpu.memory_space<vmem>>
        %dma_start3A_215 = tpu.memref_squeeze %dma_start3A_214 : memref<1x128xi32, #tpu.memory_space<vmem>> -> memref<128xi32, #tpu.memory_space<vmem>>
        %dma_start3A_216 = arith.constant 0 : i32
        %dma_start3A_217 = arith.constant 0 : i32
        %dma_start3A_218 = tpu.memref_slice %arg9[%dma_start3A_216, %dma_start3A_217] : memref<12544x128xf32, #tpu.memory_space<vmem_shared>> -> memref<12544x128xf32, #tpu.memory_space<vmem_shared>>
        tpu.enqueue_indirect_dma source(%arg8 : memref<128x128xf32, #tpu.memory_space<vmem>>) target(%dma_start3A_218 : memref<12544x128xf32, #tpu.memory_space<vmem_shared>>) offsets(%dma_start3A_215 : memref<128xi32, #tpu.memory_space<vmem>>) semaphore(%run_scoped3A_213 : memref<!tpu.dma_semaphore, #tpu.memory_space<semaphore_mem>>) {add = true}
        %dma_wait3A = arith.constant 0 : i32
        %dma_wait3A_219 = tpu.memref_slice %arg7[%run_scoped3A, %dma_wait3A] : memref<1x128xi32, #tpu.memory_space<vmem>> -> memref<1x128xi32, #tpu.memory_space<vmem>>
        %dma_wait3A_220 = tpu.memref_squeeze %dma_wait3A_219 : memref<1x128xi32, #tpu.memory_space<vmem>> -> memref<128xi32, #tpu.memory_space<vmem>>
        %dma_wait3A_221 = arith.constant 0 : i32
        %dma_wait3A_222 = arith.constant 0 : i32
        %dma_wait3A_223 = tpu.memref_slice %arg9[%dma_wait3A_221, %dma_wait3A_222] : memref<12544x128xf32, #tpu.memory_space<vmem_shared>> -> memref<12544x128xf32, #tpu.memory_space<vmem_shared>>
        tpu.wait_indirect_dma semaphore(%run_scoped3A_213 : memref<!tpu.dma_semaphore, #tpu.memory_space<semaphore_mem>>) src(%arg8 : memref<128x128xf32, #tpu.memory_space<vmem>>) dst(%dma_wait3A_223 : memref<12544x128xf32, #tpu.memory_space<vmem_shared>>)
        tpu.yield
      }) : () -> ()
    }
    %scan3A_43 = arith.constant 392 : i32
    %barrier3A_44 = arith.constant 0 : index
    tpu.barrier barrier_id(%barrier3A_44)
    %mul3A_45 = arith.constant 784 : i32
    %mul3A_46 = arith.muli %arg1, %mul3A_45 : i32
    "tpu.region"() ({
      %run_scoped3A = tpu.sem_alloc : memref<!tpu.dma_semaphore, #tpu.memory_space<semaphore_mem>>
      %dma_start3A = arith.constant 0 : i32
      %dma_start3A_48 = tpu.memref_slice %arg5[%add3A_34, %dma_start3A] : memref<50176x128xf32, #tpu.memory_space<hbm>> -> memref<784x128xf32, #tpu.memory_space<hbm>>
      %dma_start3A_49 = arith.constant 0 : i32
      %dma_start3A_50 = tpu.memref_slice %arg9[%mul3A_46, %dma_start3A_49] : memref<12544x128xf32, #tpu.memory_space<vmem_shared>> -> memref<784x128xf32, #tpu.memory_space<vmem_shared>>
      tpu.enqueue_dma source(%dma_start3A_50 : memref<784x128xf32, #tpu.memory_space<vmem_shared>>) target(%dma_start3A_48 : memref<784x128xf32, #tpu.memory_space<hbm>>) target_semaphore(%run_scoped3A : memref<!tpu.dma_semaphore, #tpu.memory_space<semaphore_mem>>)
      %dma_wait3A = arith.constant 0 : i32
      %dma_wait3A_51 = tpu.memref_slice %arg5[%add3A_34, %dma_wait3A] : memref<50176x128xf32, #tpu.memory_space<hbm>> -> memref<784x128xf32, #tpu.memory_space<hbm>>
      %dma_wait3A_52 = arith.constant 0 : i32
      %dma_wait3A_53 = tpu.memref_slice %arg9[%mul3A_46, %dma_wait3A_52] : memref<12544x128xf32, #tpu.memory_space<vmem_shared>> -> memref<784x128xf32, #tpu.memory_space<vmem_shared>>
      tpu.wait_dma2 semaphore(%run_scoped3A : memref<!tpu.dma_semaphore, #tpu.memory_space<semaphore_mem>>) src(%dma_wait3A_53 : memref<784x128xf32, #tpu.memory_space<vmem_shared>>) dst(%dma_wait3A_51 : memref<784x128xf32, #tpu.memory_space<hbm>>)
      tpu.yield
    }) : () -> ()
    %barrier3A_47 = arith.constant 0 : index
    tpu.barrier barrier_id(%barrier3A_47)
    return
  }
}

#map = affine_map<(d0, d1) -> (0, 0)>
#map1 = affine_map<(d0, d1) -> (0)>
module attributes {stable_mosaic.version = 14 : i64} {
  func.func @_gather_body(%arg0: i32, %arg1: i32, %arg2: memref<50000x128xf32, #tpu.memory_space<hbm>>, %arg3: memref<50000x128xf32, #tpu.memory_space<hbm>>, %arg4: memref<802816xi32, #tpu.memory_space<hbm>>, %arg5: memref<802816xi32, #tpu.memory_space<hbm>>, %arg6: memref<802816x128xf32, #tpu.memory_space<hbm>>, %arg7: memref<802816x128xf32, #tpu.memory_space<hbm>>, %arg8: memref<128xi32, #tpu.memory_space<vmem>>, %arg9: memref<128x128xf32, #tpu.memory_space<vmem>>, %arg10: memref<!tpu.dma_semaphore, #tpu.memory_space<semaphore_mem>>) attributes {dimension_semantics = [#tpu.dimension_semantics<core_parallel>, #tpu.dimension_semantics<subcore_parallel>], iteration_bounds = array<i64: 2, 16>, scalar_prefetch = 0 : i64, scratch_operands = 3 : i64, tpu.core_type = #tpu.core_type<sc_vector_subcore>, window_params = [{transform_indices = #map}, {transform_indices = #map}, {transform_indices = #map1}, {transform_indices = #map1}, {transform_indices = #map}, {transform_indices = #map}]} {
    %mul3A = arith.constant 50176 : i32
    %mul3A_0 = arith.muli %arg1, %mul3A : i32
    %eq3A = arith.constant 0 : i32
    %eq3A_1 = arith.cmpi eq, %arg0, %eq3A : i32
    %convert_element_type3A = arith.extui %eq3A_1 : i1 to i32
    %cond3A = arith.constant 0 : i32
    %cond3A_2 = arith.cmpi ne, %convert_element_type3A, %cond3A : i32
    scf.if %cond3A_2 {
      %scan3A = arith.constant 0 : i32
      %scan3A_8 = arith.constant 0 : i32
      %scan3A_9 = arith.constant 392 : i32
      %scan3A_10 = arith.addi %scan3A_8, %scan3A_9 : i32
      %scan3A_11 = arith.constant 1 : i32
      scf.for %scan3A_13 = %scan3A_8 to %scan3A_10 step %scan3A_11  : i32 {
        %mul3A_14 = arith.constant 128 : i32
        %mul3A_15 = arith.muli %scan3A_13, %mul3A_14 : i32
        %add3A = arith.addi %mul3A_0, %mul3A_15 : i32
        %multiple_of3A = tpu.assume_multiple %add3A, 8 : i32
        "tpu.region"() ({
          %run_scoped3A = tpu.sem_alloc : memref<!tpu.dma_semaphore, #tpu.memory_space<semaphore_mem>>
          %dma_start3A_20 = tpu.memref_slice %arg4[%multiple_of3A] : memref<802816xi32, #tpu.memory_space<hbm>> -> memref<128xi32, #tpu.memory_space<hbm>>
          %dma_start3A_21 = tpu.memref_slice %arg4[%multiple_of3A] : memref<802816xi32, #tpu.memory_space<hbm>> -> memref<128xi32, #tpu.memory_space<hbm>>
          tpu.enqueue_dma source(%dma_start3A_21 : memref<128xi32, #tpu.memory_space<hbm>>) target(%arg8 : memref<128xi32, #tpu.memory_space<vmem>>) target_semaphore(%run_scoped3A : memref<!tpu.dma_semaphore, #tpu.memory_space<semaphore_mem>>)
          %dma_wait3A_22 = tpu.memref_slice %arg4[%multiple_of3A] : memref<802816xi32, #tpu.memory_space<hbm>> -> memref<128xi32, #tpu.memory_space<hbm>>
          %dma_wait3A_23 = tpu.memref_slice %arg4[%multiple_of3A] : memref<802816xi32, #tpu.memory_space<hbm>> -> memref<128xi32, #tpu.memory_space<hbm>>
          tpu.wait_dma2 semaphore(%run_scoped3A : memref<!tpu.dma_semaphore, #tpu.memory_space<semaphore_mem>>) src(%dma_wait3A_23 : memref<128xi32, #tpu.memory_space<hbm>>) dst(%arg8 : memref<128xi32, #tpu.memory_space<vmem>>)
          tpu.yield
        }) : () -> ()
        %dma_start3A = arith.constant 0 : i32
        %dma_start3A_16 = arith.constant 0 : i32
        %dma_start3A_17 = tpu.memref_slice %arg2[%dma_start3A, %dma_start3A_16] : memref<50000x128xf32, #tpu.memory_space<hbm>> -> memref<50000x128xf32, #tpu.memory_space<hbm>>
        tpu.enqueue_indirect_dma source(%dma_start3A_17 : memref<50000x128xf32, #tpu.memory_space<hbm>>) target(%arg9 : memref<128x128xf32, #tpu.memory_space<vmem>>) offsets(%arg8 : memref<128xi32, #tpu.memory_space<vmem>>) semaphore(%arg10 : memref<!tpu.dma_semaphore, #tpu.memory_space<semaphore_mem>>)
        %dma_wait3A = arith.constant 0 : i32
        %dma_wait3A_18 = arith.constant 0 : i32
        %dma_wait3A_19 = tpu.memref_slice %arg2[%dma_wait3A, %dma_wait3A_18] : memref<50000x128xf32, #tpu.memory_space<hbm>> -> memref<50000x128xf32, #tpu.memory_space<hbm>>
        tpu.wait_indirect_dma semaphore(%arg10 : memref<!tpu.dma_semaphore, #tpu.memory_space<semaphore_mem>>) src(%dma_wait3A_19 : memref<50000x128xf32, #tpu.memory_space<hbm>>) dst(%arg9 : memref<128x128xf32, #tpu.memory_space<vmem>>)
        "tpu.region"() ({
          %run_scoped3A = tpu.sem_alloc : memref<!tpu.dma_semaphore, #tpu.memory_space<semaphore_mem>>
          %dma_start3A_20 = arith.constant 0 : i32
          %dma_start3A_21 = tpu.memref_slice %arg6[%multiple_of3A, %dma_start3A_20] : memref<802816x128xf32, #tpu.memory_space<hbm>> -> memref<128x128xf32, #tpu.memory_space<hbm>>
          %dma_start3A_22 = arith.constant 0 : i32
          %dma_start3A_23 = tpu.memref_slice %arg6[%multiple_of3A, %dma_start3A_22] : memref<802816x128xf32, #tpu.memory_space<hbm>> -> memref<128x128xf32, #tpu.memory_space<hbm>>
          tpu.enqueue_dma source(%arg9 : memref<128x128xf32, #tpu.memory_space<vmem>>) target(%dma_start3A_23 : memref<128x128xf32, #tpu.memory_space<hbm>>) target_semaphore(%run_scoped3A : memref<!tpu.dma_semaphore, #tpu.memory_space<semaphore_mem>>)
          %dma_wait3A_24 = arith.constant 0 : i32
          %dma_wait3A_25 = tpu.memref_slice %arg6[%multiple_of3A, %dma_wait3A_24] : memref<802816x128xf32, #tpu.memory_space<hbm>> -> memref<128x128xf32, #tpu.memory_space<hbm>>
          %dma_wait3A_26 = arith.constant 0 : i32
          %dma_wait3A_27 = tpu.memref_slice %arg6[%multiple_of3A, %dma_wait3A_26] : memref<802816x128xf32, #tpu.memory_space<hbm>> -> memref<128x128xf32, #tpu.memory_space<hbm>>
          tpu.wait_dma2 semaphore(%run_scoped3A : memref<!tpu.dma_semaphore, #tpu.memory_space<semaphore_mem>>) src(%arg9 : memref<128x128xf32, #tpu.memory_space<vmem>>) dst(%dma_wait3A_27 : memref<128x128xf32, #tpu.memory_space<hbm>>)
          tpu.yield
        }) : () -> ()
      }
      %scan3A_12 = arith.constant 392 : i32
    } else {
    }
    %eq3A_3 = arith.constant 1 : i32
    %eq3A_4 = arith.cmpi eq, %arg0, %eq3A_3 : i32
    %convert_element_type3A_5 = arith.extui %eq3A_4 : i1 to i32
    %cond3A_6 = arith.constant 0 : i32
    %cond3A_7 = arith.cmpi ne, %convert_element_type3A_5, %cond3A_6 : i32
    scf.if %cond3A_7 {
      %scan3A = arith.constant 0 : i32
      %scan3A_8 = arith.constant 0 : i32
      %scan3A_9 = arith.constant 392 : i32
      %scan3A_10 = arith.addi %scan3A_8, %scan3A_9 : i32
      %scan3A_11 = arith.constant 1 : i32
      scf.for %scan3A_13 = %scan3A_8 to %scan3A_10 step %scan3A_11  : i32 {
        %mul3A_14 = arith.constant 128 : i32
        %mul3A_15 = arith.muli %scan3A_13, %mul3A_14 : i32
        %add3A = arith.addi %mul3A_0, %mul3A_15 : i32
        %multiple_of3A = tpu.assume_multiple %add3A, 8 : i32
        "tpu.region"() ({
          %run_scoped3A = tpu.sem_alloc : memref<!tpu.dma_semaphore, #tpu.memory_space<semaphore_mem>>
          %dma_start3A_20 = tpu.memref_slice %arg5[%multiple_of3A] : memref<802816xi32, #tpu.memory_space<hbm>> -> memref<128xi32, #tpu.memory_space<hbm>>
          %dma_start3A_21 = tpu.memref_slice %arg5[%multiple_of3A] : memref<802816xi32, #tpu.memory_space<hbm>> -> memref<128xi32, #tpu.memory_space<hbm>>
          tpu.enqueue_dma source(%dma_start3A_21 : memref<128xi32, #tpu.memory_space<hbm>>) target(%arg8 : memref<128xi32, #tpu.memory_space<vmem>>) target_semaphore(%run_scoped3A : memref<!tpu.dma_semaphore, #tpu.memory_space<semaphore_mem>>)
          %dma_wait3A_22 = tpu.memref_slice %arg5[%multiple_of3A] : memref<802816xi32, #tpu.memory_space<hbm>> -> memref<128xi32, #tpu.memory_space<hbm>>
          %dma_wait3A_23 = tpu.memref_slice %arg5[%multiple_of3A] : memref<802816xi32, #tpu.memory_space<hbm>> -> memref<128xi32, #tpu.memory_space<hbm>>
          tpu.wait_dma2 semaphore(%run_scoped3A : memref<!tpu.dma_semaphore, #tpu.memory_space<semaphore_mem>>) src(%dma_wait3A_23 : memref<128xi32, #tpu.memory_space<hbm>>) dst(%arg8 : memref<128xi32, #tpu.memory_space<vmem>>)
          tpu.yield
        }) : () -> ()
        %dma_start3A = arith.constant 0 : i32
        %dma_start3A_16 = arith.constant 0 : i32
        %dma_start3A_17 = tpu.memref_slice %arg3[%dma_start3A, %dma_start3A_16] : memref<50000x128xf32, #tpu.memory_space<hbm>> -> memref<50000x128xf32, #tpu.memory_space<hbm>>
        tpu.enqueue_indirect_dma source(%dma_start3A_17 : memref<50000x128xf32, #tpu.memory_space<hbm>>) target(%arg9 : memref<128x128xf32, #tpu.memory_space<vmem>>) offsets(%arg8 : memref<128xi32, #tpu.memory_space<vmem>>) semaphore(%arg10 : memref<!tpu.dma_semaphore, #tpu.memory_space<semaphore_mem>>)
        %dma_wait3A = arith.constant 0 : i32
        %dma_wait3A_18 = arith.constant 0 : i32
        %dma_wait3A_19 = tpu.memref_slice %arg3[%dma_wait3A, %dma_wait3A_18] : memref<50000x128xf32, #tpu.memory_space<hbm>> -> memref<50000x128xf32, #tpu.memory_space<hbm>>
        tpu.wait_indirect_dma semaphore(%arg10 : memref<!tpu.dma_semaphore, #tpu.memory_space<semaphore_mem>>) src(%dma_wait3A_19 : memref<50000x128xf32, #tpu.memory_space<hbm>>) dst(%arg9 : memref<128x128xf32, #tpu.memory_space<vmem>>)
        "tpu.region"() ({
          %run_scoped3A = tpu.sem_alloc : memref<!tpu.dma_semaphore, #tpu.memory_space<semaphore_mem>>
          %dma_start3A_20 = arith.constant 0 : i32
          %dma_start3A_21 = tpu.memref_slice %arg7[%multiple_of3A, %dma_start3A_20] : memref<802816x128xf32, #tpu.memory_space<hbm>> -> memref<128x128xf32, #tpu.memory_space<hbm>>
          %dma_start3A_22 = arith.constant 0 : i32
          %dma_start3A_23 = tpu.memref_slice %arg7[%multiple_of3A, %dma_start3A_22] : memref<802816x128xf32, #tpu.memory_space<hbm>> -> memref<128x128xf32, #tpu.memory_space<hbm>>
          tpu.enqueue_dma source(%arg9 : memref<128x128xf32, #tpu.memory_space<vmem>>) target(%dma_start3A_23 : memref<128x128xf32, #tpu.memory_space<hbm>>) target_semaphore(%run_scoped3A : memref<!tpu.dma_semaphore, #tpu.memory_space<semaphore_mem>>)
          %dma_wait3A_24 = arith.constant 0 : i32
          %dma_wait3A_25 = tpu.memref_slice %arg7[%multiple_of3A, %dma_wait3A_24] : memref<802816x128xf32, #tpu.memory_space<hbm>> -> memref<128x128xf32, #tpu.memory_space<hbm>>
          %dma_wait3A_26 = arith.constant 0 : i32
          %dma_wait3A_27 = tpu.memref_slice %arg7[%multiple_of3A, %dma_wait3A_26] : memref<802816x128xf32, #tpu.memory_space<hbm>> -> memref<128x128xf32, #tpu.memory_space<hbm>>
          tpu.wait_dma2 semaphore(%run_scoped3A : memref<!tpu.dma_semaphore, #tpu.memory_space<semaphore_mem>>) src(%arg9 : memref<128x128xf32, #tpu.memory_space<vmem>>) dst(%dma_wait3A_27 : memref<128x128xf32, #tpu.memory_space<hbm>>)
          tpu.yield
        }) : () -> ()
      }
      %scan3A_12 = arith.constant 392 : i32
    } else {
    }
    return
  }
}

#map = affine_map<(d0, d1) -> (0, 0)>
#map1 = affine_map<(d0, d1) -> (0)>
module attributes {stable_mosaic.version = 14 : i64} {
  func.func @_scatter_body(%arg0: i32, %arg1: i32, %arg2: memref<802816x128xf32, #tpu.memory_space<hbm>>, %arg3: memref<802816xi32, #tpu.memory_space<hbm>>, %arg4: memref<784x128xf32, #tpu.memory_space<hbm>>, %arg5: memref<50176x128xf32, #tpu.memory_space<hbm>>, %arg6: memref<128xi32, #tpu.memory_space<vmem>>, %arg7: memref<1x128xi32, #tpu.memory_space<vmem>>, %arg8: memref<128x128xf32, #tpu.memory_space<vmem>>, %arg9: memref<12544x128xf32, #tpu.memory_space<vmem_shared>>) attributes {dimension_semantics = [#tpu.dimension_semantics<core_parallel>, #tpu.dimension_semantics<subcore_parallel>], iteration_bounds = array<i64: 2, 16>, scalar_prefetch = 0 : i64, scratch_operands = 4 : i64, tpu.core_type = #tpu.core_type<sc_vector_subcore>, window_params = [{transform_indices = #map}, {transform_indices = #map1}, {transform_indices = #map}, {transform_indices = #map}]} {
    %mul3A = arith.constant 25000 : i32
    %mul3A_0 = arith.muli %arg0, %mul3A : i32
    %add3A = arith.constant 0 : i32
    %add3A_1 = arith.addi %mul3A_0, %add3A : i32
    %mul3A_2 = arith.constant 2 : i32
    %mul3A_3 = arith.muli %arg0, %mul3A_2 : i32
    %add3A_4 = arith.constant 0 : i32
    %add3A_5 = arith.addi %mul3A_3, %add3A_4 : i32
    %mul3A_6 = arith.constant 12544 : i32
    %mul3A_7 = arith.muli %add3A_5, %mul3A_6 : i32
    %mul3A_8 = arith.constant 784 : i32
    %mul3A_9 = arith.muli %arg1, %mul3A_8 : i32
    %add3A_10 = arith.addi %mul3A_7, %mul3A_9 : i32
    %mul3A_11 = arith.constant 784 : i32
    %mul3A_12 = arith.muli %arg1, %mul3A_11 : i32
    "tpu.region"() ({
      %run_scoped3A = tpu.sem_alloc : memref<!tpu.dma_semaphore, #tpu.memory_space<semaphore_mem>>
      %dma_start3A = arith.constant 0 : i32
      %dma_start3A_48 = tpu.memref_slice %arg9[%mul3A_12, %dma_start3A] : memref<12544x128xf32, #tpu.memory_space<vmem_shared>> -> memref<784x128xf32, #tpu.memory_space<vmem_shared>>
      tpu.enqueue_dma source(%arg4 : memref<784x128xf32, #tpu.memory_space<hbm>>) target(%dma_start3A_48 : memref<784x128xf32, #tpu.memory_space<vmem_shared>>) target_semaphore(%run_scoped3A : memref<!tpu.dma_semaphore, #tpu.memory_space<semaphore_mem>>)
      %dma_wait3A = arith.constant 0 : i32
      %dma_wait3A_49 = tpu.memref_slice %arg9[%mul3A_12, %dma_wait3A] : memref<12544x128xf32, #tpu.memory_space<vmem_shared>> -> memref<784x128xf32, #tpu.memory_space<vmem_shared>>
      tpu.wait_dma2 semaphore(%run_scoped3A : memref<!tpu.dma_semaphore, #tpu.memory_space<semaphore_mem>>) src(%arg4 : memref<784x128xf32, #tpu.memory_space<hbm>>) dst(%dma_wait3A_49 : memref<784x128xf32, #tpu.memory_space<vmem_shared>>)
      tpu.yield
    }) : () -> ()
    %barrier3A = arith.constant 0 : index
    tpu.barrier barrier_id(%barrier3A)
    %scan3A = arith.constant 0 : i32
    %scan3A_13 = arith.constant 0 : i32
    %scan3A_14 = arith.constant 392 : i32
    %scan3A_15 = arith.addi %scan3A_13, %scan3A_14 : i32
    %scan3A_16 = arith.constant 1 : i32
    scf.for %scan3A_48 = %scan3A_13 to %scan3A_15 step %scan3A_16  : i32 {
      %mul3A_49 = arith.constant 50176 : i32
      %mul3A_50 = arith.muli %arg1, %mul3A_49 : i32
      %mul3A_51 = arith.constant 128 : i32
      %mul3A_52 = arith.muli %scan3A_48, %mul3A_51 : i32
      %add3A_53 = arith.addi %mul3A_50, %mul3A_52 : i32
      %multiple_of3A = tpu.assume_multiple %add3A_53, 8 : i32
      "tpu.region"() ({
        %run_scoped3A_213 = tpu.sem_alloc : memref<!tpu.dma_semaphore, #tpu.memory_space<semaphore_mem>>
        %dma_start3A = tpu.memref_slice %arg3[%multiple_of3A] : memref<802816xi32, #tpu.memory_space<hbm>> -> memref<128xi32, #tpu.memory_space<hbm>>
        %dma_start3A_214 = tpu.memref_slice %arg3[%multiple_of3A] : memref<802816xi32, #tpu.memory_space<hbm>> -> memref<128xi32, #tpu.memory_space<hbm>>
        tpu.enqueue_dma source(%dma_start3A_214 : memref<128xi32, #tpu.memory_space<hbm>>) target(%arg6 : memref<128xi32, #tpu.memory_space<vmem>>) target_semaphore(%run_scoped3A_213 : memref<!tpu.dma_semaphore, #tpu.memory_space<semaphore_mem>>)
        %dma_wait3A = tpu.memref_slice %arg3[%multiple_of3A] : memref<802816xi32, #tpu.memory_space<hbm>> -> memref<128xi32, #tpu.memory_space<hbm>>
        %dma_wait3A_215 = tpu.memref_slice %arg3[%multiple_of3A] : memref<802816xi32, #tpu.memory_space<hbm>> -> memref<128xi32, #tpu.memory_space<hbm>>
        tpu.wait_dma2 semaphore(%run_scoped3A_213 : memref<!tpu.dma_semaphore, #tpu.memory_space<semaphore_mem>>) src(%dma_wait3A_215 : memref<128xi32, #tpu.memory_space<hbm>>) dst(%arg6 : memref<128xi32, #tpu.memory_space<vmem>>)
        tpu.yield
      }) : () -> ()
      "tpu.region"() ({
        %run_scoped3A_213 = tpu.sem_alloc : memref<!tpu.dma_semaphore, #tpu.memory_space<semaphore_mem>>
        %dma_start3A = arith.constant 0 : i32
        %dma_start3A_214 = tpu.memref_slice %arg2[%multiple_of3A, %dma_start3A] : memref<802816x128xf32, #tpu.memory_space<hbm>> -> memref<128x128xf32, #tpu.memory_space<hbm>>
        %dma_start3A_215 = arith.constant 0 : i32
        %dma_start3A_216 = tpu.memref_slice %arg2[%multiple_of3A, %dma_start3A_215] : memref<802816x128xf32, #tpu.memory_space<hbm>> -> memref<128x128xf32, #tpu.memory_space<hbm>>
        tpu.enqueue_dma source(%dma_start3A_216 : memref<128x128xf32, #tpu.memory_space<hbm>>) target(%arg8 : memref<128x128xf32, #tpu.memory_space<vmem>>) target_semaphore(%run_scoped3A_213 : memref<!tpu.dma_semaphore, #tpu.memory_space<semaphore_mem>>)
        %dma_wait3A = arith.constant 0 : i32
        %dma_wait3A_217 = tpu.memref_slice %arg2[%multiple_of3A, %dma_wait3A] : memref<802816x128xf32, #tpu.memory_space<hbm>> -> memref<128x128xf32, #tpu.memory_space<hbm>>
        %dma_wait3A_218 = arith.constant 0 : i32
        %dma_wait3A_219 = tpu.memref_slice %arg2[%multiple_of3A, %dma_wait3A_218] : memref<802816x128xf32, #tpu.memory_space<hbm>> -> memref<128x128xf32, #tpu.memory_space<hbm>>
        tpu.wait_dma2 semaphore(%run_scoped3A_213 : memref<!tpu.dma_semaphore, #tpu.memory_space<semaphore_mem>>) src(%dma_wait3A_219 : memref<128x128xf32, #tpu.memory_space<hbm>>) dst(%arg8 : memref<128x128xf32, #tpu.memory_space<vmem>>)
        tpu.yield
      }) : () -> ()
      %get3A = arith.constant 0 : index
      %get3A_54 = tpu.vector_load %arg6[%get3A] {strides = array<i32>} : memref<128xi32, #tpu.memory_space<vmem>>, vector<16xi32>,
      %get3A_55 = vector.shape_cast %get3A_54 : vector<16xi32> to vector<16xi32>
      %sub3A = vector.broadcast %add3A_1 : i32 to vector<16xi32>
      %sub3A_56 = arith.subi %get3A_55, %sub3A : vector<16xi32>
      %ge3A = arith.constant 0 : i32
      %ge3A_57 = vector.broadcast %ge3A : i32 to vector<16xi32>
      %ge3A_58 = arith.cmpi sge, %sub3A_56, %ge3A_57 : vector<16xi32>
      %lt3A = arith.constant 12500 : i32
      %lt3A_59 = vector.broadcast %lt3A : i32 to vector<16xi32>
      %lt3A_60 = arith.cmpi slt, %sub3A_56, %lt3A_59 : vector<16xi32>
      %and3A = arith.andi %ge3A_58, %lt3A_60 : vector<16xi1>
      %jit3A = arith.constant 12500 : i32
      %broadcast_in_dim3A = vector.broadcast %jit3A : i32 to vector<16xi32>
      %select_n3A = arith.select %and3A, %sub3A_56, %broadcast_in_dim3A : vector<16xi1>, vector<16xi32>
      %swap3A = arith.constant 0 : i32
      %swap3A_61 = arith.index_cast %swap3A : i32 to index
      %swap3A_62 = arith.constant 0 : index
      %swap3A_63 = tpu.vector_load %arg7[%swap3A_61, %swap3A_62] {strides = array<i32>} : memref<1x128xi32, #tpu.memory_space<vmem>>, vector<1x16xi32>,
      %swap3A_64 = vector.shape_cast %swap3A_63 : vector<1x16xi32> to vector<16xi32>
      %swap3A_65 = vector.shape_cast %select_n3A : vector<16xi32> to vector<1x16xi32>
      tpu.vector_store %arg7[%swap3A_61, %swap3A_62], %swap3A_65 {strides = array<i32>} : memref<1x128xi32, #tpu.memory_space<vmem>>, vector<1x16xi32>,
      %get3A_66 = arith.constant 16 : index
      %get3A_67 = tpu.vector_load %arg6[%get3A_66] {strides = array<i32>} : memref<128xi32, #tpu.memory_space<vmem>>, vector<16xi32>,
      %get3A_68 = vector.shape_cast %get3A_67 : vector<16xi32> to vector<16xi32>
      %sub3A_69 = vector.broadcast %add3A_1 : i32 to vector<16xi32>
      %sub3A_70 = arith.subi %get3A_68, %sub3A_69 : vector<16xi32>
      %ge3A_71 = arith.constant 0 : i32
      %ge3A_72 = vector.broadcast %ge3A_71 : i32 to vector<16xi32>
      %ge3A_73 = arith.cmpi sge, %sub3A_70, %ge3A_72 : vector<16xi32>
      %lt3A_74 = arith.constant 12500 : i32
      %lt3A_75 = vector.broadcast %lt3A_74 : i32 to vector<16xi32>
      %lt3A_76 = arith.cmpi slt, %sub3A_70, %lt3A_75 : vector<16xi32>
      %and3A_77 = arith.andi %ge3A_73, %lt3A_76 : vector<16xi1>
      %jit3A_78 = arith.constant 12500 : i32
      %broadcast_in_dim3A_79 = vector.broadcast %jit3A_78 : i32 to vector<16xi32>
      %select_n3A_80 = arith.select %and3A_77, %sub3A_70, %broadcast_in_dim3A_79 : vector<16xi1>, vector<16xi32>
      %swap3A_81 = arith.constant 0 : i32
      %swap3A_82 = arith.index_cast %swap3A_81 : i32 to index
      %swap3A_83 = arith.constant 16 : index
      %swap3A_84 = tpu.vector_load %arg7[%swap3A_82, %swap3A_83] {strides = array<i32>} : memref<1x128xi32, #tpu.memory_space<vmem>>, vector<1x16xi32>,
      %swap3A_85 = vector.shape_cast %swap3A_84 : vector<1x16xi32> to vector<16xi32>
      %swap3A_86 = vector.shape_cast %select_n3A_80 : vector<16xi32> to vector<1x16xi32>
      tpu.vector_store %arg7[%swap3A_82, %swap3A_83], %swap3A_86 {strides = array<i32>} : memref<1x128xi32, #tpu.memory_space<vmem>>, vector<1x16xi32>,
      %get3A_87 = arith.constant 32 : index
      %get3A_88 = tpu.vector_load %arg6[%get3A_87] {strides = array<i32>} : memref<128xi32, #tpu.memory_space<vmem>>, vector<16xi32>,
      %get3A_89 = vector.shape_cast %get3A_88 : vector<16xi32> to vector<16xi32>
      %sub3A_90 = vector.broadcast %add3A_1 : i32 to vector<16xi32>
      %sub3A_91 = arith.subi %get3A_89, %sub3A_90 : vector<16xi32>
      %ge3A_92 = arith.constant 0 : i32
      %ge3A_93 = vector.broadcast %ge3A_92 : i32 to vector<16xi32>
      %ge3A_94 = arith.cmpi sge, %sub3A_91, %ge3A_93 : vector<16xi32>
      %lt3A_95 = arith.constant 12500 : i32
      %lt3A_96 = vector.broadcast %lt3A_95 : i32 to vector<16xi32>
      %lt3A_97 = arith.cmpi slt, %sub3A_91, %lt3A_96 : vector<16xi32>
      %and3A_98 = arith.andi %ge3A_94, %lt3A_97 : vector<16xi1>
      %jit3A_99 = arith.constant 12500 : i32
      %broadcast_in_dim3A_100 = vector.broadcast %jit3A_99 : i32 to vector<16xi32>
      %select_n3A_101 = arith.select %and3A_98, %sub3A_91, %broadcast_in_dim3A_100 : vector<16xi1>, vector<16xi32>
      %swap3A_102 = arith.constant 0 : i32
      %swap3A_103 = arith.index_cast %swap3A_102 : i32 to index
      %swap3A_104 = arith.constant 32 : index
      %swap3A_105 = tpu.vector_load %arg7[%swap3A_103, %swap3A_104] {strides = array<i32>} : memref<1x128xi32, #tpu.memory_space<vmem>>, vector<1x16xi32>,
      %swap3A_106 = vector.shape_cast %swap3A_105 : vector<1x16xi32> to vector<16xi32>
      %swap3A_107 = vector.shape_cast %select_n3A_101 : vector<16xi32> to vector<1x16xi32>
      tpu.vector_store %arg7[%swap3A_103, %swap3A_104], %swap3A_107 {strides = array<i32>} : memref<1x128xi32, #tpu.memory_space<vmem>>, vector<1x16xi32>,
      %get3A_108 = arith.constant 48 : index
      %get3A_109 = tpu.vector_load %arg6[%get3A_108] {strides = array<i32>} : memref<128xi32, #tpu.memory_space<vmem>>, vector<16xi32>,
      %get3A_110 = vector.shape_cast %get3A_109 : vector<16xi32> to vector<16xi32>
      %sub3A_111 = vector.broadcast %add3A_1 : i32 to vector<16xi32>
      %sub3A_112 = arith.subi %get3A_110, %sub3A_111 : vector<16xi32>
      %ge3A_113 = arith.constant 0 : i32
      %ge3A_114 = vector.broadcast %ge3A_113 : i32 to vector<16xi32>
      %ge3A_115 = arith.cmpi sge, %sub3A_112, %ge3A_114 : vector<16xi32>
      %lt3A_116 = arith.constant 12500 : i32
      %lt3A_117 = vector.broadcast %lt3A_116 : i32 to vector<16xi32>
      %lt3A_118 = arith.cmpi slt, %sub3A_112, %lt3A_117 : vector<16xi32>
      %and3A_119 = arith.andi %ge3A_115, %lt3A_118 : vector<16xi1>
      %jit3A_120 = arith.constant 12500 : i32
      %broadcast_in_dim3A_121 = vector.broadcast %jit3A_120 : i32 to vector<16xi32>
      %select_n3A_122 = arith.select %and3A_119, %sub3A_112, %broadcast_in_dim3A_121 : vector<16xi1>, vector<16xi32>
      %swap3A_123 = arith.constant 0 : i32
      %swap3A_124 = arith.index_cast %swap3A_123 : i32 to index
      %swap3A_125 = arith.constant 48 : index
      %swap3A_126 = tpu.vector_load %arg7[%swap3A_124, %swap3A_125] {strides = array<i32>} : memref<1x128xi32, #tpu.memory_space<vmem>>, vector<1x16xi32>,
      %swap3A_127 = vector.shape_cast %swap3A_126 : vector<1x16xi32> to vector<16xi32>
      %swap3A_128 = vector.shape_cast %select_n3A_122 : vector<16xi32> to vector<1x16xi32>
      tpu.vector_store %arg7[%swap3A_124, %swap3A_125], %swap3A_128 {strides = array<i32>} : memref<1x128xi32, #tpu.memory_space<vmem>>, vector<1x16xi32>,
      %get3A_129 = arith.constant 64 : index
      %get3A_130 = tpu.vector_load %arg6[%get3A_129] {strides = array<i32>} : memref<128xi32, #tpu.memory_space<vmem>>, vector<16xi32>,
      %get3A_131 = vector.shape_cast %get3A_130 : vector<16xi32> to vector<16xi32>
      %sub3A_132 = vector.broadcast %add3A_1 : i32 to vector<16xi32>
      %sub3A_133 = arith.subi %get3A_131, %sub3A_132 : vector<16xi32>
      %ge3A_134 = arith.constant 0 : i32
      %ge3A_135 = vector.broadcast %ge3A_134 : i32 to vector<16xi32>
      %ge3A_136 = arith.cmpi sge, %sub3A_133, %ge3A_135 : vector<16xi32>
      %lt3A_137 = arith.constant 12500 : i32
      %lt3A_138 = vector.broadcast %lt3A_137 : i32 to vector<16xi32>
      %lt3A_139 = arith.cmpi slt, %sub3A_133, %lt3A_138 : vector<16xi32>
      %and3A_140 = arith.andi %ge3A_136, %lt3A_139 : vector<16xi1>
      %jit3A_141 = arith.constant 12500 : i32
      %broadcast_in_dim3A_142 = vector.broadcast %jit3A_141 : i32 to vector<16xi32>
      %select_n3A_143 = arith.select %and3A_140, %sub3A_133, %broadcast_in_dim3A_142 : vector<16xi1>, vector<16xi32>
      %swap3A_144 = arith.constant 0 : i32
      %swap3A_145 = arith.index_cast %swap3A_144 : i32 to index
      %swap3A_146 = arith.constant 64 : index
      %swap3A_147 = tpu.vector_load %arg7[%swap3A_145, %swap3A_146] {strides = array<i32>} : memref<1x128xi32, #tpu.memory_space<vmem>>, vector<1x16xi32>,
      %swap3A_148 = vector.shape_cast %swap3A_147 : vector<1x16xi32> to vector<16xi32>
      %swap3A_149 = vector.shape_cast %select_n3A_143 : vector<16xi32> to vector<1x16xi32>
      tpu.vector_store %arg7[%swap3A_145, %swap3A_146], %swap3A_149 {strides = array<i32>} : memref<1x128xi32, #tpu.memory_space<vmem>>, vector<1x16xi32>,
      %get3A_150 = arith.constant 80 : index
      %get3A_151 = tpu.vector_load %arg6[%get3A_150] {strides = array<i32>} : memref<128xi32, #tpu.memory_space<vmem>>, vector<16xi32>,
      %get3A_152 = vector.shape_cast %get3A_151 : vector<16xi32> to vector<16xi32>
      %sub3A_153 = vector.broadcast %add3A_1 : i32 to vector<16xi32>
      %sub3A_154 = arith.subi %get3A_152, %sub3A_153 : vector<16xi32>
      %ge3A_155 = arith.constant 0 : i32
      %ge3A_156 = vector.broadcast %ge3A_155 : i32 to vector<16xi32>
      %ge3A_157 = arith.cmpi sge, %sub3A_154, %ge3A_156 : vector<16xi32>
      %lt3A_158 = arith.constant 12500 : i32
      %lt3A_159 = vector.broadcast %lt3A_158 : i32 to vector<16xi32>
      %lt3A_160 = arith.cmpi slt, %sub3A_154, %lt3A_159 : vector<16xi32>
      %and3A_161 = arith.andi %ge3A_157, %lt3A_160 : vector<16xi1>
      %jit3A_162 = arith.constant 12500 : i32
      %broadcast_in_dim3A_163 = vector.broadcast %jit3A_162 : i32 to vector<16xi32>
      %select_n3A_164 = arith.select %and3A_161, %sub3A_154, %broadcast_in_dim3A_163 : vector<16xi1>, vector<16xi32>
      %swap3A_165 = arith.constant 0 : i32
      %swap3A_166 = arith.index_cast %swap3A_165 : i32 to index
      %swap3A_167 = arith.constant 80 : index
      %swap3A_168 = tpu.vector_load %arg7[%swap3A_166, %swap3A_167] {strides = array<i32>} : memref<1x128xi32, #tpu.memory_space<vmem>>, vector<1x16xi32>,
      %swap3A_169 = vector.shape_cast %swap3A_168 : vector<1x16xi32> to vector<16xi32>
      %swap3A_170 = vector.shape_cast %select_n3A_164 : vector<16xi32> to vector<1x16xi32>
      tpu.vector_store %arg7[%swap3A_166, %swap3A_167], %swap3A_170 {strides = array<i32>} : memref<1x128xi32, #tpu.memory_space<vmem>>, vector<1x16xi32>,
      %get3A_171 = arith.constant 96 : index
      %get3A_172 = tpu.vector_load %arg6[%get3A_171] {strides = array<i32>} : memref<128xi32, #tpu.memory_space<vmem>>, vector<16xi32>,
      %get3A_173 = vector.shape_cast %get3A_172 : vector<16xi32> to vector<16xi32>
      %sub3A_174 = vector.broadcast %add3A_1 : i32 to vector<16xi32>
      %sub3A_175 = arith.subi %get3A_173, %sub3A_174 : vector<16xi32>
      %ge3A_176 = arith.constant 0 : i32
      %ge3A_177 = vector.broadcast %ge3A_176 : i32 to vector<16xi32>
      %ge3A_178 = arith.cmpi sge, %sub3A_175, %ge3A_177 : vector<16xi32>
      %lt3A_179 = arith.constant 12500 : i32
      %lt3A_180 = vector.broadcast %lt3A_179 : i32 to vector<16xi32>
      %lt3A_181 = arith.cmpi slt, %sub3A_175, %lt3A_180 : vector<16xi32>
      %and3A_182 = arith.andi %ge3A_178, %lt3A_181 : vector<16xi1>
      %jit3A_183 = arith.constant 12500 : i32
      %broadcast_in_dim3A_184 = vector.broadcast %jit3A_183 : i32 to vector<16xi32>
      %select_n3A_185 = arith.select %and3A_182, %sub3A_175, %broadcast_in_dim3A_184 : vector<16xi1>, vector<16xi32>
      %swap3A_186 = arith.constant 0 : i32
      %swap3A_187 = arith.index_cast %swap3A_186 : i32 to index
      %swap3A_188 = arith.constant 96 : index
      %swap3A_189 = tpu.vector_load %arg7[%swap3A_187, %swap3A_188] {strides = array<i32>} : memref<1x128xi32, #tpu.memory_space<vmem>>, vector<1x16xi32>,
      %swap3A_190 = vector.shape_cast %swap3A_189 : vector<1x16xi32> to vector<16xi32>
      %swap3A_191 = vector.shape_cast %select_n3A_185 : vector<16xi32> to vector<1x16xi32>
      tpu.vector_store %arg7[%swap3A_187, %swap3A_188], %swap3A_191 {strides = array<i32>} : memref<1x128xi32, #tpu.memory_space<vmem>>, vector<1x16xi32>,
      %get3A_192 = arith.constant 112 : index
      %get3A_193 = tpu.vector_load %arg6[%get3A_192] {strides = array<i32>} : memref<128xi32, #tpu.memory_space<vmem>>, vector<16xi32>,
      %get3A_194 = vector.shape_cast %get3A_193 : vector<16xi32> to vector<16xi32>
      %sub3A_195 = vector.broadcast %add3A_1 : i32 to vector<16xi32>
      %sub3A_196 = arith.subi %get3A_194, %sub3A_195 : vector<16xi32>
      %ge3A_197 = arith.constant 0 : i32
      %ge3A_198 = vector.broadcast %ge3A_197 : i32 to vector<16xi32>
      %ge3A_199 = arith.cmpi sge, %sub3A_196, %ge3A_198 : vector<16xi32>
      %lt3A_200 = arith.constant 12500 : i32
      %lt3A_201 = vector.broadcast %lt3A_200 : i32 to vector<16xi32>
      %lt3A_202 = arith.cmpi slt, %sub3A_196, %lt3A_201 : vector<16xi32>
      %and3A_203 = arith.andi %ge3A_199, %lt3A_202 : vector<16xi1>
      %jit3A_204 = arith.constant 12500 : i32
      %broadcast_in_dim3A_205 = vector.broadcast %jit3A_204 : i32 to vector<16xi32>
      %select_n3A_206 = arith.select %and3A_203, %sub3A_196, %broadcast_in_dim3A_205 : vector<16xi1>, vector<16xi32>
      %swap3A_207 = arith.constant 0 : i32
      %swap3A_208 = arith.index_cast %swap3A_207 : i32 to index
      %swap3A_209 = arith.constant 112 : index
      %swap3A_210 = tpu.vector_load %arg7[%swap3A_208, %swap3A_209] {strides = array<i32>} : memref<1x128xi32, #tpu.memory_space<vmem>>, vector<1x16xi32>,
      %swap3A_211 = vector.shape_cast %swap3A_210 : vector<1x16xi32> to vector<16xi32>
      %swap3A_212 = vector.shape_cast %select_n3A_206 : vector<16xi32> to vector<1x16xi32>
      tpu.vector_store %arg7[%swap3A_208, %swap3A_209], %swap3A_212 {strides = array<i32>} : memref<1x128xi32, #tpu.memory_space<vmem>>, vector<1x16xi32>,
      %run_scoped3A = arith.constant 0 : i32
      "tpu.region"() ({
        %run_scoped3A_213 = tpu.sem_alloc : memref<!tpu.dma_semaphore, #tpu.memory_space<semaphore_mem>>
        %dma_start3A = arith.constant 0 : i32
        %dma_start3A_214 = tpu.memref_slice %arg7[%run_scoped3A, %dma_start3A] : memref<1x128xi32, #tpu.memory_space<vmem>> -> memref<1x128xi32, #tpu.memory_space<vmem>>
        %dma_start3A_215 = tpu.memref_squeeze %dma_start3A_214 : memref<1x128xi32, #tpu.memory_space<vmem>> -> memref<128xi32, #tpu.memory_space<vmem>>
        %dma_start3A_216 = arith.constant 0 : i32
        %dma_start3A_217 = arith.constant 0 : i32
        %dma_start3A_218 = tpu.memref_slice %arg9[%dma_start3A_216, %dma_start3A_217] : memref<12544x128xf32, #tpu.memory_space<vmem_shared>> -> memref<12544x128xf32, #tpu.memory_space<vmem_shared>>
        tpu.enqueue_indirect_dma source(%arg8 : memref<128x128xf32, #tpu.memory_space<vmem>>) target(%dma_start3A_218 : memref<12544x128xf32, #tpu.memory_space<vmem_shared>>) offsets(%dma_start3A_215 : memref<128xi32, #tpu.memory_space<vmem>>) semaphore(%run_scoped3A_213 : memref<!tpu.dma_semaphore, #tpu.memory_space<semaphore_mem>>) {add = true}
        %dma_wait3A = arith.constant 0 : i32
        %dma_wait3A_219 = tpu.memref_slice %arg7[%run_scoped3A, %dma_wait3A] : memref<1x128xi32, #tpu.memory_space<vmem>> -> memref<1x128xi32, #tpu.memory_space<vmem>>
        %dma_wait3A_220 = tpu.memref_squeeze %dma_wait3A_219 : memref<1x128xi32, #tpu.memory_space<vmem>> -> memref<128xi32, #tpu.memory_space<vmem>>
        %dma_wait3A_221 = arith.constant 0 : i32
        %dma_wait3A_222 = arith.constant 0 : i32
        %dma_wait3A_223 = tpu.memref_slice %arg9[%dma_wait3A_221, %dma_wait3A_222] : memref<12544x128xf32, #tpu.memory_space<vmem_shared>> -> memref<12544x128xf32, #tpu.memory_space<vmem_shared>>
        tpu.wait_indirect_dma semaphore(%run_scoped3A_213 : memref<!tpu.dma_semaphore, #tpu.memory_space<semaphore_mem>>) src(%arg8 : memref<128x128xf32, #tpu.memory_space<vmem>>) dst(%dma_wait3A_223 : memref<12544x128xf32, #tpu.memory_space<vmem_shared>>)
        tpu.yield
      }) : () -> ()
    }
    %scan3A_17 = arith.constant 392 : i32
    %barrier3A_18 = arith.constant 0 : index
    tpu.barrier barrier_id(%barrier3A_18)
    %mul3A_19 = arith.constant 784 : i32
    %mul3A_20 = arith.muli %arg1, %mul3A_19 : i32
    "tpu.region"() ({
      %run_scoped3A = tpu.sem_alloc : memref<!tpu.dma_semaphore, #tpu.memory_space<semaphore_mem>>
      %dma_start3A = arith.constant 0 : i32
      %dma_start3A_48 = tpu.memref_slice %arg5[%add3A_10, %dma_start3A] : memref<50176x128xf32, #tpu.memory_space<hbm>> -> memref<784x128xf32, #tpu.memory_space<hbm>>
      %dma_start3A_49 = arith.constant 0 : i32
      %dma_start3A_50 = tpu.memref_slice %arg9[%mul3A_20, %dma_start3A_49] : memref<12544x128xf32, #tpu.memory_space<vmem_shared>> -> memref<784x128xf32, #tpu.memory_space<vmem_shared>>
      tpu.enqueue_dma source(%dma_start3A_50 : memref<784x128xf32, #tpu.memory_space<vmem_shared>>) target(%dma_start3A_48 : memref<784x128xf32, #tpu.memory_space<hbm>>) target_semaphore(%run_scoped3A : memref<!tpu.dma_semaphore, #tpu.memory_space<semaphore_mem>>)
      %dma_wait3A = arith.constant 0 : i32
      %dma_wait3A_51 = tpu.memref_slice %arg5[%add3A_10, %dma_wait3A] : memref<50176x128xf32, #tpu.memory_space<hbm>> -> memref<784x128xf32, #tpu.memory_space<hbm>>
      %dma_wait3A_52 = arith.constant 0 : i32
      %dma_wait3A_53 = tpu.memref_slice %arg9[%mul3A_20, %dma_wait3A_52] : memref<12544x128xf32, #tpu.memory_space<vmem_shared>> -> memref<784x128xf32, #tpu.memory_space<vmem_shared>>
      tpu.wait_dma2 semaphore(%run_scoped3A : memref<!tpu.dma_semaphore, #tpu.memory_space<semaphore_mem>>) src(%dma_wait3A_53 : memref<784x128xf32, #tpu.memory_space<vmem_shared>>) dst(%dma_wait3A_51 : memref<784x128xf32, #tpu.memory_space<hbm>>)
      tpu.yield
    }) : () -> ()
    %barrier3A_21 = arith.constant 0 : index
    tpu.barrier barrier_id(%barrier3A_21)
    %mul3A_22 = arith.constant 25000 : i32
    %mul3A_23 = arith.muli %arg0, %mul3A_22 : i32
    %add3A_24 = arith.constant 12500 : i32
    %add3A_25 = arith.addi %mul3A_23, %add3A_24 : i32
    %mul3A_26 = arith.constant 2 : i32
    %mul3A_27 = arith.muli %arg0, %mul3A_26 : i32
    %add3A_28 = arith.constant 1 : i32
    %add3A_29 = arith.addi %mul3A_27, %add3A_28 : i32
    %mul3A_30 = arith.constant 12544 : i32
    %mul3A_31 = arith.muli %add3A_29, %mul3A_30 : i32
    %mul3A_32 = arith.constant 784 : i32
    %mul3A_33 = arith.muli %arg1, %mul3A_32 : i32
    %add3A_34 = arith.addi %mul3A_31, %mul3A_33 : i32
    %mul3A_35 = arith.constant 784 : i32
    %mul3A_36 = arith.muli %arg1, %mul3A_35 : i32
    "tpu.region"() ({
      %run_scoped3A = tpu.sem_alloc : memref<!tpu.dma_semaphore, #tpu.memory_space<semaphore_mem>>
      %dma_start3A = arith.constant 0 : i32
      %dma_start3A_48 = tpu.memref_slice %arg9[%mul3A_36, %dma_start3A] : memref<12544x128xf32, #tpu.memory_space<vmem_shared>> -> memref<784x128xf32, #tpu.memory_space<vmem_shared>>
      tpu.enqueue_dma source(%arg4 : memref<784x128xf32, #tpu.memory_space<hbm>>) target(%dma_start3A_48 : memref<784x128xf32, #tpu.memory_space<vmem_shared>>) target_semaphore(%run_scoped3A : memref<!tpu.dma_semaphore, #tpu.memory_space<semaphore_mem>>)
      %dma_wait3A = arith.constant 0 : i32
      %dma_wait3A_49 = tpu.memref_slice %arg9[%mul3A_36, %dma_wait3A] : memref<12544x128xf32, #tpu.memory_space<vmem_shared>> -> memref<784x128xf32, #tpu.memory_space<vmem_shared>>
      tpu.wait_dma2 semaphore(%run_scoped3A : memref<!tpu.dma_semaphore, #tpu.memory_space<semaphore_mem>>) src(%arg4 : memref<784x128xf32, #tpu.memory_space<hbm>>) dst(%dma_wait3A_49 : memref<784x128xf32, #tpu.memory_space<vmem_shared>>)
      tpu.yield
    }) : () -> ()
    %barrier3A_37 = arith.constant 0 : index
    tpu.barrier barrier_id(%barrier3A_37)
    %scan3A_38 = arith.constant 0 : i32
    %scan3A_39 = arith.constant 0 : i32
    %scan3A_40 = arith.constant 392 : i32
    %scan3A_41 = arith.addi %scan3A_39, %scan3A_40 : i32
    %scan3A_42 = arith.constant 1 : i32
    scf.for %scan3A_48 = %scan3A_39 to %scan3A_41 step %scan3A_42  : i32 {
      %mul3A_49 = arith.constant 50176 : i32
      %mul3A_50 = arith.muli %arg1, %mul3A_49 : i32
      %mul3A_51 = arith.constant 128 : i32
      %mul3A_52 = arith.muli %scan3A_48, %mul3A_51 : i32
      %add3A_53 = arith.addi %mul3A_50, %mul3A_52 : i32
      %multiple_of3A = tpu.assume_multiple %add3A_53, 8 : i32
      "tpu.region"() ({
        %run_scoped3A_213 = tpu.sem_alloc : memref<!tpu.dma_semaphore, #tpu.memory_space<semaphore_mem>>
        %dma_start3A = tpu.memref_slice %arg3[%multiple_of3A] : memref<802816xi32, #tpu.memory_space<hbm>> -> memref<128xi32, #tpu.memory_space<hbm>>
        %dma_start3A_214 = tpu.memref_slice %arg3[%multiple_of3A] : memref<802816xi32, #tpu.memory_space<hbm>> -> memref<128xi32, #tpu.memory_space<hbm>>
        tpu.enqueue_dma source(%dma_start3A_214 : memref<128xi32, #tpu.memory_space<hbm>>) target(%arg6 : memref<128xi32, #tpu.memory_space<vmem>>) target_semaphore(%run_scoped3A_213 : memref<!tpu.dma_semaphore, #tpu.memory_space<semaphore_mem>>)
        %dma_wait3A = tpu.memref_slice %arg3[%multiple_of3A] : memref<802816xi32, #tpu.memory_space<hbm>> -> memref<128xi32, #tpu.memory_space<hbm>>
        %dma_wait3A_215 = tpu.memref_slice %arg3[%multiple_of3A] : memref<802816xi32, #tpu.memory_space<hbm>> -> memref<128xi32, #tpu.memory_space<hbm>>
        tpu.wait_dma2 semaphore(%run_scoped3A_213 : memref<!tpu.dma_semaphore, #tpu.memory_space<semaphore_mem>>) src(%dma_wait3A_215 : memref<128xi32, #tpu.memory_space<hbm>>) dst(%arg6 : memref<128xi32, #tpu.memory_space<vmem>>)
        tpu.yield
      }) : () -> ()
      "tpu.region"() ({
        %run_scoped3A_213 = tpu.sem_alloc : memref<!tpu.dma_semaphore, #tpu.memory_space<semaphore_mem>>
        %dma_start3A = arith.constant 0 : i32
        %dma_start3A_214 = tpu.memref_slice %arg2[%multiple_of3A, %dma_start3A] : memref<802816x128xf32, #tpu.memory_space<hbm>> -> memref<128x128xf32, #tpu.memory_space<hbm>>
        %dma_start3A_215 = arith.constant 0 : i32
        %dma_start3A_216 = tpu.memref_slice %arg2[%multiple_of3A, %dma_start3A_215] : memref<802816x128xf32, #tpu.memory_space<hbm>> -> memref<128x128xf32, #tpu.memory_space<hbm>>
        tpu.enqueue_dma source(%dma_start3A_216 : memref<128x128xf32, #tpu.memory_space<hbm>>) target(%arg8 : memref<128x128xf32, #tpu.memory_space<vmem>>) target_semaphore(%run_scoped3A_213 : memref<!tpu.dma_semaphore, #tpu.memory_space<semaphore_mem>>)
        %dma_wait3A = arith.constant 0 : i32
        %dma_wait3A_217 = tpu.memref_slice %arg2[%multiple_of3A, %dma_wait3A] : memref<802816x128xf32, #tpu.memory_space<hbm>> -> memref<128x128xf32, #tpu.memory_space<hbm>>
        %dma_wait3A_218 = arith.constant 0 : i32
        %dma_wait3A_219 = tpu.memref_slice %arg2[%multiple_of3A, %dma_wait3A_218] : memref<802816x128xf32, #tpu.memory_space<hbm>> -> memref<128x128xf32, #tpu.memory_space<hbm>>
        tpu.wait_dma2 semaphore(%run_scoped3A_213 : memref<!tpu.dma_semaphore, #tpu.memory_space<semaphore_mem>>) src(%dma_wait3A_219 : memref<128x128xf32, #tpu.memory_space<hbm>>) dst(%arg8 : memref<128x128xf32, #tpu.memory_space<vmem>>)
        tpu.yield
      }) : () -> ()
      %get3A = arith.constant 0 : index
      %get3A_54 = tpu.vector_load %arg6[%get3A] {strides = array<i32>} : memref<128xi32, #tpu.memory_space<vmem>>, vector<16xi32>,
      %get3A_55 = vector.shape_cast %get3A_54 : vector<16xi32> to vector<16xi32>
      %sub3A = vector.broadcast %add3A_25 : i32 to vector<16xi32>
      %sub3A_56 = arith.subi %get3A_55, %sub3A : vector<16xi32>
      %ge3A = arith.constant 0 : i32
      %ge3A_57 = vector.broadcast %ge3A : i32 to vector<16xi32>
      %ge3A_58 = arith.cmpi sge, %sub3A_56, %ge3A_57 : vector<16xi32>
      %lt3A = arith.constant 12500 : i32
      %lt3A_59 = vector.broadcast %lt3A : i32 to vector<16xi32>
      %lt3A_60 = arith.cmpi slt, %sub3A_56, %lt3A_59 : vector<16xi32>
      %and3A = arith.andi %ge3A_58, %lt3A_60 : vector<16xi1>
      %jit3A = arith.constant 12500 : i32
      %broadcast_in_dim3A = vector.broadcast %jit3A : i32 to vector<16xi32>
      %select_n3A = arith.select %and3A, %sub3A_56, %broadcast_in_dim3A : vector<16xi1>, vector<16xi32>
      %swap3A = arith.constant 0 : i32
      %swap3A_61 = arith.index_cast %swap3A : i32 to index
      %swap3A_62 = arith.constant 0 : index
      %swap3A_63 = tpu.vector_load %arg7[%swap3A_61, %swap3A_62] {strides = array<i32>} : memref<1x128xi32, #tpu.memory_space<vmem>>, vector<1x16xi32>,
      %swap3A_64 = vector.shape_cast %swap3A_63 : vector<1x16xi32> to vector<16xi32>
      %swap3A_65 = vector.shape_cast %select_n3A : vector<16xi32> to vector<1x16xi32>
      tpu.vector_store %arg7[%swap3A_61, %swap3A_62], %swap3A_65 {strides = array<i32>} : memref<1x128xi32, #tpu.memory_space<vmem>>, vector<1x16xi32>,
      %get3A_66 = arith.constant 16 : index
      %get3A_67 = tpu.vector_load %arg6[%get3A_66] {strides = array<i32>} : memref<128xi32, #tpu.memory_space<vmem>>, vector<16xi32>,
      %get3A_68 = vector.shape_cast %get3A_67 : vector<16xi32> to vector<16xi32>
      %sub3A_69 = vector.broadcast %add3A_25 : i32 to vector<16xi32>
      %sub3A_70 = arith.subi %get3A_68, %sub3A_69 : vector<16xi32>
      %ge3A_71 = arith.constant 0 : i32
      %ge3A_72 = vector.broadcast %ge3A_71 : i32 to vector<16xi32>
      %ge3A_73 = arith.cmpi sge, %sub3A_70, %ge3A_72 : vector<16xi32>
      %lt3A_74 = arith.constant 12500 : i32
      %lt3A_75 = vector.broadcast %lt3A_74 : i32 to vector<16xi32>
      %lt3A_76 = arith.cmpi slt, %sub3A_70, %lt3A_75 : vector<16xi32>
      %and3A_77 = arith.andi %ge3A_73, %lt3A_76 : vector<16xi1>
      %jit3A_78 = arith.constant 12500 : i32
      %broadcast_in_dim3A_79 = vector.broadcast %jit3A_78 : i32 to vector<16xi32>
      %select_n3A_80 = arith.select %and3A_77, %sub3A_70, %broadcast_in_dim3A_79 : vector<16xi1>, vector<16xi32>
      %swap3A_81 = arith.constant 0 : i32
      %swap3A_82 = arith.index_cast %swap3A_81 : i32 to index
      %swap3A_83 = arith.constant 16 : index
      %swap3A_84 = tpu.vector_load %arg7[%swap3A_82, %swap3A_83] {strides = array<i32>} : memref<1x128xi32, #tpu.memory_space<vmem>>, vector<1x16xi32>,
      %swap3A_85 = vector.shape_cast %swap3A_84 : vector<1x16xi32> to vector<16xi32>
      %swap3A_86 = vector.shape_cast %select_n3A_80 : vector<16xi32> to vector<1x16xi32>
      tpu.vector_store %arg7[%swap3A_82, %swap3A_83], %swap3A_86 {strides = array<i32>} : memref<1x128xi32, #tpu.memory_space<vmem>>, vector<1x16xi32>,
      %get3A_87 = arith.constant 32 : index
      %get3A_88 = tpu.vector_load %arg6[%get3A_87] {strides = array<i32>} : memref<128xi32, #tpu.memory_space<vmem>>, vector<16xi32>,
      %get3A_89 = vector.shape_cast %get3A_88 : vector<16xi32> to vector<16xi32>
      %sub3A_90 = vector.broadcast %add3A_25 : i32 to vector<16xi32>
      %sub3A_91 = arith.subi %get3A_89, %sub3A_90 : vector<16xi32>
      %ge3A_92 = arith.constant 0 : i32
      %ge3A_93 = vector.broadcast %ge3A_92 : i32 to vector<16xi32>
      %ge3A_94 = arith.cmpi sge, %sub3A_91, %ge3A_93 : vector<16xi32>
      %lt3A_95 = arith.constant 12500 : i32
      %lt3A_96 = vector.broadcast %lt3A_95 : i32 to vector<16xi32>
      %lt3A_97 = arith.cmpi slt, %sub3A_91, %lt3A_96 : vector<16xi32>
      %and3A_98 = arith.andi %ge3A_94, %lt3A_97 : vector<16xi1>
      %jit3A_99 = arith.constant 12500 : i32
      %broadcast_in_dim3A_100 = vector.broadcast %jit3A_99 : i32 to vector<16xi32>
      %select_n3A_101 = arith.select %and3A_98, %sub3A_91, %broadcast_in_dim3A_100 : vector<16xi1>, vector<16xi32>
      %swap3A_102 = arith.constant 0 : i32
      %swap3A_103 = arith.index_cast %swap3A_102 : i32 to index
      %swap3A_104 = arith.constant 32 : index
      %swap3A_105 = tpu.vector_load %arg7[%swap3A_103, %swap3A_104] {strides = array<i32>} : memref<1x128xi32, #tpu.memory_space<vmem>>, vector<1x16xi32>,
      %swap3A_106 = vector.shape_cast %swap3A_105 : vector<1x16xi32> to vector<16xi32>
      %swap3A_107 = vector.shape_cast %select_n3A_101 : vector<16xi32> to vector<1x16xi32>
      tpu.vector_store %arg7[%swap3A_103, %swap3A_104], %swap3A_107 {strides = array<i32>} : memref<1x128xi32, #tpu.memory_space<vmem>>, vector<1x16xi32>,
      %get3A_108 = arith.constant 48 : index
      %get3A_109 = tpu.vector_load %arg6[%get3A_108] {strides = array<i32>} : memref<128xi32, #tpu.memory_space<vmem>>, vector<16xi32>,
      %get3A_110 = vector.shape_cast %get3A_109 : vector<16xi32> to vector<16xi32>
      %sub3A_111 = vector.broadcast %add3A_25 : i32 to vector<16xi32>
      %sub3A_112 = arith.subi %get3A_110, %sub3A_111 : vector<16xi32>
      %ge3A_113 = arith.constant 0 : i32
      %ge3A_114 = vector.broadcast %ge3A_113 : i32 to vector<16xi32>
      %ge3A_115 = arith.cmpi sge, %sub3A_112, %ge3A_114 : vector<16xi32>
      %lt3A_116 = arith.constant 12500 : i32
      %lt3A_117 = vector.broadcast %lt3A_116 : i32 to vector<16xi32>
      %lt3A_118 = arith.cmpi slt, %sub3A_112, %lt3A_117 : vector<16xi32>
      %and3A_119 = arith.andi %ge3A_115, %lt3A_118 : vector<16xi1>
      %jit3A_120 = arith.constant 12500 : i32
      %broadcast_in_dim3A_121 = vector.broadcast %jit3A_120 : i32 to vector<16xi32>
      %select_n3A_122 = arith.select %and3A_119, %sub3A_112, %broadcast_in_dim3A_121 : vector<16xi1>, vector<16xi32>
      %swap3A_123 = arith.constant 0 : i32
      %swap3A_124 = arith.index_cast %swap3A_123 : i32 to index
      %swap3A_125 = arith.constant 48 : index
      %swap3A_126 = tpu.vector_load %arg7[%swap3A_124, %swap3A_125] {strides = array<i32>} : memref<1x128xi32, #tpu.memory_space<vmem>>, vector<1x16xi32>,
      %swap3A_127 = vector.shape_cast %swap3A_126 : vector<1x16xi32> to vector<16xi32>
      %swap3A_128 = vector.shape_cast %select_n3A_122 : vector<16xi32> to vector<1x16xi32>
      tpu.vector_store %arg7[%swap3A_124, %swap3A_125], %swap3A_128 {strides = array<i32>} : memref<1x128xi32, #tpu.memory_space<vmem>>, vector<1x16xi32>,
      %get3A_129 = arith.constant 64 : index
      %get3A_130 = tpu.vector_load %arg6[%get3A_129] {strides = array<i32>} : memref<128xi32, #tpu.memory_space<vmem>>, vector<16xi32>,
      %get3A_131 = vector.shape_cast %get3A_130 : vector<16xi32> to vector<16xi32>
      %sub3A_132 = vector.broadcast %add3A_25 : i32 to vector<16xi32>
      %sub3A_133 = arith.subi %get3A_131, %sub3A_132 : vector<16xi32>
      %ge3A_134 = arith.constant 0 : i32
      %ge3A_135 = vector.broadcast %ge3A_134 : i32 to vector<16xi32>
      %ge3A_136 = arith.cmpi sge, %sub3A_133, %ge3A_135 : vector<16xi32>
      %lt3A_137 = arith.constant 12500 : i32
      %lt3A_138 = vector.broadcast %lt3A_137 : i32 to vector<16xi32>
      %lt3A_139 = arith.cmpi slt, %sub3A_133, %lt3A_138 : vector<16xi32>
      %and3A_140 = arith.andi %ge3A_136, %lt3A_139 : vector<16xi1>
      %jit3A_141 = arith.constant 12500 : i32
      %broadcast_in_dim3A_142 = vector.broadcast %jit3A_141 : i32 to vector<16xi32>
      %select_n3A_143 = arith.select %and3A_140, %sub3A_133, %broadcast_in_dim3A_142 : vector<16xi1>, vector<16xi32>
      %swap3A_144 = arith.constant 0 : i32
      %swap3A_145 = arith.index_cast %swap3A_144 : i32 to index
      %swap3A_146 = arith.constant 64 : index
      %swap3A_147 = tpu.vector_load %arg7[%swap3A_145, %swap3A_146] {strides = array<i32>} : memref<1x128xi32, #tpu.memory_space<vmem>>, vector<1x16xi32>,
      %swap3A_148 = vector.shape_cast %swap3A_147 : vector<1x16xi32> to vector<16xi32>
      %swap3A_149 = vector.shape_cast %select_n3A_143 : vector<16xi32> to vector<1x16xi32>
      tpu.vector_store %arg7[%swap3A_145, %swap3A_146], %swap3A_149 {strides = array<i32>} : memref<1x128xi32, #tpu.memory_space<vmem>>, vector<1x16xi32>,
      %get3A_150 = arith.constant 80 : index
      %get3A_151 = tpu.vector_load %arg6[%get3A_150] {strides = array<i32>} : memref<128xi32, #tpu.memory_space<vmem>>, vector<16xi32>,
      %get3A_152 = vector.shape_cast %get3A_151 : vector<16xi32> to vector<16xi32>
      %sub3A_153 = vector.broadcast %add3A_25 : i32 to vector<16xi32>
      %sub3A_154 = arith.subi %get3A_152, %sub3A_153 : vector<16xi32>
      %ge3A_155 = arith.constant 0 : i32
      %ge3A_156 = vector.broadcast %ge3A_155 : i32 to vector<16xi32>
      %ge3A_157 = arith.cmpi sge, %sub3A_154, %ge3A_156 : vector<16xi32>
      %lt3A_158 = arith.constant 12500 : i32
      %lt3A_159 = vector.broadcast %lt3A_158 : i32 to vector<16xi32>
      %lt3A_160 = arith.cmpi slt, %sub3A_154, %lt3A_159 : vector<16xi32>
      %and3A_161 = arith.andi %ge3A_157, %lt3A_160 : vector<16xi1>
      %jit3A_162 = arith.constant 12500 : i32
      %broadcast_in_dim3A_163 = vector.broadcast %jit3A_162 : i32 to vector<16xi32>
      %select_n3A_164 = arith.select %and3A_161, %sub3A_154, %broadcast_in_dim3A_163 : vector<16xi1>, vector<16xi32>
      %swap3A_165 = arith.constant 0 : i32
      %swap3A_166 = arith.index_cast %swap3A_165 : i32 to index
      %swap3A_167 = arith.constant 80 : index
      %swap3A_168 = tpu.vector_load %arg7[%swap3A_166, %swap3A_167] {strides = array<i32>} : memref<1x128xi32, #tpu.memory_space<vmem>>, vector<1x16xi32>,
      %swap3A_169 = vector.shape_cast %swap3A_168 : vector<1x16xi32> to vector<16xi32>
      %swap3A_170 = vector.shape_cast %select_n3A_164 : vector<16xi32> to vector<1x16xi32>
      tpu.vector_store %arg7[%swap3A_166, %swap3A_167], %swap3A_170 {strides = array<i32>} : memref<1x128xi32, #tpu.memory_space<vmem>>, vector<1x16xi32>,
      %get3A_171 = arith.constant 96 : index
      %get3A_172 = tpu.vector_load %arg6[%get3A_171] {strides = array<i32>} : memref<128xi32, #tpu.memory_space<vmem>>, vector<16xi32>,
      %get3A_173 = vector.shape_cast %get3A_172 : vector<16xi32> to vector<16xi32>
      %sub3A_174 = vector.broadcast %add3A_25 : i32 to vector<16xi32>
      %sub3A_175 = arith.subi %get3A_173, %sub3A_174 : vector<16xi32>
      %ge3A_176 = arith.constant 0 : i32
      %ge3A_177 = vector.broadcast %ge3A_176 : i32 to vector<16xi32>
      %ge3A_178 = arith.cmpi sge, %sub3A_175, %ge3A_177 : vector<16xi32>
      %lt3A_179 = arith.constant 12500 : i32
      %lt3A_180 = vector.broadcast %lt3A_179 : i32 to vector<16xi32>
      %lt3A_181 = arith.cmpi slt, %sub3A_175, %lt3A_180 : vector<16xi32>
      %and3A_182 = arith.andi %ge3A_178, %lt3A_181 : vector<16xi1>
      %jit3A_183 = arith.constant 12500 : i32
      %broadcast_in_dim3A_184 = vector.broadcast %jit3A_183 : i32 to vector<16xi32>
      %select_n3A_185 = arith.select %and3A_182, %sub3A_175, %broadcast_in_dim3A_184 : vector<16xi1>, vector<16xi32>
      %swap3A_186 = arith.constant 0 : i32
      %swap3A_187 = arith.index_cast %swap3A_186 : i32 to index
      %swap3A_188 = arith.constant 96 : index
      %swap3A_189 = tpu.vector_load %arg7[%swap3A_187, %swap3A_188] {strides = array<i32>} : memref<1x128xi32, #tpu.memory_space<vmem>>, vector<1x16xi32>,
      %swap3A_190 = vector.shape_cast %swap3A_189 : vector<1x16xi32> to vector<16xi32>
      %swap3A_191 = vector.shape_cast %select_n3A_185 : vector<16xi32> to vector<1x16xi32>
      tpu.vector_store %arg7[%swap3A_187, %swap3A_188], %swap3A_191 {strides = array<i32>} : memref<1x128xi32, #tpu.memory_space<vmem>>, vector<1x16xi32>,
      %get3A_192 = arith.constant 112 : index
      %get3A_193 = tpu.vector_load %arg6[%get3A_192] {strides = array<i32>} : memref<128xi32, #tpu.memory_space<vmem>>, vector<16xi32>,
      %get3A_194 = vector.shape_cast %get3A_193 : vector<16xi32> to vector<16xi32>
      %sub3A_195 = vector.broadcast %add3A_25 : i32 to vector<16xi32>
      %sub3A_196 = arith.subi %get3A_194, %sub3A_195 : vector<16xi32>
      %ge3A_197 = arith.constant 0 : i32
      %ge3A_198 = vector.broadcast %ge3A_197 : i32 to vector<16xi32>
      %ge3A_199 = arith.cmpi sge, %sub3A_196, %ge3A_198 : vector<16xi32>
      %lt3A_200 = arith.constant 12500 : i32
      %lt3A_201 = vector.broadcast %lt3A_200 : i32 to vector<16xi32>
      %lt3A_202 = arith.cmpi slt, %sub3A_196, %lt3A_201 : vector<16xi32>
      %and3A_203 = arith.andi %ge3A_199, %lt3A_202 : vector<16xi1>
      %jit3A_204 = arith.constant 12500 : i32
      %broadcast_in_dim3A_205 = vector.broadcast %jit3A_204 : i32 to vector<16xi32>
      %select_n3A_206 = arith.select %and3A_203, %sub3A_196, %broadcast_in_dim3A_205 : vector<16xi1>, vector<16xi32>
      %swap3A_207 = arith.constant 0 : i32
      %swap3A_208 = arith.index_cast %swap3A_207 : i32 to index
      %swap3A_209 = arith.constant 112 : index
      %swap3A_210 = tpu.vector_load %arg7[%swap3A_208, %swap3A_209] {strides = array<i32>} : memref<1x128xi32, #tpu.memory_space<vmem>>, vector<1x16xi32>,
      %swap3A_211 = vector.shape_cast %swap3A_210 : vector<1x16xi32> to vector<16xi32>
      %swap3A_212 = vector.shape_cast %select_n3A_206 : vector<16xi32> to vector<1x16xi32>
      tpu.vector_store %arg7[%swap3A_208, %swap3A_209], %swap3A_212 {strides = array<i32>} : memref<1x128xi32, #tpu.memory_space<vmem>>, vector<1x16xi32>,
      %run_scoped3A = arith.constant 0 : i32
      "tpu.region"() ({
        %run_scoped3A_213 = tpu.sem_alloc : memref<!tpu.dma_semaphore, #tpu.memory_space<semaphore_mem>>
        %dma_start3A = arith.constant 0 : i32
        %dma_start3A_214 = tpu.memref_slice %arg7[%run_scoped3A, %dma_start3A] : memref<1x128xi32, #tpu.memory_space<vmem>> -> memref<1x128xi32, #tpu.memory_space<vmem>>
        %dma_start3A_215 = tpu.memref_squeeze %dma_start3A_214 : memref<1x128xi32, #tpu.memory_space<vmem>> -> memref<128xi32, #tpu.memory_space<vmem>>
        %dma_start3A_216 = arith.constant 0 : i32
        %dma_start3A_217 = arith.constant 0 : i32
        %dma_start3A_218 = tpu.memref_slice %arg9[%dma_start3A_216, %dma_start3A_217] : memref<12544x128xf32, #tpu.memory_space<vmem_shared>> -> memref<12544x128xf32, #tpu.memory_space<vmem_shared>>
        tpu.enqueue_indirect_dma source(%arg8 : memref<128x128xf32, #tpu.memory_space<vmem>>) target(%dma_start3A_218 : memref<12544x128xf32, #tpu.memory_space<vmem_shared>>) offsets(%dma_start3A_215 : memref<128xi32, #tpu.memory_space<vmem>>) semaphore(%run_scoped3A_213 : memref<!tpu.dma_semaphore, #tpu.memory_space<semaphore_mem>>) {add = true}
        %dma_wait3A = arith.constant 0 : i32
        %dma_wait3A_219 = tpu.memref_slice %arg7[%run_scoped3A, %dma_wait3A] : memref<1x128xi32, #tpu.memory_space<vmem>> -> memref<1x128xi32, #tpu.memory_space<vmem>>
        %dma_wait3A_220 = tpu.memref_squeeze %dma_wait3A_219 : memref<1x128xi32, #tpu.memory_space<vmem>> -> memref<128xi32, #tpu.memory_space<vmem>>
        %dma_wait3A_221 = arith.constant 0 : i32
        %dma_wait3A_222 = arith.constant 0 : i32
        %dma_wait3A_223 = tpu.memref_slice %arg9[%dma_wait3A_221, %dma_wait3A_222] : memref<12544x128xf32, #tpu.memory_space<vmem_shared>> -> memref<12544x128xf32, #tpu.memory_space<vmem_shared>>
        tpu.wait_indirect_dma semaphore(%run_scoped3A_213 : memref<!tpu.dma_semaphore, #tpu.memory_space<semaphore_mem>>) src(%arg8 : memref<128x128xf32, #tpu.memory_space<vmem>>) dst(%dma_wait3A_223 : memref<12544x128xf32, #tpu.memory_space<vmem_shared>>)
        tpu.yield
      }) : () -> ()
    }
    %scan3A_43 = arith.constant 392 : i32
    %barrier3A_44 = arith.constant 0 : index
    tpu.barrier barrier_id(%barrier3A_44)
    %mul3A_45 = arith.constant 784 : i32
    %mul3A_46 = arith.muli %arg1, %mul3A_45 : i32
    "tpu.region"() ({
      %run_scoped3A = tpu.sem_alloc : memref<!tpu.dma_semaphore, #tpu.memory_space<semaphore_mem>>
      %dma_start3A = arith.constant 0 : i32
      %dma_start3A_48 = tpu.memref_slice %arg5[%add3A_34, %dma_start3A] : memref<50176x128xf32, #tpu.memory_space<hbm>> -> memref<784x128xf32, #tpu.memory_space<hbm>>
      %dma_start3A_49 = arith.constant 0 : i32
      %dma_start3A_50 = tpu.memref_slice %arg9[%mul3A_46, %dma_start3A_49] : memref<12544x128xf32, #tpu.memory_space<vmem_shared>> -> memref<784x128xf32, #tpu.memory_space<vmem_shared>>
      tpu.enqueue_dma source(%dma_start3A_50 : memref<784x128xf32, #tpu.memory_space<vmem_shared>>) target(%dma_start3A_48 : memref<784x128xf32, #tpu.memory_space<hbm>>) target_semaphore(%run_scoped3A : memref<!tpu.dma_semaphore, #tpu.memory_space<semaphore_mem>>)
      %dma_wait3A = arith.constant 0 : i32
      %dma_wait3A_51 = tpu.memref_slice %arg5[%add3A_34, %dma_wait3A] : memref<50176x128xf32, #tpu.memory_space<hbm>> -> memref<784x128xf32, #tpu.memory_space<hbm>>
      %dma_wait3A_52 = arith.constant 0 : i32
      %dma_wait3A_53 = tpu.memref_slice %arg9[%mul3A_46, %dma_wait3A_52] : memref<12544x128xf32, #tpu.memory_space<vmem_shared>> -> memref<784x128xf32, #tpu.memory_space<vmem_shared>>
      tpu.wait_dma2 semaphore(%run_scoped3A : memref<!tpu.dma_semaphore, #tpu.memory_space<semaphore_mem>>) src(%dma_wait3A_53 : memref<784x128xf32, #tpu.memory_space<vmem_shared>>) dst(%dma_wait3A_51 : memref<784x128xf32, #tpu.memory_space<hbm>>)
      tpu.yield
    }) : () -> ()
    %barrier3A_47 = arith.constant 0 : index
    tpu.barrier barrier_id(%barrier3A_47)
    return
  }
}

module attributes {stable_mosaic.version = 14 : i64} {
  func.func @_node0_body(%arg0: i32, %arg1: memref<1x32xf32, #tpu.memory_space<vmem>>, %arg2: memref<5000x2xf32, #tpu.memory_space<vmem>>, %arg3: memref<32x64xf32, #tpu.memory_space<vmem>>, %arg4: memref<1x64xf32, #tpu.memory_space<vmem>>, %arg5: memref<2x64xf32, #tpu.memory_space<vmem>>, %arg6: memref<1x64xf32, #tpu.memory_space<vmem>>, %arg7: memref<64x64xf32, #tpu.memory_space<vmem>>, %arg8: memref<1x64xf32, #tpu.memory_space<vmem>>, %arg9: memref<64x64xf32, #tpu.memory_space<vmem>>, %arg10: memref<1x64xf32, #tpu.memory_space<vmem>>, %arg11: memref<1x64xf32, #tpu.memory_space<vmem>>, %arg12: memref<1x64xf32, #tpu.memory_space<vmem>>, %arg13: memref<5000x64xf32, #tpu.memory_space<vmem>>) attributes {dimension_semantics = [#tpu.dimension_semantics<arbitrary>], iteration_bounds = array<i64: 10>, scalar_prefetch = 0 : i64, scratch_operands = 0 : i64, tpu.core_type = #tpu.core_type<tc>, window_params = [{pipeline_mode = #tpu.pipeline_mode<synchronous>, transform_indices = @transform_0, window_bounds = array<i64: 1, 32>}, {transform_indices = @transform_1, window_bounds = array<i64: 5000, 2>}, {pipeline_mode = #tpu.pipeline_mode<synchronous>, transform_indices = @transform_2, window_bounds = array<i64: 32, 64>}, {pipeline_mode = #tpu.pipeline_mode<synchronous>, transform_indices = @transform_3, window_bounds = array<i64: 1, 64>}, {pipeline_mode = #tpu.pipeline_mode<synchronous>, transform_indices = @transform_4, window_bounds = array<i64: 2, 64>}, {pipeline_mode = #tpu.pipeline_mode<synchronous>, transform_indices = @transform_5, window_bounds = array<i64: 1, 64>}, {pipeline_mode = #tpu.pipeline_mode<synchronous>, transform_indices = @transform_6, window_bounds = array<i64: 64, 64>}, {pipeline_mode = #tpu.pipeline_mode<synchronous>, transform_indices = @transform_7, window_bounds = array<i64: 1, 64>}, {pipeline_mode = #tpu.pipeline_mode<synchronous>, transform_indices = @transform_8, window_bounds = array<i64: 64, 64>}, {pipeline_mode = #tpu.pipeline_mode<synchronous>, transform_indices = @transform_9, window_bounds = array<i64: 1, 64>}, {pipeline_mode = #tpu.pipeline_mode<synchronous>, transform_indices = @transform_10, window_bounds = array<i64: 1, 64>}, {pipeline_mode = #tpu.pipeline_mode<synchronous>, transform_indices = @transform_11, window_bounds = array<i64: 1, 64>}, {transform_indices = @transform_12, window_bounds = array<i64: 5000, 64>}]} {
    %get3A = arith.constant 0 : index
    %get3A_0 = arith.constant 0 : index
    %get3A_1 = vector.load %arg1[%get3A, %get3A_0] : memref<1x32xf32, #tpu.memory_space<vmem>>, vector<1x32xf32>
    %get3A_2 = arith.constant 0 : index
    %get3A_3 = arith.constant 0 : index
    %get3A_4 = vector.load %arg3[%get3A_2, %get3A_3] : memref<32x64xf32, #tpu.memory_space<vmem>>, vector<32x64xf32>
    %dot_general3A = arith.constant dense<0.000000e+00> : vector<1x64xf32>
    %dot_general3A_5 = tpu.matmul %get3A_1, %get3A_4, %dot_general3A {dimension_numbers = #tpu.dot_dimension_numbers<[1], [0], [0], [1], [0, 0, 1, 1], [], []>, transpose_lhs_hint = false} : vector<1x32xf32>, vector<32x64xf32>, vector<1x64xf32> -> vector<1x64xf32>
    %get3A_6 = arith.constant 0 : index
    %get3A_7 = arith.constant 0 : index
    %get3A_8 = vector.load %arg4[%get3A_6, %get3A_7] : memref<1x64xf32, #tpu.memory_space<vmem>>, vector<1x64xf32>
    %add3A = arith.addf %dot_general3A_5, %get3A_8 : vector<1x64xf32>
    %get3A_9 = arith.constant 0 : index
    %get3A_10 = arith.constant 0 : index
    %get3A_11 = vector.load %arg2[%get3A_9, %get3A_10] : memref<5000x2xf32, #tpu.memory_space<vmem>>, vector<5000x2xf32>
    %get3A_12 = arith.constant 0 : index
    %get3A_13 = arith.constant 0 : index
    %get3A_14 = vector.load %arg5[%get3A_12, %get3A_13] : memref<2x64xf32, #tpu.memory_space<vmem>>, vector<2x64xf32>
    %dot_general3A_15 = arith.constant dense<0.000000e+00> : vector<5000x64xf32>
    %dot_general3A_16 = tpu.matmul %get3A_11, %get3A_14, %dot_general3A_15 {dimension_numbers = #tpu.dot_dimension_numbers<[1], [0], [0], [1], [0, 0, 1, 1], [], []>, transpose_lhs_hint = false} : vector<5000x2xf32>, vector<2x64xf32>, vector<5000x64xf32> -> vector<5000x64xf32>
    %add3A_17 = vector.broadcast %add3A : vector<1x64xf32> to vector<5000x64xf32>
    %add3A_18 = arith.addf %add3A_17, %dot_general3A_16 : vector<5000x64xf32>
    %get3A_19 = arith.constant 0 : index
    %get3A_20 = arith.constant 0 : index
    %get3A_21 = vector.load %arg6[%get3A_19, %get3A_20] : memref<1x64xf32, #tpu.memory_space<vmem>>, vector<1x64xf32>
    %add3A_22 = vector.broadcast %get3A_21 : vector<1x64xf32> to vector<5000x64xf32>
    %add3A_23 = arith.addf %add3A_18, %add3A_22 : vector<5000x64xf32>
    %get3A_24 = arith.constant 0 : index
    %get3A_25 = arith.constant 0 : index
    %get3A_26 = vector.load %arg7[%get3A_24, %get3A_25] : memref<64x64xf32, #tpu.memory_space<vmem>>, vector<64x64xf32>
    %dot_general3A_27 = arith.constant dense<0.000000e+00> : vector<5000x64xf32>
    %dot_general3A_28 = tpu.matmul %add3A_23, %get3A_26, %dot_general3A_27 {dimension_numbers = #tpu.dot_dimension_numbers<[1], [0], [0], [1], [0, 0, 1, 1], [], []>, transpose_lhs_hint = false} : vector<5000x64xf32>, vector<64x64xf32>, vector<5000x64xf32> -> vector<5000x64xf32>
    %get3A_29 = arith.constant 0 : index
    %get3A_30 = arith.constant 0 : index
    %get3A_31 = vector.load %arg8[%get3A_29, %get3A_30] : memref<1x64xf32, #tpu.memory_space<vmem>>, vector<1x64xf32>
    %add3A_32 = vector.broadcast %get3A_31 : vector<1x64xf32> to vector<5000x64xf32>
    %add3A_33 = arith.addf %dot_general3A_28, %add3A_32 : vector<5000x64xf32>
    %max3A = arith.constant 0.000000e+00 : f32
    %max3A_34 = vector.broadcast %max3A : f32 to vector<5000x64xf32>
    %max3A_35 = arith.maximumf %add3A_33, %max3A_34 : vector<5000x64xf32>
    %get3A_36 = arith.constant 0 : index
    %get3A_37 = arith.constant 0 : index
    %get3A_38 = vector.load %arg9[%get3A_36, %get3A_37] : memref<64x64xf32, #tpu.memory_space<vmem>>, vector<64x64xf32>
    %dot_general3A_39 = arith.constant dense<0.000000e+00> : vector<5000x64xf32>
    %dot_general3A_40 = tpu.matmul %max3A_35, %get3A_38, %dot_general3A_39 {dimension_numbers = #tpu.dot_dimension_numbers<[1], [0], [0], [1], [0, 0, 1, 1], [], []>, transpose_lhs_hint = false} : vector<5000x64xf32>, vector<64x64xf32>, vector<5000x64xf32> -> vector<5000x64xf32>
    %get3A_41 = arith.constant 0 : index
    %get3A_42 = arith.constant 0 : index
    %get3A_43 = vector.load %arg10[%get3A_41, %get3A_42] : memref<1x64xf32, #tpu.memory_space<vmem>>, vector<1x64xf32>
    %add3A_44 = vector.broadcast %get3A_43 : vector<1x64xf32> to vector<5000x64xf32>
    %add3A_45 = arith.addf %dot_general3A_40, %add3A_44 : vector<5000x64xf32>
    %get3A_46 = arith.constant 0 : index
    %get3A_47 = arith.constant 0 : index
    %get3A_48 = vector.load %arg11[%get3A_46, %get3A_47] : memref<1x64xf32, #tpu.memory_space<vmem>>, vector<1x64xf32>
    %get3A_49 = arith.constant 0 : index
    %get3A_50 = arith.constant 0 : index
    %get3A_51 = vector.load %arg12[%get3A_49, %get3A_50] : memref<1x64xf32, #tpu.memory_space<vmem>>, vector<1x64xf32>
    %reduce_sum3A = arith.constant dense<0.000000e+00> : vector<5000xf32>
    %reduce_sum3A_52 = vector.multi_reduction <add>, %add3A_45, %reduce_sum3A [1] : vector<5000x64xf32> to vector<5000xf32>
    %broadcast_in_dim3A = vector.shape_cast %reduce_sum3A_52 : vector<5000xf32> to vector<5000x1xf32>
    %div3A = arith.constant 6.400000e+01 : f32
    %div3A_53 = vector.broadcast %div3A : f32 to vector<5000x1xf32>
    %div3A_54 = arith.divf %broadcast_in_dim3A, %div3A_53 : vector<5000x1xf32>
    %sub3A = vector.broadcast %div3A_54 : vector<5000x1xf32> to vector<5000x64xf32>
    %sub3A_55 = arith.subf %add3A_45, %sub3A : vector<5000x64xf32>
    %integer_pow3A = arith.mulf %sub3A_55, %sub3A_55 : vector<5000x64xf32>
    %reduce_sum3A_56 = arith.constant dense<0.000000e+00> : vector<5000xf32>
    %reduce_sum3A_57 = vector.multi_reduction <add>, %integer_pow3A, %reduce_sum3A_56 [1] : vector<5000x64xf32> to vector<5000xf32>
    %broadcast_in_dim3A_58 = vector.shape_cast %reduce_sum3A_57 : vector<5000xf32> to vector<5000x1xf32>
    %div3A_59 = arith.constant 6.400000e+01 : f32
    %div3A_60 = vector.broadcast %div3A_59 : f32 to vector<5000x1xf32>
    %div3A_61 = arith.divf %broadcast_in_dim3A_58, %div3A_60 : vector<5000x1xf32>
    %sub3A_62 = vector.broadcast %div3A_54 : vector<5000x1xf32> to vector<5000x64xf32>
    %sub3A_63 = arith.subf %add3A_45, %sub3A_62 : vector<5000x64xf32>
    %add3A_64 = arith.constant 9.99999974E-6 : f32
    %add3A_65 = vector.broadcast %add3A_64 : f32 to vector<5000x1xf32>
    %add3A_66 = arith.addf %div3A_61, %add3A_65 : vector<5000x1xf32>
    %rsqrt3A = math.rsqrt %add3A_66 : vector<5000x1xf32>
    %mul3A = vector.broadcast %rsqrt3A : vector<5000x1xf32> to vector<5000x64xf32>
    %mul3A_67 = arith.mulf %sub3A_63, %mul3A : vector<5000x64xf32>
    %mul3A_68 = vector.broadcast %get3A_48 : vector<1x64xf32> to vector<5000x64xf32>
    %mul3A_69 = arith.mulf %mul3A_67, %mul3A_68 : vector<5000x64xf32>
    %add3A_70 = vector.broadcast %get3A_51 : vector<1x64xf32> to vector<5000x64xf32>
    %add3A_71 = arith.addf %mul3A_69, %add3A_70 : vector<5000x64xf32>
    %swap3A = arith.constant 0 : index
    %swap3A_72 = arith.constant 0 : index
    %swap3A_73 = vector.load %arg13[%swap3A, %swap3A_72] : memref<5000x64xf32, #tpu.memory_space<vmem>>, vector<5000x64xf32>
    tpu.vector_store %arg13[%swap3A, %swap3A_72], %add3A_71 {strides = array<i32>} : memref<5000x64xf32, #tpu.memory_space<vmem>>, vector<5000x64xf32>,
    return
  }
  func.func @transform_0(%arg0: i32) -> (i32, i32) {
    %c0_i32 = arith.constant 0 : i32
    %c0_i32_0 = arith.constant 0 : i32
    %c0_i32_1 = arith.constant 0 : i32
    return %c0_i32, %c0_i32_0 : i32, i32
  }
  func.func @transform_1(%arg0: i32) -> (i32, i32) {
    %c0_i32 = arith.constant 0 : i32
    %c0_i32_0 = arith.constant 0 : i32
    return %arg0, %c0_i32 : i32, i32
  }
  func.func @transform_2(%arg0: i32) -> (i32, i32) {
    %c0_i32 = arith.constant 0 : i32
    %c0_i32_0 = arith.constant 0 : i32
    %c0_i32_1 = arith.constant 0 : i32
    return %c0_i32, %c0_i32_0 : i32, i32
  }
  func.func @transform_3(%arg0: i32) -> (i32, i32) {
    %c0_i32 = arith.constant 0 : i32
    %c0_i32_0 = arith.constant 0 : i32
    %c0_i32_1 = arith.constant 0 : i32
    return %c0_i32, %c0_i32_0 : i32, i32
  }
  func.func @transform_4(%arg0: i32) -> (i32, i32) {
    %c0_i32 = arith.constant 0 : i32
    %c0_i32_0 = arith.constant 0 : i32
    %c0_i32_1 = arith.constant 0 : i32
    return %c0_i32, %c0_i32_0 : i32, i32
  }
  func.func @transform_5(%arg0: i32) -> (i32, i32) {
    %c0_i32 = arith.constant 0 : i32
    %c0_i32_0 = arith.constant 0 : i32
    %c0_i32_1 = arith.constant 0 : i32
    return %c0_i32, %c0_i32_0 : i32, i32
  }
  func.func @transform_6(%arg0: i32) -> (i32, i32) {
    %c0_i32 = arith.constant 0 : i32
    %c0_i32_0 = arith.constant 0 : i32
    %c0_i32_1 = arith.constant 0 : i32
    return %c0_i32, %c0_i32_0 : i32, i32
  }
  func.func @transform_7(%arg0: i32) -> (i32, i32) {
    %c0_i32 = arith.constant 0 : i32
    %c0_i32_0 = arith.constant 0 : i32
    %c0_i32_1 = arith.constant 0 : i32
    return %c0_i32, %c0_i32_0 : i32, i32
  }
  func.func @transform_8(%arg0: i32) -> (i32, i32) {
    %c0_i32 = arith.constant 0 : i32
    %c0_i32_0 = arith.constant 0 : i32
    %c0_i32_1 = arith.constant 0 : i32
    return %c0_i32, %c0_i32_0 : i32, i32
  }
  func.func @transform_9(%arg0: i32) -> (i32, i32) {
    %c0_i32 = arith.constant 0 : i32
    %c0_i32_0 = arith.constant 0 : i32
    %c0_i32_1 = arith.constant 0 : i32
    return %c0_i32, %c0_i32_0 : i32, i32
  }
  func.func @transform_10(%arg0: i32) -> (i32, i32) {
    %c0_i32 = arith.constant 0 : i32
    %c0_i32_0 = arith.constant 0 : i32
    %c0_i32_1 = arith.constant 0 : i32
    return %c0_i32, %c0_i32_0 : i32, i32
  }
  func.func @transform_11(%arg0: i32) -> (i32, i32) {
    %c0_i32 = arith.constant 0 : i32
    %c0_i32_0 = arith.constant 0 : i32
    %c0_i32_1 = arith.constant 0 : i32
    return %c0_i32, %c0_i32_0 : i32, i32
  }
  func.func @transform_12(%arg0: i32) -> (i32, i32) {
    %c0_i32 = arith.constant 0 : i32
    %c0_i32_0 = arith.constant 0 : i32
    return %arg0, %c0_i32 : i32, i32
  }
}

module attributes {stable_mosaic.version = 14 : i64} {
  func.func @_pq_body(%arg0: i32, %arg1: memref<5000x64xf32, #tpu.memory_space<vmem>>, %arg2: memref<64x128xf32, #tpu.memory_space<vmem>>, %arg3: memref<64x128xf32, #tpu.memory_space<vmem>>, %arg4: memref<5000x128xf32, #tpu.memory_space<vmem>>, %arg5: memref<5000x128xf32, #tpu.memory_space<vmem>>) attributes {dimension_semantics = [#tpu.dimension_semantics<arbitrary>], iteration_bounds = array<i64: 10>, scalar_prefetch = 0 : i64, scratch_operands = 0 : i64, tpu.core_type = #tpu.core_type<tc>, window_params = [{transform_indices = @transform_0, window_bounds = array<i64: 5000, 64>}, {pipeline_mode = #tpu.pipeline_mode<synchronous>, transform_indices = @transform_1, window_bounds = array<i64: 64, 128>}, {pipeline_mode = #tpu.pipeline_mode<synchronous>, transform_indices = @transform_2, window_bounds = array<i64: 64, 128>}, {transform_indices = @transform_3, window_bounds = array<i64: 5000, 128>}, {transform_indices = @transform_4, window_bounds = array<i64: 5000, 128>}]} {
    %get3A = arith.constant 0 : index
    %get3A_0 = arith.constant 0 : index
    %get3A_1 = vector.load %arg1[%get3A, %get3A_0] : memref<5000x64xf32, #tpu.memory_space<vmem>>, vector<5000x64xf32>
    %get3A_2 = arith.constant 0 : index
    %get3A_3 = arith.constant 0 : index
    %get3A_4 = vector.load %arg2[%get3A_2, %get3A_3] : memref<64x128xf32, #tpu.memory_space<vmem>>, vector<64x128xf32>
    %dot_general3A = arith.constant dense<0.000000e+00> : vector<5000x128xf32>
    %dot_general3A_5 = tpu.matmul %get3A_1, %get3A_4, %dot_general3A {dimension_numbers = #tpu.dot_dimension_numbers<[1], [0], [0], [1], [0, 0, 1, 1], [], []>, transpose_lhs_hint = false} : vector<5000x64xf32>, vector<64x128xf32>, vector<5000x128xf32> -> vector<5000x128xf32>
    %swap3A = arith.constant 0 : index
    %swap3A_6 = arith.constant 0 : index
    %swap3A_7 = vector.load %arg4[%swap3A, %swap3A_6] : memref<5000x128xf32, #tpu.memory_space<vmem>>, vector<5000x128xf32>
    tpu.vector_store %arg4[%swap3A, %swap3A_6], %dot_general3A_5 {strides = array<i32>} : memref<5000x128xf32, #tpu.memory_space<vmem>>, vector<5000x128xf32>,
    %get3A_8 = arith.constant 0 : index
    %get3A_9 = arith.constant 0 : index
    %get3A_10 = vector.load %arg3[%get3A_8, %get3A_9] : memref<64x128xf32, #tpu.memory_space<vmem>>, vector<64x128xf32>
    %dot_general3A_11 = arith.constant dense<0.000000e+00> : vector<5000x128xf32>
    %dot_general3A_12 = tpu.matmul %get3A_1, %get3A_10, %dot_general3A_11 {dimension_numbers = #tpu.dot_dimension_numbers<[1], [0], [0], [1], [0, 0, 1, 1], [], []>, transpose_lhs_hint = false} : vector<5000x64xf32>, vector<64x128xf32>, vector<5000x128xf32> -> vector<5000x128xf32>
    %swap3A_13 = arith.constant 0 : index
    %swap3A_14 = arith.constant 0 : index
    %swap3A_15 = vector.load %arg5[%swap3A_13, %swap3A_14] : memref<5000x128xf32, #tpu.memory_space<vmem>>, vector<5000x128xf32>
    tpu.vector_store %arg5[%swap3A_13, %swap3A_14], %dot_general3A_12 {strides = array<i32>} : memref<5000x128xf32, #tpu.memory_space<vmem>>, vector<5000x128xf32>,
    return
  }
  func.func @transform_0(%arg0: i32) -> (i32, i32) {
    %c0_i32 = arith.constant 0 : i32
    %c0_i32_0 = arith.constant 0 : i32
    return %arg0, %c0_i32 : i32, i32
  }
  func.func @transform_1(%arg0: i32) -> (i32, i32) {
    %c0_i32 = arith.constant 0 : i32
    %c0_i32_0 = arith.constant 0 : i32
    %c0_i32_1 = arith.constant 0 : i32
    return %c0_i32, %c0_i32_0 : i32, i32
  }
  func.func @transform_2(%arg0: i32) -> (i32, i32) {
    %c0_i32 = arith.constant 0 : i32
    %c0_i32_0 = arith.constant 0 : i32
    %c0_i32_1 = arith.constant 0 : i32
    return %c0_i32, %c0_i32_0 : i32, i32
  }
  func.func @transform_3(%arg0: i32) -> (i32, i32) {
    %c0_i32 = arith.constant 0 : i32
    %c0_i32_0 = arith.constant 0 : i32
    return %arg0, %c0_i32 : i32, i32
  }
  func.func @transform_4(%arg0: i32) -> (i32, i32) {
    %c0_i32 = arith.constant 0 : i32
    %c0_i32_0 = arith.constant 0 : i32
    return %arg0, %c0_i32 : i32, i32
  }
}

module attributes {stable_mosaic.version = 14 : i64} {
  func.func @_edge0_body(%arg0: i32, %arg1: memref<4096x128xf32, #tpu.memory_space<vmem>>, %arg2: memref<4096x128xf32, #tpu.memory_space<vmem>>, %arg3: memref<2x64xf32, #tpu.memory_space<vmem>>, %arg4: memref<1x64xf32, #tpu.memory_space<vmem>>, %arg5: memref<64x2xf32, #tpu.memory_space<vmem>>, %arg6: memref<1x2xf32, #tpu.memory_space<vmem>>, %arg7: memref<1x2xf32, #tpu.memory_space<vmem>>, %arg8: memref<1x2xf32, #tpu.memory_space<vmem>>, %arg9: memref<4096x2xf32, #tpu.memory_space<vmem>>) attributes {dimension_semantics = [#tpu.dimension_semantics<arbitrary>], iteration_bounds = array<i64: 196>, scalar_prefetch = 0 : i64, scratch_operands = 0 : i64, tpu.core_type = #tpu.core_type<tc>, window_params = [{transform_indices = @transform_0, window_bounds = array<i64: 4096, 128>}, {transform_indices = @transform_1, window_bounds = array<i64: 4096, 128>}, {pipeline_mode = #tpu.pipeline_mode<synchronous>, transform_indices = @transform_2, window_bounds = array<i64: 2, 64>}, {pipeline_mode = #tpu.pipeline_mode<synchronous>, transform_indices = @transform_3, window_bounds = array<i64: 1, 64>}, {pipeline_mode = #tpu.pipeline_mode<synchronous>, transform_indices = @transform_4, window_bounds = array<i64: 64, 2>}, {pipeline_mode = #tpu.pipeline_mode<synchronous>, transform_indices = @transform_5, window_bounds = array<i64: 1, 2>}, {pipeline_mode = #tpu.pipeline_mode<synchronous>, transform_indices = @transform_6, window_bounds = array<i64: 1, 2>}, {pipeline_mode = #tpu.pipeline_mode<synchronous>, transform_indices = @transform_7, window_bounds = array<i64: 1, 2>}, {transform_indices = @transform_8, window_bounds = array<i64: 4096, 2>}]} {
    %get3A = arith.constant 0 : index
    %get3A_0 = arith.constant 0 : index
    %get3A_1 = vector.load %arg2[%get3A, %get3A_0] : memref<4096x128xf32, #tpu.memory_space<vmem>>, vector<4096x128xf32>
    %slice3A = vector.extract_strided_slice %get3A_1 {offsets = [0, 0], sizes = [4096, 2], strides = [1, 1]} : vector<4096x128xf32> to vector<4096x2xf32>
    %get3A_2 = arith.constant 0 : index
    %get3A_3 = arith.constant 0 : index
    %get3A_4 = vector.load %arg1[%get3A_2, %get3A_3] : memref<4096x128xf32, #tpu.memory_space<vmem>>, vector<4096x128xf32>
    %slice3A_5 = vector.extract_strided_slice %get3A_4 {offsets = [0, 0], sizes = [4096, 2], strides = [1, 1]} : vector<4096x128xf32> to vector<4096x2xf32>
    %sub3A = arith.subf %slice3A, %slice3A_5 : vector<4096x2xf32>
    %get3A_6 = arith.constant 0 : index
    %get3A_7 = arith.constant 0 : index
    %get3A_8 = vector.load %arg3[%get3A_6, %get3A_7] : memref<2x64xf32, #tpu.memory_space<vmem>>, vector<2x64xf32>
    %dot_general3A = arith.constant dense<0.000000e+00> : vector<4096x64xf32>
    %dot_general3A_9 = tpu.matmul %sub3A, %get3A_8, %dot_general3A {dimension_numbers = #tpu.dot_dimension_numbers<[1], [0], [0], [1], [0, 0, 1, 1], [], []>, transpose_lhs_hint = false} : vector<4096x2xf32>, vector<2x64xf32>, vector<4096x64xf32> -> vector<4096x64xf32>
    %get3A_10 = arith.constant 0 : index
    %get3A_11 = arith.constant 0 : index
    %get3A_12 = vector.load %arg4[%get3A_10, %get3A_11] : memref<1x64xf32, #tpu.memory_space<vmem>>, vector<1x64xf32>
    %add3A = vector.broadcast %get3A_12 : vector<1x64xf32> to vector<4096x64xf32>
    %add3A_13 = arith.addf %dot_general3A_9, %add3A : vector<4096x64xf32>
    %max3A = arith.constant 0.000000e+00 : f32
    %max3A_14 = vector.broadcast %max3A : f32 to vector<4096x64xf32>
    %max3A_15 = arith.maximumf %add3A_13, %max3A_14 : vector<4096x64xf32>
    %get3A_16 = arith.constant 0 : index
    %get3A_17 = arith.constant 0 : index
    %get3A_18 = vector.load %arg5[%get3A_16, %get3A_17] : memref<64x2xf32, #tpu.memory_space<vmem>>, vector<64x2xf32>
    %dot_general3A_19 = arith.constant dense<0.000000e+00> : vector<4096x2xf32>
    %dot_general3A_20 = tpu.matmul %max3A_15, %get3A_18, %dot_general3A_19 {dimension_numbers = #tpu.dot_dimension_numbers<[1], [0], [0], [1], [0, 0, 1, 1], [], []>, transpose_lhs_hint = false} : vector<4096x64xf32>, vector<64x2xf32>, vector<4096x2xf32> -> vector<4096x2xf32>
    %get3A_21 = arith.constant 0 : index
    %get3A_22 = arith.constant 0 : index
    %get3A_23 = vector.load %arg6[%get3A_21, %get3A_22] : memref<1x2xf32, #tpu.memory_space<vmem>>, vector<1x2xf32>
    %add3A_24 = vector.broadcast %get3A_23 : vector<1x2xf32> to vector<4096x2xf32>
    %add3A_25 = arith.addf %dot_general3A_20, %add3A_24 : vector<4096x2xf32>
    %get3A_26 = arith.constant 0 : index
    %get3A_27 = arith.constant 0 : index
    %get3A_28 = vector.load %arg7[%get3A_26, %get3A_27] : memref<1x2xf32, #tpu.memory_space<vmem>>, vector<1x2xf32>
    %get3A_29 = arith.constant 0 : index
    %get3A_30 = arith.constant 0 : index
    %get3A_31 = vector.load %arg8[%get3A_29, %get3A_30] : memref<1x2xf32, #tpu.memory_space<vmem>>, vector<1x2xf32>
    %reduce_sum3A = arith.constant dense<0.000000e+00> : vector<4096xf32>
    %reduce_sum3A_32 = vector.multi_reduction <add>, %add3A_25, %reduce_sum3A [1] : vector<4096x2xf32> to vector<4096xf32>
    %broadcast_in_dim3A = vector.shape_cast %reduce_sum3A_32 : vector<4096xf32> to vector<4096x1xf32>
    %div3A = arith.constant 2.000000e+00 : f32
    %div3A_33 = vector.broadcast %div3A : f32 to vector<4096x1xf32>
    %div3A_34 = arith.divf %broadcast_in_dim3A, %div3A_33 : vector<4096x1xf32>
    %sub3A_35 = vector.broadcast %div3A_34 : vector<4096x1xf32> to vector<4096x2xf32>
    %sub3A_36 = arith.subf %add3A_25, %sub3A_35 : vector<4096x2xf32>
    %integer_pow3A = arith.mulf %sub3A_36, %sub3A_36 : vector<4096x2xf32>
    %reduce_sum3A_37 = arith.constant dense<0.000000e+00> : vector<4096xf32>
    %reduce_sum3A_38 = vector.multi_reduction <add>, %integer_pow3A, %reduce_sum3A_37 [1] : vector<4096x2xf32> to vector<4096xf32>
    %broadcast_in_dim3A_39 = vector.shape_cast %reduce_sum3A_38 : vector<4096xf32> to vector<4096x1xf32>
    %div3A_40 = arith.constant 2.000000e+00 : f32
    %div3A_41 = vector.broadcast %div3A_40 : f32 to vector<4096x1xf32>
    %div3A_42 = arith.divf %broadcast_in_dim3A_39, %div3A_41 : vector<4096x1xf32>
    %sub3A_43 = vector.broadcast %div3A_34 : vector<4096x1xf32> to vector<4096x2xf32>
    %sub3A_44 = arith.subf %add3A_25, %sub3A_43 : vector<4096x2xf32>
    %add3A_45 = arith.constant 9.99999974E-6 : f32
    %add3A_46 = vector.broadcast %add3A_45 : f32 to vector<4096x1xf32>
    %add3A_47 = arith.addf %div3A_42, %add3A_46 : vector<4096x1xf32>
    %rsqrt3A = math.rsqrt %add3A_47 : vector<4096x1xf32>
    %mul3A = vector.broadcast %rsqrt3A : vector<4096x1xf32> to vector<4096x2xf32>
    %mul3A_48 = arith.mulf %sub3A_44, %mul3A : vector<4096x2xf32>
    %mul3A_49 = vector.broadcast %get3A_28 : vector<1x2xf32> to vector<4096x2xf32>
    %mul3A_50 = arith.mulf %mul3A_48, %mul3A_49 : vector<4096x2xf32>
    %add3A_51 = vector.broadcast %get3A_31 : vector<1x2xf32> to vector<4096x2xf32>
    %add3A_52 = arith.addf %mul3A_50, %add3A_51 : vector<4096x2xf32>
    %swap3A = arith.constant 0 : index
    %swap3A_53 = arith.constant 0 : index
    %swap3A_54 = vector.load %arg9[%swap3A, %swap3A_53] : memref<4096x2xf32, #tpu.memory_space<vmem>>, vector<4096x2xf32>
    tpu.vector_store %arg9[%swap3A, %swap3A_53], %add3A_52 {strides = array<i32>} : memref<4096x2xf32, #tpu.memory_space<vmem>>, vector<4096x2xf32>,
    return
  }
  func.func @transform_0(%arg0: i32) -> (i32, i32) {
    %c0_i32 = arith.constant 0 : i32
    %c0_i32_0 = arith.constant 0 : i32
    return %arg0, %c0_i32 : i32, i32
  }
  func.func @transform_1(%arg0: i32) -> (i32, i32) {
    %c0_i32 = arith.constant 0 : i32
    %c0_i32_0 = arith.constant 0 : i32
    return %arg0, %c0_i32 : i32, i32
  }
  func.func @transform_2(%arg0: i32) -> (i32, i32) {
    %c0_i32 = arith.constant 0 : i32
    %c0_i32_0 = arith.constant 0 : i32
    %c0_i32_1 = arith.constant 0 : i32
    return %c0_i32, %c0_i32_0 : i32, i32
  }
  func.func @transform_3(%arg0: i32) -> (i32, i32) {
    %c0_i32 = arith.constant 0 : i32
    %c0_i32_0 = arith.constant 0 : i32
    %c0_i32_1 = arith.constant 0 : i32
    return %c0_i32, %c0_i32_0 : i32, i32
  }
  func.func @transform_4(%arg0: i32) -> (i32, i32) {
    %c0_i32 = arith.constant 0 : i32
    %c0_i32_0 = arith.constant 0 : i32
    %c0_i32_1 = arith.constant 0 : i32
    return %c0_i32, %c0_i32_0 : i32, i32
  }
  func.func @transform_5(%arg0: i32) -> (i32, i32) {
    %c0_i32 = arith.constant 0 : i32
    %c0_i32_0 = arith.constant 0 : i32
    %c0_i32_1 = arith.constant 0 : i32
    return %c0_i32, %c0_i32_0 : i32, i32
  }
  func.func @transform_6(%arg0: i32) -> (i32, i32) {
    %c0_i32 = arith.constant 0 : i32
    %c0_i32_0 = arith.constant 0 : i32
    %c0_i32_1 = arith.constant 0 : i32
    return %c0_i32, %c0_i32_0 : i32, i32
  }
  func.func @transform_7(%arg0: i32) -> (i32, i32) {
    %c0_i32 = arith.constant 0 : i32
    %c0_i32_0 = arith.constant 0 : i32
    %c0_i32_1 = arith.constant 0 : i32
    return %c0_i32, %c0_i32_0 : i32, i32
  }
  func.func @transform_8(%arg0: i32) -> (i32, i32) {
    %c0_i32 = arith.constant 0 : i32
    %c0_i32_0 = arith.constant 0 : i32
    return %arg0, %c0_i32 : i32, i32
  }
}

module attributes {stable_mosaic.version = 14 : i64} {
  func.func @_edge_body(%arg0: i32, %arg1: memref<4096x128xf32, #tpu.memory_space<vmem>>, %arg2: memref<4096x128xf32, #tpu.memory_space<vmem>>, %arg3: memref<4096x2xf32, #tpu.memory_space<vmem>>, %arg4: memref<2x128xf32, #tpu.memory_space<vmem>>, %arg5: memref<1x128xf32, #tpu.memory_space<vmem>>, %arg6: memref<128x128xf32, #tpu.memory_space<vmem>>, %arg7: memref<1x128xf32, #tpu.memory_space<vmem>>, %arg8: memref<128x2xf32, #tpu.memory_space<vmem>>, %arg9: memref<1x2xf32, #tpu.memory_space<vmem>>, %arg10: memref<4096x128xf32, #tpu.memory_space<vmem>>, %arg11: memref<4096x2xf32, #tpu.memory_space<vmem>>) attributes {dimension_semantics = [#tpu.dimension_semantics<arbitrary>], iteration_bounds = array<i64: 196>, scalar_prefetch = 0 : i64, scratch_operands = 0 : i64, tpu.core_type = #tpu.core_type<tc>, window_params = [{transform_indices = @transform_0, window_bounds = array<i64: 4096, 128>}, {transform_indices = @transform_1, window_bounds = array<i64: 4096, 128>}, {transform_indices = @transform_2, window_bounds = array<i64: 4096, 2>}, {pipeline_mode = #tpu.pipeline_mode<synchronous>, transform_indices = @transform_3, window_bounds = array<i64: 2, 128>}, {pipeline_mode = #tpu.pipeline_mode<synchronous>, transform_indices = @transform_4, window_bounds = array<i64: 1, 128>}, {pipeline_mode = #tpu.pipeline_mode<synchronous>, transform_indices = @transform_5, window_bounds = array<i64: 128, 128>}, {pipeline_mode = #tpu.pipeline_mode<synchronous>, transform_indices = @transform_6, window_bounds = array<i64: 1, 128>}, {pipeline_mode = #tpu.pipeline_mode<synchronous>, transform_indices = @transform_7, window_bounds = array<i64: 128, 2>}, {pipeline_mode = #tpu.pipeline_mode<synchronous>, transform_indices = @transform_8, window_bounds = array<i64: 1, 2>}, {transform_indices = @transform_9, window_bounds = array<i64: 4096, 128>}, {transform_indices = @transform_10, window_bounds = array<i64: 4096, 2>}]} {
    %get3A = arith.constant 0 : index
    %get3A_0 = arith.constant 0 : index
    %get3A_1 = vector.load %arg3[%get3A, %get3A_0] : memref<4096x2xf32, #tpu.memory_space<vmem>>, vector<4096x2xf32>
    %get3A_2 = arith.constant 0 : index
    %get3A_3 = arith.constant 0 : index
    %get3A_4 = vector.load %arg1[%get3A_2, %get3A_3] : memref<4096x128xf32, #tpu.memory_space<vmem>>, vector<4096x128xf32>
    %get3A_5 = arith.constant 0 : index
    %get3A_6 = arith.constant 0 : index
    %get3A_7 = vector.load %arg2[%get3A_5, %get3A_6] : memref<4096x128xf32, #tpu.memory_space<vmem>>, vector<4096x128xf32>
    %add3A = arith.addf %get3A_4, %get3A_7 : vector<4096x128xf32>
    %get3A_8 = arith.constant 0 : index
    %get3A_9 = arith.constant 0 : index
    %get3A_10 = vector.load %arg4[%get3A_8, %get3A_9] : memref<2x128xf32, #tpu.memory_space<vmem>>, vector<2x128xf32>
    %dot_general3A = arith.constant dense<0.000000e+00> : vector<4096x128xf32>
    %dot_general3A_11 = tpu.matmul %get3A_1, %get3A_10, %dot_general3A {dimension_numbers = #tpu.dot_dimension_numbers<[1], [0], [0], [1], [0, 0, 1, 1], [], []>, transpose_lhs_hint = false} : vector<4096x2xf32>, vector<2x128xf32>, vector<4096x128xf32> -> vector<4096x128xf32>
    %add3A_12 = arith.addf %add3A, %dot_general3A_11 : vector<4096x128xf32>
    %get3A_13 = arith.constant 0 : index
    %get3A_14 = arith.constant 0 : index
    %get3A_15 = vector.load %arg5[%get3A_13, %get3A_14] : memref<1x128xf32, #tpu.memory_space<vmem>>, vector<1x128xf32>
    %add3A_16 = vector.broadcast %get3A_15 : vector<1x128xf32> to vector<4096x128xf32>
    %add3A_17 = arith.addf %add3A_12, %add3A_16 : vector<4096x128xf32>
    %max3A = arith.constant 0.000000e+00 : f32
    %max3A_18 = vector.broadcast %max3A : f32 to vector<4096x128xf32>
    %max3A_19 = arith.maximumf %add3A_17, %max3A_18 : vector<4096x128xf32>
    %get3A_20 = arith.constant 0 : index
    %get3A_21 = arith.constant 0 : index
    %get3A_22 = vector.load %arg6[%get3A_20, %get3A_21] : memref<128x128xf32, #tpu.memory_space<vmem>>, vector<128x128xf32>
    %dot_general3A_23 = arith.constant dense<0.000000e+00> : vector<4096x128xf32>
    %dot_general3A_24 = tpu.matmul %max3A_19, %get3A_22, %dot_general3A_23 {dimension_numbers = #tpu.dot_dimension_numbers<[1], [0], [0], [1], [0, 0, 1, 1], [], []>, transpose_lhs_hint = false} : vector<4096x128xf32>, vector<128x128xf32>, vector<4096x128xf32> -> vector<4096x128xf32>
    %get3A_25 = arith.constant 0 : index
    %get3A_26 = arith.constant 0 : index
    %get3A_27 = vector.load %arg7[%get3A_25, %get3A_26] : memref<1x128xf32, #tpu.memory_space<vmem>>, vector<1x128xf32>
    %add3A_28 = vector.broadcast %get3A_27 : vector<1x128xf32> to vector<4096x128xf32>
    %add3A_29 = arith.addf %dot_general3A_24, %add3A_28 : vector<4096x128xf32>
    %swap3A = arith.constant 0 : index
    %swap3A_30 = arith.constant 0 : index
    %swap3A_31 = vector.load %arg10[%swap3A, %swap3A_30] : memref<4096x128xf32, #tpu.memory_space<vmem>>, vector<4096x128xf32>
    tpu.vector_store %arg10[%swap3A, %swap3A_30], %add3A_29 {strides = array<i32>} : memref<4096x128xf32, #tpu.memory_space<vmem>>, vector<4096x128xf32>,
    %get3A_32 = arith.constant 0 : index
    %get3A_33 = arith.constant 0 : index
    %get3A_34 = vector.load %arg8[%get3A_32, %get3A_33] : memref<128x2xf32, #tpu.memory_space<vmem>>, vector<128x2xf32>
    %dot_general3A_35 = arith.constant dense<0.000000e+00> : vector<4096x2xf32>
    %dot_general3A_36 = tpu.matmul %max3A_19, %get3A_34, %dot_general3A_35 {dimension_numbers = #tpu.dot_dimension_numbers<[1], [0], [0], [1], [0, 0, 1, 1], [], []>, transpose_lhs_hint = false} : vector<4096x128xf32>, vector<128x2xf32>, vector<4096x2xf32> -> vector<4096x2xf32>
    %add3A_37 = arith.addf %get3A_1, %dot_general3A_36 : vector<4096x2xf32>
    %get3A_38 = arith.constant 0 : index
    %get3A_39 = arith.constant 0 : index
    %get3A_40 = vector.load %arg9[%get3A_38, %get3A_39] : memref<1x2xf32, #tpu.memory_space<vmem>>, vector<1x2xf32>
    %add3A_41 = vector.broadcast %get3A_40 : vector<1x2xf32> to vector<4096x2xf32>
    %add3A_42 = arith.addf %add3A_37, %add3A_41 : vector<4096x2xf32>
    %swap3A_43 = arith.constant 0 : index
    %swap3A_44 = arith.constant 0 : index
    %swap3A_45 = vector.load %arg11[%swap3A_43, %swap3A_44] : memref<4096x2xf32, #tpu.memory_space<vmem>>, vector<4096x2xf32>
    tpu.vector_store %arg11[%swap3A_43, %swap3A_44], %add3A_42 {strides = array<i32>} : memref<4096x2xf32, #tpu.memory_space<vmem>>, vector<4096x2xf32>,
    return
  }
  func.func @transform_0(%arg0: i32) -> (i32, i32) {
    %c0_i32 = arith.constant 0 : i32
    %c0_i32_0 = arith.constant 0 : i32
    return %arg0, %c0_i32 : i32, i32
  }
  func.func @transform_1(%arg0: i32) -> (i32, i32) {
    %c0_i32 = arith.constant 0 : i32
    %c0_i32_0 = arith.constant 0 : i32
    return %arg0, %c0_i32 : i32, i32
  }
  func.func @transform_2(%arg0: i32) -> (i32, i32) {
    %c0_i32 = arith.constant 0 : i32
    %c0_i32_0 = arith.constant 0 : i32
    return %arg0, %c0_i32 : i32, i32
  }
  func.func @transform_3(%arg0: i32) -> (i32, i32) {
    %c0_i32 = arith.constant 0 : i32
    %c0_i32_0 = arith.constant 0 : i32
    %c0_i32_1 = arith.constant 0 : i32
    return %c0_i32, %c0_i32_0 : i32, i32
  }
  func.func @transform_4(%arg0: i32) -> (i32, i32) {
    %c0_i32 = arith.constant 0 : i32
    %c0_i32_0 = arith.constant 0 : i32
    %c0_i32_1 = arith.constant 0 : i32
    return %c0_i32, %c0_i32_0 : i32, i32
  }
  func.func @transform_5(%arg0: i32) -> (i32, i32) {
    %c0_i32 = arith.constant 0 : i32
    %c0_i32_0 = arith.constant 0 : i32
    %c0_i32_1 = arith.constant 0 : i32
    return %c0_i32, %c0_i32_0 : i32, i32
  }
  func.func @transform_6(%arg0: i32) -> (i32, i32) {
    %c0_i32 = arith.constant 0 : i32
    %c0_i32_0 = arith.constant 0 : i32
    %c0_i32_1 = arith.constant 0 : i32
    return %c0_i32, %c0_i32_0 : i32, i32
  }
  func.func @transform_7(%arg0: i32) -> (i32, i32) {
    %c0_i32 = arith.constant 0 : i32
    %c0_i32_0 = arith.constant 0 : i32
    %c0_i32_1 = arith.constant 0 : i32
    return %c0_i32, %c0_i32_0 : i32, i32
  }
  func.func @transform_8(%arg0: i32) -> (i32, i32) {
    %c0_i32 = arith.constant 0 : i32
    %c0_i32_0 = arith.constant 0 : i32
    %c0_i32_1 = arith.constant 0 : i32
    return %c0_i32, %c0_i32_0 : i32, i32
  }
  func.func @transform_9(%arg0: i32) -> (i32, i32) {
    %c0_i32 = arith.constant 0 : i32
    %c0_i32_0 = arith.constant 0 : i32
    return %arg0, %c0_i32 : i32, i32
  }
  func.func @transform_10(%arg0: i32) -> (i32, i32) {
    %c0_i32 = arith.constant 0 : i32
    %c0_i32_0 = arith.constant 0 : i32
    return %arg0, %c0_i32 : i32, i32
  }
}

module attributes {stable_mosaic.version = 14 : i64} {
  func.func @_node_body(%arg0: i32, %arg1: memref<5000x64xf32, #tpu.memory_space<vmem>>, %arg2: memref<5000x128xf32, #tpu.memory_space<vmem>>, %arg3: memref<64x64xf32, #tpu.memory_space<vmem>>, %arg4: memref<128x64xf32, #tpu.memory_space<vmem>>, %arg5: memref<1x64xf32, #tpu.memory_space<vmem>>, %arg6: memref<64x64xf32, #tpu.memory_space<vmem>>, %arg7: memref<1x64xf32, #tpu.memory_space<vmem>>, %arg8: memref<5000x64xf32, #tpu.memory_space<vmem>>) attributes {dimension_semantics = [#tpu.dimension_semantics<arbitrary>], iteration_bounds = array<i64: 10>, scalar_prefetch = 0 : i64, scratch_operands = 0 : i64, tpu.core_type = #tpu.core_type<tc>, window_params = [{transform_indices = @transform_0, window_bounds = array<i64: 5000, 64>}, {transform_indices = @transform_1, window_bounds = array<i64: 5000, 128>}, {pipeline_mode = #tpu.pipeline_mode<synchronous>, transform_indices = @transform_2, window_bounds = array<i64: 64, 64>}, {pipeline_mode = #tpu.pipeline_mode<synchronous>, transform_indices = @transform_3, window_bounds = array<i64: 128, 64>}, {pipeline_mode = #tpu.pipeline_mode<synchronous>, transform_indices = @transform_4, window_bounds = array<i64: 1, 64>}, {pipeline_mode = #tpu.pipeline_mode<synchronous>, transform_indices = @transform_5, window_bounds = array<i64: 64, 64>}, {pipeline_mode = #tpu.pipeline_mode<synchronous>, transform_indices = @transform_6, window_bounds = array<i64: 1, 64>}, {transform_indices = @transform_7, window_bounds = array<i64: 5000, 64>}]} {
    %get3A = arith.constant 0 : index
    %get3A_0 = arith.constant 0 : index
    %get3A_1 = vector.load %arg1[%get3A, %get3A_0] : memref<5000x64xf32, #tpu.memory_space<vmem>>, vector<5000x64xf32>
    %get3A_2 = arith.constant 0 : index
    %get3A_3 = arith.constant 0 : index
    %get3A_4 = vector.load %arg3[%get3A_2, %get3A_3] : memref<64x64xf32, #tpu.memory_space<vmem>>, vector<64x64xf32>
    %dot_general3A = arith.constant dense<0.000000e+00> : vector<5000x64xf32>
    %dot_general3A_5 = tpu.matmul %get3A_1, %get3A_4, %dot_general3A {dimension_numbers = #tpu.dot_dimension_numbers<[1], [0], [0], [1], [0, 0, 1, 1], [], []>, transpose_lhs_hint = false} : vector<5000x64xf32>, vector<64x64xf32>, vector<5000x64xf32> -> vector<5000x64xf32>
    %get3A_6 = arith.constant 0 : index
    %get3A_7 = arith.constant 0 : index
    %get3A_8 = vector.load %arg2[%get3A_6, %get3A_7] : memref<5000x128xf32, #tpu.memory_space<vmem>>, vector<5000x128xf32>
    %get3A_9 = arith.constant 0 : index
    %get3A_10 = arith.constant 0 : index
    %get3A_11 = vector.load %arg4[%get3A_9, %get3A_10] : memref<128x64xf32, #tpu.memory_space<vmem>>, vector<128x64xf32>
    %dot_general3A_12 = arith.constant dense<0.000000e+00> : vector<5000x64xf32>
    %dot_general3A_13 = tpu.matmul %get3A_8, %get3A_11, %dot_general3A_12 {dimension_numbers = #tpu.dot_dimension_numbers<[1], [0], [0], [1], [0, 0, 1, 1], [], []>, transpose_lhs_hint = false} : vector<5000x128xf32>, vector<128x64xf32>, vector<5000x64xf32> -> vector<5000x64xf32>
    %add3A = arith.addf %dot_general3A_5, %dot_general3A_13 : vector<5000x64xf32>
    %get3A_14 = arith.constant 0 : index
    %get3A_15 = arith.constant 0 : index
    %get3A_16 = vector.load %arg5[%get3A_14, %get3A_15] : memref<1x64xf32, #tpu.memory_space<vmem>>, vector<1x64xf32>
    %add3A_17 = vector.broadcast %get3A_16 : vector<1x64xf32> to vector<5000x64xf32>
    %add3A_18 = arith.addf %add3A, %add3A_17 : vector<5000x64xf32>
    %max3A = arith.constant 0.000000e+00 : f32
    %max3A_19 = vector.broadcast %max3A : f32 to vector<5000x64xf32>
    %max3A_20 = arith.maximumf %add3A_18, %max3A_19 : vector<5000x64xf32>
    %get3A_21 = arith.constant 0 : index
    %get3A_22 = arith.constant 0 : index
    %get3A_23 = vector.load %arg6[%get3A_21, %get3A_22] : memref<64x64xf32, #tpu.memory_space<vmem>>, vector<64x64xf32>
    %dot_general3A_24 = arith.constant dense<0.000000e+00> : vector<5000x64xf32>
    %dot_general3A_25 = tpu.matmul %max3A_20, %get3A_23, %dot_general3A_24 {dimension_numbers = #tpu.dot_dimension_numbers<[1], [0], [0], [1], [0, 0, 1, 1], [], []>, transpose_lhs_hint = false} : vector<5000x64xf32>, vector<64x64xf32>, vector<5000x64xf32> -> vector<5000x64xf32>
    %add3A_26 = arith.addf %get3A_1, %dot_general3A_25 : vector<5000x64xf32>
    %get3A_27 = arith.constant 0 : index
    %get3A_28 = arith.constant 0 : index
    %get3A_29 = vector.load %arg7[%get3A_27, %get3A_28] : memref<1x64xf32, #tpu.memory_space<vmem>>, vector<1x64xf32>
    %add3A_30 = vector.broadcast %get3A_29 : vector<1x64xf32> to vector<5000x64xf32>
    %add3A_31 = arith.addf %add3A_26, %add3A_30 : vector<5000x64xf32>
    %swap3A = arith.constant 0 : index
    %swap3A_32 = arith.constant 0 : index
    %swap3A_33 = vector.load %arg8[%swap3A, %swap3A_32] : memref<5000x64xf32, #tpu.memory_space<vmem>>, vector<5000x64xf32>
    tpu.vector_store %arg8[%swap3A, %swap3A_32], %add3A_31 {strides = array<i32>} : memref<5000x64xf32, #tpu.memory_space<vmem>>, vector<5000x64xf32>,
    return
  }
  func.func @transform_0(%arg0: i32) -> (i32, i32) {
    %c0_i32 = arith.constant 0 : i32
    %c0_i32_0 = arith.constant 0 : i32
    return %arg0, %c0_i32 : i32, i32
  }
  func.func @transform_1(%arg0: i32) -> (i32, i32) {
    %c0_i32 = arith.constant 0 : i32
    %c0_i32_0 = arith.constant 0 : i32
    return %arg0, %c0_i32 : i32, i32
  }
  func.func @transform_2(%arg0: i32) -> (i32, i32) {
    %c0_i32 = arith.constant 0 : i32
    %c0_i32_0 = arith.constant 0 : i32
    %c0_i32_1 = arith.constant 0 : i32
    return %c0_i32, %c0_i32_0 : i32, i32
  }
  func.func @transform_3(%arg0: i32) -> (i32, i32) {
    %c0_i32 = arith.constant 0 : i32
    %c0_i32_0 = arith.constant 0 : i32
    %c0_i32_1 = arith.constant 0 : i32
    return %c0_i32, %c0_i32_0 : i32, i32
  }
  func.func @transform_4(%arg0: i32) -> (i32, i32) {
    %c0_i32 = arith.constant 0 : i32
    %c0_i32_0 = arith.constant 0 : i32
    %c0_i32_1 = arith.constant 0 : i32
    return %c0_i32, %c0_i32_0 : i32, i32
  }
  func.func @transform_5(%arg0: i32) -> (i32, i32) {
    %c0_i32 = arith.constant 0 : i32
    %c0_i32_0 = arith.constant 0 : i32
    %c0_i32_1 = arith.constant 0 : i32
    return %c0_i32, %c0_i32_0 : i32, i32
  }
  func.func @transform_6(%arg0: i32) -> (i32, i32) {
    %c0_i32 = arith.constant 0 : i32
    %c0_i32_0 = arith.constant 0 : i32
    %c0_i32_1 = arith.constant 0 : i32
    return %c0_i32, %c0_i32_0 : i32, i32
  }
  func.func @transform_7(%arg0: i32) -> (i32, i32) {
    %c0_i32 = arith.constant 0 : i32
    %c0_i32_0 = arith.constant 0 : i32
    return %arg0, %c0_i32 : i32, i32
  }
}

module attributes {stable_mosaic.version = 14 : i64} {
  func.func @_final_body(%arg0: i32, %arg1: memref<5000x64xf32, #tpu.memory_space<vmem>>, %arg2: memref<64x64xf32, #tpu.memory_space<vmem>>, %arg3: memref<1x64xf32, #tpu.memory_space<vmem>>, %arg4: memref<64x3xf32, #tpu.memory_space<vmem>>, %arg5: memref<1x3xf32, #tpu.memory_space<vmem>>, %arg6: memref<5000x3xf32, #tpu.memory_space<vmem>>) attributes {dimension_semantics = [#tpu.dimension_semantics<arbitrary>], iteration_bounds = array<i64: 10>, scalar_prefetch = 0 : i64, scratch_operands = 0 : i64, tpu.core_type = #tpu.core_type<tc>, window_params = [{transform_indices = @transform_0, window_bounds = array<i64: 5000, 64>}, {pipeline_mode = #tpu.pipeline_mode<synchronous>, transform_indices = @transform_1, window_bounds = array<i64: 64, 64>}, {pipeline_mode = #tpu.pipeline_mode<synchronous>, transform_indices = @transform_2, window_bounds = array<i64: 1, 64>}, {pipeline_mode = #tpu.pipeline_mode<synchronous>, transform_indices = @transform_3, window_bounds = array<i64: 64, 3>}, {pipeline_mode = #tpu.pipeline_mode<synchronous>, transform_indices = @transform_4, window_bounds = array<i64: 1, 3>}, {transform_indices = @transform_5, window_bounds = array<i64: 5000, 3>}]} {
    %get3A = arith.constant 0 : index
    %get3A_0 = arith.constant 0 : index
    %get3A_1 = vector.load %arg1[%get3A, %get3A_0] : memref<5000x64xf32, #tpu.memory_space<vmem>>, vector<5000x64xf32>
    %get3A_2 = arith.constant 0 : index
    %get3A_3 = arith.constant 0 : index
    %get3A_4 = vector.load %arg2[%get3A_2, %get3A_3] : memref<64x64xf32, #tpu.memory_space<vmem>>, vector<64x64xf32>
    %dot_general3A = arith.constant dense<0.000000e+00> : vector<5000x64xf32>
    %dot_general3A_5 = tpu.matmul %get3A_1, %get3A_4, %dot_general3A {dimension_numbers = #tpu.dot_dimension_numbers<[1], [0], [0], [1], [0, 0, 1, 1], [], []>, transpose_lhs_hint = false} : vector<5000x64xf32>, vector<64x64xf32>, vector<5000x64xf32> -> vector<5000x64xf32>
    %get3A_6 = arith.constant 0 : index
    %get3A_7 = arith.constant 0 : index
    %get3A_8 = vector.load %arg3[%get3A_6, %get3A_7] : memref<1x64xf32, #tpu.memory_space<vmem>>, vector<1x64xf32>
    %add3A = vector.broadcast %get3A_8 : vector<1x64xf32> to vector<5000x64xf32>
    %add3A_9 = arith.addf %dot_general3A_5, %add3A : vector<5000x64xf32>
    %max3A = arith.constant 0.000000e+00 : f32
    %max3A_10 = vector.broadcast %max3A : f32 to vector<5000x64xf32>
    %max3A_11 = arith.maximumf %add3A_9, %max3A_10 : vector<5000x64xf32>
    %get3A_12 = arith.constant 0 : index
    %get3A_13 = arith.constant 0 : index
    %get3A_14 = vector.load %arg4[%get3A_12, %get3A_13] : memref<64x3xf32, #tpu.memory_space<vmem>>, vector<64x3xf32>
    %dot_general3A_15 = arith.constant dense<0.000000e+00> : vector<5000x3xf32>
    %dot_general3A_16 = tpu.matmul %max3A_11, %get3A_14, %dot_general3A_15 {dimension_numbers = #tpu.dot_dimension_numbers<[1], [0], [0], [1], [0, 0, 1, 1], [], []>, transpose_lhs_hint = false} : vector<5000x64xf32>, vector<64x3xf32>, vector<5000x3xf32> -> vector<5000x3xf32>
    %get3A_17 = arith.constant 0 : index
    %get3A_18 = arith.constant 0 : index
    %get3A_19 = vector.load %arg5[%get3A_17, %get3A_18] : memref<1x3xf32, #tpu.memory_space<vmem>>, vector<1x3xf32>
    %add3A_20 = vector.broadcast %get3A_19 : vector<1x3xf32> to vector<5000x3xf32>
    %add3A_21 = arith.addf %dot_general3A_16, %add3A_20 : vector<5000x3xf32>
    %swap3A = arith.constant 0 : index
    %swap3A_22 = arith.constant 0 : index
    %swap3A_23 = vector.load %arg6[%swap3A, %swap3A_22] : memref<5000x3xf32, #tpu.memory_space<vmem>>, vector<5000x3xf32>
    tpu.vector_store %arg6[%swap3A, %swap3A_22], %add3A_21 {strides = array<i32>} : memref<5000x3xf32, #tpu.memory_space<vmem>>, vector<5000x3xf32>,
    return
  }
  func.func @transform_0(%arg0: i32) -> (i32, i32) {
    %c0_i32 = arith.constant 0 : i32
    %c0_i32_0 = arith.constant 0 : i32
    return %arg0, %c0_i32 : i32, i32
  }
  func.func @transform_1(%arg0: i32) -> (i32, i32) {
    %c0_i32 = arith.constant 0 : i32
    %c0_i32_0 = arith.constant 0 : i32
    %c0_i32_1 = arith.constant 0 : i32
    return %c0_i32, %c0_i32_0 : i32, i32
  }
  func.func @transform_2(%arg0: i32) -> (i32, i32) {
    %c0_i32 = arith.constant 0 : i32
    %c0_i32_0 = arith.constant 0 : i32
    %c0_i32_1 = arith.constant 0 : i32
    return %c0_i32, %c0_i32_0 : i32, i32
  }
  func.func @transform_3(%arg0: i32) -> (i32, i32) {
    %c0_i32 = arith.constant 0 : i32
    %c0_i32_0 = arith.constant 0 : i32
    %c0_i32_1 = arith.constant 0 : i32
    return %c0_i32, %c0_i32_0 : i32, i32
  }
  func.func @transform_4(%arg0: i32) -> (i32, i32) {
    %c0_i32 = arith.constant 0 : i32
    %c0_i32_0 = arith.constant 0 : i32
    %c0_i32_1 = arith.constant 0 : i32
    return %c0_i32, %c0_i32_0 : i32, i32
  }
  func.func @transform_5(%arg0: i32) -> (i32, i32) {
    %c0_i32 = arith.constant 0 : i32
    %c0_i32_0 = arith.constant 0 : i32
    return %arg0, %c0_i32 : i32, i32
  }
}

</mosaic_0001>

<sc_bundles>
// kernel: kernel.21.cloned.1.call-start
scs
__scs_entry_jumppad:
0x0: {  	(pc) =	sbr.rel $0x88, $3  }
0x1: {  	(tag) =	ssettag $0x0;
	lr =	simm.s32 $0x1  }
0x2: {  	[smem:$0x3F7E] =	sst lr;
	_ =	strace $0xD0000000  }
0x3: {  	_ = 	snop  }
0x4: {  	_ = 	snop  }
0x5: {  	_ = 	snop  }
0x6: {  	_ = 	snop  }
0x7: {  	_ = 	snop  }
__scs_overlays_trampoline_lowered:
0x8: {  	[smem:$0x3F8D] =	sst s0  }
0x9: {  	[smem:$0x3F8E] =	sst s1  }
0xa: {  	[smem:$0x3F8F] =	sst s2  }
0xb: {  	[smem:$0x3F90] =	sst s3  }
0xc: {  	[smem:$0x3F91] =	sst s4  }
0xd: {  	[smem:$0x3F92] =	sst s5  }
0xe: {  	[smem:$0x3F93] =	sst s6  }
0xf: {  	[smem:$0x3F94] =	sst s7  }
0x10: {  	[smem:$0x3F95] =	sst s8  }
0x11: {  	[smem:$0x3F96] =	sst s9;
	s0 =	simm.s32 @!p0 $0x0  }
0x12: {  	s1 =	sld [smem:$0x3F7C];
	s0 =	simm.s32 @p0 $0x1  }
0x13: {  	[smem:$0x3F97] =	sst s0;
	s0 =	simm.s32 @!p1 $0x0  }
0x14: {  	s2 =	sld [smem:$0x3F7B];
	s0 =	simm.s32 @p1 $0x1  }
0x15: {  	[smem:$0x3F98] =	sst s0;
	s0 =	simm.s32 @!p2 $0x0  }
0x16: {  	s3 =	sld [smem:$0x3FDB];
	s0 =	simm.s32 @p2 $0x1  }
0x17: {  	s4 =	simm.s32 $0x1BF5;
	[smem:$0x3F9A] =	sst s0  }
0x18: {  	s0 =	sld [smem:$0x3F7D];
	_ =	swait.ge [sflag:s4], $0x0  }
0x19: {  	s7 =	sld [smem:$0x3F7E]  }
0x1a: {  	s8 =	sadd.s32 $0xFFFFE003, lr  }
0x1b: {  	s9 =	sadd.s32 $0xFFFFFEF7, lr;
	s5 =	simm.s32 $0xFFFFFFFF;
	p2 =	slt.u32 s8, $0xFFFFF086  }
0x1c: {  	p1 =	slt.u32 s9, $0xF7A;
	s5 =	simm.s32 @!p2 $0x0  }
0x1d: {  	s5 =	simm.s32 @p1 $0x1;
	p0 =	seq.s32 s7, s2  }
0x1e: {  	s7 =	smul.u32 @!p0 $0xF7A, s2;
	p2 =	seq.s32 @!p0 s5, $0x0  }
0x1f: {  	s9 =	smul.u32 $0xF7A, s1;
	s8 =	simm.s32 @!p0 $0x1BF5;
	p2 =	por !p2, p0  }
0x20: {  	[sflag:s8] =	ssyncset.s32 @!p0 $0xFFFFF086;
	s6 =	sadd.s32 @!p0 s3, s7;
	s7 =	simm.s32 @!p0 $0x108  }
0x21: {  	s3 =	sadd.s32 s3, s9;
	s6 =	sadd.s32 @!p0 $0x88, s6;
	s7 =	simm.s32 @p2 $0x1082  }
0x22: {  	[simem:s7], [sflag:s8] =	dma.local @!p0 [hbm:s6], $0xF7A  }
0x23: {  	s9 =	sor.u32 $0xD0000000, s2;
	s6 =	simm.s32 $0x108;
	_ =	swait.ge @!p0 [sflag:s8], $0x0  }
0x24: {  	s3 =	sadd.s32 $0x88, s3;
	s6 =	simm.s32 @!p1 $0x1082;
	[sflag:s4] =	ssyncset.s32 $0xFFFFF086  }
0x25: {  	[simem:s6], [sflag:s4] =	dma.local [hbm:s3], $0xF7A  }
0x26: {  	[smem:$0x3F7E] =	sst s1;
	(tag) =	ssettag s2;
	_ =	strace s9  }
0x27: {  	s1 =	sld [smem:$0x3F8E]  }
0x28: {  	s2 =	sld [smem:$0x3F8F]  }
0x29: {  	s4 =	sld [smem:$0x3F91]  }
0x2a: {  	p0 =	seq.s32 s5, $0x0;
	s5 =	sld [smem:$0x3F92]  }
0x2b: {  	s6 =	sld [smem:$0x3F93]  }
0x2c: {  	s7 =	sld [smem:$0x3F94]  }
0x2d: {  	s3 =	simm.s32 $0x108;
	s8 =	sld [smem:$0x3F95]  }
0x2e: {  	s3 =	simm.s32 @!p0 $0x1082;
	s9 =	sld [smem:$0x3F96]  }
0x2f: {  	lr =	sadd.s32 s0, s3;
	s0 =	sld [smem:$0x3F8D]  }
0x30: {  	s3 =	sld [smem:$0x3F90]  }
0x31: {  	[smem:$0x3F99] =	sst s10  }
0x32: {  	s10 =	sld [smem:$0x3F97];
	_ =	sdelay $0x3  }
0x33: {  	p0 =	seq.s32 s10, $0x1;
	s10 =	sld [smem:$0x3F99];
	_ =	sdelay $0x3  }
0x34: {  	[smem:$0x3F99] =	sst s10  }
0x35: {  	s10 =	sld [smem:$0x3F98];
	_ =	sdelay $0x3  }
0x36: {  	p1 =	seq.s32 s10, $0x1;
	s10 =	sld [smem:$0x3F99];
	_ =	sdelay $0x3  }
0x37: {  	[smem:$0x3F99] =	sst s10  }
0x38: {  	s10 =	sld [smem:$0x3F9A]  }
0x39: {  	_ = 	snop;
	(pc) =	sbr.ind lr, $3  }
0x3a: {  	_ = 	snop  }
0x3b: {  	_ = 	snop  }
0x3c: {  	p2 =	seq.s32 s10, $0x1;
	s10 =	sld [smem:$0x3F99]  }
0x3d: {  	_ =	shalt  }
0x3e: {  	_ =	shalt  }
0x3f: {  	_ =	shalt  }
0x40: {  	_ =	shalt  }
0x41: {  	_ =	shalt  }
0x42: {  	_ =	shalt  }
0x43: {  	_ =	shalt  }
0x44: {  	_ =	shalt  }
0x45: {  	_ =	shalt  }
0x46: {  	_ =	shalt  }
0x47: {  	_ =	shalt  }
0x48: {  	_ =	shalt  }
0x49: {  	_ =	shalt  }
0x4a: {  	_ =	shalt  }
0x4b: {  	_ =	shalt  }
0x4c: {  	_ =	shalt  }
0x4d: {  	_ =	shalt  }
0x4e: {  	_ =	shalt  }
0x4f: {  	_ =	shalt  }
0x50: {  	_ =	shalt  }
0x51: {  	_ =	shalt  }
0x52: {  	_ =	shalt  }
0x53: {  	_ =	shalt  }
0x54: {  	_ =	shalt  }
0x55: {  	_ =	shalt  }
0x56: {  	_ =	shalt  }
0x57: {  	_ =	shalt  }
0x58: {  	_ =	shalt  }
0x59: {  	_ =	shalt  }
0x5a: {  	_ =	shalt  }
0x5b: {  	_ =	shalt  }
0x5c: {  	_ =	shalt  }
0x5d: {  	_ =	shalt  }
0x5e: {  	_ =	shalt  }
0x5f: {  	_ =	shalt  }
0x60: {  	_ =	shalt  }
0x61: {  	_ =	shalt  }
0x62: {  	_ =	shalt  }
0x63: {  	_ =	shalt  }
0x64: {  	_ =	shalt  }
0x65: {  	_ =	shalt  }
0x66: {  	_ =	shalt  }
0x67: {  	_ =	shalt  }
0x68: {  	_ =	shalt  }
0x69: {  	_ =	shalt  }
0x6a: {  	_ =	shalt  }
0x6b: {  	_ =	shalt  }
0x6c: {  	_ =	shalt  }
0x6d: {  	_ =	shalt  }
0x6e: {  	_ =	shalt  }
0x6f: {  	_ =	shalt  }
0x70: {  	_ =	shalt  }
0x71: {  	_ =	shalt  }
0x72: {  	_ =	shalt  }
0x73: {  	_ =	shalt  }
0x74: {  	_ =	shalt  }
0x75: {  	_ =	shalt  }
0x76: {  	_ =	shalt  }
0x77: {  	_ =	shalt  }
0x78: {  	_ =	shalt  }
0x79: {  	_ =	shalt  }
0x7a: {  	_ =	shalt  }
0x7b: {  	_ =	shalt  }
0x7c: {  	_ =	shalt  }
0x7d: {  	_ =	shalt  }
0x7e: {  	_ =	shalt  }
0x7f: {  	_ =	shalt  }
0x80: {  	_ =	shalt  }
0x81: {  	_ =	shalt  }
0x82: {  	_ =	shalt  }
0x83: {  	_ =	shalt  }
0x84: {  	_ =	shalt  }
0x85: {  	_ =	shalt  }
0x86: {  	_ =	shalt  }
0x87: {  	_ =	shalt  }
.Lfunc_end0:
.L_simem_size_0:
called_computation_lowered:
.L_overlay_start_0:
0x88: {  	s2 =	sld [smem:$0x3FD9]  }
0x89: {  	s3 =	sld [smem:$0x3FFE];
	_ =	sdelay $0x1  }
0x8a: {  	s1 =	srdreg.scid  }
0x8b: {  	s0 =	sand.u32 $0x1, s1  }
0x8c: {  	s16 =	sshll.u32 s0, $0xA;
	s2 =	sadd.s32 s3, s2  }
0x8d: {  	s2 =	sadd.s32 s2, s16  }
0x8e: {  	[smem:$0x3FA5] =	sst s2  }
0x8f: {  	_ = 	snop  }
0x90: {  	(tm) =	ssettm $0x1  }
0x91: {  	s17 =	sld [smem:$0x3FFB];
	_ =	sdelay $0x3  }
0x92: {  	_ =	strace s17  }
0x93: {  	s2 =	sld [smem:$0x3FFC];
	_ =	sdelay $0x3  }
0x94: {  	_ =	strace s2  }
0x95: {  	s2 =	sld [smem:$0x3FFD];
	_ =	sdelay $0x3  }
0x96: {  	_ =	strace s2  }
0x97: {  	_ =	strace $0x8FFFFFFF  }
0x98: {  	s18 =	sld [smem:$0x3FDB];
	_ =	sdelay $0x1  }
0x99: {  	s19 =	simm.s32 $_scs_section_size  }
0x9a: {  	s4 =	simm.s32 $_size__tile_overlayer_lowered;
	s5 =	simm.s32 $_tile_overlayer_lowered  }
0x9b: {  	s22 =	simm.s32 $0x1BFF;
	s21 =	sshll.u32 s5, $0x1;
	s2 =	sadd.s32 s19, s18  }
0x9c: {  	s6 =	simm.s32 $0x0;
	s20 =	sshll.u32 s4, $0x1;
	s4 =	sadd.s32 s21, s2  }
0x9d: {  	[timem:s6], [sflag:s22] =	dma.local [hbm:s4], s20  }
0x9e: {  	_ =	swait.ge [sflag:s22], s20  }
0x9f: {  	s3 =	ssub.s32 $0x0, s20;
	[sflag:s22] =	ssyncset.done $0x0  }
0xa0: {  	[sflag:s22] =	ssyncadd.s32 s3;
	_ =	sdelay $0x1  }
0xa1: {  	s23 =	simm.s32 $0x1B8B  }
0xa2: {  	_ =	swait.ge [sflag:s23], $0x1  }
0xa3: {  	[sflag:s23] =	ssyncset.done $0x0  }
0xa4: {  	s25 =	simm.s32 $0x1B8E;
	s24 =	sld [smem:$0x3FFE];
	[sflag:s23] =	ssyncadd.s32 $0xFFFFFFFF  }
0xa5: {  	s26 =	simm.s32 $execute0_lowered;
	[smem:$0x3FD2] =	sst s25  }
0xa6: {  	s4 =	sshll.u32 s26, $0x1;
	_ =	strace $0x80000046;
	[dreg:$0x1] =	wrdreg $0xFFFFFFFF  }
0xa7: {  	s28 =	simm.s32 $_size_execute0_lowered;
	s2 =	sadd.s32 s2, s4;
	[dreg:$0x0] =	wrdreg $0x0  }
0xa8: {  	s4 =	sshll.u32 s28, $0x1;
	[dreg:$0x2] =	wrdreg s2  }
0xa9: {  	[dreg:$0x3] =	wrdreg s4  }
0xaa: {  	[dreg:$0x4] =	wrdreg $0xC0  }
0xab: {  	_ =	task [dreg:s6], $0x5FFFF  }
0xac: {  	[dreg:$0x1] =	wrdreg $0xFFFFFFFF  }
0xad: {  	[dreg:$0x0] =	wrdreg $0x60  }
0xae: {  	[dreg:$0x2] =	wrdreg s24  }
0xaf: {  	[dreg:$0x3] =	wrdreg $0x9  }
0xb0: {  	_ =	task.clear_ibuf [dreg:s6], $0x4FFFF;
	_ =	strace $0x90000046  }
0xb1: {  	s29 =	simm.s32 $0x9;
	_ =	strace $0x80000048  }
0xb2: {  	_ =	swait.ge [sflag:s29], $0x1  }
0xb3: {  	[sflag:s29] =	ssyncadd.s32 $0xFFFFFFFF  }
0xb4: {  	_ =	strace $0x90000048  }
0xb5: {  	_ =	sfence  }
0xb6: {  	s30 =	sld [smem:$0x0];
	_ =	sdelay $0x2  }
0xb7: {  	s31 =	sshll.u32 s1, $0xD;
	s1 =	sshrl.u32 s1, $0x2  }
0xb8: {  	s3 =	sand.u32 $0x4000, s31;
	s1 =	sadd.s32 s1, s30  }
0xb9: {  	s0 =	sor.u32 s3, s0;
	s1 =	sshll.u32 s1, $0x11  }
0xba: {  	s0 =	sor.u32 s1, s0  }
0xbb: {  	s0 =	sadd.s32 $0x8F2B, s0  }
0xbc: {  	[sflag:s0] =	ssyncadd.remote.s32 $0x1  }
0xbd: {  	_ =	sfence.sel $0xFFFF  }
0xbe: {  	[dreg:$0x0] =	wrdreg $0xFFFFFFFF;
	(pc) =	sbr.abs _section_cstart, $3  }
0xbf: {  	[dreg:$0x1] =	wrdreg $0xFFFFFFFF  }
0xc0: {  	_ =	task.clear_ibuf [dreg:s6], $0x2FFFF;
	_ =	strace $0x9FFFFFFF  }
0xc1: {  	(tm) =	ssettm $0x7FFFFFFF  }
tec
execute0_lowered:
.L_overlay_start_1:
0x0: {  	(tag) =	ssettag $0x1  }
0x1: {  	s4 =	rddreg [dreg:$0x0]  }
0x2: {  	s0 =	rddreg [dreg:$0x1];
	s2 =	simm.s32 $0x0  }
0x3: {  	s1 =	stileid.u32;
	s3 =	srdreg.scid;
	s10 =	simm.s32 $0x80  }
0x4: {  	s11 =	simm.s32 $0x1;
	[smem:$0x7FF] =	sst s2;
	s5 =	smul.u32 $0x1880, s1  }
0x5: {  	s6 =	sand.u32 $0x1, s3;
	s7 =	smul.u32 $0xC4000, s1;
	s3 =	sadd.s32 $0x11BE00, s4  }
.Ltmp0:
0x6: {  	s12 =	simm.s32 $0x0;
	_ =	strace $0x80000047;
	(pc) =	sbr.rel .LBB2_1-.Ltmp0, $4  }
0x7: {  	s8 =	ssub.s32 $0x2, s6;
	p0 =	seq.s32 s6, $0x1;
	s7 =	sadd.s32 s7, s4  }
0x8: {  	s9 =	sadd.s32 s5, s4;
	s30 =	sshrl.u32 s8, $0x1;
	s5 =	sadd.s32 $0x1DF400, s7  }
0x9: {  	s31 =	ssub.s32 s8, s30;
	s6 =	sadd.s32 $0x103600, s9;
	s7 =	sadd.s32 $0xE1F400, s7  }
0xa: {  	s8 =	sadd.s32 $0xD2600, s9;
	s9 =	simm.s32 $0x2;
	s4 =	smax.u32 s31, $0x1  }
.LBB2_7:
0xb: {  	s14 =	sadd.s32 s14, s8;
	[sflag:s9] =	ssyncadd.s32 $0xFFFFC000  }
0xc: {  	[tilespmem:s2], [sflag:$0x2] =	stream.linear.gather [hbm4b:s14+s2], $0x80, $0x38;
	[tilespmem:$0x4080] =	vst v63  }
0xd: {  	_ =	swait.ge [sflag:s9], $0x80  }
0xe: {  	[sflag:s9] =	ssyncset.done $0x0  }
0xf: {  	[sflag:s9] =	ssyncadd.s32 $0xFFFFFF80  }
0x10: {  	[tilespmem:s10], [sflag:$0x1] =	stream.indirect.gather [hbm4b:s3+s10], $0x80, s2, s10, $0xb8;
	[tilespmem:$0x4080] =	vst v63  }
0x11: {  	_ =	swait.ge [sflag:s11], $0x4000  }
0x12: {  	[sflag:s11] =	ssyncset.done $0x0  }
0x13: {  	[sflag:s11] =	ssyncadd.s32 $0xFFFFC000  }
0x14: {  	[hbm4b:s13+s2] =	stream.linear.scatter [tilespmem:s10], [sflag:$0x2], $0x4000, $0x38;
	[tilespmem:$0x4080] =	vst v63  }
0x15: {  	_ =	swait.ge [sflag:s9], $0x4000  }
0x16: {  	[sflag:s9] =	ssyncset.done $0x0  }
0x17: {  	[sflag:s9] =	ssyncadd.s32 $0xFFFFC000  }
.LBB2_8:
0x18: {  	s12 =	sadd.s32 $0x1, s12  }
0x19: {  	p1 =	sne.s32 s12, s4  }
.Ltmp1:
0x1a: {  	_ = 	snop;
	(pc) =	sbr.rel @!p1 .LBB2_9-.Ltmp1, $1  }
0x1b: {  	_ =	sdelay $0x3  }
.LBB2_1:
.Ltmp2:
0x1c: {  	(pc) =	sbr.rel @!p0 .LBB2_2-.Ltmp2, $1  }
0x1d: {  	_ =	sdelay $0x3  }
0x1e: {  	s13 =	sadd.s32 $0x0, s8  }
0x1f: {  	[tilespmem:s2], [sflag:$0x2] =	stream.linear.gather [hbm4b:s13+s2], $0x80, $0x38;
	[tilespmem:$0x4080] =	vst v63  }
0x20: {  	_ =	swait.ge [sflag:s9], $0x80  }
0x21: {  	[sflag:s9] =	ssyncset.done $0x0  }
0x22: {  	[sflag:s9] =	ssyncadd.s32 $0xFFFFFF80  }
0x23: {  	[tilespmem:s10], [sflag:$0x1] =	stream.indirect.gather [hbm4b:s3+s10], $0x80, s2, s10, $0xb8;
	[tilespmem:$0x4080] =	vst v63  }
0x24: {  	_ =	swait.ge [sflag:s11], $0x4000  }
0x25: {  	[sflag:s11] =	ssyncset.done $0x0  }
0x26: {  	[sflag:s11] =	ssyncadd.s32 $0xFFFFC000  }
0x27: {  	[hbm4b:s7+s2] =	stream.linear.scatter [tilespmem:s10], [sflag:$0x2], $0x4000, $0x38;
	[tilespmem:$0x4080] =	vst v63  }
0x28: {  	s14 =	simm.s32 $0x10;
	_ =	swait.ge [sflag:s9], $0x4000  }
0x29: {  	s15 =	simm.s32 $0x20;
	s13 =	sadd.s32 $0x800, s7;
	[sflag:s9] =	ssyncset.done $0x0  }
.LBB2_6:
0x2a: {  	s16 =	sadd.s32 s14, s8  }
0x2b: {  	[sflag:s9] =	ssyncadd.s32 $0xFFFFC000;
	s14 =	smov.u32 s15;
	s17 =	sadd.s32 $0x10, s15  }
0x2c: {  	[tilespmem:s2], [sflag:$0x2] =	stream.linear.gather [hbm4b:s16+s2], $0x80, $0x38;
	[tilespmem:$0x4080] =	vst v63  }
0x2d: {  	p1 =	sne.s32 s15, $0x1870;
	_ =	swait.ge [sflag:s9], $0x80  }
0x2e: {  	[sflag:s9] =	ssyncset.done $0x0  }
0x2f: {  	[sflag:s9] =	ssyncadd.s32 $0xFFFFFF80  }
0x30: {  	[tilespmem:s10], [sflag:$0x1] =	stream.indirect.gather [hbm4b:s3+s10], $0x80, s2, s10, $0xb8;
	[tilespmem:$0x4080] =	vst v63  }
0x31: {  	_ =	swait.ge [sflag:s11], $0x4000  }
.Ltmp3:
0x32: {  	[sflag:s11] =	ssyncset.done $0x0;
	(pc) =	sbr.rel @p1 .LBB2_6-.Ltmp3, $4  }
0x33: {  	[sflag:s11] =	ssyncadd.s32 $0xFFFFC000  }
0x34: {  	[hbm4b:s13+s2] =	stream.linear.scatter [tilespmem:s10], [sflag:$0x2], $0x4000, $0x38;
	[tilespmem:$0x4080] =	vst v63  }
0x35: {  	_ =	swait.ge [sflag:s9], $0x4000  }
0x36: {  	s15 =	smov.u32 s17;
	s13 =	sadd.s32 $0x800, s13;
	[sflag:s9] =	ssyncset.done $0x0  }
.Ltmp4:
0x37: {  	_ = 	snop;
	(pc) =	sbr.rel .LBB2_7-.Ltmp4, $1  }
0x38: {  	_ =	sdelay $0x3  }
.LBB2_2:
0x39: {  	s13 =	sadd.s32 $0x0, s6  }
0x3a: {  	[tilespmem:s2], [sflag:$0x2] =	stream.linear.gather [hbm4b:s13+s2], $0x80, $0x38;
	[tilespmem:$0x4080] =	vst v63  }
0x3b: {  	_ =	swait.ge [sflag:s9], $0x80  }
0x3c: {  	[sflag:s9] =	ssyncset.done $0x0  }
0x3d: {  	[sflag:s9] =	ssyncadd.s32 $0xFFFFFF80  }
0x3e: {  	[tilespmem:s10], [sflag:$0x1] =	stream.indirect.gather [hbm4b:s3+s10], $0x80, s2, s10, $0xb8;
	[tilespmem:$0x4080] =	vst v63  }
0x3f: {  	_ =	swait.ge [sflag:s11], $0x4000  }
0x40: {  	[sflag:s11] =	ssyncset.done $0x0  }
0x41: {  	[sflag:s11] =	ssyncadd.s32 $0xFFFFC000  }
0x42: {  	[hbm4b:s5+s2] =	stream.linear.scatter [tilespmem:s10], [sflag:$0x2], $0x4000, $0x38;
	[tilespmem:$0x4080] =	vst v63  }
0x43: {  	s14 =	simm.s32 $0x10;
	_ =	swait.ge [sflag:s9], $0x4000  }
0x44: {  	s15 =	simm.s32 $0x20;
	s13 =	sadd.s32 $0x800, s5;
	[sflag:s9] =	ssyncset.done $0x0  }
.LBB2_3:
0x45: {  	s16 =	sadd.s32 s14, s6  }
0x46: {  	[sflag:s9] =	ssyncadd.s32 $0xFFFFC000;
	s14 =	smov.u32 s15;
	s17 =	sadd.s32 $0x10, s15  }
0x47: {  	[tilespmem:s2], [sflag:$0x2] =	stream.linear.gather [hbm4b:s16+s2], $0x80, $0x38;
	[tilespmem:$0x4080] =	vst v63  }
0x48: {  	p1 =	seq.s32 s15, $0x1870;
	_ =	swait.ge [sflag:s9], $0x80  }
0x49: {  	[sflag:s9] =	ssyncset.done $0x0  }
0x4a: {  	[sflag:s9] =	ssyncadd.s32 $0xFFFFFF80  }
0x4b: {  	[tilespmem:s10], [sflag:$0x1] =	stream.indirect.gather [hbm4b:s3+s10], $0x80, s2, s10, $0xb8;
	[tilespmem:$0x4080] =	vst v63  }
0x4c: {  	_ =	swait.ge [sflag:s11], $0x4000  }
.Ltmp5:
0x4d: {  	[sflag:s11] =	ssyncset.done $0x0;
	(pc) =	sbr.rel @!p1 .LBB2_3-.Ltmp5, $4  }
0x4e: {  	[sflag:s11] =	ssyncadd.s32 $0xFFFFC000  }
0x4f: {  	[hbm4b:s13+s2] =	stream.linear.scatter [tilespmem:s10], [sflag:$0x2], $0x4000, $0x38;
	[tilespmem:$0x4080] =	vst v63  }
0x50: {  	_ =	swait.ge [sflag:s9], $0x4000  }
0x51: {  	s15 =	smov.u32 s17;
	s13 =	sadd.s32 $0x800, s13;
	[sflag:s9] =	ssyncset.done $0x0  }
0x52: {  	s14 =	sadd.s32 s14, s6;
	[sflag:s9] =	ssyncadd.s32 $0xFFFFC000  }
0x53: {  	[tilespmem:s2], [sflag:$0x2] =	stream.linear.gather [hbm4b:s14+s2], $0x80, $0x38;
	[tilespmem:$0x4080] =	vst v63  }
0x54: {  	_ =	swait.ge [sflag:s9], $0x80  }
0x55: {  	[sflag:s9] =	ssyncset.done $0x0  }
0x56: {  	[sflag:s9] =	ssyncadd.s32 $0xFFFFFF80  }
0x57: {  	[tilespmem:s10], [sflag:$0x1] =	stream.indirect.gather [hbm4b:s3+s10], $0x80, s2, s10, $0xb8;
	[tilespmem:$0x4080] =	vst v63  }
0x58: {  	_ =	swait.ge [sflag:s11], $0x4000  }
0x59: {  	[sflag:s11] =	ssyncset.done $0x0  }
.Ltmp6:
0x5a: {  	[sflag:s11] =	ssyncadd.s32 $0xFFFFC000;
	(pc) =	sbr.rel .LBB2_8-.Ltmp6, $4  }
0x5b: {  	[hbm4b:s13+s2] =	stream.linear.scatter [tilespmem:s10], [sflag:$0x2], $0x4000, $0x38;
	[tilespmem:$0x4080] =	vst v63  }
0x5c: {  	_ =	swait.ge [sflag:s9], $0x4000  }
0x5d: {  	[sflag:s9] =	ssyncset.done $0x0  }
0x5e: {  	[sflag:s9] =	ssyncadd.s32 $0xFFFFC000  }
.LBB2_9:
0x5f: {  	_ =	sfence.sel $0x180000  }
0x60: {  	[bflag:$0x0] =	sbarrier.arrive $0xFFFF  }
0x61: {  	p0 =	sne.s32 s1, $0x0;
	_ =	strace $0x90000047  }
0x62: {  	s0 =	sadd.s32 @!p0 $0x100000, s0;
	[bflag:$0x2] =	sbarrier.arrive $0xFFFF  }
0x63: {  	[sflag:s0] =	ssyncadd.tile.s32 @!p0 $0x1;
	_ =	shalt  }
.Lfunc_end2:
_tile_overlayer_lowered:
.L_overlay_start_2:
0x64: {  	(tag) =	ssettag $0x2  }
0x65: {  	s0 =	rddreg [dreg:$0x0];
	s2 =	stileid.u32  }
0x66: {  	s1 =	rddreg [dreg:$0x1];
	p0 =	sne.s32 s2, $0x0  }
0x67: {  	s3 =	rddreg [dreg:$0x2];
	[bflag:$0x3] =	sbarrier.arrive $0xFFFF;
	s2 =	simm.s32 @!p0 $0x1C02  }
0x68: {  	[timem:s3], [sflag:s2] =	dma.local @!p0 [hbm:s0], s1  }
0x69: {  	s0 =	simm.s32 @!p0 $0x2  }
0x6a: {  	_ =	swait.ge @!p0 [sflag:s0], s1  }
0x6b: {  	s1 =	ssub.s32 @!p0 $0x0, s1;
	[sflag:s0] =	ssyncset.done @!p0 $0x0  }
0x6c: {  	[sflag:s0] =	ssyncadd.s32 @!p0 s1  }
0x6d: {  	[bflag:$0x3] =	sbarrier.arrive $0xFFFF  }
0x6e: {  	_ =	shalt  }

// kernel: kernel.24.cloned.1.call-start
scs
__scs_entry_jumppad:
0x0: {  	(pc) =	sbr.rel $0x88, $3  }
0x1: {  	(tag) =	ssettag $0x0;
	lr =	simm.s32 $0x1  }
0x2: {  	[smem:$0x3F7E] =	sst lr;
	_ =	strace $0xD0000000  }
0x3: {  	_ = 	snop  }
0x4: {  	_ = 	snop  }
0x5: {  	_ = 	snop  }
0x6: {  	_ = 	snop  }
0x7: {  	_ = 	snop  }
__scs_overlays_trampoline_lowered:
0x8: {  	[smem:$0x3F8D] =	sst s0  }
0x9: {  	[smem:$0x3F8E] =	sst s1  }
0xa: {  	[smem:$0x3F8F] =	sst s2  }
0xb: {  	[smem:$0x3F90] =	sst s3  }
0xc: {  	[smem:$0x3F91] =	sst s4  }
0xd: {  	[smem:$0x3F92] =	sst s5  }
0xe: {  	[smem:$0x3F93] =	sst s6  }
0xf: {  	[smem:$0x3F94] =	sst s7  }
0x10: {  	[smem:$0x3F95] =	sst s8  }
0x11: {  	[smem:$0x3F96] =	sst s9;
	s0 =	simm.s32 @!p0 $0x0  }
0x12: {  	s1 =	sld [smem:$0x3F7C];
	s0 =	simm.s32 @p0 $0x1  }
0x13: {  	[smem:$0x3F97] =	sst s0;
	s0 =	simm.s32 @!p1 $0x0  }
0x14: {  	s2 =	sld [smem:$0x3F7B];
	s0 =	simm.s32 @p1 $0x1  }
0x15: {  	[smem:$0x3F98] =	sst s0;
	s0 =	simm.s32 @!p2 $0x0  }
0x16: {  	s3 =	sld [smem:$0x3FDB];
	s0 =	simm.s32 @p2 $0x1  }
0x17: {  	s4 =	simm.s32 $0x1BF5;
	[smem:$0x3F9A] =	sst s0  }
0x18: {  	s0 =	sld [smem:$0x3F7D];
	_ =	swait.ge [sflag:s4], $0x0  }
0x19: {  	s7 =	sld [smem:$0x3F7E]  }
0x1a: {  	s8 =	sadd.s32 $0xFFFFE003, lr  }
0x1b: {  	s9 =	sadd.s32 $0xFFFFFEF7, lr;
	s5 =	simm.s32 $0xFFFFFFFF;
	p2 =	slt.u32 s8, $0xFFFFF086  }
0x1c: {  	p1 =	slt.u32 s9, $0xF7A;
	s5 =	simm.s32 @!p2 $0x0  }
0x1d: {  	s5 =	simm.s32 @p1 $0x1;
	p0 =	seq.s32 s7, s2  }
0x1e: {  	s7 =	smul.u32 @!p0 $0xF7A, s2;
	p2 =	seq.s32 @!p0 s5, $0x0  }
0x1f: {  	s9 =	smul.u32 $0xF7A, s1;
	s8 =	simm.s32 @!p0 $0x1BF5;
	p2 =	por !p2, p0  }
0x20: {  	[sflag:s8] =	ssyncset.s32 @!p0 $0xFFFFF086;
	s6 =	sadd.s32 @!p0 s3, s7;
	s7 =	simm.s32 @!p0 $0x108  }
0x21: {  	s3 =	sadd.s32 s3, s9;
	s6 =	sadd.s32 @!p0 $0x88, s6;
	s7 =	simm.s32 @p2 $0x1082  }
0x22: {  	[simem:s7], [sflag:s8] =	dma.local @!p0 [hbm:s6], $0xF7A  }
0x23: {  	s9 =	sor.u32 $0xD0000000, s2;
	s6 =	simm.s32 $0x108;
	_ =	swait.ge @!p0 [sflag:s8], $0x0  }
0x24: {  	s3 =	sadd.s32 $0x88, s3;
	s6 =	simm.s32 @!p1 $0x1082;
	[sflag:s4] =	ssyncset.s32 $0xFFFFF086  }
0x25: {  	[simem:s6], [sflag:s4] =	dma.local [hbm:s3], $0xF7A  }
0x26: {  	[smem:$0x3F7E] =	sst s1;
	(tag) =	ssettag s2;
	_ =	strace s9  }
0x27: {  	s1 =	sld [smem:$0x3F8E]  }
0x28: {  	s2 =	sld [smem:$0x3F8F]  }
0x29: {  	s4 =	sld [smem:$0x3F91]  }
0x2a: {  	p0 =	seq.s32 s5, $0x0;
	s5 =	sld [smem:$0x3F92]  }
0x2b: {  	s6 =	sld [smem:$0x3F93]  }
0x2c: {  	s7 =	sld [smem:$0x3F94]  }
0x2d: {  	s3 =	simm.s32 $0x108;
	s8 =	sld [smem:$0x3F95]  }
0x2e: {  	s3 =	simm.s32 @!p0 $0x1082;
	s9 =	sld [smem:$0x3F96]  }
0x2f: {  	lr =	sadd.s32 s0, s3;
	s0 =	sld [smem:$0x3F8D]  }
0x30: {  	s3 =	sld [smem:$0x3F90]  }
0x31: {  	[smem:$0x3F99] =	sst s10  }
0x32: {  	s10 =	sld [smem:$0x3F97];
	_ =	sdelay $0x3  }
0x33: {  	p0 =	seq.s32 s10, $0x1;
	s10 =	sld [smem:$0x3F99];
	_ =	sdelay $0x3  }
0x34: {  	[smem:$0x3F99] =	sst s10  }
0x35: {  	s10 =	sld [smem:$0x3F98];
	_ =	sdelay $0x3  }
0x36: {  	p1 =	seq.s32 s10, $0x1;
	s10 =	sld [smem:$0x3F99];
	_ =	sdelay $0x3  }
0x37: {  	[smem:$0x3F99] =	sst s10  }
0x38: {  	s10 =	sld [smem:$0x3F9A]  }
0x39: {  	_ = 	snop;
	(pc) =	sbr.ind lr, $3  }
0x3a: {  	_ = 	snop  }
0x3b: {  	_ = 	snop  }
0x3c: {  	p2 =	seq.s32 s10, $0x1;
	s10 =	sld [smem:$0x3F99]  }
0x3d: {  	_ =	shalt  }
0x3e: {  	_ =	shalt  }
0x3f: {  	_ =	shalt  }
0x40: {  	_ =	shalt  }
0x41: {  	_ =	shalt  }
0x42: {  	_ =	shalt  }
0x43: {  	_ =	shalt  }
0x44: {  	_ =	shalt  }
0x45: {  	_ =	shalt  }
0x46: {  	_ =	shalt  }
0x47: {  	_ =	shalt  }
0x48: {  	_ =	shalt  }
0x49: {  	_ =	shalt  }
0x4a: {  	_ =	shalt  }
0x4b: {  	_ =	shalt  }
0x4c: {  	_ =	shalt  }
0x4d: {  	_ =	shalt  }
0x4e: {  	_ =	shalt  }
0x4f: {  	_ =	shalt  }
0x50: {  	_ =	shalt  }
0x51: {  	_ =	shalt  }
0x52: {  	_ =	shalt  }
0x53: {  	_ =	shalt  }
0x54: {  	_ =	shalt  }
0x55: {  	_ =	shalt  }
0x56: {  	_ =	shalt  }
0x57: {  	_ =	shalt  }
0x58: {  	_ =	shalt  }
0x59: {  	_ =	shalt  }
0x5a: {  	_ =	shalt  }
0x5b: {  	_ =	shalt  }
0x5c: {  	_ =	shalt  }
0x5d: {  	_ =	shalt  }
0x5e: {  	_ =	shalt  }
0x5f: {  	_ =	shalt  }
0x60: {  	_ =	shalt  }
0x61: {  	_ =	shalt  }
0x62: {  	_ =	shalt  }
0x63: {  	_ =	shalt  }
0x64: {  	_ =	shalt  }
0x65: {  	_ =	shalt  }
0x66: {  	_ =	shalt  }
0x67: {  	_ =	shalt  }
0x68: {  	_ =	shalt  }
0x69: {  	_ =	shalt  }
0x6a: {  	_ =	shalt  }
0x6b: {  	_ =	shalt  }
0x6c: {  	_ =	shalt  }
0x6d: {  	_ =	shalt  }
0x6e: {  	_ =	shalt  }
0x6f: {  	_ =	shalt  }
0x70: {  	_ =	shalt  }
0x71: {  	_ =	shalt  }
0x72: {  	_ =	shalt  }
0x73: {  	_ =	shalt  }
0x74: {  	_ =	shalt  }
0x75: {  	_ =	shalt  }
0x76: {  	_ =	shalt  }
0x77: {  	_ =	shalt  }
0x78: {  	_ =	shalt  }
0x79: {  	_ =	shalt  }
0x7a: {  	_ =	shalt  }
0x7b: {  	_ =	shalt  }
0x7c: {  	_ =	shalt  }
0x7d: {  	_ =	shalt  }
0x7e: {  	_ =	shalt  }
0x7f: {  	_ =	shalt  }
0x80: {  	_ =	shalt  }
0x81: {  	_ =	shalt  }
0x82: {  	_ =	shalt  }
0x83: {  	_ =	shalt  }
0x84: {  	_ =	shalt  }
0x85: {  	_ =	shalt  }
0x86: {  	_ =	shalt  }
0x87: {  	_ =	shalt  }
.Lfunc_end0:
.L_simem_size_0:
called_computation.1_lowered:
.L_overlay_start_0:
0x88: {  	s2 =	sld [smem:$0x3FD9]  }
0x89: {  	s3 =	sld [smem:$0x3FFE];
	_ =	sdelay $0x1  }
0x8a: {  	s1 =	srdreg.scid  }
0x8b: {  	s0 =	sand.u32 $0x1, s1  }
0x8c: {  	s17 =	sshll.u32 s0, $0xA;
	s2 =	sadd.s32 s3, s2  }
0x8d: {  	s2 =	sadd.s32 s2, s17  }
0x8e: {  	[smem:$0x3FA5] =	sst s2  }
0x8f: {  	_ = 	snop  }
0x90: {  	(tm) =	ssettm $0x1  }
0x91: {  	s18 =	sld [smem:$0x3FFB];
	_ =	sdelay $0x3  }
0x92: {  	_ =	strace s18  }
0x93: {  	s2 =	sld [smem:$0x3FFC];
	_ =	sdelay $0x3  }
0x94: {  	_ =	strace s2  }
0x95: {  	s2 =	sld [smem:$0x3FFD];
	_ =	sdelay $0x3  }
0x96: {  	_ =	strace s2  }
0x97: {  	_ =	strace $0x8FFFFFFF  }
0x98: {  	s19 =	sld [smem:$0x3FDB];
	_ =	sdelay $0x1  }
0x99: {  	s20 =	simm.s32 $_scs_section_size  }
0x9a: {  	s4 =	simm.s32 $_size__tile_overlayer_lowered;
	s5 =	simm.s32 $_tile_overlayer_lowered  }
0x9b: {  	s6 =	simm.s32 $0x1BFF;
	s21 =	sshll.u32 s5, $0x1;
	s3 =	sadd.s32 s20, s19  }
0x9c: {  	s22 =	simm.s32 $0x0;
	s4 =	sshll.u32 s4, $0x1;
	s5 =	sadd.s32 s21, s3  }
0x9d: {  	[timem:s22], [sflag:s6] =	dma.local [hbm:s5], s4  }
0x9e: {  	_ =	swait.ge [sflag:s6], s4  }
0x9f: {  	s4 =	ssub.s32 $0x0, s4;
	[sflag:s6] =	ssyncset.done $0x0  }
0xa0: {  	[sflag:s6] =	ssyncadd.s32 s4;
	_ =	sdelay $0x1  }
0xa1: {  	s23 =	simm.s32 $0x1B8B  }
0xa2: {  	_ =	swait.ge [sflag:s23], $0x1  }
0xa3: {  	[sflag:s23] =	ssyncset.done $0x0  }
0xa4: {  	[sflag:s23] =	ssyncadd.s32 $0xFFFFFFFF  }
0xa5: {  	s4 =	sld [smem:$0x0]  }
0xa6: {  	s5 =	sand.u32 $0xFFFFFFFE, s1  }
0xa7: {  	p0 =	sne.s32 s1, s5  }
0xa8: {  	s5 =	sshll.u32 @p0 s5, $0xE  }
0xa9: {  	s5 =	sadd.s32 @p0 $0x11B8D, s5;
	s6 =	sshll.u32 @p0 s4, $0x11  }
0xaa: {  	s5 =	sor.u32 @p0 s6, s5  }
0xab: {  	[sflag:s5] =	ssyncadd.remote.s32 @p0 $0x1;
	_ =	sdelay $0x1  }
0xac: {  	s5 =	simm.s32 @p0 $0x1B8D  }
0xad: {  	_ =	swait.eq @p0 [sflag:s5], $0x1  }
0xae: {  	[sflag:s5] =	ssyncadd.s32 @p0 $0xFFFFFFFF  }
0xaf: {  	s6 =	sshll.u32 @!p0 s1, $0xE  }
0xb0: {  	s6 =	sor.u32 @!p0 $0x4000, s6;
	s5 =	simm.s32 @!p0 $0x1B8D  }
0xb1: {  	s4 =	sshll.u32 @!p0 s4, $0x11;
	s6 =	sadd.s32 @!p0 $0x11B8D, s6;
	_ =	swait.eq @!p0 [sflag:s5], $0x1  }
0xb2: {  	s4 =	sor.u32 @!p0 s4, s6;
	[sflag:s5] =	ssyncadd.s32 @!p0 $0xFFFFFFFF  }
0xb3: {  	s25 =	simm.s32 $0x1B8E;
	s24 =	sld [smem:$0x3FFE];
	[sflag:s4] =	ssyncadd.remote.s32 @!p0 $0x1  }
0xb4: {  	s26 =	simm.s32 $execute0_lowered;
	[smem:$0x3FD2] =	sst s25  }
0xb5: {  	s5 =	sshll.u32 s26, $0x1;
	_ =	strace $0x80000049;
	[dreg:$0x1] =	wrdreg $0xFFFFFFFF  }
0xb6: {  	s28 =	simm.s32 $_size_execute0_lowered;
	s3 =	sadd.s32 s3, s5;
	[dreg:$0x0] =	wrdreg $0x0  }
0xb7: {  	s5 =	sshll.u32 s28, $0x1;
	[dreg:$0x2] =	wrdreg s3  }
0xb8: {  	[dreg:$0x3] =	wrdreg s5  }
0xb9: {  	[dreg:$0x4] =	wrdreg $0xC0  }
0xba: {  	_ =	task [dreg:s22], $0x5FFFF  }
0xbb: {  	[dreg:$0x1] =	wrdreg $0xFFFFFFFF  }
0xbc: {  	[dreg:$0x0] =	wrdreg $0x60  }
0xbd: {  	[dreg:$0x2] =	wrdreg s24  }
0xbe: {  	[dreg:$0x3] =	wrdreg $0xA  }
0xbf: {  	_ =	task.clear_ibuf [dreg:s22], $0x4FFFF;
	_ =	strace $0x90000049  }
0xc0: {  	s29 =	simm.s32 $0xA;
	_ =	strace $0x8000004B  }
0xc1: {  	_ =	swait.ge [sflag:s29], $0x1  }
0xc2: {  	[sflag:s29] =	ssyncadd.s32 $0xFFFFFFFF  }
0xc3: {  	_ =	strace $0x9000004B  }
0xc4: {  	_ =	sfence  }
0xc5: {  	s30 =	sld [smem:$0x0];
	_ =	sdelay $0x2  }
0xc6: {  	s31 =	sshll.u32 s1, $0xD;
	s1 =	sshrl.u32 s1, $0x2  }
0xc7: {  	s4 =	sand.u32 $0x4000, s31;
	s1 =	sadd.s32 s1, s30  }
0xc8: {  	s0 =	sor.u32 s4, s0;
	s1 =	sshll.u32 s1, $0x11  }
0xc9: {  	s0 =	sor.u32 s1, s0  }
0xca: {  	s0 =	sadd.s32 $0x8F2B, s0  }
0xcb: {  	[sflag:s0] =	ssyncadd.remote.s32 $0x1  }
0xcc: {  	_ =	sfence.sel $0xFFFF  }
0xcd: {  	[dreg:$0x0] =	wrdreg $0xFFFFFFFF;
	(pc) =	sbr.abs _section_cstart, $3  }
0xce: {  	[dreg:$0x1] =	wrdreg $0xFFFFFFFF  }
0xcf: {  	_ =	task.clear_ibuf [dreg:s22], $0x2FFFF;
	_ =	strace $0x9FFFFFFF  }
0xd0: {  	(tm) =	ssettm $0x7FFFFFFF  }
0xd1: {  	_ =	shalt  }
tec
execute0_lowered:
.L_overlay_start_1:
0x0: {  	(tag) =	ssettag $0x1  }
0x1: {  	s5 =	rddreg [dreg:$0x0]  }
0x2: {  	s0 =	rddreg [dreg:$0x1];
	s2 =	simm.s32 $0x0;
	s1 =	stileid.u32  }
0x3: {  	s3 =	srdreg.scid;
	s11 =	simm.s32 $0x80;
	s12 =	simm.s32 $0x1  }
0x4: {  	s13 =	simm.s32 $0x0;
	[smem:$0x7FF] =	sst s2;
	s6 =	smul.u32 $0x1880, s1  }
0x5: {  	s7 =	sand.u32 $0x1, s3;
	s3 =	sadd.s32 $0xF000, s5;
	s8 =	smul.u32 $0xC4000, s1  }
.Ltmp0:
0x6: {  	s4 =	sadd.s32 $0x1B24A00, s5;
	s9 =	ssub.s32 $0x2, s7;
	(pc) =	sbr.rel .LBB2_1-.Ltmp0, $4  }
0x7: {  	_ =	strace $0x8000004A;
	p0 =	seq.s32 s7, $0x1;
	s30 =	sshrl.u32 s9, $0x1  }
0x8: {  	s10 =	sadd.s32 s6, s5;
	s8 =	sadd.s32 s8, s5;
	s31 =	ssub.s32 s9, s30  }
0x9: {  	s6 =	sadd.s32 $0x1BE8000, s8;
	s7 =	sadd.s32 $0x103600, s10;
	s8 =	sadd.s32 $0x2828000, s8  }
0xa: {  	s9 =	sadd.s32 $0xD2600, s10;
	s10 =	simm.s32 $0x2;
	s5 =	smax.u32 s31, $0x1  }
.LBB2_7:
0xb: {  	s15 =	sadd.s32 s15, s9;
	[sflag:s10] =	ssyncadd.s32 $0xFFFFC000  }
0xc: {  	[tilespmem:s2], [sflag:$0x2] =	stream.linear.gather [hbm4b:s15+s2], $0x80, $0x38;
	[tilespmem:$0x4080] =	vst v63  }
0xd: {  	_ =	swait.ge [sflag:s10], $0x80  }
0xe: {  	[sflag:s10] =	ssyncset.done $0x0  }
0xf: {  	[sflag:s10] =	ssyncadd.s32 $0xFFFFFF80  }
0x10: {  	[tilespmem:s11], [sflag:$0x1] =	stream.indirect.gather [hbm4b:s4+s11], $0x80, s2, s11, $0xb8;
	[tilespmem:$0x4080] =	vst v63  }
0x11: {  	_ =	swait.ge [sflag:s12], $0x4000  }
0x12: {  	[sflag:s12] =	ssyncset.done $0x0  }
0x13: {  	[sflag:s12] =	ssyncadd.s32 $0xFFFFC000  }
0x14: {  	[hbm4b:s14+s2] =	stream.linear.scatter [tilespmem:s11], [sflag:$0x2], $0x4000, $0x38;
	[tilespmem:$0x4080] =	vst v63  }
0x15: {  	_ =	swait.ge [sflag:s10], $0x4000  }
0x16: {  	[sflag:s10] =	ssyncset.done $0x0  }
0x17: {  	[sflag:s10] =	ssyncadd.s32 $0xFFFFC000  }
.LBB2_8:
0x18: {  	s13 =	sadd.s32 $0x1, s13  }
0x19: {  	p1 =	sne.s32 s13, s5  }
.Ltmp1:
0x1a: {  	_ = 	snop;
	(pc) =	sbr.rel @!p1 .LBB2_9-.Ltmp1, $1  }
0x1b: {  	_ =	sdelay $0x3  }
.LBB2_1:
.Ltmp2:
0x1c: {  	(pc) =	sbr.rel @!p0 .LBB2_2-.Ltmp2, $1  }
0x1d: {  	_ =	sdelay $0x3  }
0x1e: {  	s14 =	sadd.s32 $0x0, s9  }
0x1f: {  	[tilespmem:s2], [sflag:$0x2] =	stream.linear.gather [hbm4b:s14+s2], $0x80, $0x38;
	[tilespmem:$0x4080] =	vst v63  }
0x20: {  	_ =	swait.ge [sflag:s10], $0x80  }
0x21: {  	[sflag:s10] =	ssyncset.done $0x0  }
0x22: {  	[sflag:s10] =	ssyncadd.s32 $0xFFFFFF80  }
0x23: {  	[tilespmem:s11], [sflag:$0x1] =	stream.indirect.gather [hbm4b:s4+s11], $0x80, s2, s11, $0xb8;
	[tilespmem:$0x4080] =	vst v63  }
0x24: {  	_ =	swait.ge [sflag:s12], $0x4000  }
0x25: {  	[sflag:s12] =	ssyncset.done $0x0  }
0x26: {  	[sflag:s12] =	ssyncadd.s32 $0xFFFFC000  }
0x27: {  	[hbm4b:s8+s2] =	stream.linear.scatter [tilespmem:s11], [sflag:$0x2], $0x4000, $0x38;
	[tilespmem:$0x4080] =	vst v63  }
0x28: {  	s15 =	simm.s32 $0x10;
	_ =	swait.ge [sflag:s10], $0x4000  }
0x29: {  	s16 =	simm.s32 $0x20;
	s14 =	sadd.s32 $0x800, s8;
	[sflag:s10] =	ssyncset.done $0x0  }
.LBB2_6:
0x2a: {  	s17 =	sadd.s32 s15, s9  }
0x2b: {  	[sflag:s10] =	ssyncadd.s32 $0xFFFFC000;
	s15 =	smov.u32 s16;
	s18 =	sadd.s32 $0x10, s16  }
0x2c: {  	[tilespmem:s2], [sflag:$0x2] =	stream.linear.gather [hbm4b:s17+s2], $0x80, $0x38;
	[tilespmem:$0x4080] =	vst v63  }
0x2d: {  	p1 =	sne.s32 s16, $0x1870;
	_ =	swait.ge [sflag:s10], $0x80  }
0x2e: {  	[sflag:s10] =	ssyncset.done $0x0  }
0x2f: {  	[sflag:s10] =	ssyncadd.s32 $0xFFFFFF80  }
0x30: {  	[tilespmem:s11], [sflag:$0x1] =	stream.indirect.gather [hbm4b:s4+s11], $0x80, s2, s11, $0xb8;
	[tilespmem:$0x4080] =	vst v63  }
0x31: {  	_ =	swait.ge [sflag:s12], $0x4000  }
.Ltmp3:
0x32: {  	[sflag:s12] =	ssyncset.done $0x0;
	(pc) =	sbr.rel @p1 .LBB2_6-.Ltmp3, $4  }
0x33: {  	[sflag:s12] =	ssyncadd.s32 $0xFFFFC000  }
0x34: {  	[hbm4b:s14+s2] =	stream.linear.scatter [tilespmem:s11], [sflag:$0x2], $0x4000, $0x38;
	[tilespmem:$0x4080] =	vst v63  }
0x35: {  	_ =	swait.ge [sflag:s10], $0x4000  }
0x36: {  	s16 =	smov.u32 s18;
	s14 =	sadd.s32 $0x800, s14;
	[sflag:s10] =	ssyncset.done $0x0  }
.Ltmp4:
0x37: {  	_ = 	snop;
	(pc) =	sbr.rel .LBB2_7-.Ltmp4, $1  }
0x38: {  	_ =	sdelay $0x3  }
.LBB2_2:
0x39: {  	s14 =	sadd.s32 $0x0, s7  }
0x3a: {  	[tilespmem:s2], [sflag:$0x2] =	stream.linear.gather [hbm4b:s14+s2], $0x80, $0x38;
	[tilespmem:$0x4080] =	vst v63  }
0x3b: {  	_ =	swait.ge [sflag:s10], $0x80  }
0x3c: {  	[sflag:s10] =	ssyncset.done $0x0  }
0x3d: {  	[sflag:s10] =	ssyncadd.s32 $0xFFFFFF80  }
0x3e: {  	[tilespmem:s11], [sflag:$0x1] =	stream.indirect.gather [hbm4b:s3+s11], $0x80, s2, s11, $0xb8;
	[tilespmem:$0x4080] =	vst v63  }
0x3f: {  	_ =	swait.ge [sflag:s12], $0x4000  }
0x40: {  	[sflag:s12] =	ssyncset.done $0x0  }
0x41: {  	[sflag:s12] =	ssyncadd.s32 $0xFFFFC000  }
0x42: {  	[hbm4b:s6+s2] =	stream.linear.scatter [tilespmem:s11], [sflag:$0x2], $0x4000, $0x38;
	[tilespmem:$0x4080] =	vst v63  }
0x43: {  	s15 =	simm.s32 $0x10;
	_ =	swait.ge [sflag:s10], $0x4000  }
0x44: {  	s16 =	simm.s32 $0x20;
	s14 =	sadd.s32 $0x800, s6;
	[sflag:s10] =	ssyncset.done $0x0  }
.LBB2_3:
0x45: {  	s17 =	sadd.s32 s15, s7  }
0x46: {  	[sflag:s10] =	ssyncadd.s32 $0xFFFFC000;
	s15 =	smov.u32 s16;
	s18 =	sadd.s32 $0x10, s16  }
0x47: {  	[tilespmem:s2], [sflag:$0x2] =	stream.linear.gather [hbm4b:s17+s2], $0x80, $0x38;
	[tilespmem:$0x4080] =	vst v63  }
0x48: {  	p1 =	seq.s32 s16, $0x1870;
	_ =	swait.ge [sflag:s10], $0x80  }
0x49: {  	[sflag:s10] =	ssyncset.done $0x0  }
0x4a: {  	[sflag:s10] =	ssyncadd.s32 $0xFFFFFF80  }
0x4b: {  	[tilespmem:s11], [sflag:$0x1] =	stream.indirect.gather [hbm4b:s3+s11], $0x80, s2, s11, $0xb8;
	[tilespmem:$0x4080] =	vst v63  }
0x4c: {  	_ =	swait.ge [sflag:s12], $0x4000  }
.Ltmp5:
0x4d: {  	[sflag:s12] =	ssyncset.done $0x0;
	(pc) =	sbr.rel @!p1 .LBB2_3-.Ltmp5, $4  }
0x4e: {  	[sflag:s12] =	ssyncadd.s32 $0xFFFFC000  }
0x4f: {  	[hbm4b:s14+s2] =	stream.linear.scatter [tilespmem:s11], [sflag:$0x2], $0x4000, $0x38;
	[tilespmem:$0x4080] =	vst v63  }
0x50: {  	_ =	swait.ge [sflag:s10], $0x4000  }
0x51: {  	s16 =	smov.u32 s18;
	s14 =	sadd.s32 $0x800, s14;
	[sflag:s10] =	ssyncset.done $0x0  }
0x52: {  	s15 =	sadd.s32 s15, s7;
	[sflag:s10] =	ssyncadd.s32 $0xFFFFC000  }
0x53: {  	[tilespmem:s2], [sflag:$0x2] =	stream.linear.gather [hbm4b:s15+s2], $0x80, $0x38;
	[tilespmem:$0x4080] =	vst v63  }
0x54: {  	_ =	swait.ge [sflag:s10], $0x80  }
0x55: {  	[sflag:s10] =	ssyncset.done $0x0  }
0x56: {  	[sflag:s10] =	ssyncadd.s32 $0xFFFFFF80  }
0x57: {  	[tilespmem:s11], [sflag:$0x1] =	stream.indirect.gather [hbm4b:s3+s11], $0x80, s2, s11, $0xb8;
	[tilespmem:$0x4080] =	vst v63  }
0x58: {  	_ =	swait.ge [sflag:s12], $0x4000  }
0x59: {  	[sflag:s12] =	ssyncset.done $0x0  }
.Ltmp6:
0x5a: {  	[sflag:s12] =	ssyncadd.s32 $0xFFFFC000;
	(pc) =	sbr.rel .LBB2_8-.Ltmp6, $4  }
0x5b: {  	[hbm4b:s14+s2] =	stream.linear.scatter [tilespmem:s11], [sflag:$0x2], $0x4000, $0x38;
	[tilespmem:$0x4080] =	vst v63  }
0x5c: {  	_ =	swait.ge [sflag:s10], $0x4000  }
0x5d: {  	[sflag:s10] =	ssyncset.done $0x0  }
0x5e: {  	[sflag:s10] =	ssyncadd.s32 $0xFFFFC000  }
.LBB2_9:
0x5f: {  	_ =	sfence.sel $0x180000  }
0x60: {  	[bflag:$0x0] =	sbarrier.arrive $0xFFFF  }
0x61: {  	p0 =	sne.s32 s1, $0x0;
	_ =	strace $0x9000004A  }
0x62: {  	s0 =	sadd.s32 @!p0 $0x100000, s0;
	[bflag:$0x2] =	sbarrier.arrive $0xFFFF  }
0x63: {  	[sflag:s0] =	ssyncadd.tile.s32 @!p0 $0x1;
	_ =	shalt  }
.Lfunc_end2:
_tile_overlayer_lowered:
.L_overlay_start_2:
0x64: {  	(tag) =	ssettag $0x2  }
0x65: {  	s0 =	rddreg [dreg:$0x0];
	s2 =	stileid.u32  }
0x66: {  	s1 =	rddreg [dreg:$0x1];
	p0 =	sne.s32 s2, $0x0  }
0x67: {  	s3 =	rddreg [dreg:$0x2];
	[bflag:$0x3] =	sbarrier.arrive $0xFFFF;
	s2 =	simm.s32 @!p0 $0x1C02  }
0x68: {  	[timem:s3], [sflag:s2] =	dma.local @!p0 [hbm:s0], s1  }
0x69: {  	s0 =	simm.s32 @!p0 $0x2  }
0x6a: {  	_ =	swait.ge @!p0 [sflag:s0], s1  }
0x6b: {  	s1 =	ssub.s32 @!p0 $0x0, s1;
	[sflag:s0] =	ssyncset.done @!p0 $0x0  }
0x6c: {  	[sflag:s0] =	ssyncadd.s32 @!p0 s1  }
0x6d: {  	[bflag:$0x3] =	sbarrier.arrive $0xFFFF  }
0x6e: {  	_ =	shalt  }

// kernel: kernel.27.cloned.1.call-start
scs
__scs_entry_jumppad:
0x0: {  	(pc) =	sbr.rel $0x88, $3  }
0x1: {  	(tag) =	ssettag $0x0;
	lr =	simm.s32 $0x1  }
0x2: {  	[smem:$0x3F7E] =	sst lr;
	_ =	strace $0xD0000000  }
0x3: {  	_ = 	snop  }
0x4: {  	_ = 	snop  }
0x5: {  	_ = 	snop  }
0x6: {  	_ = 	snop  }
0x7: {  	_ = 	snop  }
__scs_overlays_trampoline_lowered:
0x8: {  	[smem:$0x3F8D] =	sst s0  }
0x9: {  	[smem:$0x3F8E] =	sst s1  }
0xa: {  	[smem:$0x3F8F] =	sst s2  }
0xb: {  	[smem:$0x3F90] =	sst s3  }
0xc: {  	[smem:$0x3F91] =	sst s4  }
0xd: {  	[smem:$0x3F92] =	sst s5  }
0xe: {  	[smem:$0x3F93] =	sst s6  }
0xf: {  	[smem:$0x3F94] =	sst s7  }
0x10: {  	[smem:$0x3F95] =	sst s8  }
0x11: {  	[smem:$0x3F96] =	sst s9;
	s0 =	simm.s32 @!p0 $0x0  }
0x12: {  	s1 =	sld [smem:$0x3F7C];
	s0 =	simm.s32 @p0 $0x1  }
0x13: {  	[smem:$0x3F97] =	sst s0;
	s0 =	simm.s32 @!p1 $0x0  }
0x14: {  	s2 =	sld [smem:$0x3F7B];
	s0 =	simm.s32 @p1 $0x1  }
0x15: {  	[smem:$0x3F98] =	sst s0;
	s0 =	simm.s32 @!p2 $0x0  }
0x16: {  	s3 =	sld [smem:$0x3FDB];
	s0 =	simm.s32 @p2 $0x1  }
0x17: {  	s4 =	simm.s32 $0x1BF5;
	[smem:$0x3F9A] =	sst s0  }
0x18: {  	s0 =	sld [smem:$0x3F7D];
	_ =	swait.ge [sflag:s4], $0x0  }
0x19: {  	s7 =	sld [smem:$0x3F7E]  }
0x1a: {  	s8 =	sadd.s32 $0xFFFFE003, lr  }
0x1b: {  	s9 =	sadd.s32 $0xFFFFFEF7, lr;
	s5 =	simm.s32 $0xFFFFFFFF;
	p2 =	slt.u32 s8, $0xFFFFF086  }
0x1c: {  	p1 =	slt.u32 s9, $0xF7A;
	s5 =	simm.s32 @!p2 $0x0  }
0x1d: {  	s5 =	simm.s32 @p1 $0x1;
	p0 =	seq.s32 s7, s2  }
0x1e: {  	s7 =	smul.u32 @!p0 $0xF7A, s2;
	p2 =	seq.s32 @!p0 s5, $0x0  }
0x1f: {  	s9 =	smul.u32 $0xF7A, s1;
	s8 =	simm.s32 @!p0 $0x1BF5;
	p2 =	por !p2, p0  }
0x20: {  	[sflag:s8] =	ssyncset.s32 @!p0 $0xFFFFF086;
	s6 =	sadd.s32 @!p0 s3, s7;
	s7 =	simm.s32 @!p0 $0x108  }
0x21: {  	s3 =	sadd.s32 s3, s9;
	s6 =	sadd.s32 @!p0 $0x88, s6;
	s7 =	simm.s32 @p2 $0x1082  }
0x22: {  	[simem:s7], [sflag:s8] =	dma.local @!p0 [hbm:s6], $0xF7A  }
0x23: {  	s9 =	sor.u32 $0xD0000000, s2;
	s6 =	simm.s32 $0x108;
	_ =	swait.ge @!p0 [sflag:s8], $0x0  }
0x24: {  	s3 =	sadd.s32 $0x88, s3;
	s6 =	simm.s32 @!p1 $0x1082;
	[sflag:s4] =	ssyncset.s32 $0xFFFFF086  }
0x25: {  	[simem:s6], [sflag:s4] =	dma.local [hbm:s3], $0xF7A  }
0x26: {  	[smem:$0x3F7E] =	sst s1;
	(tag) =	ssettag s2;
	_ =	strace s9  }
0x27: {  	s1 =	sld [smem:$0x3F8E]  }
0x28: {  	s2 =	sld [smem:$0x3F8F]  }
0x29: {  	s4 =	sld [smem:$0x3F91]  }
0x2a: {  	p0 =	seq.s32 s5, $0x0;
	s5 =	sld [smem:$0x3F92]  }
0x2b: {  	s6 =	sld [smem:$0x3F93]  }
0x2c: {  	s7 =	sld [smem:$0x3F94]  }
0x2d: {  	s3 =	simm.s32 $0x108;
	s8 =	sld [smem:$0x3F95]  }
0x2e: {  	s3 =	simm.s32 @!p0 $0x1082;
	s9 =	sld [smem:$0x3F96]  }
0x2f: {  	lr =	sadd.s32 s0, s3;
	s0 =	sld [smem:$0x3F8D]  }
0x30: {  	s3 =	sld [smem:$0x3F90]  }
0x31: {  	[smem:$0x3F99] =	sst s10  }
0x32: {  	s10 =	sld [smem:$0x3F97];
	_ =	sdelay $0x3  }
0x33: {  	p0 =	seq.s32 s10, $0x1;
	s10 =	sld [smem:$0x3F99];
	_ =	sdelay $0x3  }
0x34: {  	[smem:$0x3F99] =	sst s10  }
0x35: {  	s10 =	sld [smem:$0x3F98];
	_ =	sdelay $0x3  }
0x36: {  	p1 =	seq.s32 s10, $0x1;
	s10 =	sld [smem:$0x3F99];
	_ =	sdelay $0x3  }
0x37: {  	[smem:$0x3F99] =	sst s10  }
0x38: {  	s10 =	sld [smem:$0x3F9A]  }
0x39: {  	_ = 	snop;
	(pc) =	sbr.ind lr, $3  }
0x3a: {  	_ = 	snop  }
0x3b: {  	_ = 	snop  }
0x3c: {  	p2 =	seq.s32 s10, $0x1;
	s10 =	sld [smem:$0x3F99]  }
0x3d: {  	_ =	shalt  }
0x3e: {  	_ =	shalt  }
0x3f: {  	_ =	shalt  }
0x40: {  	_ =	shalt  }
0x41: {  	_ =	shalt  }
0x42: {  	_ =	shalt  }
0x43: {  	_ =	shalt  }
0x44: {  	_ =	shalt  }
0x45: {  	_ =	shalt  }
0x46: {  	_ =	shalt  }
0x47: {  	_ =	shalt  }
0x48: {  	_ =	shalt  }
0x49: {  	_ =	shalt  }
0x4a: {  	_ =	shalt  }
0x4b: {  	_ =	shalt  }
0x4c: {  	_ =	shalt  }
0x4d: {  	_ =	shalt  }
0x4e: {  	_ =	shalt  }
0x4f: {  	_ =	shalt  }
0x50: {  	_ =	shalt  }
0x51: {  	_ =	shalt  }
0x52: {  	_ =	shalt  }
0x53: {  	_ =	shalt  }
0x54: {  	_ =	shalt  }
0x55: {  	_ =	shalt  }
0x56: {  	_ =	shalt  }
0x57: {  	_ =	shalt  }
0x58: {  	_ =	shalt  }
0x59: {  	_ =	shalt  }
0x5a: {  	_ =	shalt  }
0x5b: {  	_ =	shalt  }
0x5c: {  	_ =	shalt  }
0x5d: {  	_ =	shalt  }
0x5e: {  	_ =	shalt  }
0x5f: {  	_ =	shalt  }
0x60: {  	_ =	shalt  }
0x61: {  	_ =	shalt  }
0x62: {  	_ =	shalt  }
0x63: {  	_ =	shalt  }
0x64: {  	_ =	shalt  }
0x65: {  	_ =	shalt  }
0x66: {  	_ =	shalt  }
0x67: {  	_ =	shalt  }
0x68: {  	_ =	shalt  }
0x69: {  	_ =	shalt  }
0x6a: {  	_ =	shalt  }
0x6b: {  	_ =	shalt  }
0x6c: {  	_ =	shalt  }
0x6d: {  	_ =	shalt  }
0x6e: {  	_ =	shalt  }
0x6f: {  	_ =	shalt  }
0x70: {  	_ =	shalt  }
0x71: {  	_ =	shalt  }
0x72: {  	_ =	shalt  }
0x73: {  	_ =	shalt  }
0x74: {  	_ =	shalt  }
0x75: {  	_ =	shalt  }
0x76: {  	_ =	shalt  }
0x77: {  	_ =	shalt  }
0x78: {  	_ =	shalt  }
0x79: {  	_ =	shalt  }
0x7a: {  	_ =	shalt  }
0x7b: {  	_ =	shalt  }
0x7c: {  	_ =	shalt  }
0x7d: {  	_ =	shalt  }
0x7e: {  	_ =	shalt  }
0x7f: {  	_ =	shalt  }
0x80: {  	_ =	shalt  }
0x81: {  	_ =	shalt  }
0x82: {  	_ =	shalt  }
0x83: {  	_ =	shalt  }
0x84: {  	_ =	shalt  }
0x85: {  	_ =	shalt  }
0x86: {  	_ =	shalt  }
0x87: {  	_ =	shalt  }
.Lfunc_end0:
.L_simem_size_0:
called_computation.2_lowered:
.L_overlay_start_0:
0x88: {  	s2 =	sld [smem:$0x3FD9]  }
0x89: {  	s3 =	sld [smem:$0x3FFE];
	_ =	sdelay $0x1  }
0x8a: {  	s1 =	srdreg.scid  }
0x8b: {  	s0 =	sand.u32 $0x1, s1  }
0x8c: {  	s17 =	sshll.u32 s0, $0xA;
	s2 =	sadd.s32 s3, s2  }
0x8d: {  	s2 =	sadd.s32 s2, s17  }
0x8e: {  	[smem:$0x3FA5] =	sst s2  }
0x8f: {  	_ = 	snop  }
0x90: {  	s2 =	sld [smem:$0x3FD0];
	(tm) =	ssettm $0x1  }
0x91: {  	s18 =	sld [smem:$0x3FFB];
	_ =	sdelay $0x3  }
0x92: {  	_ =	strace s18  }
0x93: {  	s3 =	sld [smem:$0x3FFC];
	_ =	sdelay $0x3  }
0x94: {  	_ =	strace s3  }
0x95: {  	s3 =	sld [smem:$0x3FFD];
	_ =	sdelay $0x3  }
0x96: {  	_ =	strace s3  }
0x97: {  	_ =	strace $0x8FFFFFFF  }
0x98: {  	s19 =	sld [smem:$0x3FDB];
	_ =	sdelay $0x1  }
0x99: {  	s4 =	simm.s32 $_scs_section_size  }
0x9a: {  	s5 =	simm.s32 $_size__tile_overlayer_lowered;
	s6 =	simm.s32 $_tile_overlayer_lowered  }
0x9b: {  	s22 =	simm.s32 $0x1BFF;
	s21 =	sshll.u32 s6, $0x1;
	s3 =	sadd.s32 s4, s19  }
0x9c: {  	s7 =	simm.s32 $0x0;
	s20 =	sshll.u32 s5, $0x1;
	s5 =	sadd.s32 s21, s3  }
0x9d: {  	[timem:s7], [sflag:s22] =	dma.local [hbm:s5], s20  }
0x9e: {  	_ =	swait.ge [sflag:s22], s20  }
0x9f: {  	s4 =	ssub.s32 $0x0, s20;
	[sflag:s22] =	ssyncset.done $0x0  }
0xa0: {  	[sflag:s22] =	ssyncadd.s32 s4;
	_ =	sdelay $0x1  }
0xa1: {  	s23 =	simm.s32 $0x1B8B  }
0xa2: {  	_ =	swait.ge [sflag:s23], $0x1  }
0xa3: {  	[sflag:s23] =	ssyncset.done $0x0  }
0xa4: {  	s25 =	simm.s32 $0x1B8E;
	s24 =	sld [smem:$0x3FFE];
	[sflag:s23] =	ssyncadd.s32 $0xFFFFFFFF  }
0xa5: {  	s26 =	simm.s32 $execute0_lowered;
	[smem:$0x3FD2] =	sst s25  }
0xa6: {  	s5 =	sshll.u32 s26, $0x1;
	_ =	strace $0x8000004C;
	[dreg:$0x1] =	wrdreg $0xFFFFFFFF  }
0xa7: {  	s28 =	simm.s32 $_size_execute0_lowered;
	s3 =	sadd.s32 s3, s5;
	[dreg:$0x0] =	wrdreg $0x0  }
0xa8: {  	s5 =	sshll.u32 s28, $0x1;
	[dreg:$0x2] =	wrdreg s3  }
0xa9: {  	[dreg:$0x3] =	wrdreg s5  }
0xaa: {  	[dreg:$0x4] =	wrdreg $0xC0  }
0xab: {  	_ =	task [dreg:s7], $0x5FFFF  }
0xac: {  	[dreg:$0x1] =	wrdreg $0xFFFFFFFF  }
0xad: {  	[dreg:$0x0] =	wrdreg $0x60  }
0xae: {  	[dreg:$0x2] =	wrdreg s24  }
0xaf: {  	[dreg:$0x3] =	wrdreg s2  }
0xb0: {  	[dreg:$0x4] =	wrdreg $0x41000  }
0xb1: {  	[dreg:$0x5] =	wrdreg $0x9  }
0xb2: {  	_ =	task.clear_ibuf [dreg:s7], $0x6FFFF;
	_ =	strace $0x9000004C  }
0xb3: {  	s29 =	simm.s32 $0x9;
	_ =	strace $0x8000004E  }
0xb4: {  	_ =	swait.ge [sflag:s29], $0x1  }
0xb5: {  	[sflag:s29] =	ssyncadd.s32 $0xFFFFFFFF  }
0xb6: {  	_ =	strace $0x9000004E  }
0xb7: {  	_ =	sfence  }
0xb8: {  	s30 =	sld [smem:$0x0];
	_ =	sdelay $0x2  }
0xb9: {  	s31 =	sshll.u32 s1, $0xD;
	s1 =	sshrl.u32 s1, $0x2  }
0xba: {  	s3 =	sand.u32 $0x4000, s31;
	s1 =	sadd.s32 s1, s30  }
0xbb: {  	s0 =	sor.u32 s3, s0;
	s1 =	sshll.u32 s1, $0x11  }
0xbc: {  	s0 =	sor.u32 s1, s0  }
0xbd: {  	s0 =	sadd.s32 $0x8F2B, s0  }
0xbe: {  	[sflag:s0] =	ssyncadd.remote.s32 $0x1  }
0xbf: {  	_ =	sfence.sel $0xFFFF  }
0xc0: {  	[dreg:$0x0] =	wrdreg $0xFFFFFFFF;
	(pc) =	sbr.abs _section_cstart, $3  }
0xc1: {  	[dreg:$0x1] =	wrdreg $0xFFFFFFFF  }
0xc2: {  	_ =	task.clear_ibuf [dreg:s7], $0x2FFFF;
	_ =	strace $0x9FFFFFFF  }
0xc3: {  	(tm) =	ssettm $0x7FFFFFFF  }
tec
execute0_lowered:
.L_overlay_start_1:
0x0: {  	(tag) =	ssettag $0x1  }
0x1: {  	s5 =	rddreg [dreg:$0x0]  }
0x2: {  	s2 =	rddreg [dreg:$0x1]  }
0x3: {  	s0 =	srdreg.scid;
	s1 =	stileid.u32  }
0x4: {  	s3 =	rddreg [dreg:$0x2];
	s8 =	smul.u32 $0x310, s1  }
0x5: {  	s4 =	simm.s32 $0x0;
	s12 =	simm.s32 $0x1;
	s9 =	smul.u32 $0xC4000, s1  }
0x6: {  	s6 =	sand.u32 $0x1, s0;
	s0 =	rddreg [dreg:$0x3];
	s10 =	smul.u32 $0x1880, s1  }
0x7: {  	s15 =	simm.s32 $0x0;
	[smem:$0x7FF] =	sst s4;
	s25 =	smul.u32 $0x62000, s1  }
0x8: {  	s31 =	sshll.u32 s1, $0x6;
	s7 =	smul.u32 $0x6200, s6;
	_ =	strace $0x8000004D  }
0x9: {  	s26 =	ssub.s32 $0x2, s6;
	s13 =	smul.u32 $0x61A8, s6;
	s9 =	sadd.s32 s9, s5  }
0xa: {  	s10 =	sadd.s32 s10, s5;
	s11 =	sshrl.u32 s26, $0x1;
	s28 =	sshrl.u32 s25, $0x2  }
0xb: {  	s7 =	sadd.s32 s8, s7;
	s29 =	ssub.s32 s26, s11;
	s30 =	sadd.s32 s28, s3  }
0xc: {  	s14 =	sadd.s32 $0x30D4, s13;
	s9 =	sadd.s32 $0x11BE00, s9;
	s10 =	sadd.s32 $0xEAE00, s10  }
0xd: {  	v0 =	vmov s13;
	s13 =	simm.s32 $0x100;
	s7 =	sshll.u32 s7, $0x4;
	s8 =	smax.u32 s29, $0x1  }
0xe: {  	s11 =	sshrl.u32 s30, $0x3;
	s7 =	sadd.s32 s7, s5;
	s5 =	sor.u32 $0x1C01, s31  }
0xf: {  	v1 =	vmov s14;
	s14 =	simm.s32 $0x80;
	s6 =	sadd.s32 $0x1B24A00, s7;
	s7 =	sadd.s32 $0x1B55A00, s7  }
.LBB2_1:
0x10: {  	[spmem:s11], [sflag:s5] =	dma.local [hbm:s2], $0x3100  }
0x11: {  	_ =	swait.ge [sflag:s12], $0x3100  }
0x12: {  	[sflag:s12] =	ssyncset.done $0x0  }
0x13: {  	[sflag:s12] =	ssyncadd.s32 $0xFFFFCF00  }
0x14: {  	s16 =	sadd.s32 $0x0, s10;
	[bflag:$0x0] =	sbarrier.arrive $0xFFFF  }
0x15: {  	[tilespmem:s4], [sflag:$0x1] =	stream.linear.gather [hbm4b:s16+s4], $0x80, $0x38;
	[tilespmem:$0x1C900] =	vst v63  }
0x16: {  	_ =	swait.ge [sflag:s12], $0x80  }
0x17: {  	[sflag:s12] =	ssyncset.done $0x0  }
0x18: {  	[sflag:s12] =	ssyncadd.s32 $0xFFFFFF80  }
0x19: {  	[tilespmem:s13], [sflag:$0x1] =	stream.linear.gather [hbm4b:s9+s4], $0x4000, $0x38;
	[tilespmem:$0x1C900] =	vst v63  }
0x1a: {  	_ =	swait.ge [sflag:s12], $0x4000  }
0x1b: {  	[sflag:s12] =	ssyncset.done $0x0  }
0x1c: {  	[sflag:s12] =	ssyncadd.s32 $0xFFFFC000  }
0x1d: {  	v2 =	vld [tilespmem:$0x50]  }
0x1e: {  	v4 =	vld [tilespmem:$0x60]  }
0x1f: {  	s17 =	smov.u32 s9;
	s16 =	simm.s32 $0x10;
	v3 =	vld [tilespmem:$0x70]  }
.LBB2_2:
0x20: {  	p0 =	sne.s32 s16, $0x1870  }
0x21: {  	v5 =	vld [tilespmem:$0x30];
	s17 =	sadd.s32 $0x800, s17;
	s18 =	smov.u32 s16;
	s16 =	sadd.s32 $0x10, s16  }
0x22: {  	v6 =	vld [tilespmem:$0x10]  }
0x23: {  	v7 =	vld [tilespmem:$0x20]  }
0x24: {  	v8 =	vld [tilespmem:$0x0];
	v4 =	vsub.s32 v4, v0  }
0x25: {  	v2 =	vsub.s32 v2, v0;
	v9 =	vld [tilespmem:$0x40];
	v4 =	vmin.u32 v4, $0x30D4;
	v3 =	vsub.s32 v3, v0  }
0x26: {  	v2 =	vmin.u32 v2, $0x30D4;
	v5 =	vsub.s32 v5, v0;
	[tilespmem:$0xE0] =	vst v4;
	v3 =	vmin.u32 v3, $0x30D4  }
0x27: {  	v4 =	vsub.s32 v6, v0;
	v5 =	vmin.u32 v5, $0x30D4;
	[tilespmem:$0xF0] =	vst v3  }
0x28: {  	v3 =	vmin.u32 v4, $0x30D4;
	v4 =	vsub.s32 v7, v0;
	[tilespmem:$0xD0] =	vst v2  }
0x29: {  	v2 =	vsub.s32 v8, v0;
	v4 =	vmin.u32 v4, $0x30D4;
	[tilespmem:$0xB0] =	vst v5  }
0x2a: {  	v2 =	vmin.u32 v2, $0x30D4;
	[tilespmem:$0x90] =	vst v3;
	v3 =	vsub.s32 v9, v0  }
0x2b: {  	[tilespmem:$0xA0] =	vst v4;
	v3 =	vmin.u32 v3, $0x30D4  }
0x2c: {  	[tilespmem:$0xC0] =	vst v3  }
0x2d: {  	[tilespmem:$0x80] =	vst v2  }
0x2e: {  	[spmem:s3] =	stream.indirect.scatter.add.f32 [tilespmem:s13], [sflag:$0x1], $0x80, s14, s14, $0xb8;
	[tilespmem:$0x1C900] =	vst v63  }
0x2f: {  	_ =	swait.ge [sflag:s12], $0x4000  }
0x30: {  	[sflag:s12] =	ssyncset.done $0x0  }
0x31: {  	s18 =	sadd.s32 s18, s10;
	[sflag:s12] =	ssyncadd.s32 $0xFFFFC000  }
0x32: {  	[tilespmem:s4], [sflag:$0x1] =	stream.linear.gather [hbm4b:s18+s4], $0x80, $0x38;
	[tilespmem:$0x1C900] =	vst v63  }
0x33: {  	_ =	swait.ge [sflag:s12], $0x80  }
0x34: {  	[sflag:s12] =	ssyncset.done $0x0  }
0x35: {  	[sflag:s12] =	ssyncadd.s32 $0xFFFFFF80  }
0x36: {  	[tilespmem:s13], [sflag:$0x1] =	stream.linear.gather [hbm4b:s17+s4], $0x4000, $0x38;
	[tilespmem:$0x1C900] =	vst v63  }
0x37: {  	_ =	swait.ge [sflag:s12], $0x4000  }
.Ltmp0:
0x38: {  	[sflag:s12] =	ssyncset.done $0x0;
	(pc) =	sbr.rel @p0 .LBB2_2-.Ltmp0, $4  }
0x39: {  	[sflag:s12] =	ssyncadd.s32 $0xFFFFC000  }
0x3a: {  	v2 =	vld [tilespmem:$0x50]  }
0x3b: {  	v4 =	vld [tilespmem:$0x60]  }
0x3c: {  	v3 =	vld [tilespmem:$0x70]  }
0x3d: {  	v5 =	vld [tilespmem:$0x30]  }
0x3e: {  	v6 =	vld [tilespmem:$0x10]  }
0x3f: {  	v7 =	vld [tilespmem:$0x20];
	v2 =	vsub.s32 v2, v0  }
0x40: {  	v8 =	vld [tilespmem:$0x40];
	v4 =	vsub.s32 v4, v0;
	v2 =	vmin.u32 v2, $0x30D4  }
0x41: {  	v9 =	vld [tilespmem:$0x0];
	v4 =	vmin.u32 v4, $0x30D4;
	v3 =	vsub.s32 v3, v0;
	[tilespmem:$0xD0] =	vst v2  }
0x42: {  	[tilespmem:$0xE0] =	vst v4;
	v3 =	vmin.u32 v3, $0x30D4;
	v4 =	vsub.s32 v5, v0  }
0x43: {  	[tilespmem:$0xF0] =	vst v3;
	v3 =	vsub.s32 v6, v0;
	v4 =	vmin.u32 v4, $0x30D4  }
0x44: {  	v2 =	vmin.u32 v3, $0x30D4;
	v3 =	vsub.s32 v7, v0;
	[tilespmem:$0xB0] =	vst v4  }
0x45: {  	v3 =	vmin.u32 v3, $0x30D4;
	[tilespmem:$0x90] =	vst v2;
	v2 =	vsub.s32 v8, v0  }
0x46: {  	v4 =	vsub.s32 v9, v0;
	[tilespmem:$0xA0] =	vst v3;
	v2 =	vmin.u32 v2, $0x30D4  }
0x47: {  	v3 =	vmin.u32 v4, $0x30D4;
	[tilespmem:$0xC0] =	vst v2  }
0x48: {  	[tilespmem:$0x80] =	vst v3  }
0x49: {  	[spmem:s3] =	stream.indirect.scatter.add.f32 [tilespmem:s13], [sflag:$0x1], $0x80, s14, s14, $0xb8;
	[tilespmem:$0x1C900] =	vst v63  }
0x4a: {  	_ =	swait.ge [sflag:s12], $0x4000  }
0x4b: {  	[sflag:s12] =	ssyncset.done $0x0  }
0x4c: {  	[sflag:s12] =	ssyncadd.s32 $0xFFFFC000  }
0x4d: {  	[bflag:$0x0] =	sbarrier.arrive $0xFFFF  }
0x4e: {  	[hbm:s6], [sflag:s5] =	dma.local [spmem:s11], $0x3100  }
0x4f: {  	_ =	swait.ge [sflag:s12], $0x3100  }
0x50: {  	[sflag:s12] =	ssyncset.done $0x0  }
0x51: {  	[sflag:s12] =	ssyncadd.s32 $0xFFFFCF00  }
0x52: {  	[bflag:$0x0] =	sbarrier.arrive $0xFFFF  }
0x53: {  	[spmem:s11], [sflag:s5] =	dma.local [hbm:s2], $0x3100  }
0x54: {  	_ =	swait.ge [sflag:s12], $0x3100  }
0x55: {  	[sflag:s12] =	ssyncset.done $0x0  }
0x56: {  	[sflag:s12] =	ssyncadd.s32 $0xFFFFCF00  }
0x57: {  	s16 =	sadd.s32 $0x0, s10;
	[bflag:$0x0] =	sbarrier.arrive $0xFFFF  }
0x58: {  	[tilespmem:s4], [sflag:$0x1] =	stream.linear.gather [hbm4b:s16+s4], $0x80, $0x38;
	[tilespmem:$0x1C900] =	vst v63  }
0x59: {  	_ =	swait.ge [sflag:s12], $0x80  }
0x5a: {  	[sflag:s12] =	ssyncset.done $0x0  }
0x5b: {  	[sflag:s12] =	ssyncadd.s32 $0xFFFFFF80  }
0x5c: {  	[tilespmem:s13], [sflag:$0x1] =	stream.linear.gather [hbm4b:s9+s4], $0x4000, $0x38;
	[tilespmem:$0x1C900] =	vst v63  }
0x5d: {  	_ =	swait.ge [sflag:s12], $0x4000  }
0x5e: {  	[sflag:s12] =	ssyncset.done $0x0  }
0x5f: {  	[sflag:s12] =	ssyncadd.s32 $0xFFFFC000  }
0x60: {  	v2 =	vld [tilespmem:$0x50]  }
0x61: {  	v4 =	vld [tilespmem:$0x60]  }
0x62: {  	s17 =	smov.u32 s9;
	s16 =	simm.s32 $0x10;
	v3 =	vld [tilespmem:$0x70]  }
.LBB2_4:
0x63: {  	p0 =	sne.s32 s16, $0x1870  }
0x64: {  	v5 =	vld [tilespmem:$0x30];
	s17 =	sadd.s32 $0x800, s17;
	s18 =	smov.u32 s16;
	s16 =	sadd.s32 $0x10, s16  }
0x65: {  	v6 =	vld [tilespmem:$0x10]  }
0x66: {  	v7 =	vld [tilespmem:$0x20]  }
0x67: {  	v8 =	vld [tilespmem:$0x0];
	v4 =	vsub.s32 v4, v1  }
0x68: {  	v2 =	vsub.s32 v2, v1;
	v9 =	vld [tilespmem:$0x40];
	v4 =	vmin.u32 v4, $0x30D4;
	v3 =	vsub.s32 v3, v1  }
0x69: {  	v2 =	vmin.u32 v2, $0x30D4;
	v5 =	vsub.s32 v5, v1;
	[tilespmem:$0xE0] =	vst v4;
	v3 =	vmin.u32 v3, $0x30D4  }
0x6a: {  	v4 =	vsub.s32 v6, v1;
	v5 =	vmin.u32 v5, $0x30D4;
	[tilespmem:$0xF0] =	vst v3  }
0x6b: {  	v3 =	vmin.u32 v4, $0x30D4;
	v4 =	vsub.s32 v7, v1;
	[tilespmem:$0xD0] =	vst v2  }
0x6c: {  	v2 =	vsub.s32 v8, v1;
	v4 =	vmin.u32 v4, $0x30D4;
	[tilespmem:$0xB0] =	vst v5  }
0x6d: {  	v2 =	vmin.u32 v2, $0x30D4;
	[tilespmem:$0x90] =	vst v3;
	v3 =	vsub.s32 v9, v1  }
0x6e: {  	[tilespmem:$0xA0] =	vst v4;
	v3 =	vmin.u32 v3, $0x30D4  }
0x6f: {  	[tilespmem:$0xC0] =	vst v3  }
0x70: {  	[tilespmem:$0x80] =	vst v2  }
0x71: {  	[spmem:s3] =	stream.indirect.scatter.add.f32 [tilespmem:s13], [sflag:$0x1], $0x80, s14, s14, $0xb8;
	[tilespmem:$0x1C900] =	vst v63  }
0x72: {  	_ =	swait.ge [sflag:s12], $0x4000  }
0x73: {  	[sflag:s12] =	ssyncset.done $0x0  }
0x74: {  	s18 =	sadd.s32 s18, s10;
	[sflag:s12] =	ssyncadd.s32 $0xFFFFC000  }
0x75: {  	[tilespmem:s4], [sflag:$0x1] =	stream.linear.gather [hbm4b:s18+s4], $0x80, $0x38;
	[tilespmem:$0x1C900] =	vst v63  }
0x76: {  	_ =	swait.ge [sflag:s12], $0x80  }
0x77: {  	[sflag:s12] =	ssyncset.done $0x0  }
0x78: {  	[sflag:s12] =	ssyncadd.s32 $0xFFFFFF80  }
0x79: {  	[tilespmem:s13], [sflag:$0x1] =	stream.linear.gather [hbm4b:s17+s4], $0x4000, $0x38;
	[tilespmem:$0x1C900] =	vst v63  }
0x7a: {  	_ =	swait.ge [sflag:s12], $0x4000  }
.Ltmp1:
0x7b: {  	[sflag:s12] =	ssyncset.done $0x0;
	(pc) =	sbr.rel @p0 .LBB2_4-.Ltmp1, $4  }
0x7c: {  	[sflag:s12] =	ssyncadd.s32 $0xFFFFC000  }
0x7d: {  	v2 =	vld [tilespmem:$0x50]  }
0x7e: {  	v4 =	vld [tilespmem:$0x60]  }
0x7f: {  	v3 =	vld [tilespmem:$0x70]  }
0x80: {  	v5 =	vld [tilespmem:$0x30]  }
0x81: {  	v6 =	vld [tilespmem:$0x10]  }
0x82: {  	v7 =	vld [tilespmem:$0x20];
	v2 =	vsub.s32 v2, v1  }
0x83: {  	v8 =	vld [tilespmem:$0x40];
	v4 =	vsub.s32 v4, v1;
	v2 =	vmin.u32 v2, $0x30D4  }
0x84: {  	v9 =	vld [tilespmem:$0x0];
	v4 =	vmin.u32 v4, $0x30D4;
	v3 =	vsub.s32 v3, v1;
	[tilespmem:$0xD0] =	vst v2  }
0x85: {  	[tilespmem:$0xE0] =	vst v4;
	v3 =	vmin.u32 v3, $0x30D4;
	v62 =	vsub.s32 v5, v1  }
0x86: {  	[tilespmem:$0xF0] =	vst v3;
	v3 =	vsub.s32 v6, v1;
	v4 =	vmin.u32 v62, $0x30D4  }
0x87: {  	v2 =	vmin.u32 v3, $0x30D4;
	v3 =	vsub.s32 v7, v1;
	[tilespmem:$0xB0] =	vst v4  }
0x88: {  	v3 =	vmin.u32 v3, $0x30D4;
	[tilespmem:$0x90] =	vst v2;
	v2 =	vsub.s32 v8, v1  }
0x89: {  	v63 =	vsub.s32 v9, v1;
	[tilespmem:$0xA0] =	vst v3;
	v2 =	vmin.u32 v2, $0x30D4  }
0x8a: {  	v3 =	vmin.u32 v63, $0x30D4;
	[tilespmem:$0xC0] =	vst v2  }
0x8b: {  	[tilespmem:$0x80] =	vst v3  }
0x8c: {  	[spmem:s3] =	stream.indirect.scatter.add.f32 [tilespmem:s13], [sflag:$0x1], $0x80, s14, s14, $0xb8;
	[tilespmem:$0x1C900] =	vst v63  }
0x8d: {  	_ =	swait.ge [sflag:s12], $0x4000  }
0x8e: {  	[sflag:s12] =	ssyncset.done $0x0  }
0x8f: {  	s15 =	sadd.s32 $0x1, s15;
	[sflag:s12] =	ssyncadd.s32 $0xFFFFC000  }
0x90: {  	p0 =	sne.s32 s15, s8;
	[bflag:$0x0] =	sbarrier.arrive $0xFFFF  }
0x91: {  	[hbm:s7], [sflag:s5] =	dma.local [spmem:s11], $0x3100  }
.Ltmp2:
0x92: {  	_ =	swait.ge [sflag:s12], $0x3100;
	(pc) =	sbr.rel @p0 .LBB2_1-.Ltmp2, $3  }
0x93: {  	[sflag:s12] =	ssyncset.done $0x0  }
0x94: {  	[sflag:s12] =	ssyncadd.s32 $0xFFFFCF00  }
0x95: {  	[bflag:$0x0] =	sbarrier.arrive $0xFFFF;
	_ =	sdelay $0x1  }
0x96: {  	_ =	sfence.sel $0x180000  }
0x97: {  	[bflag:$0x0] =	sbarrier.arrive $0xFFFF  }
0x98: {  	p0 =	sne.s32 s1, $0x0;
	_ =	strace $0x9000004D  }
0x99: {  	s0 =	sadd.s32 @!p0 $0x100000, s0;
	[bflag:$0x2] =	sbarrier.arrive $0xFFFF  }
0x9a: {  	[sflag:s0] =	ssyncadd.tile.s32 @!p0 $0x1;
	_ =	shalt  }
.Lfunc_end2:
_tile_overlayer_lowered:
.L_overlay_start_2:
0x9b: {  	(tag) =	ssettag $0x2  }
0x9c: {  	s0 =	rddreg [dreg:$0x0];
	s2 =	stileid.u32  }
0x9d: {  	s1 =	rddreg [dreg:$0x1];
	p0 =	sne.s32 s2, $0x0  }
0x9e: {  	s3 =	rddreg [dreg:$0x2];
	[bflag:$0x3] =	sbarrier.arrive $0xFFFF;
	s2 =	simm.s32 @!p0 $0x1C01  }
0x9f: {  	[timem:s3], [sflag:s2] =	dma.local @!p0 [hbm:s0], s1  }
0xa0: {  	s0 =	simm.s32 @!p0 $0x1  }
0xa1: {  	_ =	swait.ge @!p0 [sflag:s0], s1  }
0xa2: {  	s1 =	ssub.s32 @!p0 $0x0, s1;
	[sflag:s0] =	ssyncset.done @!p0 $0x0  }
0xa3: {  	[sflag:s0] =	ssyncadd.s32 @!p0 s1  }
0xa4: {  	[bflag:$0x3] =	sbarrier.arrive $0xFFFF  }
0xa5: {  	_ =	shalt  }

// kernel: kernel.30.cloned.1.call-start
scs
__scs_entry_jumppad:
0x0: {  	(pc) =	sbr.rel $0x88, $3  }
0x1: {  	(tag) =	ssettag $0x0;
	lr =	simm.s32 $0x1  }
0x2: {  	[smem:$0x3F7E] =	sst lr;
	_ =	strace $0xD0000000  }
0x3: {  	_ = 	snop  }
0x4: {  	_ = 	snop  }
0x5: {  	_ = 	snop  }
0x6: {  	_ = 	snop  }
0x7: {  	_ = 	snop  }
__scs_overlays_trampoline_lowered:
0x8: {  	[smem:$0x3F8D] =	sst s0  }
0x9: {  	[smem:$0x3F8E] =	sst s1  }
0xa: {  	[smem:$0x3F8F] =	sst s2  }
0xb: {  	[smem:$0x3F90] =	sst s3  }
0xc: {  	[smem:$0x3F91] =	sst s4  }
0xd: {  	[smem:$0x3F92] =	sst s5  }
0xe: {  	[smem:$0x3F93] =	sst s6  }
0xf: {  	[smem:$0x3F94] =	sst s7  }
0x10: {  	[smem:$0x3F95] =	sst s8  }
0x11: {  	[smem:$0x3F96] =	sst s9;
	s0 =	simm.s32 @!p0 $0x0  }
0x12: {  	s1 =	sld [smem:$0x3F7C];
	s0 =	simm.s32 @p0 $0x1  }
0x13: {  	[smem:$0x3F97] =	sst s0;
	s0 =	simm.s32 @!p1 $0x0  }
0x14: {  	s2 =	sld [smem:$0x3F7B];
	s0 =	simm.s32 @p1 $0x1  }
0x15: {  	[smem:$0x3F98] =	sst s0;
	s0 =	simm.s32 @!p2 $0x0  }
0x16: {  	s3 =	sld [smem:$0x3FDB];
	s0 =	simm.s32 @p2 $0x1  }
0x17: {  	s4 =	simm.s32 $0x1BF5;
	[smem:$0x3F9A] =	sst s0  }
0x18: {  	s0 =	sld [smem:$0x3F7D];
	_ =	swait.ge [sflag:s4], $0x0  }
0x19: {  	s7 =	sld [smem:$0x3F7E]  }
0x1a: {  	s8 =	sadd.s32 $0xFFFFE003, lr  }
0x1b: {  	s9 =	sadd.s32 $0xFFFFFEF7, lr;
	s5 =	simm.s32 $0xFFFFFFFF;
	p2 =	slt.u32 s8, $0xFFFFF086  }
0x1c: {  	p1 =	slt.u32 s9, $0xF7A;
	s5 =	simm.s32 @!p2 $0x0  }
0x1d: {  	s5 =	simm.s32 @p1 $0x1;
	p0 =	seq.s32 s7, s2  }
0x1e: {  	s7 =	smul.u32 @!p0 $0xF7A, s2;
	p2 =	seq.s32 @!p0 s5, $0x0  }
0x1f: {  	s9 =	smul.u32 $0xF7A, s1;
	s8 =	simm.s32 @!p0 $0x1BF5;
	p2 =	por !p2, p0  }
0x20: {  	[sflag:s8] =	ssyncset.s32 @!p0 $0xFFFFF086;
	s6 =	sadd.s32 @!p0 s3, s7;
	s7 =	simm.s32 @!p0 $0x108  }
0x21: {  	s3 =	sadd.s32 s3, s9;
	s6 =	sadd.s32 @!p0 $0x88, s6;
	s7 =	simm.s32 @p2 $0x1082  }
0x22: {  	[simem:s7], [sflag:s8] =	dma.local @!p0 [hbm:s6], $0xF7A  }
0x23: {  	s9 =	sor.u32 $0xD0000000, s2;
	s6 =	simm.s32 $0x108;
	_ =	swait.ge @!p0 [sflag:s8], $0x0  }
0x24: {  	s3 =	sadd.s32 $0x88, s3;
	s6 =	simm.s32 @!p1 $0x1082;
	[sflag:s4] =	ssyncset.s32 $0xFFFFF086  }
0x25: {  	[simem:s6], [sflag:s4] =	dma.local [hbm:s3], $0xF7A  }
0x26: {  	[smem:$0x3F7E] =	sst s1;
	(tag) =	ssettag s2;
	_ =	strace s9  }
0x27: {  	s1 =	sld [smem:$0x3F8E]  }
0x28: {  	s2 =	sld [smem:$0x3F8F]  }
0x29: {  	s4 =	sld [smem:$0x3F91]  }
0x2a: {  	p0 =	seq.s32 s5, $0x0;
	s5 =	sld [smem:$0x3F92]  }
0x2b: {  	s6 =	sld [smem:$0x3F93]  }
0x2c: {  	s7 =	sld [smem:$0x3F94]  }
0x2d: {  	s3 =	simm.s32 $0x108;
	s8 =	sld [smem:$0x3F95]  }
0x2e: {  	s3 =	simm.s32 @!p0 $0x1082;
	s9 =	sld [smem:$0x3F96]  }
0x2f: {  	lr =	sadd.s32 s0, s3;
	s0 =	sld [smem:$0x3F8D]  }
0x30: {  	s3 =	sld [smem:$0x3F90]  }
0x31: {  	[smem:$0x3F99] =	sst s10  }
0x32: {  	s10 =	sld [smem:$0x3F97];
	_ =	sdelay $0x3  }
0x33: {  	p0 =	seq.s32 s10, $0x1;
	s10 =	sld [smem:$0x3F99];
	_ =	sdelay $0x3  }
0x34: {  	[smem:$0x3F99] =	sst s10  }
0x35: {  	s10 =	sld [smem:$0x3F98];
	_ =	sdelay $0x3  }
0x36: {  	p1 =	seq.s32 s10, $0x1;
	s10 =	sld [smem:$0x3F99];
	_ =	sdelay $0x3  }
0x37: {  	[smem:$0x3F99] =	sst s10  }
0x38: {  	s10 =	sld [smem:$0x3F9A]  }
0x39: {  	_ = 	snop;
	(pc) =	sbr.ind lr, $3  }
0x3a: {  	_ = 	snop  }
0x3b: {  	_ = 	snop  }
0x3c: {  	p2 =	seq.s32 s10, $0x1;
	s10 =	sld [smem:$0x3F99]  }
0x3d: {  	_ =	shalt  }
0x3e: {  	_ =	shalt  }
0x3f: {  	_ =	shalt  }
0x40: {  	_ =	shalt  }
0x41: {  	_ =	shalt  }
0x42: {  	_ =	shalt  }
0x43: {  	_ =	shalt  }
0x44: {  	_ =	shalt  }
0x45: {  	_ =	shalt  }
0x46: {  	_ =	shalt  }
0x47: {  	_ =	shalt  }
0x48: {  	_ =	shalt  }
0x49: {  	_ =	shalt  }
0x4a: {  	_ =	shalt  }
0x4b: {  	_ =	shalt  }
0x4c: {  	_ =	shalt  }
0x4d: {  	_ =	shalt  }
0x4e: {  	_ =	shalt  }
0x4f: {  	_ =	shalt  }
0x50: {  	_ =	shalt  }
0x51: {  	_ =	shalt  }
0x52: {  	_ =	shalt  }
0x53: {  	_ =	shalt  }
0x54: {  	_ =	shalt  }
0x55: {  	_ =	shalt  }
0x56: {  	_ =	shalt  }
0x57: {  	_ =	shalt  }
0x58: {  	_ =	shalt  }
0x59: {  	_ =	shalt  }
0x5a: {  	_ =	shalt  }
0x5b: {  	_ =	shalt  }
0x5c: {  	_ =	shalt  }
0x5d: {  	_ =	shalt  }
0x5e: {  	_ =	shalt  }
0x5f: {  	_ =	shalt  }
0x60: {  	_ =	shalt  }
0x61: {  	_ =	shalt  }
0x62: {  	_ =	shalt  }
0x63: {  	_ =	shalt  }
0x64: {  	_ =	shalt  }
0x65: {  	_ =	shalt  }
0x66: {  	_ =	shalt  }
0x67: {  	_ =	shalt  }
0x68: {  	_ =	shalt  }
0x69: {  	_ =	shalt  }
0x6a: {  	_ =	shalt  }
0x6b: {  	_ =	shalt  }
0x6c: {  	_ =	shalt  }
0x6d: {  	_ =	shalt  }
0x6e: {  	_ =	shalt  }
0x6f: {  	_ =	shalt  }
0x70: {  	_ =	shalt  }
0x71: {  	_ =	shalt  }
0x72: {  	_ =	shalt  }
0x73: {  	_ =	shalt  }
0x74: {  	_ =	shalt  }
0x75: {  	_ =	shalt  }
0x76: {  	_ =	shalt  }
0x77: {  	_ =	shalt  }
0x78: {  	_ =	shalt  }
0x79: {  	_ =	shalt  }
0x7a: {  	_ =	shalt  }
0x7b: {  	_ =	shalt  }
0x7c: {  	_ =	shalt  }
0x7d: {  	_ =	shalt  }
0x7e: {  	_ =	shalt  }
0x7f: {  	_ =	shalt  }
0x80: {  	_ =	shalt  }
0x81: {  	_ =	shalt  }
0x82: {  	_ =	shalt  }
0x83: {  	_ =	shalt  }
0x84: {  	_ =	shalt  }
0x85: {  	_ =	shalt  }
0x86: {  	_ =	shalt  }
0x87: {  	_ =	shalt  }
.Lfunc_end0:
.L_simem_size_0:
called_computation.3_lowered:
.L_overlay_start_0:
0x88: {  	s2 =	sld [smem:$0x3FD9]  }
0x89: {  	s3 =	sld [smem:$0x3FFE];
	_ =	sdelay $0x1  }
0x8a: {  	s1 =	srdreg.scid  }
0x8b: {  	s0 =	sand.u32 $0x1, s1  }
0x8c: {  	s16 =	sshll.u32 s0, $0xA;
	s2 =	sadd.s32 s3, s2  }
0x8d: {  	s2 =	sadd.s32 s2, s16  }
0x8e: {  	[smem:$0x3FA5] =	sst s2  }
0x8f: {  	_ = 	snop  }
0x90: {  	(tm) =	ssettm $0x1  }
0x91: {  	s17 =	sld [smem:$0x3FFB];
	_ =	sdelay $0x3  }
0x92: {  	_ =	strace s17  }
0x93: {  	s2 =	sld [smem:$0x3FFC];
	_ =	sdelay $0x3  }
0x94: {  	_ =	strace s2  }
0x95: {  	s2 =	sld [smem:$0x3FFD];
	_ =	sdelay $0x3  }
0x96: {  	_ =	strace s2  }
0x97: {  	_ =	strace $0x8FFFFFFF  }
0x98: {  	s18 =	sld [smem:$0x3FDB];
	_ =	sdelay $0x1  }
0x99: {  	s19 =	simm.s32 $_scs_section_size  }
0x9a: {  	s4 =	simm.s32 $_size__tile_overlayer_lowered;
	s5 =	simm.s32 $_tile_overlayer_lowered  }
0x9b: {  	s22 =	simm.s32 $0x1BFF;
	s21 =	sshll.u32 s5, $0x1;
	s2 =	sadd.s32 s19, s18  }
0x9c: {  	s6 =	simm.s32 $0x0;
	s20 =	sshll.u32 s4, $0x1;
	s4 =	sadd.s32 s21, s2  }
0x9d: {  	[timem:s6], [sflag:s22] =	dma.local [hbm:s4], s20  }
0x9e: {  	_ =	swait.ge [sflag:s22], s20  }
0x9f: {  	s3 =	ssub.s32 $0x0, s20;
	[sflag:s22] =	ssyncset.done $0x0  }
0xa0: {  	[sflag:s22] =	ssyncadd.s32 s3;
	_ =	sdelay $0x1  }
0xa1: {  	s23 =	simm.s32 $0x1B8B  }
0xa2: {  	_ =	swait.ge [sflag:s23], $0x1  }
0xa3: {  	[sflag:s23] =	ssyncset.done $0x0  }
0xa4: {  	s25 =	simm.s32 $0x1B8E;
	s24 =	sld [smem:$0x3FFE];
	[sflag:s23] =	ssyncadd.s32 $0xFFFFFFFF  }
0xa5: {  	s26 =	simm.s32 $execute0_lowered;
	[smem:$0x3FD2] =	sst s25  }
0xa6: {  	s4 =	sshll.u32 s26, $0x1;
	_ =	strace $0x8000004F;
	[dreg:$0x1] =	wrdreg $0xFFFFFFFF  }
0xa7: {  	s28 =	simm.s32 $_size_execute0_lowered;
	s2 =	sadd.s32 s2, s4;
	[dreg:$0x0] =	wrdreg $0x0  }
0xa8: {  	s4 =	sshll.u32 s28, $0x1;
	[dreg:$0x2] =	wrdreg s2  }
0xa9: {  	[dreg:$0x3] =	wrdreg s4  }
0xaa: {  	[dreg:$0x4] =	wrdreg $0xC0  }
0xab: {  	_ =	task [dreg:s6], $0x5FFFF  }
0xac: {  	[dreg:$0x1] =	wrdreg $0xFFFFFFFF  }
0xad: {  	[dreg:$0x0] =	wrdreg $0x60  }
0xae: {  	[dreg:$0x2] =	wrdreg s24  }
0xaf: {  	[dreg:$0x3] =	wrdreg $0x9  }
0xb0: {  	_ =	task.clear_ibuf [dreg:s6], $0x4FFFF;
	_ =	strace $0x9000004F  }
0xb1: {  	s29 =	simm.s32 $0x9;
	_ =	strace $0x80000051  }
0xb2: {  	_ =	swait.ge [sflag:s29], $0x1  }
0xb3: {  	[sflag:s29] =	ssyncadd.s32 $0xFFFFFFFF  }
0xb4: {  	_ =	strace $0x90000051  }
0xb5: {  	_ =	sfence  }
0xb6: {  	s30 =	sld [smem:$0x0];
	_ =	sdelay $0x2  }
0xb7: {  	s31 =	sshll.u32 s1, $0xD;
	s1 =	sshrl.u32 s1, $0x2  }
0xb8: {  	s3 =	sand.u32 $0x4000, s31;
	s1 =	sadd.s32 s1, s30  }
0xb9: {  	s0 =	sor.u32 s3, s0;
	s1 =	sshll.u32 s1, $0x11  }
0xba: {  	s0 =	sor.u32 s1, s0  }
0xbb: {  	s0 =	sadd.s32 $0x8F2B, s0  }
0xbc: {  	[sflag:s0] =	ssyncadd.remote.s32 $0x1  }
0xbd: {  	_ =	sfence.sel $0xFFFF  }
0xbe: {  	[dreg:$0x0] =	wrdreg $0xFFFFFFFF;
	(pc) =	sbr.abs _section_cstart, $3  }
0xbf: {  	[dreg:$0x1] =	wrdreg $0xFFFFFFFF  }
0xc0: {  	_ =	task.clear_ibuf [dreg:s6], $0x2FFFF;
	_ =	strace $0x9FFFFFFF  }
0xc1: {  	(tm) =	ssettm $0x7FFFFFFF  }
tec
execute0_lowered:
.L_overlay_start_1:
0x0: {  	(tag) =	ssettag $0x1  }
0x1: {  	s5 =	rddreg [dreg:$0x0]  }
0x2: {  	s0 =	rddreg [dreg:$0x1];
	s2 =	simm.s32 $0x0;
	s1 =	stileid.u32  }
0x3: {  	s3 =	srdreg.scid;
	s11 =	simm.s32 $0x80;
	s12 =	simm.s32 $0x1  }
0x4: {  	s6 =	smul.u32 $0x1880, s1;
	s7 =	sand.u32 $0x1, s3;
	s3 =	sadd.s32 $0x199BE00, s5  }
0x5: {  	[smem:$0x7FF] =	sst s2;
	s8 =	smul.u32 $0xC4000, s1;
	s4 =	sadd.s32 $0x1DF400, s5  }
.Ltmp0:
0x6: {  	s13 =	simm.s32 $0x0;
	_ =	strace $0x80000050;
	(pc) =	sbr.rel .LBB2_1-.Ltmp0, $4  }
0x7: {  	s9 =	ssub.s32 $0x2, s7;
	p0 =	seq.s32 s7, $0x1;
	s8 =	sadd.s32 s8, s5  }
0x8: {  	s10 =	sadd.s32 s6, s5;
	s30 =	sshrl.u32 s9, $0x1;
	s6 =	sadd.s32 $0x1A61400, s8  }
0x9: {  	s31 =	ssub.s32 s9, s30;
	s7 =	sadd.s32 $0x103600, s10;
	s8 =	sadd.s32 $0x26A1400, s8  }
0xa: {  	s9 =	sadd.s32 $0xD2600, s10;
	s10 =	simm.s32 $0x2;
	s5 =	smax.u32 s31, $0x1  }
.LBB2_7:
0xb: {  	s15 =	sadd.s32 s15, s9;
	[sflag:s10] =	ssyncadd.s32 $0xFFFFC000  }
0xc: {  	[tilespmem:s2], [sflag:$0x2] =	stream.linear.gather [hbm4b:s15+s2], $0x80, $0x38;
	[tilespmem:$0x4080] =	vst v63  }
0xd: {  	_ =	swait.ge [sflag:s10], $0x80  }
0xe: {  	[sflag:s10] =	ssyncset.done $0x0  }
0xf: {  	[sflag:s10] =	ssyncadd.s32 $0xFFFFFF80  }
0x10: {  	[tilespmem:s11], [sflag:$0x1] =	stream.indirect.gather [hbm4b:s4+s11], $0x80, s2, s11, $0xb8;
	[tilespmem:$0x4080] =	vst v63  }
0x11: {  	_ =	swait.ge [sflag:s12], $0x4000  }
0x12: {  	[sflag:s12] =	ssyncset.done $0x0  }
0x13: {  	[sflag:s12] =	ssyncadd.s32 $0xFFFFC000  }
0x14: {  	[hbm4b:s14+s2] =	stream.linear.scatter [tilespmem:s11], [sflag:$0x2], $0x4000, $0x38;
	[tilespmem:$0x4080] =	vst v63  }
0x15: {  	_ =	swait.ge [sflag:s10], $0x4000  }
0x16: {  	[sflag:s10] =	ssyncset.done $0x0  }
0x17: {  	[sflag:s10] =	ssyncadd.s32 $0xFFFFC000  }
.LBB2_8:
0x18: {  	s13 =	sadd.s32 $0x1, s13  }
0x19: {  	p1 =	sne.s32 s13, s5  }
.Ltmp1:
0x1a: {  	_ = 	snop;
	(pc) =	sbr.rel @!p1 .LBB2_9-.Ltmp1, $1  }
0x1b: {  	_ =	sdelay $0x3  }
.LBB2_1:
.Ltmp2:
0x1c: {  	(pc) =	sbr.rel @!p0 .LBB2_2-.Ltmp2, $1  }
0x1d: {  	_ =	sdelay $0x3  }
0x1e: {  	s14 =	sadd.s32 $0x0, s9  }
0x1f: {  	[tilespmem:s2], [sflag:$0x2] =	stream.linear.gather [hbm4b:s14+s2], $0x80, $0x38;
	[tilespmem:$0x4080] =	vst v63  }
0x20: {  	_ =	swait.ge [sflag:s10], $0x80  }
0x21: {  	[sflag:s10] =	ssyncset.done $0x0  }
0x22: {  	[sflag:s10] =	ssyncadd.s32 $0xFFFFFF80  }
0x23: {  	[tilespmem:s11], [sflag:$0x1] =	stream.indirect.gather [hbm4b:s4+s11], $0x80, s2, s11, $0xb8;
	[tilespmem:$0x4080] =	vst v63  }
0x24: {  	_ =	swait.ge [sflag:s12], $0x4000  }
0x25: {  	[sflag:s12] =	ssyncset.done $0x0  }
0x26: {  	[sflag:s12] =	ssyncadd.s32 $0xFFFFC000  }
0x27: {  	[hbm4b:s8+s2] =	stream.linear.scatter [tilespmem:s11], [sflag:$0x2], $0x4000, $0x38;
	[tilespmem:$0x4080] =	vst v63  }
0x28: {  	s15 =	simm.s32 $0x10;
	_ =	swait.ge [sflag:s10], $0x4000  }
0x29: {  	s16 =	simm.s32 $0x20;
	s14 =	sadd.s32 $0x800, s8;
	[sflag:s10] =	ssyncset.done $0x0  }
.LBB2_6:
0x2a: {  	s17 =	sadd.s32 s15, s9  }
0x2b: {  	[sflag:s10] =	ssyncadd.s32 $0xFFFFC000;
	s15 =	smov.u32 s16;
	s18 =	sadd.s32 $0x10, s16  }
0x2c: {  	[tilespmem:s2], [sflag:$0x2] =	stream.linear.gather [hbm4b:s17+s2], $0x80, $0x38;
	[tilespmem:$0x4080] =	vst v63  }
0x2d: {  	p1 =	sne.s32 s16, $0x1870;
	_ =	swait.ge [sflag:s10], $0x80  }
0x2e: {  	[sflag:s10] =	ssyncset.done $0x0  }
0x2f: {  	[sflag:s10] =	ssyncadd.s32 $0xFFFFFF80  }
0x30: {  	[tilespmem:s11], [sflag:$0x1] =	stream.indirect.gather [hbm4b:s4+s11], $0x80, s2, s11, $0xb8;
	[tilespmem:$0x4080] =	vst v63  }
0x31: {  	_ =	swait.ge [sflag:s12], $0x4000  }
.Ltmp3:
0x32: {  	[sflag:s12] =	ssyncset.done $0x0;
	(pc) =	sbr.rel @p1 .LBB2_6-.Ltmp3, $4  }
0x33: {  	[sflag:s12] =	ssyncadd.s32 $0xFFFFC000  }
0x34: {  	[hbm4b:s14+s2] =	stream.linear.scatter [tilespmem:s11], [sflag:$0x2], $0x4000, $0x38;
	[tilespmem:$0x4080] =	vst v63  }
0x35: {  	_ =	swait.ge [sflag:s10], $0x4000  }
0x36: {  	s16 =	smov.u32 s18;
	s14 =	sadd.s32 $0x800, s14;
	[sflag:s10] =	ssyncset.done $0x0  }
.Ltmp4:
0x37: {  	_ = 	snop;
	(pc) =	sbr.rel .LBB2_7-.Ltmp4, $1  }
0x38: {  	_ =	sdelay $0x3  }
.LBB2_2:
0x39: {  	s14 =	sadd.s32 $0x0, s7  }
0x3a: {  	[tilespmem:s2], [sflag:$0x2] =	stream.linear.gather [hbm4b:s14+s2], $0x80, $0x38;
	[tilespmem:$0x4080] =	vst v63  }
0x3b: {  	_ =	swait.ge [sflag:s10], $0x80  }
0x3c: {  	[sflag:s10] =	ssyncset.done $0x0  }
0x3d: {  	[sflag:s10] =	ssyncadd.s32 $0xFFFFFF80  }
0x3e: {  	[tilespmem:s11], [sflag:$0x1] =	stream.indirect.gather [hbm4b:s3+s11], $0x80, s2, s11, $0xb8;
	[tilespmem:$0x4080] =	vst v63  }
0x3f: {  	_ =	swait.ge [sflag:s12], $0x4000  }
0x40: {  	[sflag:s12] =	ssyncset.done $0x0  }
0x41: {  	[sflag:s12] =	ssyncadd.s32 $0xFFFFC000  }
0x42: {  	[hbm4b:s6+s2] =	stream.linear.scatter [tilespmem:s11], [sflag:$0x2], $0x4000, $0x38;
	[tilespmem:$0x4080] =	vst v63  }
0x43: {  	s15 =	simm.s32 $0x10;
	_ =	swait.ge [sflag:s10], $0x4000  }
0x44: {  	s16 =	simm.s32 $0x20;
	s14 =	sadd.s32 $0x800, s6;
	[sflag:s10] =	ssyncset.done $0x0  }
.LBB2_3:
0x45: {  	s17 =	sadd.s32 s15, s7  }
0x46: {  	[sflag:s10] =	ssyncadd.s32 $0xFFFFC000;
	s15 =	smov.u32 s16;
	s18 =	sadd.s32 $0x10, s16  }
0x47: {  	[tilespmem:s2], [sflag:$0x2] =	stream.linear.gather [hbm4b:s17+s2], $0x80, $0x38;
	[tilespmem:$0x4080] =	vst v63  }
0x48: {  	p1 =	seq.s32 s16, $0x1870;
	_ =	swait.ge [sflag:s10], $0x80  }
0x49: {  	[sflag:s10] =	ssyncset.done $0x0  }
0x4a: {  	[sflag:s10] =	ssyncadd.s32 $0xFFFFFF80  }
0x4b: {  	[tilespmem:s11], [sflag:$0x1] =	stream.indirect.gather [hbm4b:s3+s11], $0x80, s2, s11, $0xb8;
	[tilespmem:$0x4080] =	vst v63  }
0x4c: {  	_ =	swait.ge [sflag:s12], $0x4000  }
.Ltmp5:
0x4d: {  	[sflag:s12] =	ssyncset.done $0x0;
	(pc) =	sbr.rel @!p1 .LBB2_3-.Ltmp5, $4  }
0x4e: {  	[sflag:s12] =	ssyncadd.s32 $0xFFFFC000  }
0x4f: {  	[hbm4b:s14+s2] =	stream.linear.scatter [tilespmem:s11], [sflag:$0x2], $0x4000, $0x38;
	[tilespmem:$0x4080] =	vst v63  }
0x50: {  	_ =	swait.ge [sflag:s10], $0x4000  }
0x51: {  	s16 =	smov.u32 s18;
	s14 =	sadd.s32 $0x800, s14;
	[sflag:s10] =	ssyncset.done $0x0  }
0x52: {  	s15 =	sadd.s32 s15, s7;
	[sflag:s10] =	ssyncadd.s32 $0xFFFFC000  }
0x53: {  	[tilespmem:s2], [sflag:$0x2] =	stream.linear.gather [hbm4b:s15+s2], $0x80, $0x38;
	[tilespmem:$0x4080] =	vst v63  }
0x54: {  	_ =	swait.ge [sflag:s10], $0x80  }
0x55: {  	[sflag:s10] =	ssyncset.done $0x0  }
0x56: {  	[sflag:s10] =	ssyncadd.s32 $0xFFFFFF80  }
0x57: {  	[tilespmem:s11], [sflag:$0x1] =	stream.indirect.gather [hbm4b:s3+s11], $0x80, s2, s11, $0xb8;
	[tilespmem:$0x4080] =	vst v63  }
0x58: {  	_ =	swait.ge [sflag:s12], $0x4000  }
0x59: {  	[sflag:s12] =	ssyncset.done $0x0  }
.Ltmp6:
0x5a: {  	[sflag:s12] =	ssyncadd.s32 $0xFFFFC000;
	(pc) =	sbr.rel .LBB2_8-.Ltmp6, $4  }
0x5b: {  	[hbm4b:s14+s2] =	stream.linear.scatter [tilespmem:s11], [sflag:$0x2], $0x4000, $0x38;
	[tilespmem:$0x4080] =	vst v63  }
0x5c: {  	_ =	swait.ge [sflag:s10], $0x4000  }
0x5d: {  	[sflag:s10] =	ssyncset.done $0x0  }
0x5e: {  	[sflag:s10] =	ssyncadd.s32 $0xFFFFC000  }
.LBB2_9:
0x5f: {  	_ =	sfence.sel $0x180000  }
0x60: {  	[bflag:$0x0] =	sbarrier.arrive $0xFFFF  }
0x61: {  	p0 =	sne.s32 s1, $0x0;
	_ =	strace $0x90000050  }
0x62: {  	s0 =	sadd.s32 @!p0 $0x100000, s0;
	[bflag:$0x2] =	sbarrier.arrive $0xFFFF  }
0x63: {  	[sflag:s0] =	ssyncadd.tile.s32 @!p0 $0x1;
	_ =	shalt  }
.Lfunc_end2:
_tile_overlayer_lowered:
.L_overlay_start_2:
0x64: {  	(tag) =	ssettag $0x2  }
0x65: {  	s0 =	rddreg [dreg:$0x0];
	s2 =	stileid.u32  }
0x66: {  	s1 =	rddreg [dreg:$0x1];
	p0 =	sne.s32 s2, $0x0  }
0x67: {  	s3 =	rddreg [dreg:$0x2];
	[bflag:$0x3] =	sbarrier.arrive $0xFFFF;
	s2 =	simm.s32 @!p0 $0x1C02  }
0x68: {  	[timem:s3], [sflag:s2] =	dma.local @!p0 [hbm:s0], s1  }
0x69: {  	s0 =	simm.s32 @!p0 $0x2  }
0x6a: {  	_ =	swait.ge @!p0 [sflag:s0], s1  }
0x6b: {  	s1 =	ssub.s32 @!p0 $0x0, s1;
	[sflag:s0] =	ssyncset.done @!p0 $0x0  }
0x6c: {  	[sflag:s0] =	ssyncadd.s32 @!p0 s1  }
0x6d: {  	[bflag:$0x3] =	sbarrier.arrive $0xFFFF  }
0x6e: {  	_ =	shalt  }

// kernel: kernel.33.cloned.1.call-start
scs
__scs_entry_jumppad:
0x0: {  	(pc) =	sbr.rel $0x88, $3  }
0x1: {  	(tag) =	ssettag $0x0;
	lr =	simm.s32 $0x1  }
0x2: {  	[smem:$0x3F7E] =	sst lr;
	_ =	strace $0xD0000000  }
0x3: {  	_ = 	snop  }
0x4: {  	_ = 	snop  }
0x5: {  	_ = 	snop  }
0x6: {  	_ = 	snop  }
0x7: {  	_ = 	snop  }
__scs_overlays_trampoline_lowered:
0x8: {  	[smem:$0x3F8D] =	sst s0  }
0x9: {  	[smem:$0x3F8E] =	sst s1  }
0xa: {  	[smem:$0x3F8F] =	sst s2  }
0xb: {  	[smem:$0x3F90] =	sst s3  }
0xc: {  	[smem:$0x3F91] =	sst s4  }
0xd: {  	[smem:$0x3F92] =	sst s5  }
0xe: {  	[smem:$0x3F93] =	sst s6  }
0xf: {  	[smem:$0x3F94] =	sst s7  }
0x10: {  	[smem:$0x3F95] =	sst s8  }
0x11: {  	[smem:$0x3F96] =	sst s9;
	s0 =	simm.s32 @!p0 $0x0  }
0x12: {  	s1 =	sld [smem:$0x3F7C];
	s0 =	simm.s32 @p0 $0x1  }
0x13: {  	[smem:$0x3F97] =	sst s0;
	s0 =	simm.s32 @!p1 $0x0  }
0x14: {  	s2 =	sld [smem:$0x3F7B];
	s0 =	simm.s32 @p1 $0x1  }
0x15: {  	[smem:$0x3F98] =	sst s0;
	s0 =	simm.s32 @!p2 $0x0  }
0x16: {  	s3 =	sld [smem:$0x3FDB];
	s0 =	simm.s32 @p2 $0x1  }
0x17: {  	s4 =	simm.s32 $0x1BF5;
	[smem:$0x3F9A] =	sst s0  }
0x18: {  	s0 =	sld [smem:$0x3F7D];
	_ =	swait.ge [sflag:s4], $0x0  }
0x19: {  	s7 =	sld [smem:$0x3F7E]  }
0x1a: {  	s8 =	sadd.s32 $0xFFFFE003, lr  }
0x1b: {  	s9 =	sadd.s32 $0xFFFFFEF7, lr;
	s5 =	simm.s32 $0xFFFFFFFF;
	p2 =	slt.u32 s8, $0xFFFFF086  }
0x1c: {  	p1 =	slt.u32 s9, $0xF7A;
	s5 =	simm.s32 @!p2 $0x0  }
0x1d: {  	s5 =	simm.s32 @p1 $0x1;
	p0 =	seq.s32 s7, s2  }
0x1e: {  	s7 =	smul.u32 @!p0 $0xF7A, s2;
	p2 =	seq.s32 @!p0 s5, $0x0  }
0x1f: {  	s9 =	smul.u32 $0xF7A, s1;
	s8 =	simm.s32 @!p0 $0x1BF5;
	p2 =	por !p2, p0  }
0x20: {  	[sflag:s8] =	ssyncset.s32 @!p0 $0xFFFFF086;
	s6 =	sadd.s32 @!p0 s3, s7;
	s7 =	simm.s32 @!p0 $0x108  }
0x21: {  	s3 =	sadd.s32 s3, s9;
	s6 =	sadd.s32 @!p0 $0x88, s6;
	s7 =	simm.s32 @p2 $0x1082  }
0x22: {  	[simem:s7], [sflag:s8] =	dma.local @!p0 [hbm:s6], $0xF7A  }
0x23: {  	s9 =	sor.u32 $0xD0000000, s2;
	s6 =	simm.s32 $0x108;
	_ =	swait.ge @!p0 [sflag:s8], $0x0  }
0x24: {  	s3 =	sadd.s32 $0x88, s3;
	s6 =	simm.s32 @!p1 $0x1082;
	[sflag:s4] =	ssyncset.s32 $0xFFFFF086  }
0x25: {  	[simem:s6], [sflag:s4] =	dma.local [hbm:s3], $0xF7A  }
0x26: {  	[smem:$0x3F7E] =	sst s1;
	(tag) =	ssettag s2;
	_ =	strace s9  }
0x27: {  	s1 =	sld [smem:$0x3F8E]  }
0x28: {  	s2 =	sld [smem:$0x3F8F]  }
0x29: {  	s4 =	sld [smem:$0x3F91]  }
0x2a: {  	p0 =	seq.s32 s5, $0x0;
	s5 =	sld [smem:$0x3F92]  }
0x2b: {  	s6 =	sld [smem:$0x3F93]  }
0x2c: {  	s7 =	sld [smem:$0x3F94]  }
0x2d: {  	s3 =	simm.s32 $0x108;
	s8 =	sld [smem:$0x3F95]  }
0x2e: {  	s3 =	simm.s32 @!p0 $0x1082;
	s9 =	sld [smem:$0x3F96]  }
0x2f: {  	lr =	sadd.s32 s0, s3;
	s0 =	sld [smem:$0x3F8D]  }
0x30: {  	s3 =	sld [smem:$0x3F90]  }
0x31: {  	[smem:$0x3F99] =	sst s10  }
0x32: {  	s10 =	sld [smem:$0x3F97];
	_ =	sdelay $0x3  }
0x33: {  	p0 =	seq.s32 s10, $0x1;
	s10 =	sld [smem:$0x3F99];
	_ =	sdelay $0x3  }
0x34: {  	[smem:$0x3F99] =	sst s10  }
0x35: {  	s10 =	sld [smem:$0x3F98];
	_ =	sdelay $0x3  }
0x36: {  	p1 =	seq.s32 s10, $0x1;
	s10 =	sld [smem:$0x3F99];
	_ =	sdelay $0x3  }
0x37: {  	[smem:$0x3F99] =	sst s10  }
0x38: {  	s10 =	sld [smem:$0x3F9A]  }
0x39: {  	_ = 	snop;
	(pc) =	sbr.ind lr, $3  }
0x3a: {  	_ = 	snop  }
0x3b: {  	_ = 	snop  }
0x3c: {  	p2 =	seq.s32 s10, $0x1;
	s10 =	sld [smem:$0x3F99]  }
0x3d: {  	_ =	shalt  }
0x3e: {  	_ =	shalt  }
0x3f: {  	_ =	shalt  }
0x40: {  	_ =	shalt  }
0x41: {  	_ =	shalt  }
0x42: {  	_ =	shalt  }
0x43: {  	_ =	shalt  }
0x44: {  	_ =	shalt  }
0x45: {  	_ =	shalt  }
0x46: {  	_ =	shalt  }
0x47: {  	_ =	shalt  }
0x48: {  	_ =	shalt  }
0x49: {  	_ =	shalt  }
0x4a: {  	_ =	shalt  }
0x4b: {  	_ =	shalt  }
0x4c: {  	_ =	shalt  }
0x4d: {  	_ =	shalt  }
0x4e: {  	_ =	shalt  }
0x4f: {  	_ =	shalt  }
0x50: {  	_ =	shalt  }
0x51: {  	_ =	shalt  }
0x52: {  	_ =	shalt  }
0x53: {  	_ =	shalt  }
0x54: {  	_ =	shalt  }
0x55: {  	_ =	shalt  }
0x56: {  	_ =	shalt  }
0x57: {  	_ =	shalt  }
0x58: {  	_ =	shalt  }
0x59: {  	_ =	shalt  }
0x5a: {  	_ =	shalt  }
0x5b: {  	_ =	shalt  }
0x5c: {  	_ =	shalt  }
0x5d: {  	_ =	shalt  }
0x5e: {  	_ =	shalt  }
0x5f: {  	_ =	shalt  }
0x60: {  	_ =	shalt  }
0x61: {  	_ =	shalt  }
0x62: {  	_ =	shalt  }
0x63: {  	_ =	shalt  }
0x64: {  	_ =	shalt  }
0x65: {  	_ =	shalt  }
0x66: {  	_ =	shalt  }
0x67: {  	_ =	shalt  }
0x68: {  	_ =	shalt  }
0x69: {  	_ =	shalt  }
0x6a: {  	_ =	shalt  }
0x6b: {  	_ =	shalt  }
0x6c: {  	_ =	shalt  }
0x6d: {  	_ =	shalt  }
0x6e: {  	_ =	shalt  }
0x6f: {  	_ =	shalt  }
0x70: {  	_ =	shalt  }
0x71: {  	_ =	shalt  }
0x72: {  	_ =	shalt  }
0x73: {  	_ =	shalt  }
0x74: {  	_ =	shalt  }
0x75: {  	_ =	shalt  }
0x76: {  	_ =	shalt  }
0x77: {  	_ =	shalt  }
0x78: {  	_ =	shalt  }
0x79: {  	_ =	shalt  }
0x7a: {  	_ =	shalt  }
0x7b: {  	_ =	shalt  }
0x7c: {  	_ =	shalt  }
0x7d: {  	_ =	shalt  }
0x7e: {  	_ =	shalt  }
0x7f: {  	_ =	shalt  }
0x80: {  	_ =	shalt  }
0x81: {  	_ =	shalt  }
0x82: {  	_ =	shalt  }
0x83: {  	_ =	shalt  }
0x84: {  	_ =	shalt  }
0x85: {  	_ =	shalt  }
0x86: {  	_ =	shalt  }
0x87: {  	_ =	shalt  }
.Lfunc_end0:
.L_simem_size_0:
called_computation.4_lowered:
.L_overlay_start_0:
0x88: {  	s2 =	sld [smem:$0x3FD9]  }
0x89: {  	s3 =	sld [smem:$0x3FFE];
	_ =	sdelay $0x1  }
0x8a: {  	s1 =	srdreg.scid  }
0x8b: {  	s0 =	sand.u32 $0x1, s1  }
0x8c: {  	s17 =	sshll.u32 s0, $0xA;
	s2 =	sadd.s32 s3, s2  }
0x8d: {  	s2 =	sadd.s32 s2, s17  }
0x8e: {  	[smem:$0x3FA5] =	sst s2  }
0x8f: {  	_ = 	snop  }
0x90: {  	s2 =	sld [smem:$0x3FD0];
	(tm) =	ssettm $0x1  }
0x91: {  	s18 =	sld [smem:$0x3FFB];
	_ =	sdelay $0x3  }
0x92: {  	_ =	strace s18  }
0x93: {  	s3 =	sld [smem:$0x3FFC];
	_ =	sdelay $0x3  }
0x94: {  	_ =	strace s3  }
0x95: {  	s3 =	sld [smem:$0x3FFD];
	_ =	sdelay $0x3  }
0x96: {  	_ =	strace s3  }
0x97: {  	_ =	strace $0x8FFFFFFF  }
0x98: {  	s19 =	sld [smem:$0x3FDB];
	_ =	sdelay $0x1  }
0x99: {  	s4 =	simm.s32 $_scs_section_size  }
0x9a: {  	s5 =	simm.s32 $_size__tile_overlayer_lowered;
	s6 =	simm.s32 $_tile_overlayer_lowered  }
0x9b: {  	s22 =	simm.s32 $0x1BFF;
	s21 =	sshll.u32 s6, $0x1;
	s3 =	sadd.s32 s4, s19  }
0x9c: {  	s7 =	simm.s32 $0x0;
	s20 =	sshll.u32 s5, $0x1;
	s5 =	sadd.s32 s21, s3  }
0x9d: {  	[timem:s7], [sflag:s22] =	dma.local [hbm:s5], s20  }
0x9e: {  	_ =	swait.ge [sflag:s22], s20  }
0x9f: {  	s4 =	ssub.s32 $0x0, s20;
	[sflag:s22] =	ssyncset.done $0x0  }
0xa0: {  	[sflag:s22] =	ssyncadd.s32 s4;
	_ =	sdelay $0x1  }
0xa1: {  	s23 =	simm.s32 $0x1B8B  }
0xa2: {  	_ =	swait.ge [sflag:s23], $0x1  }
0xa3: {  	[sflag:s23] =	ssyncset.done $0x0  }
0xa4: {  	s25 =	simm.s32 $0x1B8E;
	s24 =	sld [smem:$0x3FFE];
	[sflag:s23] =	ssyncadd.s32 $0xFFFFFFFF  }
0xa5: {  	s26 =	simm.s32 $execute0_lowered;
	[smem:$0x3FD2] =	sst s25  }
0xa6: {  	s5 =	sshll.u32 s26, $0x1;
	_ =	strace $0x80000052;
	[dreg:$0x1] =	wrdreg $0xFFFFFFFF  }
0xa7: {  	s28 =	simm.s32 $_size_execute0_lowered;
	s3 =	sadd.s32 s3, s5;
	[dreg:$0x0] =	wrdreg $0x0  }
0xa8: {  	s5 =	sshll.u32 s28, $0x1;
	[dreg:$0x2] =	wrdreg s3  }
0xa9: {  	[dreg:$0x3] =	wrdreg s5  }
0xaa: {  	[dreg:$0x4] =	wrdreg $0xC0  }
0xab: {  	_ =	task [dreg:s7], $0x5FFFF  }
0xac: {  	[dreg:$0x1] =	wrdreg $0xFFFFFFFF  }
0xad: {  	[dreg:$0x0] =	wrdreg $0x60  }
0xae: {  	[dreg:$0x2] =	wrdreg s24  }
0xaf: {  	[dreg:$0x3] =	wrdreg s2  }
0xb0: {  	[dreg:$0x4] =	wrdreg $0x41000  }
0xb1: {  	[dreg:$0x5] =	wrdreg $0x9  }
0xb2: {  	_ =	task.clear_ibuf [dreg:s7], $0x6FFFF;
	_ =	strace $0x90000052  }
0xb3: {  	s29 =	simm.s32 $0x9;
	_ =	strace $0x80000054  }
0xb4: {  	_ =	swait.ge [sflag:s29], $0x1  }
0xb5: {  	[sflag:s29] =	ssyncadd.s32 $0xFFFFFFFF  }
0xb6: {  	_ =	strace $0x90000054  }
0xb7: {  	_ =	sfence  }
0xb8: {  	s30 =	sld [smem:$0x0];
	_ =	sdelay $0x2  }
0xb9: {  	s31 =	sshll.u32 s1, $0xD;
	s1 =	sshrl.u32 s1, $0x2  }
0xba: {  	s3 =	sand.u32 $0x4000, s31;
	s1 =	sadd.s32 s1, s30  }
0xbb: {  	s0 =	sor.u32 s3, s0;
	s1 =	sshll.u32 s1, $0x11  }
0xbc: {  	s0 =	sor.u32 s1, s0  }
0xbd: {  	s0 =	sadd.s32 $0x8F2B, s0  }
0xbe: {  	[sflag:s0] =	ssyncadd.remote.s32 $0x1  }
0xbf: {  	_ =	sfence.sel $0xFFFF  }
0xc0: {  	[dreg:$0x0] =	wrdreg $0xFFFFFFFF;
	(pc) =	sbr.abs _section_cstart, $3  }
0xc1: {  	[dreg:$0x1] =	wrdreg $0xFFFFFFFF  }
0xc2: {  	_ =	task.clear_ibuf [dreg:s7], $0x2FFFF;
	_ =	strace $0x9FFFFFFF  }
0xc3: {  	(tm) =	ssettm $0x7FFFFFFF  }
tec
execute0_lowered:
.L_overlay_start_1:
0x0: {  	(tag) =	ssettag $0x1  }
0x1: {  	s5 =	rddreg [dreg:$0x0]  }
0x2: {  	s2 =	rddreg [dreg:$0x1]  }
0x3: {  	s0 =	srdreg.scid;
	s1 =	stileid.u32  }
0x4: {  	s3 =	rddreg [dreg:$0x2];
	s8 =	smul.u32 $0x310, s1  }
0x5: {  	s4 =	simm.s32 $0x0;
	s12 =	simm.s32 $0x1;
	s9 =	smul.u32 $0xC4000, s1  }
0x6: {  	s6 =	sand.u32 $0x1, s0;
	s0 =	rddreg [dreg:$0x3];
	s10 =	smul.u32 $0x1880, s1  }
0x7: {  	s15 =	simm.s32 $0x0;
	[smem:$0x7FF] =	sst s4;
	s25 =	smul.u32 $0x62000, s1  }
0x8: {  	s31 =	sshll.u32 s1, $0x6;
	s7 =	smul.u32 $0x6200, s6;
	_ =	strace $0x80000053  }
0x9: {  	s26 =	ssub.s32 $0x2, s6;
	s13 =	smul.u32 $0x61A8, s6;
	s9 =	sadd.s32 s9, s5  }
0xa: {  	s10 =	sadd.s32 s10, s5;
	s11 =	sshrl.u32 s26, $0x1;
	s28 =	sshrl.u32 s25, $0x2  }
0xb: {  	s7 =	sadd.s32 s8, s7;
	s29 =	ssub.s32 s26, s11;
	s30 =	sadd.s32 s28, s3  }
0xc: {  	s14 =	sadd.s32 $0x30D4, s13;
	s9 =	sadd.s32 $0x346B800, s9;
	s10 =	sadd.s32 $0xEAE00, s10  }
0xd: {  	v0 =	vmov s13;
	s13 =	simm.s32 $0x100;
	s7 =	sshll.u32 s7, $0x4;
	s8 =	smax.u32 s29, $0x1  }
0xe: {  	s11 =	sshrl.u32 s30, $0x3;
	s7 =	sadd.s32 s7, s5;
	s5 =	sor.u32 $0x1C01, s31  }
0xf: {  	v1 =	vmov s14;
	s14 =	simm.s32 $0x80;
	s6 =	sadd.s32 $0x1DF400, s7;
	s7 =	sadd.s32 $0x210400, s7  }
.LBB2_1:
0x10: {  	[spmem:s11], [sflag:s5] =	dma.local [hbm:s2], $0x3100  }
0x11: {  	_ =	swait.ge [sflag:s12], $0x3100  }
0x12: {  	[sflag:s12] =	ssyncset.done $0x0  }
0x13: {  	[sflag:s12] =	ssyncadd.s32 $0xFFFFCF00  }
0x14: {  	s16 =	sadd.s32 $0x0, s10;
	[bflag:$0x0] =	sbarrier.arrive $0xFFFF  }
0x15: {  	[tilespmem:s4], [sflag:$0x1] =	stream.linear.gather [hbm4b:s16+s4], $0x80, $0x38;
	[tilespmem:$0x1C900] =	vst v63  }
0x16: {  	_ =	swait.ge [sflag:s12], $0x80  }
0x17: {  	[sflag:s12] =	ssyncset.done $0x0  }
0x18: {  	[sflag:s12] =	ssyncadd.s32 $0xFFFFFF80  }
0x19: {  	[tilespmem:s13], [sflag:$0x1] =	stream.linear.gather [hbm4b:s9+s4], $0x4000, $0x38;
	[tilespmem:$0x1C900] =	vst v63  }
0x1a: {  	_ =	swait.ge [sflag:s12], $0x4000  }
0x1b: {  	[sflag:s12] =	ssyncset.done $0x0  }
0x1c: {  	[sflag:s12] =	ssyncadd.s32 $0xFFFFC000  }
0x1d: {  	v2 =	vld [tilespmem:$0x50]  }
0x1e: {  	v4 =	vld [tilespmem:$0x60]  }
0x1f: {  	s17 =	smov.u32 s9;
	s16 =	simm.s32 $0x10;
	v3 =	vld [tilespmem:$0x70]  }
.LBB2_2:
0x20: {  	p0 =	sne.s32 s16, $0x1870  }
0x21: {  	v5 =	vld [tilespmem:$0x30];
	s17 =	sadd.s32 $0x800, s17;
	s18 =	smov.u32 s16;
	s16 =	sadd.s32 $0x10, s16  }
0x22: {  	v6 =	vld [tilespmem:$0x10]  }
0x23: {  	v7 =	vld [tilespmem:$0x20]  }
0x24: {  	v8 =	vld [tilespmem:$0x0];
	v4 =	vsub.s32 v4, v0  }
0x25: {  	v2 =	vsub.s32 v2, v0;
	v9 =	vld [tilespmem:$0x40];
	v4 =	vmin.u32 v4, $0x30D4;
	v3 =	vsub.s32 v3, v0  }
0x26: {  	v2 =	vmin.u32 v2, $0x30D4;
	v5 =	vsub.s32 v5, v0;
	[tilespmem:$0xE0] =	vst v4;
	v3 =	vmin.u32 v3, $0x30D4  }
0x27: {  	v4 =	vsub.s32 v6, v0;
	v5 =	vmin.u32 v5, $0x30D4;
	[tilespmem:$0xF0] =	vst v3  }
0x28: {  	v3 =	vmin.u32 v4, $0x30D4;
	v4 =	vsub.s32 v7, v0;
	[tilespmem:$0xD0] =	vst v2  }
0x29: {  	v2 =	vsub.s32 v8, v0;
	v4 =	vmin.u32 v4, $0x30D4;
	[tilespmem:$0xB0] =	vst v5  }
0x2a: {  	v2 =	vmin.u32 v2, $0x30D4;
	[tilespmem:$0x90] =	vst v3;
	v3 =	vsub.s32 v9, v0  }
0x2b: {  	[tilespmem:$0xA0] =	vst v4;
	v3 =	vmin.u32 v3, $0x30D4  }
0x2c: {  	[tilespmem:$0xC0] =	vst v3  }
0x2d: {  	[tilespmem:$0x80] =	vst v2  }
0x2e: {  	[spmem:s3] =	stream.indirect.scatter.add.f32 [tilespmem:s13], [sflag:$0x1], $0x80, s14, s14, $0xb8;
	[tilespmem:$0x1C900] =	vst v63  }
0x2f: {  	_ =	swait.ge [sflag:s12], $0x4000  }
0x30: {  	[sflag:s12] =	ssyncset.done $0x0  }
0x31: {  	s18 =	sadd.s32 s18, s10;
	[sflag:s12] =	ssyncadd.s32 $0xFFFFC000  }
0x32: {  	[tilespmem:s4], [sflag:$0x1] =	stream.linear.gather [hbm4b:s18+s4], $0x80, $0x38;
	[tilespmem:$0x1C900] =	vst v63  }
0x33: {  	_ =	swait.ge [sflag:s12], $0x80  }
0x34: {  	[sflag:s12] =	ssyncset.done $0x0  }
0x35: {  	[sflag:s12] =	ssyncadd.s32 $0xFFFFFF80  }
0x36: {  	[tilespmem:s13], [sflag:$0x1] =	stream.linear.gather [hbm4b:s17+s4], $0x4000, $0x38;
	[tilespmem:$0x1C900] =	vst v63  }
0x37: {  	_ =	swait.ge [sflag:s12], $0x4000  }
.Ltmp0:
0x38: {  	[sflag:s12] =	ssyncset.done $0x0;
	(pc) =	sbr.rel @p0 .LBB2_2-.Ltmp0, $4  }
0x39: {  	[sflag:s12] =	ssyncadd.s32 $0xFFFFC000  }
0x3a: {  	v2 =	vld [tilespmem:$0x50]  }
0x3b: {  	v4 =	vld [tilespmem:$0x60]  }
0x3c: {  	v3 =	vld [tilespmem:$0x70]  }
0x3d: {  	v5 =	vld [tilespmem:$0x30]  }
0x3e: {  	v6 =	vld [tilespmem:$0x10]  }
0x3f: {  	v7 =	vld [tilespmem:$0x20];
	v2 =	vsub.s32 v2, v0  }
0x40: {  	v8 =	vld [tilespmem:$0x40];
	v4 =	vsub.s32 v4, v0;
	v2 =	vmin.u32 v2, $0x30D4  }
0x41: {  	v9 =	vld [tilespmem:$0x0];
	v4 =	vmin.u32 v4, $0x30D4;
	v3 =	vsub.s32 v3, v0;
	[tilespmem:$0xD0] =	vst v2  }
0x42: {  	[tilespmem:$0xE0] =	vst v4;
	v3 =	vmin.u32 v3, $0x30D4;
	v4 =	vsub.s32 v5, v0  }
0x43: {  	[tilespmem:$0xF0] =	vst v3;
	v3 =	vsub.s32 v6, v0;
	v4 =	vmin.u32 v4, $0x30D4  }
0x44: {  	v2 =	vmin.u32 v3, $0x30D4;
	v3 =	vsub.s32 v7, v0;
	[tilespmem:$0xB0] =	vst v4  }
0x45: {  	v3 =	vmin.u32 v3, $0x30D4;
	[tilespmem:$0x90] =	vst v2;
	v2 =	vsub.s32 v8, v0  }
0x46: {  	v4 =	vsub.s32 v9, v0;
	[tilespmem:$0xA0] =	vst v3;
	v2 =	vmin.u32 v2, $0x30D4  }
0x47: {  	v3 =	vmin.u32 v4, $0x30D4;
	[tilespmem:$0xC0] =	vst v2  }
0x48: {  	[tilespmem:$0x80] =	vst v3  }
0x49: {  	[spmem:s3] =	stream.indirect.scatter.add.f32 [tilespmem:s13], [sflag:$0x1], $0x80, s14, s14, $0xb8;
	[tilespmem:$0x1C900] =	vst v63  }
0x4a: {  	_ =	swait.ge [sflag:s12], $0x4000  }
0x4b: {  	[sflag:s12] =	ssyncset.done $0x0  }
0x4c: {  	[sflag:s12] =	ssyncadd.s32 $0xFFFFC000  }
0x4d: {  	[bflag:$0x0] =	sbarrier.arrive $0xFFFF  }
0x4e: {  	[hbm:s6], [sflag:s5] =	dma.local [spmem:s11], $0x3100  }
0x4f: {  	_ =	swait.ge [sflag:s12], $0x3100  }
0x50: {  	[sflag:s12] =	ssyncset.done $0x0  }
0x51: {  	[sflag:s12] =	ssyncadd.s32 $0xFFFFCF00  }
0x52: {  	[bflag:$0x0] =	sbarrier.arrive $0xFFFF  }
0x53: {  	[spmem:s11], [sflag:s5] =	dma.local [hbm:s2], $0x3100  }
0x54: {  	_ =	swait.ge [sflag:s12], $0x3100  }
0x55: {  	[sflag:s12] =	ssyncset.done $0x0  }
0x56: {  	[sflag:s12] =	ssyncadd.s32 $0xFFFFCF00  }
0x57: {  	s16 =	sadd.s32 $0x0, s10;
	[bflag:$0x0] =	sbarrier.arrive $0xFFFF  }
0x58: {  	[tilespmem:s4], [sflag:$0x1] =	stream.linear.gather [hbm4b:s16+s4], $0x80, $0x38;
	[tilespmem:$0x1C900] =	vst v63  }
0x59: {  	_ =	swait.ge [sflag:s12], $0x80  }
0x5a: {  	[sflag:s12] =	ssyncset.done $0x0  }
0x5b: {  	[sflag:s12] =	ssyncadd.s32 $0xFFFFFF80  }
0x5c: {  	[tilespmem:s13], [sflag:$0x1] =	stream.linear.gather [hbm4b:s9+s4], $0x4000, $0x38;
	[tilespmem:$0x1C900] =	vst v63  }
0x5d: {  	_ =	swait.ge [sflag:s12], $0x4000  }
0x5e: {  	[sflag:s12] =	ssyncset.done $0x0  }
0x5f: {  	[sflag:s12] =	ssyncadd.s32 $0xFFFFC000  }
0x60: {  	v2 =	vld [tilespmem:$0x50]  }
0x61: {  	v4 =	vld [tilespmem:$0x60]  }
0x62: {  	s17 =	smov.u32 s9;
	s16 =	simm.s32 $0x10;
	v3 =	vld [tilespmem:$0x70]  }
.LBB2_4:
0x63: {  	p0 =	sne.s32 s16, $0x1870  }
0x64: {  	v5 =	vld [tilespmem:$0x30];
	s17 =	sadd.s32 $0x800, s17;
	s18 =	smov.u32 s16;
	s16 =	sadd.s32 $0x10, s16  }
0x65: {  	v6 =	vld [tilespmem:$0x10]  }
0x66: {  	v7 =	vld [tilespmem:$0x20]  }
0x67: {  	v8 =	vld [tilespmem:$0x0];
	v4 =	vsub.s32 v4, v1  }
0x68: {  	v2 =	vsub.s32 v2, v1;
	v9 =	vld [tilespmem:$0x40];
	v4 =	vmin.u32 v4, $0x30D4;
	v3 =	vsub.s32 v3, v1  }
0x69: {  	v2 =	vmin.u32 v2, $0x30D4;
	v5 =	vsub.s32 v5, v1;
	[tilespmem:$0xE0] =	vst v4;
	v3 =	vmin.u32 v3, $0x30D4  }
0x6a: {  	v4 =	vsub.s32 v6, v1;
	v5 =	vmin.u32 v5, $0x30D4;
	[tilespmem:$0xF0] =	vst v3  }
0x6b: {  	v3 =	vmin.u32 v4, $0x30D4;
	v4 =	vsub.s32 v7, v1;
	[tilespmem:$0xD0] =	vst v2  }
0x6c: {  	v2 =	vsub.s32 v8, v1;
	v4 =	vmin.u32 v4, $0x30D4;
	[tilespmem:$0xB0] =	vst v5  }
0x6d: {  	v2 =	vmin.u32 v2, $0x30D4;
	[tilespmem:$0x90] =	vst v3;
	v3 =	vsub.s32 v9, v1  }
0x6e: {  	[tilespmem:$0xA0] =	vst v4;
	v3 =	vmin.u32 v3, $0x30D4  }
0x6f: {  	[tilespmem:$0xC0] =	vst v3  }
0x70: {  	[tilespmem:$0x80] =	vst v2  }
0x71: {  	[spmem:s3] =	stream.indirect.scatter.add.f32 [tilespmem:s13], [sflag:$0x1], $0x80, s14, s14, $0xb8;
	[tilespmem:$0x1C900] =	vst v63  }
0x72: {  	_ =	swait.ge [sflag:s12], $0x4000  }
0x73: {  	[sflag:s12] =	ssyncset.done $0x0  }
0x74: {  	s18 =	sadd.s32 s18, s10;
	[sflag:s12] =	ssyncadd.s32 $0xFFFFC000  }
0x75: {  	[tilespmem:s4], [sflag:$0x1] =	stream.linear.gather [hbm4b:s18+s4], $0x80, $0x38;
	[tilespmem:$0x1C900] =	vst v63  }
0x76: {  	_ =	swait.ge [sflag:s12], $0x80  }
0x77: {  	[sflag:s12] =	ssyncset.done $0x0  }
0x78: {  	[sflag:s12] =	ssyncadd.s32 $0xFFFFFF80  }
0x79: {  	[tilespmem:s13], [sflag:$0x1] =	stream.linear.gather [hbm4b:s17+s4], $0x4000, $0x38;
	[tilespmem:$0x1C900] =	vst v63  }
0x7a: {  	_ =	swait.ge [sflag:s12], $0x4000  }
.Ltmp1:
0x7b: {  	[sflag:s12] =	ssyncset.done $0x0;
	(pc) =	sbr.rel @p0 .LBB2_4-.Ltmp1, $4  }
0x7c: {  	[sflag:s12] =	ssyncadd.s32 $0xFFFFC000  }
0x7d: {  	v2 =	vld [tilespmem:$0x50]  }
0x7e: {  	v4 =	vld [tilespmem:$0x60]  }
0x7f: {  	v3 =	vld [tilespmem:$0x70]  }
0x80: {  	v5 =	vld [tilespmem:$0x30]  }
0x81: {  	v6 =	vld [tilespmem:$0x10]  }
0x82: {  	v7 =	vld [tilespmem:$0x20];
	v2 =	vsub.s32 v2, v1  }
0x83: {  	v8 =	vld [tilespmem:$0x40];
	v4 =	vsub.s32 v4, v1;
	v2 =	vmin.u32 v2, $0x30D4  }
0x84: {  	v9 =	vld [tilespmem:$0x0];
	v4 =	vmin.u32 v4, $0x30D4;
	v3 =	vsub.s32 v3, v1;
	[tilespmem:$0xD0] =	vst v2  }
0x85: {  	[tilespmem:$0xE0] =	vst v4;
	v3 =	vmin.u32 v3, $0x30D4;
	v62 =	vsub.s32 v5, v1  }
0x86: {  	[tilespmem:$0xF0] =	vst v3;
	v3 =	vsub.s32 v6, v1;
	v4 =	vmin.u32 v62, $0x30D4  }
0x87: {  	v2 =	vmin.u32 v3, $0x30D4;
	v3 =	vsub.s32 v7, v1;
	[tilespmem:$0xB0] =	vst v4  }
0x88: {  	v3 =	vmin.u32 v3, $0x30D4;
	[tilespmem:$0x90] =	vst v2;
	v2 =	vsub.s32 v8, v1  }
0x89: {  	v63 =	vsub.s32 v9, v1;
	[tilespmem:$0xA0] =	vst v3;
	v2 =	vmin.u32 v2, $0x30D4  }
0x8a: {  	v3 =	vmin.u32 v63, $0x30D4;
	[tilespmem:$0xC0] =	vst v2  }
0x8b: {  	[tilespmem:$0x80] =	vst v3  }
0x8c: {  	[spmem:s3] =	stream.indirect.scatter.add.f32 [tilespmem:s13], [sflag:$0x1], $0x80, s14, s14, $0xb8;
	[tilespmem:$0x1C900] =	vst v63  }
0x8d: {  	_ =	swait.ge [sflag:s12], $0x4000  }
0x8e: {  	[sflag:s12] =	ssyncset.done $0x0  }
0x8f: {  	s15 =	sadd.s32 $0x1, s15;
	[sflag:s12] =	ssyncadd.s32 $0xFFFFC000  }
0x90: {  	p0 =	sne.s32 s15, s8;
	[bflag:$0x0] =	sbarrier.arrive $0xFFFF  }
0x91: {  	[hbm:s7], [sflag:s5] =	dma.local [spmem:s11], $0x3100  }
.Ltmp2:
0x92: {  	_ =	swait.ge [sflag:s12], $0x3100;
	(pc) =	sbr.rel @p0 .LBB2_1-.Ltmp2, $3  }
0x93: {  	[sflag:s12] =	ssyncset.done $0x0  }
0x94: {  	[sflag:s12] =	ssyncadd.s32 $0xFFFFCF00  }
0x95: {  	[bflag:$0x0] =	sbarrier.arrive $0xFFFF;
	_ =	sdelay $0x1  }
0x96: {  	_ =	sfence.sel $0x180000  }
0x97: {  	[bflag:$0x0] =	sbarrier.arrive $0xFFFF  }
0x98: {  	p0 =	sne.s32 s1, $0x0;
	_ =	strace $0x90000053  }
0x99: {  	s0 =	sadd.s32 @!p0 $0x100000, s0;
	[bflag:$0x2] =	sbarrier.arrive $0xFFFF  }
0x9a: {  	[sflag:s0] =	ssyncadd.tile.s32 @!p0 $0x1;
	_ =	shalt  }
.Lfunc_end2:
_tile_overlayer_lowered:
.L_overlay_start_2:
0x9b: {  	(tag) =	ssettag $0x2  }
0x9c: {  	s0 =	rddreg [dreg:$0x0];
	s2 =	stileid.u32  }
0x9d: {  	s1 =	rddreg [dreg:$0x1];
	p0 =	sne.s32 s2, $0x0  }
0x9e: {  	s3 =	rddreg [dreg:$0x2];
	[bflag:$0x3] =	sbarrier.arrive $0xFFFF;
	s2 =	simm.s32 @!p0 $0x1C01  }
0x9f: {  	[timem:s3], [sflag:s2] =	dma.local @!p0 [hbm:s0], s1  }
0xa0: {  	s0 =	simm.s32 @!p0 $0x1  }
0xa1: {  	_ =	swait.ge @!p0 [sflag:s0], s1  }
0xa2: {  	s1 =	ssub.s32 @!p0 $0x0, s1;
	[sflag:s0] =	ssyncset.done @!p0 $0x0  }
0xa3: {  	[sflag:s0] =	ssyncadd.s32 @!p0 s1  }
0xa4: {  	[bflag:$0x3] =	sbarrier.arrive $0xFFFF  }
0xa5: {  	_ =	shalt  }

// kernel: kernel.36.cloned.1.call-start
scs
__scs_entry_jumppad:
0x0: {  	(pc) =	sbr.rel $0x88, $3  }
0x1: {  	(tag) =	ssettag $0x0;
	lr =	simm.s32 $0x1  }
0x2: {  	[smem:$0x3F7E] =	sst lr;
	_ =	strace $0xD0000000  }
0x3: {  	_ = 	snop  }
0x4: {  	_ = 	snop  }
0x5: {  	_ = 	snop  }
0x6: {  	_ = 	snop  }
0x7: {  	_ = 	snop  }
__scs_overlays_trampoline_lowered:
0x8: {  	[smem:$0x3F8D] =	sst s0  }
0x9: {  	[smem:$0x3F8E] =	sst s1  }
0xa: {  	[smem:$0x3F8F] =	sst s2  }
0xb: {  	[smem:$0x3F90] =	sst s3  }
0xc: {  	[smem:$0x3F91] =	sst s4  }
0xd: {  	[smem:$0x3F92] =	sst s5  }
0xe: {  	[smem:$0x3F93] =	sst s6  }
0xf: {  	[smem:$0x3F94] =	sst s7  }
0x10: {  	[smem:$0x3F95] =	sst s8  }
0x11: {  	[smem:$0x3F96] =	sst s9;
	s0 =	simm.s32 @!p0 $0x0  }
0x12: {  	s1 =	sld [smem:$0x3F7C];
	s0 =	simm.s32 @p0 $0x1  }
0x13: {  	[smem:$0x3F97] =	sst s0;
	s0 =	simm.s32 @!p1 $0x0  }
0x14: {  	s2 =	sld [smem:$0x3F7B];
	s0 =	simm.s32 @p1 $0x1  }
0x15: {  	[smem:$0x3F98] =	sst s0;
	s0 =	simm.s32 @!p2 $0x0  }
0x16: {  	s3 =	sld [smem:$0x3FDB];
	s0 =	simm.s32 @p2 $0x1  }
0x17: {  	s4 =	simm.s32 $0x1BF5;
	[smem:$0x3F9A] =	sst s0  }
0x18: {  	s0 =	sld [smem:$0x3F7D];
	_ =	swait.ge [sflag:s4], $0x0  }
0x19: {  	s7 =	sld [smem:$0x3F7E]  }
0x1a: {  	s8 =	sadd.s32 $0xFFFFE003, lr  }
0x1b: {  	s9 =	sadd.s32 $0xFFFFFEF7, lr;
	s5 =	simm.s32 $0xFFFFFFFF;
	p2 =	slt.u32 s8, $0xFFFFF086  }
0x1c: {  	p1 =	slt.u32 s9, $0xF7A;
	s5 =	simm.s32 @!p2 $0x0  }
0x1d: {  	s5 =	simm.s32 @p1 $0x1;
	p0 =	seq.s32 s7, s2  }
0x1e: {  	s7 =	smul.u32 @!p0 $0xF7A, s2;
	p2 =	seq.s32 @!p0 s5, $0x0  }
0x1f: {  	s9 =	smul.u32 $0xF7A, s1;
	s8 =	simm.s32 @!p0 $0x1BF5;
	p2 =	por !p2, p0  }
0x20: {  	[sflag:s8] =	ssyncset.s32 @!p0 $0xFFFFF086;
	s6 =	sadd.s32 @!p0 s3, s7;
	s7 =	simm.s32 @!p0 $0x108  }
0x21: {  	s3 =	sadd.s32 s3, s9;
	s6 =	sadd.s32 @!p0 $0x88, s6;
	s7 =	simm.s32 @p2 $0x1082  }
0x22: {  	[simem:s7], [sflag:s8] =	dma.local @!p0 [hbm:s6], $0xF7A  }
0x23: {  	s9 =	sor.u32 $0xD0000000, s2;
	s6 =	simm.s32 $0x108;
	_ =	swait.ge @!p0 [sflag:s8], $0x0  }
0x24: {  	s3 =	sadd.s32 $0x88, s3;
	s6 =	simm.s32 @!p1 $0x1082;
	[sflag:s4] =	ssyncset.s32 $0xFFFFF086  }
0x25: {  	[simem:s6], [sflag:s4] =	dma.local [hbm:s3], $0xF7A  }
0x26: {  	[smem:$0x3F7E] =	sst s1;
	(tag) =	ssettag s2;
	_ =	strace s9  }
0x27: {  	s1 =	sld [smem:$0x3F8E]  }
0x28: {  	s2 =	sld [smem:$0x3F8F]  }
0x29: {  	s4 =	sld [smem:$0x3F91]  }
0x2a: {  	p0 =	seq.s32 s5, $0x0;
	s5 =	sld [smem:$0x3F92]  }
0x2b: {  	s6 =	sld [smem:$0x3F93]  }
0x2c: {  	s7 =	sld [smem:$0x3F94]  }
0x2d: {  	s3 =	simm.s32 $0x108;
	s8 =	sld [smem:$0x3F95]  }
0x2e: {  	s3 =	simm.s32 @!p0 $0x1082;
	s9 =	sld [smem:$0x3F96]  }
0x2f: {  	lr =	sadd.s32 s0, s3;
	s0 =	sld [smem:$0x3F8D]  }
0x30: {  	s3 =	sld [smem:$0x3F90]  }
0x31: {  	[smem:$0x3F99] =	sst s10  }
0x32: {  	s10 =	sld [smem:$0x3F97];
	_ =	sdelay $0x3  }
0x33: {  	p0 =	seq.s32 s10, $0x1;
	s10 =	sld [smem:$0x3F99];
	_ =	sdelay $0x3  }
0x34: {  	[smem:$0x3F99] =	sst s10  }
0x35: {  	s10 =	sld [smem:$0x3F98];
	_ =	sdelay $0x3  }
0x36: {  	p1 =	seq.s32 s10, $0x1;
	s10 =	sld [smem:$0x3F99];
	_ =	sdelay $0x3  }
0x37: {  	[smem:$0x3F99] =	sst s10  }
0x38: {  	s10 =	sld [smem:$0x3F9A]  }
0x39: {  	_ = 	snop;
	(pc) =	sbr.ind lr, $3  }
0x3a: {  	_ = 	snop  }
0x3b: {  	_ = 	snop  }
0x3c: {  	p2 =	seq.s32 s10, $0x1;
	s10 =	sld [smem:$0x3F99]  }
0x3d: {  	_ =	shalt  }
0x3e: {  	_ =	shalt  }
0x3f: {  	_ =	shalt  }
0x40: {  	_ =	shalt  }
0x41: {  	_ =	shalt  }
0x42: {  	_ =	shalt  }
0x43: {  	_ =	shalt  }
0x44: {  	_ =	shalt  }
0x45: {  	_ =	shalt  }
0x46: {  	_ =	shalt  }
0x47: {  	_ =	shalt  }
0x48: {  	_ =	shalt  }
0x49: {  	_ =	shalt  }
0x4a: {  	_ =	shalt  }
0x4b: {  	_ =	shalt  }
0x4c: {  	_ =	shalt  }
0x4d: {  	_ =	shalt  }
0x4e: {  	_ =	shalt  }
0x4f: {  	_ =	shalt  }
0x50: {  	_ =	shalt  }
0x51: {  	_ =	shalt  }
0x52: {  	_ =	shalt  }
0x53: {  	_ =	shalt  }
0x54: {  	_ =	shalt  }
0x55: {  	_ =	shalt  }
0x56: {  	_ =	shalt  }
0x57: {  	_ =	shalt  }
0x58: {  	_ =	shalt  }
0x59: {  	_ =	shalt  }
0x5a: {  	_ =	shalt  }
0x5b: {  	_ =	shalt  }
0x5c: {  	_ =	shalt  }
0x5d: {  	_ =	shalt  }
0x5e: {  	_ =	shalt  }
0x5f: {  	_ =	shalt  }
0x60: {  	_ =	shalt  }
0x61: {  	_ =	shalt  }
0x62: {  	_ =	shalt  }
0x63: {  	_ =	shalt  }
0x64: {  	_ =	shalt  }
0x65: {  	_ =	shalt  }
0x66: {  	_ =	shalt  }
0x67: {  	_ =	shalt  }
0x68: {  	_ =	shalt  }
0x69: {  	_ =	shalt  }
0x6a: {  	_ =	shalt  }
0x6b: {  	_ =	shalt  }
0x6c: {  	_ =	shalt  }
0x6d: {  	_ =	shalt  }
0x6e: {  	_ =	shalt  }
0x6f: {  	_ =	shalt  }
0x70: {  	_ =	shalt  }
0x71: {  	_ =	shalt  }
0x72: {  	_ =	shalt  }
0x73: {  	_ =	shalt  }
0x74: {  	_ =	shalt  }
0x75: {  	_ =	shalt  }
0x76: {  	_ =	shalt  }
0x77: {  	_ =	shalt  }
0x78: {  	_ =	shalt  }
0x79: {  	_ =	shalt  }
0x7a: {  	_ =	shalt  }
0x7b: {  	_ =	shalt  }
0x7c: {  	_ =	shalt  }
0x7d: {  	_ =	shalt  }
0x7e: {  	_ =	shalt  }
0x7f: {  	_ =	shalt  }
0x80: {  	_ =	shalt  }
0x81: {  	_ =	shalt  }
0x82: {  	_ =	shalt  }
0x83: {  	_ =	shalt  }
0x84: {  	_ =	shalt  }
0x85: {  	_ =	shalt  }
0x86: {  	_ =	shalt  }
0x87: {  	_ =	shalt  }
.Lfunc_end0:
.L_simem_size_0:
called_computation.5_lowered:
.L_overlay_start_0:
0x88: {  	s2 =	sld [smem:$0x3FD9]  }
0x89: {  	s3 =	sld [smem:$0x3FFE];
	_ =	sdelay $0x1  }
0x8a: {  	s1 =	srdreg.scid  }
0x8b: {  	s0 =	sand.u32 $0x1, s1  }
0x8c: {  	s16 =	sshll.u32 s0, $0xA;
	s2 =	sadd.s32 s3, s2  }
0x8d: {  	s2 =	sadd.s32 s2, s16  }
0x8e: {  	[smem:$0x3FA5] =	sst s2  }
0x8f: {  	_ = 	snop  }
0x90: {  	(tm) =	ssettm $0x1  }
0x91: {  	s17 =	sld [smem:$0x3FFB];
	_ =	sdelay $0x3  }
0x92: {  	_ =	strace s17  }
0x93: {  	s2 =	sld [smem:$0x3FFC];
	_ =	sdelay $0x3  }
0x94: {  	_ =	strace s2  }
0x95: {  	s2 =	sld [smem:$0x3FFD];
	_ =	sdelay $0x3  }
0x96: {  	_ =	strace s2  }
0x97: {  	_ =	strace $0x8FFFFFFF  }
0x98: {  	s18 =	sld [smem:$0x3FDB];
	_ =	sdelay $0x1  }
0x99: {  	s19 =	simm.s32 $_scs_section_size  }
0x9a: {  	s4 =	simm.s32 $_size__tile_overlayer_lowered;
	s5 =	simm.s32 $_tile_overlayer_lowered  }
0x9b: {  	s22 =	simm.s32 $0x1BFF;
	s21 =	sshll.u32 s5, $0x1;
	s2 =	sadd.s32 s19, s18  }
0x9c: {  	s6 =	simm.s32 $0x0;
	s20 =	sshll.u32 s4, $0x1;
	s4 =	sadd.s32 s21, s2  }
0x9d: {  	[timem:s6], [sflag:s22] =	dma.local [hbm:s4], s20  }
0x9e: {  	_ =	swait.ge [sflag:s22], s20  }
0x9f: {  	s3 =	ssub.s32 $0x0, s20;
	[sflag:s22] =	ssyncset.done $0x0  }
0xa0: {  	[sflag:s22] =	ssyncadd.s32 s3;
	_ =	sdelay $0x1  }
0xa1: {  	s23 =	simm.s32 $0x1B8B  }
0xa2: {  	_ =	swait.ge [sflag:s23], $0x1  }
0xa3: {  	[sflag:s23] =	ssyncset.done $0x0  }
0xa4: {  	s25 =	simm.s32 $0x1B8E;
	s24 =	sld [smem:$0x3FFE];
	[sflag:s23] =	ssyncadd.s32 $0xFFFFFFFF  }
0xa5: {  	s26 =	simm.s32 $execute0_lowered;
	[smem:$0x3FD2] =	sst s25  }
0xa6: {  	s4 =	sshll.u32 s26, $0x1;
	_ =	strace $0x80000055;
	[dreg:$0x1] =	wrdreg $0xFFFFFFFF  }
0xa7: {  	s28 =	simm.s32 $_size_execute0_lowered;
	s2 =	sadd.s32 s2, s4;
	[dreg:$0x0] =	wrdreg $0x0  }
0xa8: {  	s4 =	sshll.u32 s28, $0x1;
	[dreg:$0x2] =	wrdreg s2  }
0xa9: {  	[dreg:$0x3] =	wrdreg s4  }
0xaa: {  	[dreg:$0x4] =	wrdreg $0xC0  }
0xab: {  	_ =	task [dreg:s6], $0x5FFFF  }
0xac: {  	[dreg:$0x1] =	wrdreg $0xFFFFFFFF  }
0xad: {  	[dreg:$0x0] =	wrdreg $0x60  }
0xae: {  	[dreg:$0x2] =	wrdreg s24  }
0xaf: {  	[dreg:$0x3] =	wrdreg $0x9  }
0xb0: {  	_ =	task.clear_ibuf [dreg:s6], $0x4FFFF;
	_ =	strace $0x90000055  }
0xb1: {  	s29 =	simm.s32 $0x9;
	_ =	strace $0x80000057  }
0xb2: {  	_ =	swait.ge [sflag:s29], $0x1  }
0xb3: {  	[sflag:s29] =	ssyncadd.s32 $0xFFFFFFFF  }
0xb4: {  	_ =	strace $0x90000057  }
0xb5: {  	_ =	sfence  }
0xb6: {  	s30 =	sld [smem:$0x0];
	_ =	sdelay $0x2  }
0xb7: {  	s31 =	sshll.u32 s1, $0xD;
	s1 =	sshrl.u32 s1, $0x2  }
0xb8: {  	s3 =	sand.u32 $0x4000, s31;
	s1 =	sadd.s32 s1, s30  }
0xb9: {  	s0 =	sor.u32 s3, s0;
	s1 =	sshll.u32 s1, $0x11  }
0xba: {  	s0 =	sor.u32 s1, s0  }
0xbb: {  	s0 =	sadd.s32 $0x8F2B, s0  }
0xbc: {  	[sflag:s0] =	ssyncadd.remote.s32 $0x1  }
0xbd: {  	_ =	sfence.sel $0xFFFF  }
0xbe: {  	[dreg:$0x0] =	wrdreg $0xFFFFFFFF;
	(pc) =	sbr.abs _section_cstart, $3  }
0xbf: {  	[dreg:$0x1] =	wrdreg $0xFFFFFFFF  }
0xc0: {  	_ =	task.clear_ibuf [dreg:s6], $0x2FFFF;
	_ =	strace $0x9FFFFFFF  }
0xc1: {  	(tm) =	ssettm $0x7FFFFFFF  }
tec
execute0_lowered:
.L_overlay_start_1:
0x0: {  	(tag) =	ssettag $0x1  }
0x1: {  	s5 =	rddreg [dreg:$0x0]  }
0x2: {  	s0 =	rddreg [dreg:$0x1];
	s2 =	simm.s32 $0x0;
	s1 =	stileid.u32  }
0x3: {  	s3 =	srdreg.scid;
	s11 =	simm.s32 $0x80;
	s12 =	simm.s32 $0x1  }
0x4: {  	s6 =	smul.u32 $0x1880, s1;
	s7 =	sand.u32 $0x1, s3;
	s3 =	sadd.s32 $0x346B600, s5  }
0x5: {  	[smem:$0x7FF] =	sst s2;
	s8 =	smul.u32 $0xC4000, s1;
	s4 =	sadd.s32 $0x35F2400, s5  }
.Ltmp0:
0x6: {  	s13 =	simm.s32 $0x0;
	_ =	strace $0x80000056;
	(pc) =	sbr.rel .LBB2_1-.Ltmp0, $4  }
0x7: {  	s9 =	ssub.s32 $0x2, s7;
	p0 =	seq.s32 s7, $0x1;
	s8 =	sadd.s32 s8, s5  }
0x8: {  	s10 =	sadd.s32 s6, s5;
	s30 =	sshrl.u32 s9, $0x1;
	s6 =	sadd.s32 $0x11BE00, s8  }
0x9: {  	s31 =	ssub.s32 s9, s30;
	s7 =	sadd.s32 $0x103600, s10;
	s8 =	sadd.s32 $0xD5BE00, s8  }
0xa: {  	s9 =	sadd.s32 $0xD2600, s10;
	s10 =	simm.s32 $0x2;
	s5 =	smax.u32 s31, $0x1  }
.LBB2_7:
0xb: {  	s15 =	sadd.s32 s15, s9;
	[sflag:s10] =	ssyncadd.s32 $0xFFFFC000  }
0xc: {  	[tilespmem:s2], [sflag:$0x2] =	stream.linear.gather [hbm4b:s15+s2], $0x80, $0x38;
	[tilespmem:$0x4080] =	vst v63  }
0xd: {  	_ =	swait.ge [sflag:s10], $0x80  }
0xe: {  	[sflag:s10] =	ssyncset.done $0x0  }
0xf: {  	[sflag:s10] =	ssyncadd.s32 $0xFFFFFF80  }
0x10: {  	[tilespmem:s11], [sflag:$0x1] =	stream.indirect.gather [hbm4b:s4+s11], $0x80, s2, s11, $0xb8;
	[tilespmem:$0x4080] =	vst v63  }
0x11: {  	_ =	swait.ge [sflag:s12], $0x4000  }
0x12: {  	[sflag:s12] =	ssyncset.done $0x0  }
0x13: {  	[sflag:s12] =	ssyncadd.s32 $0xFFFFC000  }
0x14: {  	[hbm4b:s14+s2] =	stream.linear.scatter [tilespmem:s11], [sflag:$0x2], $0x4000, $0x38;
	[tilespmem:$0x4080] =	vst v63  }
0x15: {  	_ =	swait.ge [sflag:s10], $0x4000  }
0x16: {  	[sflag:s10] =	ssyncset.done $0x0  }
0x17: {  	[sflag:s10] =	ssyncadd.s32 $0xFFFFC000  }
.LBB2_8:
0x18: {  	s13 =	sadd.s32 $0x1, s13  }
0x19: {  	p1 =	sne.s32 s13, s5  }
.Ltmp1:
0x1a: {  	_ = 	snop;
	(pc) =	sbr.rel @!p1 .LBB2_9-.Ltmp1, $1  }
0x1b: {  	_ =	sdelay $0x3  }
.LBB2_1:
.Ltmp2:
0x1c: {  	(pc) =	sbr.rel @!p0 .LBB2_2-.Ltmp2, $1  }
0x1d: {  	_ =	sdelay $0x3  }
0x1e: {  	s14 =	sadd.s32 $0x0, s9  }
0x1f: {  	[tilespmem:s2], [sflag:$0x2] =	stream.linear.gather [hbm4b:s14+s2], $0x80, $0x38;
	[tilespmem:$0x4080] =	vst v63  }
0x20: {  	_ =	swait.ge [sflag:s10], $0x80  }
0x21: {  	[sflag:s10] =	ssyncset.done $0x0  }
0x22: {  	[sflag:s10] =	ssyncadd.s32 $0xFFFFFF80  }
0x23: {  	[tilespmem:s11], [sflag:$0x1] =	stream.indirect.gather [hbm4b:s4+s11], $0x80, s2, s11, $0xb8;
	[tilespmem:$0x4080] =	vst v63  }
0x24: {  	_ =	swait.ge [sflag:s12], $0x4000  }
0x25: {  	[sflag:s12] =	ssyncset.done $0x0  }
0x26: {  	[sflag:s12] =	ssyncadd.s32 $0xFFFFC000  }
0x27: {  	[hbm4b:s8+s2] =	stream.linear.scatter [tilespmem:s11], [sflag:$0x2], $0x4000, $0x38;
	[tilespmem:$0x4080] =	vst v63  }
0x28: {  	s15 =	simm.s32 $0x10;
	_ =	swait.ge [sflag:s10], $0x4000  }
0x29: {  	s16 =	simm.s32 $0x20;
	s14 =	sadd.s32 $0x800, s8;
	[sflag:s10] =	ssyncset.done $0x0  }
.LBB2_6:
0x2a: {  	s17 =	sadd.s32 s15, s9  }
0x2b: {  	[sflag:s10] =	ssyncadd.s32 $0xFFFFC000;
	s15 =	smov.u32 s16;
	s18 =	sadd.s32 $0x10, s16  }
0x2c: {  	[tilespmem:s2], [sflag:$0x2] =	stream.linear.gather [hbm4b:s17+s2], $0x80, $0x38;
	[tilespmem:$0x4080] =	vst v63  }
0x2d: {  	p1 =	sne.s32 s16, $0x1870;
	_ =	swait.ge [sflag:s10], $0x80  }
0x2e: {  	[sflag:s10] =	ssyncset.done $0x0  }
0x2f: {  	[sflag:s10] =	ssyncadd.s32 $0xFFFFFF80  }
0x30: {  	[tilespmem:s11], [sflag:$0x1] =	stream.indirect.gather [hbm4b:s4+s11], $0x80, s2, s11, $0xb8;
	[tilespmem:$0x4080] =	vst v63  }
0x31: {  	_ =	swait.ge [sflag:s12], $0x4000  }
.Ltmp3:
0x32: {  	[sflag:s12] =	ssyncset.done $0x0;
	(pc) =	sbr.rel @p1 .LBB2_6-.Ltmp3, $4  }
0x33: {  	[sflag:s12] =	ssyncadd.s32 $0xFFFFC000  }
0x34: {  	[hbm4b:s14+s2] =	stream.linear.scatter [tilespmem:s11], [sflag:$0x2], $0x4000, $0x38;
	[tilespmem:$0x4080] =	vst v63  }
0x35: {  	_ =	swait.ge [sflag:s10], $0x4000  }
0x36: {  	s16 =	smov.u32 s18;
	s14 =	sadd.s32 $0x800, s14;
	[sflag:s10] =	ssyncset.done $0x0  }
.Ltmp4:
0x37: {  	_ = 	snop;
	(pc) =	sbr.rel .LBB2_7-.Ltmp4, $1  }
0x38: {  	_ =	sdelay $0x3  }
.LBB2_2:
0x39: {  	s14 =	sadd.s32 $0x0, s7  }
0x3a: {  	[tilespmem:s2], [sflag:$0x2] =	stream.linear.gather [hbm4b:s14+s2], $0x80, $0x38;
	[tilespmem:$0x4080] =	vst v63  }
0x3b: {  	_ =	swait.ge [sflag:s10], $0x80  }
0x3c: {  	[sflag:s10] =	ssyncset.done $0x0  }
0x3d: {  	[sflag:s10] =	ssyncadd.s32 $0xFFFFFF80  }
0x3e: {  	[tilespmem:s11], [sflag:$0x1] =	stream.indirect.gather [hbm4b:s3+s11], $0x80, s2, s11, $0xb8;
	[tilespmem:$0x4080] =	vst v63  }
0x3f: {  	_ =	swait.ge [sflag:s12], $0x4000  }
0x40: {  	[sflag:s12] =	ssyncset.done $0x0  }
0x41: {  	[sflag:s12] =	ssyncadd.s32 $0xFFFFC000  }
0x42: {  	[hbm4b:s6+s2] =	stream.linear.scatter [tilespmem:s11], [sflag:$0x2], $0x4000, $0x38;
	[tilespmem:$0x4080] =	vst v63  }
0x43: {  	s15 =	simm.s32 $0x10;
	_ =	swait.ge [sflag:s10], $0x4000  }
0x44: {  	s16 =	simm.s32 $0x20;
	s14 =	sadd.s32 $0x800, s6;
	[sflag:s10] =	ssyncset.done $0x0  }
.LBB2_3:
0x45: {  	s17 =	sadd.s32 s15, s7  }
0x46: {  	[sflag:s10] =	ssyncadd.s32 $0xFFFFC000;
	s15 =	smov.u32 s16;
	s18 =	sadd.s32 $0x10, s16  }
0x47: {  	[tilespmem:s2], [sflag:$0x2] =	stream.linear.gather [hbm4b:s17+s2], $0x80, $0x38;
	[tilespmem:$0x4080] =	vst v63  }
0x48: {  	p1 =	seq.s32 s16, $0x1870;
	_ =	swait.ge [sflag:s10], $0x80  }
0x49: {  	[sflag:s10] =	ssyncset.done $0x0  }
0x4a: {  	[sflag:s10] =	ssyncadd.s32 $0xFFFFFF80  }
0x4b: {  	[tilespmem:s11], [sflag:$0x1] =	stream.indirect.gather [hbm4b:s3+s11], $0x80, s2, s11, $0xb8;
	[tilespmem:$0x4080] =	vst v63  }
0x4c: {  	_ =	swait.ge [sflag:s12], $0x4000  }
.Ltmp5:
0x4d: {  	[sflag:s12] =	ssyncset.done $0x0;
	(pc) =	sbr.rel @!p1 .LBB2_3-.Ltmp5, $4  }
0x4e: {  	[sflag:s12] =	ssyncadd.s32 $0xFFFFC000  }
0x4f: {  	[hbm4b:s14+s2] =	stream.linear.scatter [tilespmem:s11], [sflag:$0x2], $0x4000, $0x38;
	[tilespmem:$0x4080] =	vst v63  }
0x50: {  	_ =	swait.ge [sflag:s10], $0x4000  }
0x51: {  	s16 =	smov.u32 s18;
	s14 =	sadd.s32 $0x800, s14;
	[sflag:s10] =	ssyncset.done $0x0  }
0x52: {  	s15 =	sadd.s32 s15, s7;
	[sflag:s10] =	ssyncadd.s32 $0xFFFFC000  }
0x53: {  	[tilespmem:s2], [sflag:$0x2] =	stream.linear.gather [hbm4b:s15+s2], $0x80, $0x38;
	[tilespmem:$0x4080] =	vst v63  }
0x54: {  	_ =	swait.ge [sflag:s10], $0x80  }
0x55: {  	[sflag:s10] =	ssyncset.done $0x0  }
0x56: {  	[sflag:s10] =	ssyncadd.s32 $0xFFFFFF80  }
0x57: {  	[tilespmem:s11], [sflag:$0x1] =	stream.indirect.gather [hbm4b:s3+s11], $0x80, s2, s11, $0xb8;
	[tilespmem:$0x4080] =	vst v63  }
0x58: {  	_ =	swait.ge [sflag:s12], $0x4000  }
0x59: {  	[sflag:s12] =	ssyncset.done $0x0  }
.Ltmp6:
0x5a: {  	[sflag:s12] =	ssyncadd.s32 $0xFFFFC000;
	(pc) =	sbr.rel .LBB2_8-.Ltmp6, $4  }
0x5b: {  	[hbm4b:s14+s2] =	stream.linear.scatter [tilespmem:s11], [sflag:$0x2], $0x4000, $0x38;
	[tilespmem:$0x4080] =	vst v63  }
0x5c: {  	_ =	swait.ge [sflag:s10], $0x4000  }
0x5d: {  	[sflag:s10] =	ssyncset.done $0x0  }
0x5e: {  	[sflag:s10] =	ssyncadd.s32 $0xFFFFC000  }
.LBB2_9:
0x5f: {  	_ =	sfence.sel $0x180000  }
0x60: {  	[bflag:$0x0] =	sbarrier.arrive $0xFFFF  }
0x61: {  	p0 =	sne.s32 s1, $0x0;
	_ =	strace $0x90000056  }
0x62: {  	s0 =	sadd.s32 @!p0 $0x100000, s0;
	[bflag:$0x2] =	sbarrier.arrive $0xFFFF  }
0x63: {  	[sflag:s0] =	ssyncadd.tile.s32 @!p0 $0x1;
	_ =	shalt  }
.Lfunc_end2:
_tile_overlayer_lowered:
.L_overlay_start_2:
0x64: {  	(tag) =	ssettag $0x2  }
0x65: {  	s0 =	rddreg [dreg:$0x0];
	s2 =	stileid.u32  }
0x66: {  	s1 =	rddreg [dreg:$0x1];
	p0 =	sne.s32 s2, $0x0  }
0x67: {  	s3 =	rddreg [dreg:$0x2];
	[bflag:$0x3] =	sbarrier.arrive $0xFFFF;
	s2 =	simm.s32 @!p0 $0x1C02  }
0x68: {  	[timem:s3], [sflag:s2] =	dma.local @!p0 [hbm:s0], s1  }
0x69: {  	s0 =	simm.s32 @!p0 $0x2  }
0x6a: {  	_ =	swait.ge @!p0 [sflag:s0], s1  }
0x6b: {  	s1 =	ssub.s32 @!p0 $0x0, s1;
	[sflag:s0] =	ssyncset.done @!p0 $0x0  }
0x6c: {  	[sflag:s0] =	ssyncadd.s32 @!p0 s1  }
0x6d: {  	[bflag:$0x3] =	sbarrier.arrive $0xFFFF  }
0x6e: {  	_ =	shalt  }

// kernel: kernel.39.cloned.1.call-start
scs
__scs_entry_jumppad:
0x0: {  	(pc) =	sbr.rel $0x88, $3  }
0x1: {  	(tag) =	ssettag $0x0;
	lr =	simm.s32 $0x1  }
0x2: {  	[smem:$0x3F7E] =	sst lr;
	_ =	strace $0xD0000000  }
0x3: {  	_ = 	snop  }
0x4: {  	_ = 	snop  }
0x5: {  	_ = 	snop  }
0x6: {  	_ = 	snop  }
0x7: {  	_ = 	snop  }
__scs_overlays_trampoline_lowered:
0x8: {  	[smem:$0x3F8D] =	sst s0  }
0x9: {  	[smem:$0x3F8E] =	sst s1  }
0xa: {  	[smem:$0x3F8F] =	sst s2  }
0xb: {  	[smem:$0x3F90] =	sst s3  }
0xc: {  	[smem:$0x3F91] =	sst s4  }
0xd: {  	[smem:$0x3F92] =	sst s5  }
0xe: {  	[smem:$0x3F93] =	sst s6  }
0xf: {  	[smem:$0x3F94] =	sst s7  }
0x10: {  	[smem:$0x3F95] =	sst s8  }
0x11: {  	[smem:$0x3F96] =	sst s9;
	s0 =	simm.s32 @!p0 $0x0  }
0x12: {  	s1 =	sld [smem:$0x3F7C];
	s0 =	simm.s32 @p0 $0x1  }
0x13: {  	[smem:$0x3F97] =	sst s0;
	s0 =	simm.s32 @!p1 $0x0  }
0x14: {  	s2 =	sld [smem:$0x3F7B];
	s0 =	simm.s32 @p1 $0x1  }
0x15: {  	[smem:$0x3F98] =	sst s0;
	s0 =	simm.s32 @!p2 $0x0  }
0x16: {  	s3 =	sld [smem:$0x3FDB];
	s0 =	simm.s32 @p2 $0x1  }
0x17: {  	s4 =	simm.s32 $0x1BF5;
	[smem:$0x3F9A] =	sst s0  }
0x18: {  	s0 =	sld [smem:$0x3F7D];
	_ =	swait.ge [sflag:s4], $0x0  }
0x19: {  	s7 =	sld [smem:$0x3F7E]  }
0x1a: {  	s8 =	sadd.s32 $0xFFFFE003, lr  }
0x1b: {  	s9 =	sadd.s32 $0xFFFFFEF7, lr;
	s5 =	simm.s32 $0xFFFFFFFF;
	p2 =	slt.u32 s8, $0xFFFFF086  }
0x1c: {  	p1 =	slt.u32 s9, $0xF7A;
	s5 =	simm.s32 @!p2 $0x0  }
0x1d: {  	s5 =	simm.s32 @p1 $0x1;
	p0 =	seq.s32 s7, s2  }
0x1e: {  	s7 =	smul.u32 @!p0 $0xF7A, s2;
	p2 =	seq.s32 @!p0 s5, $0x0  }
0x1f: {  	s9 =	smul.u32 $0xF7A, s1;
	s8 =	simm.s32 @!p0 $0x1BF5;
	p2 =	por !p2, p0  }
0x20: {  	[sflag:s8] =	ssyncset.s32 @!p0 $0xFFFFF086;
	s6 =	sadd.s32 @!p0 s3, s7;
	s7 =	simm.s32 @!p0 $0x108  }
0x21: {  	s3 =	sadd.s32 s3, s9;
	s6 =	sadd.s32 @!p0 $0x88, s6;
	s7 =	simm.s32 @p2 $0x1082  }
0x22: {  	[simem:s7], [sflag:s8] =	dma.local @!p0 [hbm:s6], $0xF7A  }
0x23: {  	s9 =	sor.u32 $0xD0000000, s2;
	s6 =	simm.s32 $0x108;
	_ =	swait.ge @!p0 [sflag:s8], $0x0  }
0x24: {  	s3 =	sadd.s32 $0x88, s3;
	s6 =	simm.s32 @!p1 $0x1082;
	[sflag:s4] =	ssyncset.s32 $0xFFFFF086  }
0x25: {  	[simem:s6], [sflag:s4] =	dma.local [hbm:s3], $0xF7A  }
0x26: {  	[smem:$0x3F7E] =	sst s1;
	(tag) =	ssettag s2;
	_ =	strace s9  }
0x27: {  	s1 =	sld [smem:$0x3F8E]  }
0x28: {  	s2 =	sld [smem:$0x3F8F]  }
0x29: {  	s4 =	sld [smem:$0x3F91]  }
0x2a: {  	p0 =	seq.s32 s5, $0x0;
	s5 =	sld [smem:$0x3F92]  }
0x2b: {  	s6 =	sld [smem:$0x3F93]  }
0x2c: {  	s7 =	sld [smem:$0x3F94]  }
0x2d: {  	s3 =	simm.s32 $0x108;
	s8 =	sld [smem:$0x3F95]  }
0x2e: {  	s3 =	simm.s32 @!p0 $0x1082;
	s9 =	sld [smem:$0x3F96]  }
0x2f: {  	lr =	sadd.s32 s0, s3;
	s0 =	sld [smem:$0x3F8D]  }
0x30: {  	s3 =	sld [smem:$0x3F90]  }
0x31: {  	[smem:$0x3F99] =	sst s10  }
0x32: {  	s10 =	sld [smem:$0x3F97];
	_ =	sdelay $0x3  }
0x33: {  	p0 =	seq.s32 s10, $0x1;
	s10 =	sld [smem:$0x3F99];
	_ =	sdelay $0x3  }
0x34: {  	[smem:$0x3F99] =	sst s10  }
0x35: {  	s10 =	sld [smem:$0x3F98];
	_ =	sdelay $0x3  }
0x36: {  	p1 =	seq.s32 s10, $0x1;
	s10 =	sld [smem:$0x3F99];
	_ =	sdelay $0x3  }
0x37: {  	[smem:$0x3F99] =	sst s10  }
0x38: {  	s10 =	sld [smem:$0x3F9A]  }
0x39: {  	_ = 	snop;
	(pc) =	sbr.ind lr, $3  }
0x3a: {  	_ = 	snop  }
0x3b: {  	_ = 	snop  }
0x3c: {  	p2 =	seq.s32 s10, $0x1;
	s10 =	sld [smem:$0x3F99]  }
0x3d: {  	_ =	shalt  }
0x3e: {  	_ =	shalt  }
0x3f: {  	_ =	shalt  }
0x40: {  	_ =	shalt  }
0x41: {  	_ =	shalt  }
0x42: {  	_ =	shalt  }
0x43: {  	_ =	shalt  }
0x44: {  	_ =	shalt  }
0x45: {  	_ =	shalt  }
0x46: {  	_ =	shalt  }
0x47: {  	_ =	shalt  }
0x48: {  	_ =	shalt  }
0x49: {  	_ =	shalt  }
0x4a: {  	_ =	shalt  }
0x4b: {  	_ =	shalt  }
0x4c: {  	_ =	shalt  }
0x4d: {  	_ =	shalt  }
0x4e: {  	_ =	shalt  }
0x4f: {  	_ =	shalt  }
0x50: {  	_ =	shalt  }
0x51: {  	_ =	shalt  }
0x52: {  	_ =	shalt  }
0x53: {  	_ =	shalt  }
0x54: {  	_ =	shalt  }
0x55: {  	_ =	shalt  }
0x56: {  	_ =	shalt  }
0x57: {  	_ =	shalt  }
0x58: {  	_ =	shalt  }
0x59: {  	_ =	shalt  }
0x5a: {  	_ =	shalt  }
0x5b: {  	_ =	shalt  }
0x5c: {  	_ =	shalt  }
0x5d: {  	_ =	shalt  }
0x5e: {  	_ =	shalt  }
0x5f: {  	_ =	shalt  }
0x60: {  	_ =	shalt  }
0x61: {  	_ =	shalt  }
0x62: {  	_ =	shalt  }
0x63: {  	_ =	shalt  }
0x64: {  	_ =	shalt  }
0x65: {  	_ =	shalt  }
0x66: {  	_ =	shalt  }
0x67: {  	_ =	shalt  }
0x68: {  	_ =	shalt  }
0x69: {  	_ =	shalt  }
0x6a: {  	_ =	shalt  }
0x6b: {  	_ =	shalt  }
0x6c: {  	_ =	shalt  }
0x6d: {  	_ =	shalt  }
0x6e: {  	_ =	shalt  }
0x6f: {  	_ =	shalt  }
0x70: {  	_ =	shalt  }
0x71: {  	_ =	shalt  }
0x72: {  	_ =	shalt  }
0x73: {  	_ =	shalt  }
0x74: {  	_ =	shalt  }
0x75: {  	_ =	shalt  }
0x76: {  	_ =	shalt  }
0x77: {  	_ =	shalt  }
0x78: {  	_ =	shalt  }
0x79: {  	_ =	shalt  }
0x7a: {  	_ =	shalt  }
0x7b: {  	_ =	shalt  }
0x7c: {  	_ =	shalt  }
0x7d: {  	_ =	shalt  }
0x7e: {  	_ =	shalt  }
0x7f: {  	_ =	shalt  }
0x80: {  	_ =	shalt  }
0x81: {  	_ =	shalt  }
0x82: {  	_ =	shalt  }
0x83: {  	_ =	shalt  }
0x84: {  	_ =	shalt  }
0x85: {  	_ =	shalt  }
0x86: {  	_ =	shalt  }
0x87: {  	_ =	shalt  }
.Lfunc_end0:
.L_simem_size_0:
called_computation.6_lowered:
.L_overlay_start_0:
0x88: {  	s2 =	sld [smem:$0x3FD9]  }
0x89: {  	s3 =	sld [smem:$0x3FFE];
	_ =	sdelay $0x1  }
0x8a: {  	s1 =	srdreg.scid  }
0x8b: {  	s0 =	sand.u32 $0x1, s1  }
0x8c: {  	s17 =	sshll.u32 s0, $0xA;
	s2 =	sadd.s32 s3, s2  }
0x8d: {  	s2 =	sadd.s32 s2, s17  }
0x8e: {  	[smem:$0x3FA5] =	sst s2  }
0x8f: {  	_ = 	snop  }
0x90: {  	s2 =	sld [smem:$0x3FD0];
	(tm) =	ssettm $0x1  }
0x91: {  	s18 =	sld [smem:$0x3FFB];
	_ =	sdelay $0x3  }
0x92: {  	_ =	strace s18  }
0x93: {  	s3 =	sld [smem:$0x3FFC];
	_ =	sdelay $0x3  }
0x94: {  	_ =	strace s3  }
0x95: {  	s3 =	sld [smem:$0x3FFD];
	_ =	sdelay $0x3  }
0x96: {  	_ =	strace s3  }
0x97: {  	_ =	strace $0x8FFFFFFF  }
0x98: {  	s19 =	sld [smem:$0x3FDB];
	_ =	sdelay $0x1  }
0x99: {  	s4 =	simm.s32 $_scs_section_size  }
0x9a: {  	s5 =	simm.s32 $_size__tile_overlayer_lowered;
	s6 =	simm.s32 $_tile_overlayer_lowered  }
0x9b: {  	s22 =	simm.s32 $0x1BFF;
	s21 =	sshll.u32 s6, $0x1;
	s3 =	sadd.s32 s4, s19  }
0x9c: {  	s7 =	simm.s32 $0x0;
	s20 =	sshll.u32 s5, $0x1;
	s5 =	sadd.s32 s21, s3  }
0x9d: {  	[timem:s7], [sflag:s22] =	dma.local [hbm:s5], s20  }
0x9e: {  	_ =	swait.ge [sflag:s22], s20  }
0x9f: {  	s4 =	ssub.s32 $0x0, s20;
	[sflag:s22] =	ssyncset.done $0x0  }
0xa0: {  	[sflag:s22] =	ssyncadd.s32 s4;
	_ =	sdelay $0x1  }
0xa1: {  	s23 =	simm.s32 $0x1B8B  }
0xa2: {  	_ =	swait.ge [sflag:s23], $0x1  }
0xa3: {  	[sflag:s23] =	ssyncset.done $0x0  }
0xa4: {  	s25 =	simm.s32 $0x1B8E;
	s24 =	sld [smem:$0x3FFE];
	[sflag:s23] =	ssyncadd.s32 $0xFFFFFFFF  }
0xa5: {  	s26 =	simm.s32 $execute0_lowered;
	[smem:$0x3FD2] =	sst s25  }
0xa6: {  	s5 =	sshll.u32 s26, $0x1;
	_ =	strace $0x80000058;
	[dreg:$0x1] =	wrdreg $0xFFFFFFFF  }
0xa7: {  	s28 =	simm.s32 $_size_execute0_lowered;
	s3 =	sadd.s32 s3, s5;
	[dreg:$0x0] =	wrdreg $0x0  }
0xa8: {  	s5 =	sshll.u32 s28, $0x1;
	[dreg:$0x2] =	wrdreg s3  }
0xa9: {  	[dreg:$0x3] =	wrdreg s5  }
0xaa: {  	[dreg:$0x4] =	wrdreg $0xC0  }
0xab: {  	_ =	task [dreg:s7], $0x5FFFF  }
0xac: {  	[dreg:$0x1] =	wrdreg $0xFFFFFFFF  }
0xad: {  	[dreg:$0x0] =	wrdreg $0x60  }
0xae: {  	[dreg:$0x2] =	wrdreg s24  }
0xaf: {  	[dreg:$0x3] =	wrdreg s2  }
0xb0: {  	[dreg:$0x4] =	wrdreg $0x41000  }
0xb1: {  	[dreg:$0x5] =	wrdreg $0x9  }
0xb2: {  	_ =	task.clear_ibuf [dreg:s7], $0x6FFFF;
	_ =	strace $0x90000058  }
0xb3: {  	s29 =	simm.s32 $0x9;
	_ =	strace $0x8000005A  }
0xb4: {  	_ =	swait.ge [sflag:s29], $0x1  }
0xb5: {  	[sflag:s29] =	ssyncadd.s32 $0xFFFFFFFF  }
0xb6: {  	_ =	strace $0x9000005A  }
0xb7: {  	_ =	sfence  }
0xb8: {  	s30 =	sld [smem:$0x0];
	_ =	sdelay $0x2  }
0xb9: {  	s31 =	sshll.u32 s1, $0xD;
	s1 =	sshrl.u32 s1, $0x2  }
0xba: {  	s3 =	sand.u32 $0x4000, s31;
	s1 =	sadd.s32 s1, s30  }
0xbb: {  	s0 =	sor.u32 s3, s0;
	s1 =	sshll.u32 s1, $0x11  }
0xbc: {  	s0 =	sor.u32 s1, s0  }
0xbd: {  	s0 =	sadd.s32 $0x8F2B, s0  }
0xbe: {  	[sflag:s0] =	ssyncadd.remote.s32 $0x1  }
0xbf: {  	_ =	sfence.sel $0xFFFF  }
0xc0: {  	[dreg:$0x0] =	wrdreg $0xFFFFFFFF;
	(pc) =	sbr.abs _section_cstart, $3  }
0xc1: {  	[dreg:$0x1] =	wrdreg $0xFFFFFFFF  }
0xc2: {  	_ =	task.clear_ibuf [dreg:s7], $0x2FFFF;
	_ =	strace $0x9FFFFFFF  }
0xc3: {  	(tm) =	ssettm $0x7FFFFFFF  }
tec
execute0_lowered:
.L_overlay_start_1:
0x0: {  	(tag) =	ssettag $0x1  }
0x1: {  	s5 =	rddreg [dreg:$0x0]  }
0x2: {  	s2 =	rddreg [dreg:$0x1]  }
0x3: {  	s0 =	srdreg.scid;
	s1 =	stileid.u32  }
0x4: {  	s3 =	rddreg [dreg:$0x2];
	s8 =	smul.u32 $0x310, s1  }
0x5: {  	s4 =	simm.s32 $0x0;
	s12 =	simm.s32 $0x1;
	s9 =	smul.u32 $0xC4000, s1  }
0x6: {  	s6 =	sand.u32 $0x1, s0;
	s0 =	rddreg [dreg:$0x3];
	s10 =	smul.u32 $0x1880, s1  }
0x7: {  	s15 =	simm.s32 $0x0;
	[smem:$0x7FF] =	sst s4;
	s25 =	smul.u32 $0x62000, s1  }
0x8: {  	s31 =	sshll.u32 s1, $0x6;
	s7 =	smul.u32 $0x6200, s6;
	_ =	strace $0x80000059  }
0x9: {  	s26 =	ssub.s32 $0x2, s6;
	s13 =	smul.u32 $0x61A8, s6;
	s9 =	sadd.s32 s9, s5  }
0xa: {  	s10 =	sadd.s32 s10, s5;
	s11 =	sshrl.u32 s26, $0x1;
	s28 =	sshrl.u32 s25, $0x2  }
0xb: {  	s7 =	sadd.s32 s8, s7;
	s29 =	ssub.s32 s26, s11;
	s30 =	sadd.s32 s28, s3  }
0xc: {  	s14 =	sadd.s32 $0x30D4, s13;
	s9 =	sadd.s32 $0x26A0C00, s9;
	s10 =	sadd.s32 $0xEAE00, s10  }
0xd: {  	v0 =	vmov s13;
	s13 =	simm.s32 $0x100;
	s7 =	sshll.u32 s7, $0x4;
	s8 =	smax.u32 s29, $0x1  }
0xe: {  	s11 =	sshrl.u32 s30, $0x3;
	v1 =	vmov s14;
	s14 =	simm.s32 $0x80;
	s7 =	sadd.s32 s7, s5  }
0xf: {  	s5 =	sor.u32 $0x1C01, s31;
	s6 =	sadd.s32 $0xF800, s7;
	s7 =	sadd.s32 $0x40800, s7  }
.LBB2_1:
0x10: {  	[spmem:s11], [sflag:s5] =	dma.local [hbm:s2], $0x3100  }
0x11: {  	_ =	swait.ge [sflag:s12], $0x3100  }
0x12: {  	[sflag:s12] =	ssyncset.done $0x0  }
0x13: {  	[sflag:s12] =	ssyncadd.s32 $0xFFFFCF00  }
0x14: {  	s16 =	sadd.s32 $0x0, s10;
	[bflag:$0x0] =	sbarrier.arrive $0xFFFF  }
0x15: {  	[tilespmem:s4], [sflag:$0x1] =	stream.linear.gather [hbm4b:s16+s4], $0x80, $0x38;
	[tilespmem:$0x1C900] =	vst v63  }
0x16: {  	_ =	swait.ge [sflag:s12], $0x80  }
0x17: {  	[sflag:s12] =	ssyncset.done $0x0  }
0x18: {  	[sflag:s12] =	ssyncadd.s32 $0xFFFFFF80  }
0x19: {  	[tilespmem:s13], [sflag:$0x1] =	stream.linear.gather [hbm4b:s9+s4], $0x4000, $0x38;
	[tilespmem:$0x1C900] =	vst v63  }
0x1a: {  	_ =	swait.ge [sflag:s12], $0x4000  }
0x1b: {  	[sflag:s12] =	ssyncset.done $0x0  }
0x1c: {  	[sflag:s12] =	ssyncadd.s32 $0xFFFFC000  }
0x1d: {  	v2 =	vld [tilespmem:$0x50]  }
0x1e: {  	v4 =	vld [tilespmem:$0x60]  }
0x1f: {  	s17 =	smov.u32 s9;
	s16 =	simm.s32 $0x10;
	v3 =	vld [tilespmem:$0x70]  }
.LBB2_2:
0x20: {  	p0 =	sne.s32 s16, $0x1870  }
0x21: {  	v5 =	vld [tilespmem:$0x30];
	s17 =	sadd.s32 $0x800, s17;
	s18 =	smov.u32 s16;
	s16 =	sadd.s32 $0x10, s16  }
0x22: {  	v6 =	vld [tilespmem:$0x10]  }
0x23: {  	v7 =	vld [tilespmem:$0x20]  }
0x24: {  	v8 =	vld [tilespmem:$0x0];
	v4 =	vsub.s32 v4, v0  }
0x25: {  	v2 =	vsub.s32 v2, v0;
	v9 =	vld [tilespmem:$0x40];
	v4 =	vmin.u32 v4, $0x30D4;
	v3 =	vsub.s32 v3, v0  }
0x26: {  	v2 =	vmin.u32 v2, $0x30D4;
	v5 =	vsub.s32 v5, v0;
	[tilespmem:$0xE0] =	vst v4;
	v3 =	vmin.u32 v3, $0x30D4  }
0x27: {  	v4 =	vsub.s32 v6, v0;
	v5 =	vmin.u32 v5, $0x30D4;
	[tilespmem:$0xF0] =	vst v3  }
0x28: {  	v3 =	vmin.u32 v4, $0x30D4;
	v4 =	vsub.s32 v7, v0;
	[tilespmem:$0xD0] =	vst v2  }
0x29: {  	v2 =	vsub.s32 v8, v0;
	v4 =	vmin.u32 v4, $0x30D4;
	[tilespmem:$0xB0] =	vst v5  }
0x2a: {  	v2 =	vmin.u32 v2, $0x30D4;
	[tilespmem:$0x90] =	vst v3;
	v3 =	vsub.s32 v9, v0  }
0x2b: {  	[tilespmem:$0xA0] =	vst v4;
	v3 =	vmin.u32 v3, $0x30D4  }
0x2c: {  	[tilespmem:$0xC0] =	vst v3  }
0x2d: {  	[tilespmem:$0x80] =	vst v2  }
0x2e: {  	[spmem:s3] =	stream.indirect.scatter.add.f32 [tilespmem:s13], [sflag:$0x1], $0x80, s14, s14, $0xb8;
	[tilespmem:$0x1C900] =	vst v63  }
0x2f: {  	_ =	swait.ge [sflag:s12], $0x4000  }
0x30: {  	[sflag:s12] =	ssyncset.done $0x0  }
0x31: {  	s18 =	sadd.s32 s18, s10;
	[sflag:s12] =	ssyncadd.s32 $0xFFFFC000  }
0x32: {  	[tilespmem:s4], [sflag:$0x1] =	stream.linear.gather [hbm4b:s18+s4], $0x80, $0x38;
	[tilespmem:$0x1C900] =	vst v63  }
0x33: {  	_ =	swait.ge [sflag:s12], $0x80  }
0x34: {  	[sflag:s12] =	ssyncset.done $0x0  }
0x35: {  	[sflag:s12] =	ssyncadd.s32 $0xFFFFFF80  }
0x36: {  	[tilespmem:s13], [sflag:$0x1] =	stream.linear.gather [hbm4b:s17+s4], $0x4000, $0x38;
	[tilespmem:$0x1C900] =	vst v63  }
0x37: {  	_ =	swait.ge [sflag:s12], $0x4000  }
.Ltmp0:
0x38: {  	[sflag:s12] =	ssyncset.done $0x0;
	(pc) =	sbr.rel @p0 .LBB2_2-.Ltmp0, $4  }
0x39: {  	[sflag:s12] =	ssyncadd.s32 $0xFFFFC000  }
0x3a: {  	v2 =	vld [tilespmem:$0x50]  }
0x3b: {  	v4 =	vld [tilespmem:$0x60]  }
0x3c: {  	v3 =	vld [tilespmem:$0x70]  }
0x3d: {  	v5 =	vld [tilespmem:$0x30]  }
0x3e: {  	v6 =	vld [tilespmem:$0x10]  }
0x3f: {  	v7 =	vld [tilespmem:$0x20];
	v2 =	vsub.s32 v2, v0  }
0x40: {  	v8 =	vld [tilespmem:$0x40];
	v4 =	vsub.s32 v4, v0;
	v2 =	vmin.u32 v2, $0x30D4  }
0x41: {  	v9 =	vld [tilespmem:$0x0];
	v4 =	vmin.u32 v4, $0x30D4;
	v3 =	vsub.s32 v3, v0;
	[tilespmem:$0xD0] =	vst v2  }
0x42: {  	[tilespmem:$0xE0] =	vst v4;
	v3 =	vmin.u32 v3, $0x30D4;
	v4 =	vsub.s32 v5, v0  }
0x43: {  	[tilespmem:$0xF0] =	vst v3;
	v3 =	vsub.s32 v6, v0;
	v4 =	vmin.u32 v4, $0x30D4  }
0x44: {  	v2 =	vmin.u32 v3, $0x30D4;
	v3 =	vsub.s32 v7, v0;
	[tilespmem:$0xB0] =	vst v4  }
0x45: {  	v3 =	vmin.u32 v3, $0x30D4;
	[tilespmem:$0x90] =	vst v2;
	v2 =	vsub.s32 v8, v0  }
0x46: {  	v4 =	vsub.s32 v9, v0;
	[tilespmem:$0xA0] =	vst v3;
	v2 =	vmin.u32 v2, $0x30D4  }
0x47: {  	v3 =	vmin.u32 v4, $0x30D4;
	[tilespmem:$0xC0] =	vst v2  }
0x48: {  	[tilespmem:$0x80] =	vst v3  }
0x49: {  	[spmem:s3] =	stream.indirect.scatter.add.f32 [tilespmem:s13], [sflag:$0x1], $0x80, s14, s14, $0xb8;
	[tilespmem:$0x1C900] =	vst v63  }
0x4a: {  	_ =	swait.ge [sflag:s12], $0x4000  }
0x4b: {  	[sflag:s12] =	ssyncset.done $0x0  }
0x4c: {  	[sflag:s12] =	ssyncadd.s32 $0xFFFFC000  }
0x4d: {  	[bflag:$0x0] =	sbarrier.arrive $0xFFFF  }
0x4e: {  	[hbm:s6], [sflag:s5] =	dma.local [spmem:s11], $0x3100  }
0x4f: {  	_ =	swait.ge [sflag:s12], $0x3100  }
0x50: {  	[sflag:s12] =	ssyncset.done $0x0  }
0x51: {  	[sflag:s12] =	ssyncadd.s32 $0xFFFFCF00  }
0x52: {  	[bflag:$0x0] =	sbarrier.arrive $0xFFFF  }
0x53: {  	[spmem:s11], [sflag:s5] =	dma.local [hbm:s2], $0x3100  }
0x54: {  	_ =	swait.ge [sflag:s12], $0x3100  }
0x55: {  	[sflag:s12] =	ssyncset.done $0x0  }
0x56: {  	[sflag:s12] =	ssyncadd.s32 $0xFFFFCF00  }
0x57: {  	s16 =	sadd.s32 $0x0, s10;
	[bflag:$0x0] =	sbarrier.arrive $0xFFFF  }
0x58: {  	[tilespmem:s4], [sflag:$0x1] =	stream.linear.gather [hbm4b:s16+s4], $0x80, $0x38;
	[tilespmem:$0x1C900] =	vst v63  }
0x59: {  	_ =	swait.ge [sflag:s12], $0x80  }
0x5a: {  	[sflag:s12] =	ssyncset.done $0x0  }
0x5b: {  	[sflag:s12] =	ssyncadd.s32 $0xFFFFFF80  }
0x5c: {  	[tilespmem:s13], [sflag:$0x1] =	stream.linear.gather [hbm4b:s9+s4], $0x4000, $0x38;
	[tilespmem:$0x1C900] =	vst v63  }
0x5d: {  	_ =	swait.ge [sflag:s12], $0x4000  }
0x5e: {  	[sflag:s12] =	ssyncset.done $0x0  }
0x5f: {  	[sflag:s12] =	ssyncadd.s32 $0xFFFFC000  }
0x60: {  	v2 =	vld [tilespmem:$0x50]  }
0x61: {  	v4 =	vld [tilespmem:$0x60]  }
0x62: {  	s17 =	smov.u32 s9;
	s16 =	simm.s32 $0x10;
	v3 =	vld [tilespmem:$0x70]  }
.LBB2_4:
0x63: {  	p0 =	sne.s32 s16, $0x1870  }
0x64: {  	v5 =	vld [tilespmem:$0x30];
	s17 =	sadd.s32 $0x800, s17;
	s18 =	smov.u32 s16;
	s16 =	sadd.s32 $0x10, s16  }
0x65: {  	v6 =	vld [tilespmem:$0x10]  }
0x66: {  	v7 =	vld [tilespmem:$0x20]  }
0x67: {  	v8 =	vld [tilespmem:$0x0];
	v4 =	vsub.s32 v4, v1  }
0x68: {  	v2 =	vsub.s32 v2, v1;
	v9 =	vld [tilespmem:$0x40];
	v4 =	vmin.u32 v4, $0x30D4;
	v3 =	vsub.s32 v3, v1  }
0x69: {  	v2 =	vmin.u32 v2, $0x30D4;
	v5 =	vsub.s32 v5, v1;
	[tilespmem:$0xE0] =	vst v4;
	v3 =	vmin.u32 v3, $0x30D4  }
0x6a: {  	v4 =	vsub.s32 v6, v1;
	v5 =	vmin.u32 v5, $0x30D4;
	[tilespmem:$0xF0] =	vst v3  }
0x6b: {  	v3 =	vmin.u32 v4, $0x30D4;
	v4 =	vsub.s32 v7, v1;
	[tilespmem:$0xD0] =	vst v2  }
0x6c: {  	v2 =	vsub.s32 v8, v1;
	v4 =	vmin.u32 v4, $0x30D4;
	[tilespmem:$0xB0] =	vst v5  }
0x6d: {  	v2 =	vmin.u32 v2, $0x30D4;
	[tilespmem:$0x90] =	vst v3;
	v3 =	vsub.s32 v9, v1  }
0x6e: {  	[tilespmem:$0xA0] =	vst v4;
	v3 =	vmin.u32 v3, $0x30D4  }
0x6f: {  	[tilespmem:$0xC0] =	vst v3  }
0x70: {  	[tilespmem:$0x80] =	vst v2  }
0x71: {  	[spmem:s3] =	stream.indirect.scatter.add.f32 [tilespmem:s13], [sflag:$0x1], $0x80, s14, s14, $0xb8;
	[tilespmem:$0x1C900] =	vst v63  }
0x72: {  	_ =	swait.ge [sflag:s12], $0x4000  }
0x73: {  	[sflag:s12] =	ssyncset.done $0x0  }
0x74: {  	s18 =	sadd.s32 s18, s10;
	[sflag:s12] =	ssyncadd.s32 $0xFFFFC000  }
0x75: {  	[tilespmem:s4], [sflag:$0x1] =	stream.linear.gather [hbm4b:s18+s4], $0x80, $0x38;
	[tilespmem:$0x1C900] =	vst v63  }
0x76: {  	_ =	swait.ge [sflag:s12], $0x80  }
0x77: {  	[sflag:s12] =	ssyncset.done $0x0  }
0x78: {  	[sflag:s12] =	ssyncadd.s32 $0xFFFFFF80  }
0x79: {  	[tilespmem:s13], [sflag:$0x1] =	stream.linear.gather [hbm4b:s17+s4], $0x4000, $0x38;
	[tilespmem:$0x1C900] =	vst v63  }
0x7a: {  	_ =	swait.ge [sflag:s12], $0x4000  }
.Ltmp1:
0x7b: {  	[sflag:s12] =	ssyncset.done $0x0;
	(pc) =	sbr.rel @p0 .LBB2_4-.Ltmp1, $4  }
0x7c: {  	[sflag:s12] =	ssyncadd.s32 $0xFFFFC000  }
0x7d: {  	v2 =	vld [tilespmem:$0x50]  }
0x7e: {  	v4 =	vld [tilespmem:$0x60]  }
0x7f: {  	v3 =	vld [tilespmem:$0x70]  }
0x80: {  	v5 =	vld [tilespmem:$0x30]  }
0x81: {  	v6 =	vld [tilespmem:$0x10]  }
0x82: {  	v7 =	vld [tilespmem:$0x20];
	v2 =	vsub.s32 v2, v1  }
0x83: {  	v8 =	vld [tilespmem:$0x40];
	v4 =	vsub.s32 v4, v1;
	v2 =	vmin.u32 v2, $0x30D4  }
0x84: {  	v9 =	vld [tilespmem:$0x0];
	v4 =	vmin.u32 v4, $0x30D4;
	v3 =	vsub.s32 v3, v1;
	[tilespmem:$0xD0] =	vst v2  }
0x85: {  	[tilespmem:$0xE0] =	vst v4;
	v3 =	vmin.u32 v3, $0x30D4;
	v62 =	vsub.s32 v5, v1  }
0x86: {  	[tilespmem:$0xF0] =	vst v3;
	v3 =	vsub.s32 v6, v1;
	v4 =	vmin.u32 v62, $0x30D4  }
0x87: {  	v2 =	vmin.u32 v3, $0x30D4;
	v3 =	vsub.s32 v7, v1;
	[tilespmem:$0xB0] =	vst v4  }
0x88: {  	v3 =	vmin.u32 v3, $0x30D4;
	[tilespmem:$0x90] =	vst v2;
	v2 =	vsub.s32 v8, v1  }
0x89: {  	v63 =	vsub.s32 v9, v1;
	[tilespmem:$0xA0] =	vst v3;
	v2 =	vmin.u32 v2, $0x30D4  }
0x8a: {  	v3 =	vmin.u32 v63, $0x30D4;
	[tilespmem:$0xC0] =	vst v2  }
0x8b: {  	[tilespmem:$0x80] =	vst v3  }
0x8c: {  	[spmem:s3] =	stream.indirect.scatter.add.f32 [tilespmem:s13], [sflag:$0x1], $0x80, s14, s14, $0xb8;
	[tilespmem:$0x1C900] =	vst v63  }
0x8d: {  	_ =	swait.ge [sflag:s12], $0x4000  }
0x8e: {  	[sflag:s12] =	ssyncset.done $0x0  }
0x8f: {  	s15 =	sadd.s32 $0x1, s15;
	[sflag:s12] =	ssyncadd.s32 $0xFFFFC000  }
0x90: {  	p0 =	sne.s32 s15, s8;
	[bflag:$0x0] =	sbarrier.arrive $0xFFFF  }
0x91: {  	[hbm:s7], [sflag:s5] =	dma.local [spmem:s11], $0x3100  }
.Ltmp2:
0x92: {  	_ =	swait.ge [sflag:s12], $0x3100;
	(pc) =	sbr.rel @p0 .LBB2_1-.Ltmp2, $3  }
0x93: {  	[sflag:s12] =	ssyncset.done $0x0  }
0x94: {  	[sflag:s12] =	ssyncadd.s32 $0xFFFFCF00  }
0x95: {  	[bflag:$0x0] =	sbarrier.arrive $0xFFFF;
	_ =	sdelay $0x1  }
0x96: {  	_ =	sfence.sel $0x180000  }
0x97: {  	[bflag:$0x0] =	sbarrier.arrive $0xFFFF  }
0x98: {  	p0 =	sne.s32 s1, $0x0;
	_ =	strace $0x90000059  }
0x99: {  	s0 =	sadd.s32 @!p0 $0x100000, s0;
	[bflag:$0x2] =	sbarrier.arrive $0xFFFF  }
0x9a: {  	[sflag:s0] =	ssyncadd.tile.s32 @!p0 $0x1;
	_ =	shalt  }
.Lfunc_end2:
_tile_overlayer_lowered:
.L_overlay_start_2:
0x9b: {  	(tag) =	ssettag $0x2  }
0x9c: {  	s0 =	rddreg [dreg:$0x0];
	s2 =	stileid.u32  }
0x9d: {  	s1 =	rddreg [dreg:$0x1];
	p0 =	sne.s32 s2, $0x0  }
0x9e: {  	s3 =	rddreg [dreg:$0x2];
	[bflag:$0x3] =	sbarrier.arrive $0xFFFF;
	s2 =	simm.s32 @!p0 $0x1C01  }
0x9f: {  	[timem:s3], [sflag:s2] =	dma.local @!p0 [hbm:s0], s1  }
0xa0: {  	s0 =	simm.s32 @!p0 $0x1  }
0xa1: {  	_ =	swait.ge @!p0 [sflag:s0], s1  }
0xa2: {  	s1 =	ssub.s32 @!p0 $0x0, s1;
	[sflag:s0] =	ssyncset.done @!p0 $0x0  }
0xa3: {  	[sflag:s0] =	ssyncadd.s32 @!p0 s1  }
0xa4: {  	[bflag:$0x3] =	sbarrier.arrive $0xFFFF  }
0xa5: {  	_ =	shalt  }

</sc_bundles>
